<compile_context>
chip_gen: v7x
topology: tpu7x:2x2x1
jax: 0.10.2.dev20260603
libtpu: 0.0.44.dev20260713+nightly
codegen_flags: <defaults>
</compile_context>

<pallas_src>
import functools

import jax
import jax.numpy as jnp
from jax import lax
from jax.experimental import pallas as pl
from jax.experimental.pallas import tpu as pltpu
from jax.experimental.pallas import tpu_sc as plsc

N_EDGES = 1600000
EMBED = 32
NUM_ROWS = 1000
NUM_CORES = 2
NUM_SUBCORES = 16
NUM_WORKERS = NUM_CORES * NUM_SUBCORES
BLK = 128
N_BLOCKS = N_EDGES // BLK
BASE_BLOCKS = N_BLOCKS // NUM_WORKERS
EXTRA = N_BLOCKS - BASE_BLOCKS * NUM_WORKERS
MAXBLK = BASE_BLOCKS + 1


def _body(idx_hbm, tbl_hbm, out_hbm, idx_v, tbl_v, buf_v, sem_t, sem_i, sem_o):
    wid = lax.axis_index("s") * NUM_CORES + lax.axis_index("c")
    nblk = jnp.where(wid < EXTRA, BASE_BLOCKS + 1, BASE_BLOCKS)
    blk0 = wid * BASE_BLOCKS + jnp.minimum(wid, EXTRA)

    pltpu.async_copy(tbl_hbm, tbl_v, sem_t).wait()

    col_const = [jnp.full((16,), d * NUM_ROWS, jnp.int32) for d in range(EMBED)]

    def idx_cp(j, b):
        return pltpu.make_async_copy(
            idx_hbm.at[pl.ds((blk0 + j) * BLK, BLK)],
            idx_v.at[pl.ds(b * BLK, BLK)], sem_i.at[b])

    def out_cp(j, b, r):
        return pltpu.make_async_copy(
            buf_v.at[b * 4 + r],
            out_hbm.at[pl.ds(8 * r, 8), pl.ds((blk0 + j) * BLK, BLK)],
            sem_o.at[b])

    idx_cp(0, 0).start()

    @pl.loop(0, MAXBLK)
    def step(j):
        b = lax.rem(j, 2)

        @pl.when(j < nblk)
        def _():
            idx_cp(j, b).wait()

            @pl.when(j + 1 < nblk)
            def _():
                idx_cp(j + 1, 1 - b).start()

            @pl.when(j >= 2)
            def _():
                for r in range(4):
                    out_cp(j - 2, b, r).wait()

            ridx = [idx_v[pl.ds(b * BLK + g * 16, 16)] for g in range(8)]
            for r in range(4):
                for s in range(8):
                    d = 8 * r + s
                    row = buf_v.at[b * 4 + r, s]
                    vs = [plsc.load_gather(tbl_v, [ridx[g] + col_const[d]])
                          for g in range(8)]
                    for g in range(8):
                        row[pl.ds(16 * g, 16)] = vs[g]

            for r in range(4):
                out_cp(j, b, r).start()

    for b in range(2):
        for r in range(4):
            out_cp(0, b, r).wait()


@functools.partial(jax.jit, static_argnames=())
def kernel(edge_type, table):
    idx = edge_type.astype(jnp.int32)
    tbl_t = table.T.reshape(-1)
    mesh = plsc.VectorSubcoreMesh(
        core_axis_name="c", subcore_axis_name="s", num_cores=NUM_CORES
    )
    run = pl.kernel(
        _body,
        out_type=jax.ShapeDtypeStruct((EMBED, N_EDGES), jnp.float32),
        mesh=mesh,
        scratch_types=[
            pltpu.VMEM((2 * BLK,), jnp.int32),
            pltpu.VMEM((EMBED * NUM_ROWS,), jnp.float32),
            pltpu.VMEM((8, 8, 128), jnp.float32),
            pltpu.SemaphoreType.DMA,
            pltpu.SemaphoreType.DMA((2,)),
            pltpu.SemaphoreType.DMA((2,)),
        ],
        compiler_params=pltpu.CompilerParams(needs_layout_passes=False),
    )
    out_t = run(idx, tbl_t)
    return out_t.T

# --- scband reference (transcript-rebuilt; emitter-appended) ---
"""Pipeline reference for scband-edge-embedding-23287312679171 (READ-ONLY COPY).

The authoritative reference and input builder live on the scoring server;
editing this copy changes nothing except your own understanding.
"""

import jax, jax.numpy as jnp
import numpy as np

NUM_EDGE_TYPE = 1000
EMBED_SIZE = 32
N_EDGES = 1600000

def setup_inputs(seed: int = 0) -> dict:
    key = jax.random.key(seed)
    k_idx, k_tbl = jax.random.split(key)
    edge_type = jax.random.randint(k_idx, (N_EDGES,), 0, NUM_EDGE_TYPE, dtype=jnp.int64 if jax.config.jax_enable_x64 else jnp.int32)
    table = jax.random.normal(k_tbl, (NUM_EDGE_TYPE, EMBED_SIZE), dtype=jnp.float32)
    return {"edge_type": edge_type, "table": table}

def reference(edge_type, table):
    # EdgeEmbedding.forward: self.embedding(edge_type.long())
    idx = edge_type.astype(jnp.int32)
    return jnp.take(table, idx, axis=0)

if __name__ == "__main__":
    import jax
    _d = setup_inputs()
    print(jax.jit(kernel)(*tuple(_d.values())))

</pallas_src>

<mosaic_0001>
#map = affine_map<(d0, d1) -> (0)>
#map1 = affine_map<(d0, d1) -> (0, 0)>
module attributes {stable_mosaic.version = 14 : i64} {
  func.func @_body(%arg0: i32, %arg1: i32, %arg2: memref<1600000xi32, #tpu.memory_space<hbm>>, %arg3: memref<32000xf32, #tpu.memory_space<hbm>>, %arg4: memref<32x1600000xf32, #tpu.memory_space<hbm>>, %arg5: memref<256xi32, #tpu.memory_space<vmem>>, %arg6: memref<32000xf32, #tpu.memory_space<vmem>>, %arg7: memref<8x8x128xf32, #tpu.memory_space<vmem>>, %arg8: memref<!tpu.dma_semaphore, #tpu.memory_space<semaphore_mem>>, %arg9: memref<2x!tpu.dma_semaphore, #tpu.memory_space<semaphore_mem>>, %arg10: memref<2x!tpu.dma_semaphore, #tpu.memory_space<semaphore_mem>>) attributes {dimension_semantics = [#tpu.dimension_semantics<core_parallel>, #tpu.dimension_semantics<subcore_parallel>], iteration_bounds = array<i64: 2, 16>, scalar_prefetch = 0 : i64, scratch_operands = 6 : i64, tpu.core_type = #tpu.core_type<sc_vector_subcore>, window_params = [{transform_indices = #map}, {transform_indices = #map}, {transform_indices = #map1}]} {
    %mul3A = arith.constant 2 : i32
    %mul3A_0 = arith.muli %arg1, %mul3A : i32
    %add3A = arith.addi %mul3A_0, %arg0 : i32
    %lt3A = arith.constant 20 : i32
    %lt3A_1 = arith.cmpi slt, %add3A, %lt3A : i32
    %jit3A = arith.constant 391 : i32
    %jit3A_2 = arith.constant 390 : i32
    %select_n3A = arith.select %lt3A_1, %jit3A, %jit3A_2 : i32
    %mul3A_3 = arith.constant 390 : i32
    %mul3A_4 = arith.muli %add3A, %mul3A_3 : i32
    %min3A = arith.constant 20 : i32
    %min3A_5 = arith.minsi %add3A, %min3A : i32
    %add3A_6 = arith.addi %mul3A_4, %min3A_5 : i32
    tpu.enqueue_dma source(%arg3 : memref<32000xf32, #tpu.memory_space<hbm>>) target(%arg6 : memref<32000xf32, #tpu.memory_space<vmem>>) target_semaphore(%arg8 : memref<!tpu.dma_semaphore, #tpu.memory_space<semaphore_mem>>)
    tpu.wait_dma2 semaphore(%arg8 : memref<!tpu.dma_semaphore, #tpu.memory_space<semaphore_mem>>) src(%arg3 : memref<32000xf32, #tpu.memory_space<hbm>>) dst(%arg6 : memref<32000xf32, #tpu.memory_space<vmem>>)
    %broadcast_in_dim3A = arith.constant 0 : i32
    %broadcast_in_dim3A_7 = vector.broadcast %broadcast_in_dim3A : i32 to vector<16xi32>
    %broadcast_in_dim3A_8 = arith.constant 1000 : i32
    %broadcast_in_dim3A_9 = vector.broadcast %broadcast_in_dim3A_8 : i32 to vector<16xi32>
    %broadcast_in_dim3A_10 = arith.constant 2000 : i32
    %broadcast_in_dim3A_11 = vector.broadcast %broadcast_in_dim3A_10 : i32 to vector<16xi32>
    %broadcast_in_dim3A_12 = arith.constant 3000 : i32
    %broadcast_in_dim3A_13 = vector.broadcast %broadcast_in_dim3A_12 : i32 to vector<16xi32>
    %broadcast_in_dim3A_14 = arith.constant 4000 : i32
    %broadcast_in_dim3A_15 = vector.broadcast %broadcast_in_dim3A_14 : i32 to vector<16xi32>
    %broadcast_in_dim3A_16 = arith.constant 5000 : i32
    %broadcast_in_dim3A_17 = vector.broadcast %broadcast_in_dim3A_16 : i32 to vector<16xi32>
    %broadcast_in_dim3A_18 = arith.constant 6000 : i32
    %broadcast_in_dim3A_19 = vector.broadcast %broadcast_in_dim3A_18 : i32 to vector<16xi32>
    %broadcast_in_dim3A_20 = arith.constant 7000 : i32
    %broadcast_in_dim3A_21 = vector.broadcast %broadcast_in_dim3A_20 : i32 to vector<16xi32>
    %broadcast_in_dim3A_22 = arith.constant 8000 : i32
    %broadcast_in_dim3A_23 = vector.broadcast %broadcast_in_dim3A_22 : i32 to vector<16xi32>
    %broadcast_in_dim3A_24 = arith.constant 9000 : i32
    %broadcast_in_dim3A_25 = vector.broadcast %broadcast_in_dim3A_24 : i32 to vector<16xi32>
    %broadcast_in_dim3A_26 = arith.constant 10000 : i32
    %broadcast_in_dim3A_27 = vector.broadcast %broadcast_in_dim3A_26 : i32 to vector<16xi32>
    %broadcast_in_dim3A_28 = arith.constant 11000 : i32
    %broadcast_in_dim3A_29 = vector.broadcast %broadcast_in_dim3A_28 : i32 to vector<16xi32>
    %broadcast_in_dim3A_30 = arith.constant 12000 : i32
    %broadcast_in_dim3A_31 = vector.broadcast %broadcast_in_dim3A_30 : i32 to vector<16xi32>
    %broadcast_in_dim3A_32 = arith.constant 13000 : i32
    %broadcast_in_dim3A_33 = vector.broadcast %broadcast_in_dim3A_32 : i32 to vector<16xi32>
    %broadcast_in_dim3A_34 = arith.constant 14000 : i32
    %broadcast_in_dim3A_35 = vector.broadcast %broadcast_in_dim3A_34 : i32 to vector<16xi32>
    %broadcast_in_dim3A_36 = arith.constant 15000 : i32
    %broadcast_in_dim3A_37 = vector.broadcast %broadcast_in_dim3A_36 : i32 to vector<16xi32>
    %broadcast_in_dim3A_38 = arith.constant 16000 : i32
    %broadcast_in_dim3A_39 = vector.broadcast %broadcast_in_dim3A_38 : i32 to vector<16xi32>
    %broadcast_in_dim3A_40 = arith.constant 17000 : i32
    %broadcast_in_dim3A_41 = vector.broadcast %broadcast_in_dim3A_40 : i32 to vector<16xi32>
    %broadcast_in_dim3A_42 = arith.constant 18000 : i32
    %broadcast_in_dim3A_43 = vector.broadcast %broadcast_in_dim3A_42 : i32 to vector<16xi32>
    %broadcast_in_dim3A_44 = arith.constant 19000 : i32
    %broadcast_in_dim3A_45 = vector.broadcast %broadcast_in_dim3A_44 : i32 to vector<16xi32>
    %broadcast_in_dim3A_46 = arith.constant 20000 : i32
    %broadcast_in_dim3A_47 = vector.broadcast %broadcast_in_dim3A_46 : i32 to vector<16xi32>
    %broadcast_in_dim3A_48 = arith.constant 21000 : i32
    %broadcast_in_dim3A_49 = vector.broadcast %broadcast_in_dim3A_48 : i32 to vector<16xi32>
    %broadcast_in_dim3A_50 = arith.constant 22000 : i32
    %broadcast_in_dim3A_51 = vector.broadcast %broadcast_in_dim3A_50 : i32 to vector<16xi32>
    %broadcast_in_dim3A_52 = arith.constant 23000 : i32
    %broadcast_in_dim3A_53 = vector.broadcast %broadcast_in_dim3A_52 : i32 to vector<16xi32>
    %broadcast_in_dim3A_54 = arith.constant 24000 : i32
    %broadcast_in_dim3A_55 = vector.broadcast %broadcast_in_dim3A_54 : i32 to vector<16xi32>
    %broadcast_in_dim3A_56 = arith.constant 25000 : i32
    %broadcast_in_dim3A_57 = vector.broadcast %broadcast_in_dim3A_56 : i32 to vector<16xi32>
    %broadcast_in_dim3A_58 = arith.constant 26000 : i32
    %broadcast_in_dim3A_59 = vector.broadcast %broadcast_in_dim3A_58 : i32 to vector<16xi32>
    %broadcast_in_dim3A_60 = arith.constant 27000 : i32
    %broadcast_in_dim3A_61 = vector.broadcast %broadcast_in_dim3A_60 : i32 to vector<16xi32>
    %broadcast_in_dim3A_62 = arith.constant 28000 : i32
    %broadcast_in_dim3A_63 = vector.broadcast %broadcast_in_dim3A_62 : i32 to vector<16xi32>
    %broadcast_in_dim3A_64 = arith.constant 29000 : i32
    %broadcast_in_dim3A_65 = vector.broadcast %broadcast_in_dim3A_64 : i32 to vector<16xi32>
    %broadcast_in_dim3A_66 = arith.constant 30000 : i32
    %broadcast_in_dim3A_67 = vector.broadcast %broadcast_in_dim3A_66 : i32 to vector<16xi32>
    %broadcast_in_dim3A_68 = arith.constant 31000 : i32
    %broadcast_in_dim3A_69 = vector.broadcast %broadcast_in_dim3A_68 : i32 to vector<16xi32>
    %add3A_70 = arith.constant 0 : i32
    %add3A_71 = arith.addi %add3A_6, %add3A_70 : i32
    %mul3A_72 = arith.constant 128 : i32
    %mul3A_73 = arith.muli %add3A_71, %mul3A_72 : i32
    %dma_start3A = arith.constant 0 : i32
    %dma_start3A_74 = arith.constant 0 : i32
    %dma_start3A_75 = tpu.memref_slice %arg5[%dma_start3A_74] : memref<256xi32, #tpu.memory_space<vmem>> -> memref<128xi32, #tpu.memory_space<vmem>>
    %dma_start3A_76 = tpu.memref_slice %arg2[%mul3A_73] : memref<1600000xi32, #tpu.memory_space<hbm>> -> memref<128xi32, #tpu.memory_space<hbm>>
    %dma_start3A_77 = tpu.memref_slice %arg9[%dma_start3A] : memref<2x!tpu.dma_semaphore, #tpu.memory_space<semaphore_mem>> -> memref<1x!tpu.dma_semaphore, #tpu.memory_space<semaphore_mem>>
    %dma_start3A_78 = tpu.memref_squeeze %dma_start3A_77 : memref<1x!tpu.dma_semaphore, #tpu.memory_space<semaphore_mem>> -> memref<!tpu.dma_semaphore, #tpu.memory_space<semaphore_mem>>
    %dma_start3A_79 = arith.constant 0 : i32
    %dma_start3A_80 = tpu.memref_slice %arg5[%dma_start3A_79] : memref<256xi32, #tpu.memory_space<vmem>> -> memref<128xi32, #tpu.memory_space<vmem>>
    %dma_start3A_81 = tpu.memref_slice %arg2[%mul3A_73] : memref<1600000xi32, #tpu.memory_space<hbm>> -> memref<128xi32, #tpu.memory_space<hbm>>
    tpu.enqueue_dma source(%dma_start3A_81 : memref<128xi32, #tpu.memory_space<hbm>>) target(%dma_start3A_80 : memref<128xi32, #tpu.memory_space<vmem>>) target_semaphore(%dma_start3A_78 : memref<!tpu.dma_semaphore, #tpu.memory_space<semaphore_mem>>)
    %scan3A = arith.constant 0 : i32
    %scan3A_82 = arith.constant 391 : i32
    %scan3A_83 = arith.addi %scan3A, %scan3A_82 : i32
    %scan3A_84 = arith.constant 1 : i32
    scf.for %scan3A_245 = %scan3A to %scan3A_83 step %scan3A_84  : i32 {
      %mul3A_246 = arith.constant 1 : i32
      %mul3A_247 = arith.muli %scan3A_245, %mul3A_246 : i32
      %add3A_248 = arith.constant 0 : i32
      %add3A_249 = arith.addi %add3A_248, %mul3A_247 : i32
      %rem3A = arith.constant 2 : i32
      %rem3A_250 = arith.remsi %add3A_249, %rem3A : i32
      %lt3A_251 = arith.cmpi slt, %add3A_249, %select_n3A : i32
      %convert_element_type3A = arith.extui %lt3A_251 : i1 to i32
      %cond3A = arith.constant 0 : i32
      %cond3A_252 = arith.cmpi ne, %convert_element_type3A, %cond3A : i32
      scf.if %cond3A_252 {
        %add3A_253 = arith.addi %add3A_6, %add3A_249 : i32
        %mul3A_254 = arith.constant 128 : i32
        %mul3A_255 = arith.muli %add3A_253, %mul3A_254 : i32
        %mul3A_256 = arith.constant 128 : i32
        %mul3A_257 = arith.muli %rem3A_250, %mul3A_256 : i32
        %dma_wait3A_258 = tpu.memref_slice %arg5[%mul3A_257] : memref<256xi32, #tpu.memory_space<vmem>> -> memref<128xi32, #tpu.memory_space<vmem>>
        %dma_wait3A_259 = tpu.memref_slice %arg2[%mul3A_255] : memref<1600000xi32, #tpu.memory_space<hbm>> -> memref<128xi32, #tpu.memory_space<hbm>>
        %dma_wait3A_260 = tpu.memref_slice %arg9[%rem3A_250] : memref<2x!tpu.dma_semaphore, #tpu.memory_space<semaphore_mem>> -> memref<1x!tpu.dma_semaphore, #tpu.memory_space<semaphore_mem>>
        %dma_wait3A_261 = tpu.memref_squeeze %dma_wait3A_260 : memref<1x!tpu.dma_semaphore, #tpu.memory_space<semaphore_mem>> -> memref<!tpu.dma_semaphore, #tpu.memory_space<semaphore_mem>>
        %dma_wait3A_262 = tpu.memref_slice %arg5[%mul3A_257] : memref<256xi32, #tpu.memory_space<vmem>> -> memref<128xi32, #tpu.memory_space<vmem>>
        %dma_wait3A_263 = tpu.memref_slice %arg2[%mul3A_255] : memref<1600000xi32, #tpu.memory_space<hbm>> -> memref<128xi32, #tpu.memory_space<hbm>>
        tpu.wait_dma2 semaphore(%dma_wait3A_261 : memref<!tpu.dma_semaphore, #tpu.memory_space<semaphore_mem>>) src(%dma_wait3A_263 : memref<128xi32, #tpu.memory_space<hbm>>) dst(%dma_wait3A_262 : memref<128xi32, #tpu.memory_space<vmem>>)
        %add3A_264 = arith.constant 1 : i32
        %add3A_265 = arith.addi %add3A_249, %add3A_264 : i32
        %lt3A_266 = arith.cmpi slt, %add3A_265, %select_n3A : i32
        %convert_element_type3A_267 = arith.extui %lt3A_266 : i1 to i32
        %cond3A_268 = arith.constant 0 : i32
        %cond3A_269 = arith.cmpi ne, %convert_element_type3A_267, %cond3A_268 : i32
        scf.if %cond3A_269 {
          %add3A_2579 = arith.constant 1 : i32
          %add3A_2580 = arith.addi %add3A_249, %add3A_2579 : i32
          %sub3A = arith.constant 1 : i32
          %sub3A_2581 = arith.subi %sub3A, %rem3A_250 : i32
          %add3A_2582 = arith.addi %add3A_6, %add3A_2580 : i32
          %mul3A_2583 = arith.constant 128 : i32
          %mul3A_2584 = arith.muli %add3A_2582, %mul3A_2583 : i32
          %mul3A_2585 = arith.constant 128 : i32
          %mul3A_2586 = arith.muli %sub3A_2581, %mul3A_2585 : i32
          %dma_start3A_2587 = tpu.memref_slice %arg5[%mul3A_2586] : memref<256xi32, #tpu.memory_space<vmem>> -> memref<128xi32, #tpu.memory_space<vmem>>
          %dma_start3A_2588 = tpu.memref_slice %arg2[%mul3A_2584] : memref<1600000xi32, #tpu.memory_space<hbm>> -> memref<128xi32, #tpu.memory_space<hbm>>
          %dma_start3A_2589 = tpu.memref_slice %arg9[%sub3A_2581] : memref<2x!tpu.dma_semaphore, #tpu.memory_space<semaphore_mem>> -> memref<1x!tpu.dma_semaphore, #tpu.memory_space<semaphore_mem>>
          %dma_start3A_2590 = tpu.memref_squeeze %dma_start3A_2589 : memref<1x!tpu.dma_semaphore, #tpu.memory_space<semaphore_mem>> -> memref<!tpu.dma_semaphore, #tpu.memory_space<semaphore_mem>>
          %dma_start3A_2591 = tpu.memref_slice %arg5[%mul3A_2586] : memref<256xi32, #tpu.memory_space<vmem>> -> memref<128xi32, #tpu.memory_space<vmem>>
          %dma_start3A_2592 = tpu.memref_slice %arg2[%mul3A_2584] : memref<1600000xi32, #tpu.memory_space<hbm>> -> memref<128xi32, #tpu.memory_space<hbm>>
          tpu.enqueue_dma source(%dma_start3A_2592 : memref<128xi32, #tpu.memory_space<hbm>>) target(%dma_start3A_2591 : memref<128xi32, #tpu.memory_space<vmem>>) target_semaphore(%dma_start3A_2590 : memref<!tpu.dma_semaphore, #tpu.memory_space<semaphore_mem>>)
        } else {
        }
        %ge3A = arith.constant 2 : i32
        %ge3A_270 = arith.cmpi sge, %add3A_249, %ge3A : i32
        %convert_element_type3A_271 = arith.extui %ge3A_270 : i1 to i32
        %cond3A_272 = arith.constant 0 : i32
        %cond3A_273 = arith.cmpi ne, %convert_element_type3A_271, %cond3A_272 : i32
        scf.if %cond3A_273 {
          %sub3A = arith.constant 2 : i32
          %sub3A_2579 = arith.subi %add3A_249, %sub3A : i32
          %mul3A_2580 = arith.constant 4 : i32
          %mul3A_2581 = arith.muli %rem3A_250, %mul3A_2580 : i32
          %add3A_2582 = arith.constant 0 : i32
          %add3A_2583 = arith.addi %mul3A_2581, %add3A_2582 : i32
          %add3A_2584 = arith.addi %add3A_6, %sub3A_2579 : i32
          %mul3A_2585 = arith.constant 128 : i32
          %mul3A_2586 = arith.muli %add3A_2584, %mul3A_2585 : i32
          %dma_wait3A_2587 = arith.constant 0 : i32
          %dma_wait3A_2588 = arith.constant 0 : i32
          %dma_wait3A_2589 = tpu.memref_slice %arg7[%add3A_2583, %dma_wait3A_2587, %dma_wait3A_2588] : memref<8x8x128xf32, #tpu.memory_space<vmem>> -> memref<1x8x128xf32, #tpu.memory_space<vmem>>
          %dma_wait3A_2590 = tpu.memref_squeeze %dma_wait3A_2589 : memref<1x8x128xf32, #tpu.memory_space<vmem>> -> memref<8x128xf32, #tpu.memory_space<vmem>>
          %dma_wait3A_2591 = arith.constant 0 : i32
          %dma_wait3A_2592 = tpu.memref_slice %arg4[%dma_wait3A_2591, %mul3A_2586] : memref<32x1600000xf32, #tpu.memory_space<hbm>> -> memref<8x128xf32, #tpu.memory_space<hbm>>
          %dma_wait3A_2593 = tpu.memref_slice %arg10[%rem3A_250] : memref<2x!tpu.dma_semaphore, #tpu.memory_space<semaphore_mem>> -> memref<1x!tpu.dma_semaphore, #tpu.memory_space<semaphore_mem>>
          %dma_wait3A_2594 = tpu.memref_squeeze %dma_wait3A_2593 : memref<1x!tpu.dma_semaphore, #tpu.memory_space<semaphore_mem>> -> memref<!tpu.dma_semaphore, #tpu.memory_space<semaphore_mem>>
          %dma_wait3A_2595 = arith.constant 0 : i32
          %dma_wait3A_2596 = tpu.memref_slice %arg4[%dma_wait3A_2595, %mul3A_2586] : memref<32x1600000xf32, #tpu.memory_space<hbm>> -> memref<8x128xf32, #tpu.memory_space<hbm>>
          %dma_wait3A_2597 = arith.constant 0 : i32
          %dma_wait3A_2598 = arith.constant 0 : i32
          %dma_wait3A_2599 = tpu.memref_slice %arg7[%add3A_2583, %dma_wait3A_2597, %dma_wait3A_2598] : memref<8x8x128xf32, #tpu.memory_space<vmem>> -> memref<1x8x128xf32, #tpu.memory_space<vmem>>
          %dma_wait3A_2600 = tpu.memref_squeeze %dma_wait3A_2599 : memref<1x8x128xf32, #tpu.memory_space<vmem>> -> memref<8x128xf32, #tpu.memory_space<vmem>>
          tpu.wait_dma2 semaphore(%dma_wait3A_2594 : memref<!tpu.dma_semaphore, #tpu.memory_space<semaphore_mem>>) src(%dma_wait3A_2600 : memref<8x128xf32, #tpu.memory_space<vmem>>) dst(%dma_wait3A_2596 : memref<8x128xf32, #tpu.memory_space<hbm>>)
          %sub3A_2601 = arith.constant 2 : i32
          %sub3A_2602 = arith.subi %add3A_249, %sub3A_2601 : i32
          %mul3A_2603 = arith.constant 4 : i32
          %mul3A_2604 = arith.muli %rem3A_250, %mul3A_2603 : i32
          %add3A_2605 = arith.constant 1 : i32
          %add3A_2606 = arith.addi %mul3A_2604, %add3A_2605 : i32
          %add3A_2607 = arith.addi %add3A_6, %sub3A_2602 : i32
          %mul3A_2608 = arith.constant 128 : i32
          %mul3A_2609 = arith.muli %add3A_2607, %mul3A_2608 : i32
          %dma_wait3A_2610 = arith.constant 0 : i32
          %dma_wait3A_2611 = arith.constant 0 : i32
          %dma_wait3A_2612 = tpu.memref_slice %arg7[%add3A_2606, %dma_wait3A_2610, %dma_wait3A_2611] : memref<8x8x128xf32, #tpu.memory_space<vmem>> -> memref<1x8x128xf32, #tpu.memory_space<vmem>>
          %dma_wait3A_2613 = tpu.memref_squeeze %dma_wait3A_2612 : memref<1x8x128xf32, #tpu.memory_space<vmem>> -> memref<8x128xf32, #tpu.memory_space<vmem>>
          %dma_wait3A_2614 = arith.constant 8 : i32
          %dma_wait3A_2615 = tpu.memref_slice %arg4[%dma_wait3A_2614, %mul3A_2609] : memref<32x1600000xf32, #tpu.memory_space<hbm>> -> memref<8x128xf32, #tpu.memory_space<hbm>>
          %dma_wait3A_2616 = tpu.memref_slice %arg10[%rem3A_250] : memref<2x!tpu.dma_semaphore, #tpu.memory_space<semaphore_mem>> -> memref<1x!tpu.dma_semaphore, #tpu.memory_space<semaphore_mem>>
          %dma_wait3A_2617 = tpu.memref_squeeze %dma_wait3A_2616 : memref<1x!tpu.dma_semaphore, #tpu.memory_space<semaphore_mem>> -> memref<!tpu.dma_semaphore, #tpu.memory_space<semaphore_mem>>
          %dma_wait3A_2618 = arith.constant 8 : i32
          %dma_wait3A_2619 = tpu.memref_slice %arg4[%dma_wait3A_2618, %mul3A_2609] : memref<32x1600000xf32, #tpu.memory_space<hbm>> -> memref<8x128xf32, #tpu.memory_space<hbm>>
          %dma_wait3A_2620 = arith.constant 0 : i32
          %dma_wait3A_2621 = arith.constant 0 : i32
          %dma_wait3A_2622 = tpu.memref_slice %arg7[%add3A_2606, %dma_wait3A_2620, %dma_wait3A_2621] : memref<8x8x128xf32, #tpu.memory_space<vmem>> -> memref<1x8x128xf32, #tpu.memory_space<vmem>>
          %dma_wait3A_2623 = tpu.memref_squeeze %dma_wait3A_2622 : memref<1x8x128xf32, #tpu.memory_space<vmem>> -> memref<8x128xf32, #tpu.memory_space<vmem>>
          tpu.wait_dma2 semaphore(%dma_wait3A_2617 : memref<!tpu.dma_semaphore, #tpu.memory_space<semaphore_mem>>) src(%dma_wait3A_2623 : memref<8x128xf32, #tpu.memory_space<vmem>>) dst(%dma_wait3A_2619 : memref<8x128xf32, #tpu.memory_space<hbm>>)
          %sub3A_2624 = arith.constant 2 : i32
          %sub3A_2625 = arith.subi %add3A_249, %sub3A_2624 : i32
          %mul3A_2626 = arith.constant 4 : i32
          %mul3A_2627 = arith.muli %rem3A_250, %mul3A_2626 : i32
          %add3A_2628 = arith.constant 2 : i32
          %add3A_2629 = arith.addi %mul3A_2627, %add3A_2628 : i32
          %add3A_2630 = arith.addi %add3A_6, %sub3A_2625 : i32
          %mul3A_2631 = arith.constant 128 : i32
          %mul3A_2632 = arith.muli %add3A_2630, %mul3A_2631 : i32
          %dma_wait3A_2633 = arith.constant 0 : i32
          %dma_wait3A_2634 = arith.constant 0 : i32
          %dma_wait3A_2635 = tpu.memref_slice %arg7[%add3A_2629, %dma_wait3A_2633, %dma_wait3A_2634] : memref<8x8x128xf32, #tpu.memory_space<vmem>> -> memref<1x8x128xf32, #tpu.memory_space<vmem>>
          %dma_wait3A_2636 = tpu.memref_squeeze %dma_wait3A_2635 : memref<1x8x128xf32, #tpu.memory_space<vmem>> -> memref<8x128xf32, #tpu.memory_space<vmem>>
          %dma_wait3A_2637 = arith.constant 16 : i32
          %dma_wait3A_2638 = tpu.memref_slice %arg4[%dma_wait3A_2637, %mul3A_2632] : memref<32x1600000xf32, #tpu.memory_space<hbm>> -> memref<8x128xf32, #tpu.memory_space<hbm>>
          %dma_wait3A_2639 = tpu.memref_slice %arg10[%rem3A_250] : memref<2x!tpu.dma_semaphore, #tpu.memory_space<semaphore_mem>> -> memref<1x!tpu.dma_semaphore, #tpu.memory_space<semaphore_mem>>
          %dma_wait3A_2640 = tpu.memref_squeeze %dma_wait3A_2639 : memref<1x!tpu.dma_semaphore, #tpu.memory_space<semaphore_mem>> -> memref<!tpu.dma_semaphore, #tpu.memory_space<semaphore_mem>>
          %dma_wait3A_2641 = arith.constant 16 : i32
          %dma_wait3A_2642 = tpu.memref_slice %arg4[%dma_wait3A_2641, %mul3A_2632] : memref<32x1600000xf32, #tpu.memory_space<hbm>> -> memref<8x128xf32, #tpu.memory_space<hbm>>
          %dma_wait3A_2643 = arith.constant 0 : i32
          %dma_wait3A_2644 = arith.constant 0 : i32
          %dma_wait3A_2645 = tpu.memref_slice %arg7[%add3A_2629, %dma_wait3A_2643, %dma_wait3A_2644] : memref<8x8x128xf32, #tpu.memory_space<vmem>> -> memref<1x8x128xf32, #tpu.memory_space<vmem>>
          %dma_wait3A_2646 = tpu.memref_squeeze %dma_wait3A_2645 : memref<1x8x128xf32, #tpu.memory_space<vmem>> -> memref<8x128xf32, #tpu.memory_space<vmem>>
          tpu.wait_dma2 semaphore(%dma_wait3A_2640 : memref<!tpu.dma_semaphore, #tpu.memory_space<semaphore_mem>>) src(%dma_wait3A_2646 : memref<8x128xf32, #tpu.memory_space<vmem>>) dst(%dma_wait3A_2642 : memref<8x128xf32, #tpu.memory_space<hbm>>)
          %sub3A_2647 = arith.constant 2 : i32
          %sub3A_2648 = arith.subi %add3A_249, %sub3A_2647 : i32
          %mul3A_2649 = arith.constant 4 : i32
          %mul3A_2650 = arith.muli %rem3A_250, %mul3A_2649 : i32
          %add3A_2651 = arith.constant 3 : i32
          %add3A_2652 = arith.addi %mul3A_2650, %add3A_2651 : i32
          %add3A_2653 = arith.addi %add3A_6, %sub3A_2648 : i32
          %mul3A_2654 = arith.constant 128 : i32
          %mul3A_2655 = arith.muli %add3A_2653, %mul3A_2654 : i32
          %dma_wait3A_2656 = arith.constant 0 : i32
          %dma_wait3A_2657 = arith.constant 0 : i32
          %dma_wait3A_2658 = tpu.memref_slice %arg7[%add3A_2652, %dma_wait3A_2656, %dma_wait3A_2657] : memref<8x8x128xf32, #tpu.memory_space<vmem>> -> memref<1x8x128xf32, #tpu.memory_space<vmem>>
          %dma_wait3A_2659 = tpu.memref_squeeze %dma_wait3A_2658 : memref<1x8x128xf32, #tpu.memory_space<vmem>> -> memref<8x128xf32, #tpu.memory_space<vmem>>
          %dma_wait3A_2660 = arith.constant 24 : i32
          %dma_wait3A_2661 = tpu.memref_slice %arg4[%dma_wait3A_2660, %mul3A_2655] : memref<32x1600000xf32, #tpu.memory_space<hbm>> -> memref<8x128xf32, #tpu.memory_space<hbm>>
          %dma_wait3A_2662 = tpu.memref_slice %arg10[%rem3A_250] : memref<2x!tpu.dma_semaphore, #tpu.memory_space<semaphore_mem>> -> memref<1x!tpu.dma_semaphore, #tpu.memory_space<semaphore_mem>>
          %dma_wait3A_2663 = tpu.memref_squeeze %dma_wait3A_2662 : memref<1x!tpu.dma_semaphore, #tpu.memory_space<semaphore_mem>> -> memref<!tpu.dma_semaphore, #tpu.memory_space<semaphore_mem>>
          %dma_wait3A_2664 = arith.constant 24 : i32
          %dma_wait3A_2665 = tpu.memref_slice %arg4[%dma_wait3A_2664, %mul3A_2655] : memref<32x1600000xf32, #tpu.memory_space<hbm>> -> memref<8x128xf32, #tpu.memory_space<hbm>>
          %dma_wait3A_2666 = arith.constant 0 : i32
          %dma_wait3A_2667 = arith.constant 0 : i32
          %dma_wait3A_2668 = tpu.memref_slice %arg7[%add3A_2652, %dma_wait3A_2666, %dma_wait3A_2667] : memref<8x8x128xf32, #tpu.memory_space<vmem>> -> memref<1x8x128xf32, #tpu.memory_space<vmem>>
          %dma_wait3A_2669 = tpu.memref_squeeze %dma_wait3A_2668 : memref<1x8x128xf32, #tpu.memory_space<vmem>> -> memref<8x128xf32, #tpu.memory_space<vmem>>
          tpu.wait_dma2 semaphore(%dma_wait3A_2663 : memref<!tpu.dma_semaphore, #tpu.memory_space<semaphore_mem>>) src(%dma_wait3A_2669 : memref<8x128xf32, #tpu.memory_space<vmem>>) dst(%dma_wait3A_2665 : memref<8x128xf32, #tpu.memory_space<hbm>>)
        } else {
        }
        %mul3A_274 = arith.constant 128 : i32
        %mul3A_275 = arith.muli %rem3A_250, %mul3A_274 : i32
        %add3A_276 = arith.constant 0 : i32
        %add3A_277 = arith.addi %mul3A_275, %add3A_276 : i32
        %get3A = arith.index_cast %add3A_277 : i32 to index
        %get3A_278 = tpu.vector_load %arg5[%get3A] {strides = array<i32>} : memref<256xi32, #tpu.memory_space<vmem>>, vector<16xi32>,
        %mul3A_279 = arith.constant 128 : i32
        %mul3A_280 = arith.muli %rem3A_250, %mul3A_279 : i32
        %add3A_281 = arith.constant 16 : i32
        %add3A_282 = arith.addi %mul3A_280, %add3A_281 : i32
        %get3A_283 = arith.index_cast %add3A_282 : i32 to index
        %get3A_284 = tpu.vector_load %arg5[%get3A_283] {strides = array<i32>} : memref<256xi32, #tpu.memory_space<vmem>>, vector<16xi32>,
        %mul3A_285 = arith.constant 128 : i32
        %mul3A_286 = arith.muli %rem3A_250, %mul3A_285 : i32
        %add3A_287 = arith.constant 32 : i32
        %add3A_288 = arith.addi %mul3A_286, %add3A_287 : i32
        %get3A_289 = arith.index_cast %add3A_288 : i32 to index
        %get3A_290 = tpu.vector_load %arg5[%get3A_289] {strides = array<i32>} : memref<256xi32, #tpu.memory_space<vmem>>, vector<16xi32>,
        %mul3A_291 = arith.constant 128 : i32
        %mul3A_292 = arith.muli %rem3A_250, %mul3A_291 : i32
        %add3A_293 = arith.constant 48 : i32
        %add3A_294 = arith.addi %mul3A_292, %add3A_293 : i32
        %get3A_295 = arith.index_cast %add3A_294 : i32 to index
        %get3A_296 = tpu.vector_load %arg5[%get3A_295] {strides = array<i32>} : memref<256xi32, #tpu.memory_space<vmem>>, vector<16xi32>,
        %mul3A_297 = arith.constant 128 : i32
        %mul3A_298 = arith.muli %rem3A_250, %mul3A_297 : i32
        %add3A_299 = arith.constant 64 : i32
        %add3A_300 = arith.addi %mul3A_298, %add3A_299 : i32
        %get3A_301 = arith.index_cast %add3A_300 : i32 to index
        %get3A_302 = tpu.vector_load %arg5[%get3A_301] {strides = array<i32>} : memref<256xi32, #tpu.memory_space<vmem>>, vector<16xi32>,
        %mul3A_303 = arith.constant 128 : i32
        %mul3A_304 = arith.muli %rem3A_250, %mul3A_303 : i32
        %add3A_305 = arith.constant 80 : i32
        %add3A_306 = arith.addi %mul3A_304, %add3A_305 : i32
        %get3A_307 = arith.index_cast %add3A_306 : i32 to index
        %get3A_308 = tpu.vector_load %arg5[%get3A_307] {strides = array<i32>} : memref<256xi32, #tpu.memory_space<vmem>>, vector<16xi32>,
        %mul3A_309 = arith.constant 128 : i32
        %mul3A_310 = arith.muli %rem3A_250, %mul3A_309 : i32
        %add3A_311 = arith.constant 96 : i32
        %add3A_312 = arith.addi %mul3A_310, %add3A_311 : i32
        %get3A_313 = arith.index_cast %add3A_312 : i32 to index
        %get3A_314 = tpu.vector_load %arg5[%get3A_313] {strides = array<i32>} : memref<256xi32, #tpu.memory_space<vmem>>, vector<16xi32>,
        %mul3A_315 = arith.constant 128 : i32
        %mul3A_316 = arith.muli %rem3A_250, %mul3A_315 : i32
        %add3A_317 = arith.constant 112 : i32
        %add3A_318 = arith.addi %mul3A_316, %add3A_317 : i32
        %get3A_319 = arith.index_cast %add3A_318 : i32 to index
        %get3A_320 = tpu.vector_load %arg5[%get3A_319] {strides = array<i32>} : memref<256xi32, #tpu.memory_space<vmem>>, vector<16xi32>,
        %mul3A_321 = arith.constant 4 : i32
        %mul3A_322 = arith.muli %rem3A_250, %mul3A_321 : i32
        %add3A_323 = arith.constant 0 : i32
        %add3A_324 = arith.addi %mul3A_322, %add3A_323 : i32
        %add3A_325 = arith.addi %get3A_278, %broadcast_in_dim3A_7 : vector<16xi32>
        %gather3A = tpu.vector_load_idx %arg6[%add3A_325] : memref<32000xf32, #tpu.memory_space<vmem>>[vector<16xi32>], vector<16xf32>,
        %add3A_326 = arith.addi %get3A_284, %broadcast_in_dim3A_7 : vector<16xi32>
        %gather3A_327 = tpu.vector_load_idx %arg6[%add3A_326] : memref<32000xf32, #tpu.memory_space<vmem>>[vector<16xi32>], vector<16xf32>,
        %add3A_328 = arith.addi %get3A_290, %broadcast_in_dim3A_7 : vector<16xi32>
        %gather3A_329 = tpu.vector_load_idx %arg6[%add3A_328] : memref<32000xf32, #tpu.memory_space<vmem>>[vector<16xi32>], vector<16xf32>,
        %add3A_330 = arith.addi %get3A_296, %broadcast_in_dim3A_7 : vector<16xi32>
        %gather3A_331 = tpu.vector_load_idx %arg6[%add3A_330] : memref<32000xf32, #tpu.memory_space<vmem>>[vector<16xi32>], vector<16xf32>,
        %add3A_332 = arith.addi %get3A_302, %broadcast_in_dim3A_7 : vector<16xi32>
        %gather3A_333 = tpu.vector_load_idx %arg6[%add3A_332] : memref<32000xf32, #tpu.memory_space<vmem>>[vector<16xi32>], vector<16xf32>,
        %add3A_334 = arith.addi %get3A_308, %broadcast_in_dim3A_7 : vector<16xi32>
        %gather3A_335 = tpu.vector_load_idx %arg6[%add3A_334] : memref<32000xf32, #tpu.memory_space<vmem>>[vector<16xi32>], vector<16xf32>,
        %add3A_336 = arith.addi %get3A_314, %broadcast_in_dim3A_7 : vector<16xi32>
        %gather3A_337 = tpu.vector_load_idx %arg6[%add3A_336] : memref<32000xf32, #tpu.memory_space<vmem>>[vector<16xi32>], vector<16xf32>,
        %add3A_338 = arith.addi %get3A_320, %broadcast_in_dim3A_7 : vector<16xi32>
        %gather3A_339 = tpu.vector_load_idx %arg6[%add3A_338] : memref<32000xf32, #tpu.memory_space<vmem>>[vector<16xi32>], vector<16xf32>,
        %swap3A = arith.constant 0 : i32
        %swap3A_340 = arith.constant 0 : i32
        %swap3A_341 = tpu.memref_slice %arg7[%add3A_324, %swap3A, %swap3A_340] : memref<8x8x128xf32, #tpu.memory_space<vmem>> -> memref<1x1x128xf32, #tpu.memory_space<vmem>>
        %swap3A_342 = tpu.memref_squeeze %swap3A_341 : memref<1x1x128xf32, #tpu.memory_space<vmem>> -> memref<128xf32, #tpu.memory_space<vmem>>
        %swap3A_343 = arith.constant 0 : index
        %swap3A_344 = tpu.vector_load %swap3A_342[%swap3A_343] {strides = array<i32>} : memref<128xf32, #tpu.memory_space<vmem>>, vector<16xf32>,
        tpu.vector_store %swap3A_342[%swap3A_343], %gather3A {strides = array<i32>} : memref<128xf32, #tpu.memory_space<vmem>>, vector<16xf32>,
        %swap3A_345 = arith.constant 0 : i32
        %swap3A_346 = arith.constant 0 : i32
        %swap3A_347 = tpu.memref_slice %arg7[%add3A_324, %swap3A_345, %swap3A_346] : memref<8x8x128xf32, #tpu.memory_space<vmem>> -> memref<1x1x128xf32, #tpu.memory_space<vmem>>
        %swap3A_348 = tpu.memref_squeeze %swap3A_347 : memref<1x1x128xf32, #tpu.memory_space<vmem>> -> memref<128xf32, #tpu.memory_space<vmem>>
        %swap3A_349 = arith.constant 16 : index
        %swap3A_350 = tpu.vector_load %swap3A_348[%swap3A_349] {strides = array<i32>} : memref<128xf32, #tpu.memory_space<vmem>>, vector<16xf32>,
        tpu.vector_store %swap3A_348[%swap3A_349], %gather3A_327 {strides = array<i32>} : memref<128xf32, #tpu.memory_space<vmem>>, vector<16xf32>,
        %swap3A_351 = arith.constant 0 : i32
        %swap3A_352 = arith.constant 0 : i32
        %swap3A_353 = tpu.memref_slice %arg7[%add3A_324, %swap3A_351, %swap3A_352] : memref<8x8x128xf32, #tpu.memory_space<vmem>> -> memref<1x1x128xf32, #tpu.memory_space<vmem>>
        %swap3A_354 = tpu.memref_squeeze %swap3A_353 : memref<1x1x128xf32, #tpu.memory_space<vmem>> -> memref<128xf32, #tpu.memory_space<vmem>>
        %swap3A_355 = arith.constant 32 : index
        %swap3A_356 = tpu.vector_load %swap3A_354[%swap3A_355] {strides = array<i32>} : memref<128xf32, #tpu.memory_space<vmem>>, vector<16xf32>,
        tpu.vector_store %swap3A_354[%swap3A_355], %gather3A_329 {strides = array<i32>} : memref<128xf32, #tpu.memory_space<vmem>>, vector<16xf32>,
        %swap3A_357 = arith.constant 0 : i32
        %swap3A_358 = arith.constant 0 : i32
        %swap3A_359 = tpu.memref_slice %arg7[%add3A_324, %swap3A_357, %swap3A_358] : memref<8x8x128xf32, #tpu.memory_space<vmem>> -> memref<1x1x128xf32, #tpu.memory_space<vmem>>
        %swap3A_360 = tpu.memref_squeeze %swap3A_359 : memref<1x1x128xf32, #tpu.memory_space<vmem>> -> memref<128xf32, #tpu.memory_space<vmem>>
        %swap3A_361 = arith.constant 48 : index
        %swap3A_362 = tpu.vector_load %swap3A_360[%swap3A_361] {strides = array<i32>} : memref<128xf32, #tpu.memory_space<vmem>>, vector<16xf32>,
        tpu.vector_store %swap3A_360[%swap3A_361], %gather3A_331 {strides = array<i32>} : memref<128xf32, #tpu.memory_space<vmem>>, vector<16xf32>,
        %swap3A_363 = arith.constant 0 : i32
        %swap3A_364 = arith.constant 0 : i32
        %swap3A_365 = tpu.memref_slice %arg7[%add3A_324, %swap3A_363, %swap3A_364] : memref<8x8x128xf32, #tpu.memory_space<vmem>> -> memref<1x1x128xf32, #tpu.memory_space<vmem>>
        %swap3A_366 = tpu.memref_squeeze %swap3A_365 : memref<1x1x128xf32, #tpu.memory_space<vmem>> -> memref<128xf32, #tpu.memory_space<vmem>>
        %swap3A_367 = arith.constant 64 : index
        %swap3A_368 = tpu.vector_load %swap3A_366[%swap3A_367] {strides = array<i32>} : memref<128xf32, #tpu.memory_space<vmem>>, vector<16xf32>,
        tpu.vector_store %swap3A_366[%swap3A_367], %gather3A_333 {strides = array<i32>} : memref<128xf32, #tpu.memory_space<vmem>>, vector<16xf32>,
        %swap3A_369 = arith.constant 0 : i32
        %swap3A_370 = arith.constant 0 : i32
        %swap3A_371 = tpu.memref_slice %arg7[%add3A_324, %swap3A_369, %swap3A_370] : memref<8x8x128xf32, #tpu.memory_space<vmem>> -> memref<1x1x128xf32, #tpu.memory_space<vmem>>
        %swap3A_372 = tpu.memref_squeeze %swap3A_371 : memref<1x1x128xf32, #tpu.memory_space<vmem>> -> memref<128xf32, #tpu.memory_space<vmem>>
        %swap3A_373 = arith.constant 80 : index
        %swap3A_374 = tpu.vector_load %swap3A_372[%swap3A_373] {strides = array<i32>} : memref<128xf32, #tpu.memory_space<vmem>>, vector<16xf32>,
        tpu.vector_store %swap3A_372[%swap3A_373], %gather3A_335 {strides = array<i32>} : memref<128xf32, #tpu.memory_space<vmem>>, vector<16xf32>,
        %swap3A_375 = arith.constant 0 : i32
        %swap3A_376 = arith.constant 0 : i32
        %swap3A_377 = tpu.memref_slice %arg7[%add3A_324, %swap3A_375, %swap3A_376] : memref<8x8x128xf32, #tpu.memory_space<vmem>> -> memref<1x1x128xf32, #tpu.memory_space<vmem>>
        %swap3A_378 = tpu.memref_squeeze %swap3A_377 : memref<1x1x128xf32, #tpu.memory_space<vmem>> -> memref<128xf32, #tpu.memory_space<vmem>>
        %swap3A_379 = arith.constant 96 : index
        %swap3A_380 = tpu.vector_load %swap3A_378[%swap3A_379] {strides = array<i32>} : memref<128xf32, #tpu.memory_space<vmem>>, vector<16xf32>,
        tpu.vector_store %swap3A_378[%swap3A_379], %gather3A_337 {strides = array<i32>} : memref<128xf32, #tpu.memory_space<vmem>>, vector<16xf32>,
        %swap3A_381 = arith.constant 0 : i32
        %swap3A_382 = arith.constant 0 : i32
        %swap3A_383 = tpu.memref_slice %arg7[%add3A_324, %swap3A_381, %swap3A_382] : memref<8x8x128xf32, #tpu.memory_space<vmem>> -> memref<1x1x128xf32, #tpu.memory_space<vmem>>
        %swap3A_384 = tpu.memref_squeeze %swap3A_383 : memref<1x1x128xf32, #tpu.memory_space<vmem>> -> memref<128xf32, #tpu.memory_space<vmem>>
        %swap3A_385 = arith.constant 112 : index
        %swap3A_386 = tpu.vector_load %swap3A_384[%swap3A_385] {strides = array<i32>} : memref<128xf32, #tpu.memory_space<vmem>>, vector<16xf32>,
        tpu.vector_store %swap3A_384[%swap3A_385], %gather3A_339 {strides = array<i32>} : memref<128xf32, #tpu.memory_space<vmem>>, vector<16xf32>,
        %mul3A_387 = arith.constant 4 : i32
        %mul3A_388 = arith.muli %rem3A_250, %mul3A_387 : i32
        %add3A_389 = arith.constant 0 : i32
        %add3A_390 = arith.addi %mul3A_388, %add3A_389 : i32
        %add3A_391 = arith.addi %get3A_278, %broadcast_in_dim3A_9 : vector<16xi32>
        %gather3A_392 = tpu.vector_load_idx %arg6[%add3A_391] : memref<32000xf32, #tpu.memory_space<vmem>>[vector<16xi32>], vector<16xf32>,
        %add3A_393 = arith.addi %get3A_284, %broadcast_in_dim3A_9 : vector<16xi32>
        %gather3A_394 = tpu.vector_load_idx %arg6[%add3A_393] : memref<32000xf32, #tpu.memory_space<vmem>>[vector<16xi32>], vector<16xf32>,
        %add3A_395 = arith.addi %get3A_290, %broadcast_in_dim3A_9 : vector<16xi32>
        %gather3A_396 = tpu.vector_load_idx %arg6[%add3A_395] : memref<32000xf32, #tpu.memory_space<vmem>>[vector<16xi32>], vector<16xf32>,
        %add3A_397 = arith.addi %get3A_296, %broadcast_in_dim3A_9 : vector<16xi32>
        %gather3A_398 = tpu.vector_load_idx %arg6[%add3A_397] : memref<32000xf32, #tpu.memory_space<vmem>>[vector<16xi32>], vector<16xf32>,
        %add3A_399 = arith.addi %get3A_302, %broadcast_in_dim3A_9 : vector<16xi32>
        %gather3A_400 = tpu.vector_load_idx %arg6[%add3A_399] : memref<32000xf32, #tpu.memory_space<vmem>>[vector<16xi32>], vector<16xf32>,
        %add3A_401 = arith.addi %get3A_308, %broadcast_in_dim3A_9 : vector<16xi32>
        %gather3A_402 = tpu.vector_load_idx %arg6[%add3A_401] : memref<32000xf32, #tpu.memory_space<vmem>>[vector<16xi32>], vector<16xf32>,
        %add3A_403 = arith.addi %get3A_314, %broadcast_in_dim3A_9 : vector<16xi32>
        %gather3A_404 = tpu.vector_load_idx %arg6[%add3A_403] : memref<32000xf32, #tpu.memory_space<vmem>>[vector<16xi32>], vector<16xf32>,
        %add3A_405 = arith.addi %get3A_320, %broadcast_in_dim3A_9 : vector<16xi32>
        %gather3A_406 = tpu.vector_load_idx %arg6[%add3A_405] : memref<32000xf32, #tpu.memory_space<vmem>>[vector<16xi32>], vector<16xf32>,
        %swap3A_407 = arith.constant 1 : i32
        %swap3A_408 = arith.constant 0 : i32
        %swap3A_409 = tpu.memref_slice %arg7[%add3A_390, %swap3A_407, %swap3A_408] : memref<8x8x128xf32, #tpu.memory_space<vmem>> -> memref<1x1x128xf32, #tpu.memory_space<vmem>>
        %swap3A_410 = tpu.memref_squeeze %swap3A_409 : memref<1x1x128xf32, #tpu.memory_space<vmem>> -> memref<128xf32, #tpu.memory_space<vmem>>
        %swap3A_411 = arith.constant 0 : index
        %swap3A_412 = tpu.vector_load %swap3A_410[%swap3A_411] {strides = array<i32>} : memref<128xf32, #tpu.memory_space<vmem>>, vector<16xf32>,
        tpu.vector_store %swap3A_410[%swap3A_411], %gather3A_392 {strides = array<i32>} : memref<128xf32, #tpu.memory_space<vmem>>, vector<16xf32>,
        %swap3A_413 = arith.constant 1 : i32
        %swap3A_414 = arith.constant 0 : i32
        %swap3A_415 = tpu.memref_slice %arg7[%add3A_390, %swap3A_413, %swap3A_414] : memref<8x8x128xf32, #tpu.memory_space<vmem>> -> memref<1x1x128xf32, #tpu.memory_space<vmem>>
        %swap3A_416 = tpu.memref_squeeze %swap3A_415 : memref<1x1x128xf32, #tpu.memory_space<vmem>> -> memref<128xf32, #tpu.memory_space<vmem>>
        %swap3A_417 = arith.constant 16 : index
        %swap3A_418 = tpu.vector_load %swap3A_416[%swap3A_417] {strides = array<i32>} : memref<128xf32, #tpu.memory_space<vmem>>, vector<16xf32>,
        tpu.vector_store %swap3A_416[%swap3A_417], %gather3A_394 {strides = array<i32>} : memref<128xf32, #tpu.memory_space<vmem>>, vector<16xf32>,
        %swap3A_419 = arith.constant 1 : i32
        %swap3A_420 = arith.constant 0 : i32
        %swap3A_421 = tpu.memref_slice %arg7[%add3A_390, %swap3A_419, %swap3A_420] : memref<8x8x128xf32, #tpu.memory_space<vmem>> -> memref<1x1x128xf32, #tpu.memory_space<vmem>>
        %swap3A_422 = tpu.memref_squeeze %swap3A_421 : memref<1x1x128xf32, #tpu.memory_space<vmem>> -> memref<128xf32, #tpu.memory_space<vmem>>
        %swap3A_423 = arith.constant 32 : index
        %swap3A_424 = tpu.vector_load %swap3A_422[%swap3A_423] {strides = array<i32>} : memref<128xf32, #tpu.memory_space<vmem>>, vector<16xf32>,
        tpu.vector_store %swap3A_422[%swap3A_423], %gather3A_396 {strides = array<i32>} : memref<128xf32, #tpu.memory_space<vmem>>, vector<16xf32>,
        %swap3A_425 = arith.constant 1 : i32
        %swap3A_426 = arith.constant 0 : i32
        %swap3A_427 = tpu.memref_slice %arg7[%add3A_390, %swap3A_425, %swap3A_426] : memref<8x8x128xf32, #tpu.memory_space<vmem>> -> memref<1x1x128xf32, #tpu.memory_space<vmem>>
        %swap3A_428 = tpu.memref_squeeze %swap3A_427 : memref<1x1x128xf32, #tpu.memory_space<vmem>> -> memref<128xf32, #tpu.memory_space<vmem>>
        %swap3A_429 = arith.constant 48 : index
        %swap3A_430 = tpu.vector_load %swap3A_428[%swap3A_429] {strides = array<i32>} : memref<128xf32, #tpu.memory_space<vmem>>, vector<16xf32>,
        tpu.vector_store %swap3A_428[%swap3A_429], %gather3A_398 {strides = array<i32>} : memref<128xf32, #tpu.memory_space<vmem>>, vector<16xf32>,
        %swap3A_431 = arith.constant 1 : i32
        %swap3A_432 = arith.constant 0 : i32
        %swap3A_433 = tpu.memref_slice %arg7[%add3A_390, %swap3A_431, %swap3A_432] : memref<8x8x128xf32, #tpu.memory_space<vmem>> -> memref<1x1x128xf32, #tpu.memory_space<vmem>>
        %swap3A_434 = tpu.memref_squeeze %swap3A_433 : memref<1x1x128xf32, #tpu.memory_space<vmem>> -> memref<128xf32, #tpu.memory_space<vmem>>
        %swap3A_435 = arith.constant 64 : index
        %swap3A_436 = tpu.vector_load %swap3A_434[%swap3A_435] {strides = array<i32>} : memref<128xf32, #tpu.memory_space<vmem>>, vector<16xf32>,
        tpu.vector_store %swap3A_434[%swap3A_435], %gather3A_400 {strides = array<i32>} : memref<128xf32, #tpu.memory_space<vmem>>, vector<16xf32>,
        %swap3A_437 = arith.constant 1 : i32
        %swap3A_438 = arith.constant 0 : i32
        %swap3A_439 = tpu.memref_slice %arg7[%add3A_390, %swap3A_437, %swap3A_438] : memref<8x8x128xf32, #tpu.memory_space<vmem>> -> memref<1x1x128xf32, #tpu.memory_space<vmem>>
        %swap3A_440 = tpu.memref_squeeze %swap3A_439 : memref<1x1x128xf32, #tpu.memory_space<vmem>> -> memref<128xf32, #tpu.memory_space<vmem>>
        %swap3A_441 = arith.constant 80 : index
        %swap3A_442 = tpu.vector_load %swap3A_440[%swap3A_441] {strides = array<i32>} : memref<128xf32, #tpu.memory_space<vmem>>, vector<16xf32>,
        tpu.vector_store %swap3A_440[%swap3A_441], %gather3A_402 {strides = array<i32>} : memref<128xf32, #tpu.memory_space<vmem>>, vector<16xf32>,
        %swap3A_443 = arith.constant 1 : i32
        %swap3A_444 = arith.constant 0 : i32
        %swap3A_445 = tpu.memref_slice %arg7[%add3A_390, %swap3A_443, %swap3A_444] : memref<8x8x128xf32, #tpu.memory_space<vmem>> -> memref<1x1x128xf32, #tpu.memory_space<vmem>>
        %swap3A_446 = tpu.memref_squeeze %swap3A_445 : memref<1x1x128xf32, #tpu.memory_space<vmem>> -> memref<128xf32, #tpu.memory_space<vmem>>
        %swap3A_447 = arith.constant 96 : index
        %swap3A_448 = tpu.vector_load %swap3A_446[%swap3A_447] {strides = array<i32>} : memref<128xf32, #tpu.memory_space<vmem>>, vector<16xf32>,
        tpu.vector_store %swap3A_446[%swap3A_447], %gather3A_404 {strides = array<i32>} : memref<128xf32, #tpu.memory_space<vmem>>, vector<16xf32>,
        %swap3A_449 = arith.constant 1 : i32
        %swap3A_450 = arith.constant 0 : i32
        %swap3A_451 = tpu.memref_slice %arg7[%add3A_390, %swap3A_449, %swap3A_450] : memref<8x8x128xf32, #tpu.memory_space<vmem>> -> memref<1x1x128xf32, #tpu.memory_space<vmem>>
        %swap3A_452 = tpu.memref_squeeze %swap3A_451 : memref<1x1x128xf32, #tpu.memory_space<vmem>> -> memref<128xf32, #tpu.memory_space<vmem>>
        %swap3A_453 = arith.constant 112 : index
        %swap3A_454 = tpu.vector_load %swap3A_452[%swap3A_453] {strides = array<i32>} : memref<128xf32, #tpu.memory_space<vmem>>, vector<16xf32>,
        tpu.vector_store %swap3A_452[%swap3A_453], %gather3A_406 {strides = array<i32>} : memref<128xf32, #tpu.memory_space<vmem>>, vector<16xf32>,
        %mul3A_455 = arith.constant 4 : i32
        %mul3A_456 = arith.muli %rem3A_250, %mul3A_455 : i32
        %add3A_457 = arith.constant 0 : i32
        %add3A_458 = arith.addi %mul3A_456, %add3A_457 : i32
        %add3A_459 = arith.addi %get3A_278, %broadcast_in_dim3A_11 : vector<16xi32>
        %gather3A_460 = tpu.vector_load_idx %arg6[%add3A_459] : memref<32000xf32, #tpu.memory_space<vmem>>[vector<16xi32>], vector<16xf32>,
        %add3A_461 = arith.addi %get3A_284, %broadcast_in_dim3A_11 : vector<16xi32>
        %gather3A_462 = tpu.vector_load_idx %arg6[%add3A_461] : memref<32000xf32, #tpu.memory_space<vmem>>[vector<16xi32>], vector<16xf32>,
        %add3A_463 = arith.addi %get3A_290, %broadcast_in_dim3A_11 : vector<16xi32>
        %gather3A_464 = tpu.vector_load_idx %arg6[%add3A_463] : memref<32000xf32, #tpu.memory_space<vmem>>[vector<16xi32>], vector<16xf32>,
        %add3A_465 = arith.addi %get3A_296, %broadcast_in_dim3A_11 : vector<16xi32>
        %gather3A_466 = tpu.vector_load_idx %arg6[%add3A_465] : memref<32000xf32, #tpu.memory_space<vmem>>[vector<16xi32>], vector<16xf32>,
        %add3A_467 = arith.addi %get3A_302, %broadcast_in_dim3A_11 : vector<16xi32>
        %gather3A_468 = tpu.vector_load_idx %arg6[%add3A_467] : memref<32000xf32, #tpu.memory_space<vmem>>[vector<16xi32>], vector<16xf32>,
        %add3A_469 = arith.addi %get3A_308, %broadcast_in_dim3A_11 : vector<16xi32>
        %gather3A_470 = tpu.vector_load_idx %arg6[%add3A_469] : memref<32000xf32, #tpu.memory_space<vmem>>[vector<16xi32>], vector<16xf32>,
        %add3A_471 = arith.addi %get3A_314, %broadcast_in_dim3A_11 : vector<16xi32>
        %gather3A_472 = tpu.vector_load_idx %arg6[%add3A_471] : memref<32000xf32, #tpu.memory_space<vmem>>[vector<16xi32>], vector<16xf32>,
        %add3A_473 = arith.addi %get3A_320, %broadcast_in_dim3A_11 : vector<16xi32>
        %gather3A_474 = tpu.vector_load_idx %arg6[%add3A_473] : memref<32000xf32, #tpu.memory_space<vmem>>[vector<16xi32>], vector<16xf32>,
        %swap3A_475 = arith.constant 2 : i32
        %swap3A_476 = arith.constant 0 : i32
        %swap3A_477 = tpu.memref_slice %arg7[%add3A_458, %swap3A_475, %swap3A_476] : memref<8x8x128xf32, #tpu.memory_space<vmem>> -> memref<1x1x128xf32, #tpu.memory_space<vmem>>
        %swap3A_478 = tpu.memref_squeeze %swap3A_477 : memref<1x1x128xf32, #tpu.memory_space<vmem>> -> memref<128xf32, #tpu.memory_space<vmem>>
        %swap3A_479 = arith.constant 0 : index
        %swap3A_480 = tpu.vector_load %swap3A_478[%swap3A_479] {strides = array<i32>} : memref<128xf32, #tpu.memory_space<vmem>>, vector<16xf32>,
        tpu.vector_store %swap3A_478[%swap3A_479], %gather3A_460 {strides = array<i32>} : memref<128xf32, #tpu.memory_space<vmem>>, vector<16xf32>,
        %swap3A_481 = arith.constant 2 : i32
        %swap3A_482 = arith.constant 0 : i32
        %swap3A_483 = tpu.memref_slice %arg7[%add3A_458, %swap3A_481, %swap3A_482] : memref<8x8x128xf32, #tpu.memory_space<vmem>> -> memref<1x1x128xf32, #tpu.memory_space<vmem>>
        %swap3A_484 = tpu.memref_squeeze %swap3A_483 : memref<1x1x128xf32, #tpu.memory_space<vmem>> -> memref<128xf32, #tpu.memory_space<vmem>>
        %swap3A_485 = arith.constant 16 : index
        %swap3A_486 = tpu.vector_load %swap3A_484[%swap3A_485] {strides = array<i32>} : memref<128xf32, #tpu.memory_space<vmem>>, vector<16xf32>,
        tpu.vector_store %swap3A_484[%swap3A_485], %gather3A_462 {strides = array<i32>} : memref<128xf32, #tpu.memory_space<vmem>>, vector<16xf32>,
        %swap3A_487 = arith.constant 2 : i32
        %swap3A_488 = arith.constant 0 : i32
        %swap3A_489 = tpu.memref_slice %arg7[%add3A_458, %swap3A_487, %swap3A_488] : memref<8x8x128xf32, #tpu.memory_space<vmem>> -> memref<1x1x128xf32, #tpu.memory_space<vmem>>
        %swap3A_490 = tpu.memref_squeeze %swap3A_489 : memref<1x1x128xf32, #tpu.memory_space<vmem>> -> memref<128xf32, #tpu.memory_space<vmem>>
        %swap3A_491 = arith.constant 32 : index
        %swap3A_492 = tpu.vector_load %swap3A_490[%swap3A_491] {strides = array<i32>} : memref<128xf32, #tpu.memory_space<vmem>>, vector<16xf32>,
        tpu.vector_store %swap3A_490[%swap3A_491], %gather3A_464 {strides = array<i32>} : memref<128xf32, #tpu.memory_space<vmem>>, vector<16xf32>,
        %swap3A_493 = arith.constant 2 : i32
        %swap3A_494 = arith.constant 0 : i32
        %swap3A_495 = tpu.memref_slice %arg7[%add3A_458, %swap3A_493, %swap3A_494] : memref<8x8x128xf32, #tpu.memory_space<vmem>> -> memref<1x1x128xf32, #tpu.memory_space<vmem>>
        %swap3A_496 = tpu.memref_squeeze %swap3A_495 : memref<1x1x128xf32, #tpu.memory_space<vmem>> -> memref<128xf32, #tpu.memory_space<vmem>>
        %swap3A_497 = arith.constant 48 : index
        %swap3A_498 = tpu.vector_load %swap3A_496[%swap3A_497] {strides = array<i32>} : memref<128xf32, #tpu.memory_space<vmem>>, vector<16xf32>,
        tpu.vector_store %swap3A_496[%swap3A_497], %gather3A_466 {strides = array<i32>} : memref<128xf32, #tpu.memory_space<vmem>>, vector<16xf32>,
        %swap3A_499 = arith.constant 2 : i32
        %swap3A_500 = arith.constant 0 : i32
        %swap3A_501 = tpu.memref_slice %arg7[%add3A_458, %swap3A_499, %swap3A_500] : memref<8x8x128xf32, #tpu.memory_space<vmem>> -> memref<1x1x128xf32, #tpu.memory_space<vmem>>
        %swap3A_502 = tpu.memref_squeeze %swap3A_501 : memref<1x1x128xf32, #tpu.memory_space<vmem>> -> memref<128xf32, #tpu.memory_space<vmem>>
        %swap3A_503 = arith.constant 64 : index
        %swap3A_504 = tpu.vector_load %swap3A_502[%swap3A_503] {strides = array<i32>} : memref<128xf32, #tpu.memory_space<vmem>>, vector<16xf32>,
        tpu.vector_store %swap3A_502[%swap3A_503], %gather3A_468 {strides = array<i32>} : memref<128xf32, #tpu.memory_space<vmem>>, vector<16xf32>,
        %swap3A_505 = arith.constant 2 : i32
        %swap3A_506 = arith.constant 0 : i32
        %swap3A_507 = tpu.memref_slice %arg7[%add3A_458, %swap3A_505, %swap3A_506] : memref<8x8x128xf32, #tpu.memory_space<vmem>> -> memref<1x1x128xf32, #tpu.memory_space<vmem>>
        %swap3A_508 = tpu.memref_squeeze %swap3A_507 : memref<1x1x128xf32, #tpu.memory_space<vmem>> -> memref<128xf32, #tpu.memory_space<vmem>>
        %swap3A_509 = arith.constant 80 : index
        %swap3A_510 = tpu.vector_load %swap3A_508[%swap3A_509] {strides = array<i32>} : memref<128xf32, #tpu.memory_space<vmem>>, vector<16xf32>,
        tpu.vector_store %swap3A_508[%swap3A_509], %gather3A_470 {strides = array<i32>} : memref<128xf32, #tpu.memory_space<vmem>>, vector<16xf32>,
        %swap3A_511 = arith.constant 2 : i32
        %swap3A_512 = arith.constant 0 : i32
        %swap3A_513 = tpu.memref_slice %arg7[%add3A_458, %swap3A_511, %swap3A_512] : memref<8x8x128xf32, #tpu.memory_space<vmem>> -> memref<1x1x128xf32, #tpu.memory_space<vmem>>
        %swap3A_514 = tpu.memref_squeeze %swap3A_513 : memref<1x1x128xf32, #tpu.memory_space<vmem>> -> memref<128xf32, #tpu.memory_space<vmem>>
        %swap3A_515 = arith.constant 96 : index
        %swap3A_516 = tpu.vector_load %swap3A_514[%swap3A_515] {strides = array<i32>} : memref<128xf32, #tpu.memory_space<vmem>>, vector<16xf32>,
        tpu.vector_store %swap3A_514[%swap3A_515], %gather3A_472 {strides = array<i32>} : memref<128xf32, #tpu.memory_space<vmem>>, vector<16xf32>,
        %swap3A_517 = arith.constant 2 : i32
        %swap3A_518 = arith.constant 0 : i32
        %swap3A_519 = tpu.memref_slice %arg7[%add3A_458, %swap3A_517, %swap3A_518] : memref<8x8x128xf32, #tpu.memory_space<vmem>> -> memref<1x1x128xf32, #tpu.memory_space<vmem>>
        %swap3A_520 = tpu.memref_squeeze %swap3A_519 : memref<1x1x128xf32, #tpu.memory_space<vmem>> -> memref<128xf32, #tpu.memory_space<vmem>>
        %swap3A_521 = arith.constant 112 : index
        %swap3A_522 = tpu.vector_load %swap3A_520[%swap3A_521] {strides = array<i32>} : memref<128xf32, #tpu.memory_space<vmem>>, vector<16xf32>,
        tpu.vector_store %swap3A_520[%swap3A_521], %gather3A_474 {strides = array<i32>} : memref<128xf32, #tpu.memory_space<vmem>>, vector<16xf32>,
        %mul3A_523 = arith.constant 4 : i32
        %mul3A_524 = arith.muli %rem3A_250, %mul3A_523 : i32
        %add3A_525 = arith.constant 0 : i32
        %add3A_526 = arith.addi %mul3A_524, %add3A_525 : i32
        %add3A_527 = arith.addi %get3A_278, %broadcast_in_dim3A_13 : vector<16xi32>
        %gather3A_528 = tpu.vector_load_idx %arg6[%add3A_527] : memref<32000xf32, #tpu.memory_space<vmem>>[vector<16xi32>], vector<16xf32>,
        %add3A_529 = arith.addi %get3A_284, %broadcast_in_dim3A_13 : vector<16xi32>
        %gather3A_530 = tpu.vector_load_idx %arg6[%add3A_529] : memref<32000xf32, #tpu.memory_space<vmem>>[vector<16xi32>], vector<16xf32>,
        %add3A_531 = arith.addi %get3A_290, %broadcast_in_dim3A_13 : vector<16xi32>
        %gather3A_532 = tpu.vector_load_idx %arg6[%add3A_531] : memref<32000xf32, #tpu.memory_space<vmem>>[vector<16xi32>], vector<16xf32>,
        %add3A_533 = arith.addi %get3A_296, %broadcast_in_dim3A_13 : vector<16xi32>
        %gather3A_534 = tpu.vector_load_idx %arg6[%add3A_533] : memref<32000xf32, #tpu.memory_space<vmem>>[vector<16xi32>], vector<16xf32>,
        %add3A_535 = arith.addi %get3A_302, %broadcast_in_dim3A_13 : vector<16xi32>
        %gather3A_536 = tpu.vector_load_idx %arg6[%add3A_535] : memref<32000xf32, #tpu.memory_space<vmem>>[vector<16xi32>], vector<16xf32>,
        %add3A_537 = arith.addi %get3A_308, %broadcast_in_dim3A_13 : vector<16xi32>
        %gather3A_538 = tpu.vector_load_idx %arg6[%add3A_537] : memref<32000xf32, #tpu.memory_space<vmem>>[vector<16xi32>], vector<16xf32>,
        %add3A_539 = arith.addi %get3A_314, %broadcast_in_dim3A_13 : vector<16xi32>
        %gather3A_540 = tpu.vector_load_idx %arg6[%add3A_539] : memref<32000xf32, #tpu.memory_space<vmem>>[vector<16xi32>], vector<16xf32>,
        %add3A_541 = arith.addi %get3A_320, %broadcast_in_dim3A_13 : vector<16xi32>
        %gather3A_542 = tpu.vector_load_idx %arg6[%add3A_541] : memref<32000xf32, #tpu.memory_space<vmem>>[vector<16xi32>], vector<16xf32>,
        %swap3A_543 = arith.constant 3 : i32
        %swap3A_544 = arith.constant 0 : i32
        %swap3A_545 = tpu.memref_slice %arg7[%add3A_526, %swap3A_543, %swap3A_544] : memref<8x8x128xf32, #tpu.memory_space<vmem>> -> memref<1x1x128xf32, #tpu.memory_space<vmem>>
        %swap3A_546 = tpu.memref_squeeze %swap3A_545 : memref<1x1x128xf32, #tpu.memory_space<vmem>> -> memref<128xf32, #tpu.memory_space<vmem>>
        %swap3A_547 = arith.constant 0 : index
        %swap3A_548 = tpu.vector_load %swap3A_546[%swap3A_547] {strides = array<i32>} : memref<128xf32, #tpu.memory_space<vmem>>, vector<16xf32>,
        tpu.vector_store %swap3A_546[%swap3A_547], %gather3A_528 {strides = array<i32>} : memref<128xf32, #tpu.memory_space<vmem>>, vector<16xf32>,
        %swap3A_549 = arith.constant 3 : i32
        %swap3A_550 = arith.constant 0 : i32
        %swap3A_551 = tpu.memref_slice %arg7[%add3A_526, %swap3A_549, %swap3A_550] : memref<8x8x128xf32, #tpu.memory_space<vmem>> -> memref<1x1x128xf32, #tpu.memory_space<vmem>>
        %swap3A_552 = tpu.memref_squeeze %swap3A_551 : memref<1x1x128xf32, #tpu.memory_space<vmem>> -> memref<128xf32, #tpu.memory_space<vmem>>
        %swap3A_553 = arith.constant 16 : index
        %swap3A_554 = tpu.vector_load %swap3A_552[%swap3A_553] {strides = array<i32>} : memref<128xf32, #tpu.memory_space<vmem>>, vector<16xf32>,
        tpu.vector_store %swap3A_552[%swap3A_553], %gather3A_530 {strides = array<i32>} : memref<128xf32, #tpu.memory_space<vmem>>, vector<16xf32>,
        %swap3A_555 = arith.constant 3 : i32
        %swap3A_556 = arith.constant 0 : i32
        %swap3A_557 = tpu.memref_slice %arg7[%add3A_526, %swap3A_555, %swap3A_556] : memref<8x8x128xf32, #tpu.memory_space<vmem>> -> memref<1x1x128xf32, #tpu.memory_space<vmem>>
        %swap3A_558 = tpu.memref_squeeze %swap3A_557 : memref<1x1x128xf32, #tpu.memory_space<vmem>> -> memref<128xf32, #tpu.memory_space<vmem>>
        %swap3A_559 = arith.constant 32 : index
        %swap3A_560 = tpu.vector_load %swap3A_558[%swap3A_559] {strides = array<i32>} : memref<128xf32, #tpu.memory_space<vmem>>, vector<16xf32>,
        tpu.vector_store %swap3A_558[%swap3A_559], %gather3A_532 {strides = array<i32>} : memref<128xf32, #tpu.memory_space<vmem>>, vector<16xf32>,
        %swap3A_561 = arith.constant 3 : i32
        %swap3A_562 = arith.constant 0 : i32
        %swap3A_563 = tpu.memref_slice %arg7[%add3A_526, %swap3A_561, %swap3A_562] : memref<8x8x128xf32, #tpu.memory_space<vmem>> -> memref<1x1x128xf32, #tpu.memory_space<vmem>>
        %swap3A_564 = tpu.memref_squeeze %swap3A_563 : memref<1x1x128xf32, #tpu.memory_space<vmem>> -> memref<128xf32, #tpu.memory_space<vmem>>
        %swap3A_565 = arith.constant 48 : index
        %swap3A_566 = tpu.vector_load %swap3A_564[%swap3A_565] {strides = array<i32>} : memref<128xf32, #tpu.memory_space<vmem>>, vector<16xf32>,
        tpu.vector_store %swap3A_564[%swap3A_565], %gather3A_534 {strides = array<i32>} : memref<128xf32, #tpu.memory_space<vmem>>, vector<16xf32>,
        %swap3A_567 = arith.constant 3 : i32
        %swap3A_568 = arith.constant 0 : i32
        %swap3A_569 = tpu.memref_slice %arg7[%add3A_526, %swap3A_567, %swap3A_568] : memref<8x8x128xf32, #tpu.memory_space<vmem>> -> memref<1x1x128xf32, #tpu.memory_space<vmem>>
        %swap3A_570 = tpu.memref_squeeze %swap3A_569 : memref<1x1x128xf32, #tpu.memory_space<vmem>> -> memref<128xf32, #tpu.memory_space<vmem>>
        %swap3A_571 = arith.constant 64 : index
        %swap3A_572 = tpu.vector_load %swap3A_570[%swap3A_571] {strides = array<i32>} : memref<128xf32, #tpu.memory_space<vmem>>, vector<16xf32>,
        tpu.vector_store %swap3A_570[%swap3A_571], %gather3A_536 {strides = array<i32>} : memref<128xf32, #tpu.memory_space<vmem>>, vector<16xf32>,
        %swap3A_573 = arith.constant 3 : i32
        %swap3A_574 = arith.constant 0 : i32
        %swap3A_575 = tpu.memref_slice %arg7[%add3A_526, %swap3A_573, %swap3A_574] : memref<8x8x128xf32, #tpu.memory_space<vmem>> -> memref<1x1x128xf32, #tpu.memory_space<vmem>>
        %swap3A_576 = tpu.memref_squeeze %swap3A_575 : memref<1x1x128xf32, #tpu.memory_space<vmem>> -> memref<128xf32, #tpu.memory_space<vmem>>
        %swap3A_577 = arith.constant 80 : index
        %swap3A_578 = tpu.vector_load %swap3A_576[%swap3A_577] {strides = array<i32>} : memref<128xf32, #tpu.memory_space<vmem>>, vector<16xf32>,
        tpu.vector_store %swap3A_576[%swap3A_577], %gather3A_538 {strides = array<i32>} : memref<128xf32, #tpu.memory_space<vmem>>, vector<16xf32>,
        %swap3A_579 = arith.constant 3 : i32
        %swap3A_580 = arith.constant 0 : i32
        %swap3A_581 = tpu.memref_slice %arg7[%add3A_526, %swap3A_579, %swap3A_580] : memref<8x8x128xf32, #tpu.memory_space<vmem>> -> memref<1x1x128xf32, #tpu.memory_space<vmem>>
        %swap3A_582 = tpu.memref_squeeze %swap3A_581 : memref<1x1x128xf32, #tpu.memory_space<vmem>> -> memref<128xf32, #tpu.memory_space<vmem>>
        %swap3A_583 = arith.constant 96 : index
        %swap3A_584 = tpu.vector_load %swap3A_582[%swap3A_583] {strides = array<i32>} : memref<128xf32, #tpu.memory_space<vmem>>, vector<16xf32>,
        tpu.vector_store %swap3A_582[%swap3A_583], %gather3A_540 {strides = array<i32>} : memref<128xf32, #tpu.memory_space<vmem>>, vector<16xf32>,
        %swap3A_585 = arith.constant 3 : i32
        %swap3A_586 = arith.constant 0 : i32
        %swap3A_587 = tpu.memref_slice %arg7[%add3A_526, %swap3A_585, %swap3A_586] : memref<8x8x128xf32, #tpu.memory_space<vmem>> -> memref<1x1x128xf32, #tpu.memory_space<vmem>>
        %swap3A_588 = tpu.memref_squeeze %swap3A_587 : memref<1x1x128xf32, #tpu.memory_space<vmem>> -> memref<128xf32, #tpu.memory_space<vmem>>
        %swap3A_589 = arith.constant 112 : index
        %swap3A_590 = tpu.vector_load %swap3A_588[%swap3A_589] {strides = array<i32>} : memref<128xf32, #tpu.memory_space<vmem>>, vector<16xf32>,
        tpu.vector_store %swap3A_588[%swap3A_589], %gather3A_542 {strides = array<i32>} : memref<128xf32, #tpu.memory_space<vmem>>, vector<16xf32>,
        %mul3A_591 = arith.constant 4 : i32
        %mul3A_592 = arith.muli %rem3A_250, %mul3A_591 : i32
        %add3A_593 = arith.constant 0 : i32
        %add3A_594 = arith.addi %mul3A_592, %add3A_593 : i32
        %add3A_595 = arith.addi %get3A_278, %broadcast_in_dim3A_15 : vector<16xi32>
        %gather3A_596 = tpu.vector_load_idx %arg6[%add3A_595] : memref<32000xf32, #tpu.memory_space<vmem>>[vector<16xi32>], vector<16xf32>,
        %add3A_597 = arith.addi %get3A_284, %broadcast_in_dim3A_15 : vector<16xi32>
        %gather3A_598 = tpu.vector_load_idx %arg6[%add3A_597] : memref<32000xf32, #tpu.memory_space<vmem>>[vector<16xi32>], vector<16xf32>,
        %add3A_599 = arith.addi %get3A_290, %broadcast_in_dim3A_15 : vector<16xi32>
        %gather3A_600 = tpu.vector_load_idx %arg6[%add3A_599] : memref<32000xf32, #tpu.memory_space<vmem>>[vector<16xi32>], vector<16xf32>,
        %add3A_601 = arith.addi %get3A_296, %broadcast_in_dim3A_15 : vector<16xi32>
        %gather3A_602 = tpu.vector_load_idx %arg6[%add3A_601] : memref<32000xf32, #tpu.memory_space<vmem>>[vector<16xi32>], vector<16xf32>,
        %add3A_603 = arith.addi %get3A_302, %broadcast_in_dim3A_15 : vector<16xi32>
        %gather3A_604 = tpu.vector_load_idx %arg6[%add3A_603] : memref<32000xf32, #tpu.memory_space<vmem>>[vector<16xi32>], vector<16xf32>,
        %add3A_605 = arith.addi %get3A_308, %broadcast_in_dim3A_15 : vector<16xi32>
        %gather3A_606 = tpu.vector_load_idx %arg6[%add3A_605] : memref<32000xf32, #tpu.memory_space<vmem>>[vector<16xi32>], vector<16xf32>,
        %add3A_607 = arith.addi %get3A_314, %broadcast_in_dim3A_15 : vector<16xi32>
        %gather3A_608 = tpu.vector_load_idx %arg6[%add3A_607] : memref<32000xf32, #tpu.memory_space<vmem>>[vector<16xi32>], vector<16xf32>,
        %add3A_609 = arith.addi %get3A_320, %broadcast_in_dim3A_15 : vector<16xi32>
        %gather3A_610 = tpu.vector_load_idx %arg6[%add3A_609] : memref<32000xf32, #tpu.memory_space<vmem>>[vector<16xi32>], vector<16xf32>,
        %swap3A_611 = arith.constant 4 : i32
        %swap3A_612 = arith.constant 0 : i32
        %swap3A_613 = tpu.memref_slice %arg7[%add3A_594, %swap3A_611, %swap3A_612] : memref<8x8x128xf32, #tpu.memory_space<vmem>> -> memref<1x1x128xf32, #tpu.memory_space<vmem>>
        %swap3A_614 = tpu.memref_squeeze %swap3A_613 : memref<1x1x128xf32, #tpu.memory_space<vmem>> -> memref<128xf32, #tpu.memory_space<vmem>>
        %swap3A_615 = arith.constant 0 : index
        %swap3A_616 = tpu.vector_load %swap3A_614[%swap3A_615] {strides = array<i32>} : memref<128xf32, #tpu.memory_space<vmem>>, vector<16xf32>,
        tpu.vector_store %swap3A_614[%swap3A_615], %gather3A_596 {strides = array<i32>} : memref<128xf32, #tpu.memory_space<vmem>>, vector<16xf32>,
        %swap3A_617 = arith.constant 4 : i32
        %swap3A_618 = arith.constant 0 : i32
        %swap3A_619 = tpu.memref_slice %arg7[%add3A_594, %swap3A_617, %swap3A_618] : memref<8x8x128xf32, #tpu.memory_space<vmem>> -> memref<1x1x128xf32, #tpu.memory_space<vmem>>
        %swap3A_620 = tpu.memref_squeeze %swap3A_619 : memref<1x1x128xf32, #tpu.memory_space<vmem>> -> memref<128xf32, #tpu.memory_space<vmem>>
        %swap3A_621 = arith.constant 16 : index
        %swap3A_622 = tpu.vector_load %swap3A_620[%swap3A_621] {strides = array<i32>} : memref<128xf32, #tpu.memory_space<vmem>>, vector<16xf32>,
        tpu.vector_store %swap3A_620[%swap3A_621], %gather3A_598 {strides = array<i32>} : memref<128xf32, #tpu.memory_space<vmem>>, vector<16xf32>,
        %swap3A_623 = arith.constant 4 : i32
        %swap3A_624 = arith.constant 0 : i32
        %swap3A_625 = tpu.memref_slice %arg7[%add3A_594, %swap3A_623, %swap3A_624] : memref<8x8x128xf32, #tpu.memory_space<vmem>> -> memref<1x1x128xf32, #tpu.memory_space<vmem>>
        %swap3A_626 = tpu.memref_squeeze %swap3A_625 : memref<1x1x128xf32, #tpu.memory_space<vmem>> -> memref<128xf32, #tpu.memory_space<vmem>>
        %swap3A_627 = arith.constant 32 : index
        %swap3A_628 = tpu.vector_load %swap3A_626[%swap3A_627] {strides = array<i32>} : memref<128xf32, #tpu.memory_space<vmem>>, vector<16xf32>,
        tpu.vector_store %swap3A_626[%swap3A_627], %gather3A_600 {strides = array<i32>} : memref<128xf32, #tpu.memory_space<vmem>>, vector<16xf32>,
        %swap3A_629 = arith.constant 4 : i32
        %swap3A_630 = arith.constant 0 : i32
        %swap3A_631 = tpu.memref_slice %arg7[%add3A_594, %swap3A_629, %swap3A_630] : memref<8x8x128xf32, #tpu.memory_space<vmem>> -> memref<1x1x128xf32, #tpu.memory_space<vmem>>
        %swap3A_632 = tpu.memref_squeeze %swap3A_631 : memref<1x1x128xf32, #tpu.memory_space<vmem>> -> memref<128xf32, #tpu.memory_space<vmem>>
        %swap3A_633 = arith.constant 48 : index
        %swap3A_634 = tpu.vector_load %swap3A_632[%swap3A_633] {strides = array<i32>} : memref<128xf32, #tpu.memory_space<vmem>>, vector<16xf32>,
        tpu.vector_store %swap3A_632[%swap3A_633], %gather3A_602 {strides = array<i32>} : memref<128xf32, #tpu.memory_space<vmem>>, vector<16xf32>,
        %swap3A_635 = arith.constant 4 : i32
        %swap3A_636 = arith.constant 0 : i32
        %swap3A_637 = tpu.memref_slice %arg7[%add3A_594, %swap3A_635, %swap3A_636] : memref<8x8x128xf32, #tpu.memory_space<vmem>> -> memref<1x1x128xf32, #tpu.memory_space<vmem>>
        %swap3A_638 = tpu.memref_squeeze %swap3A_637 : memref<1x1x128xf32, #tpu.memory_space<vmem>> -> memref<128xf32, #tpu.memory_space<vmem>>
        %swap3A_639 = arith.constant 64 : index
        %swap3A_640 = tpu.vector_load %swap3A_638[%swap3A_639] {strides = array<i32>} : memref<128xf32, #tpu.memory_space<vmem>>, vector<16xf32>,
        tpu.vector_store %swap3A_638[%swap3A_639], %gather3A_604 {strides = array<i32>} : memref<128xf32, #tpu.memory_space<vmem>>, vector<16xf32>,
        %swap3A_641 = arith.constant 4 : i32
        %swap3A_642 = arith.constant 0 : i32
        %swap3A_643 = tpu.memref_slice %arg7[%add3A_594, %swap3A_641, %swap3A_642] : memref<8x8x128xf32, #tpu.memory_space<vmem>> -> memref<1x1x128xf32, #tpu.memory_space<vmem>>
        %swap3A_644 = tpu.memref_squeeze %swap3A_643 : memref<1x1x128xf32, #tpu.memory_space<vmem>> -> memref<128xf32, #tpu.memory_space<vmem>>
        %swap3A_645 = arith.constant 80 : index
        %swap3A_646 = tpu.vector_load %swap3A_644[%swap3A_645] {strides = array<i32>} : memref<128xf32, #tpu.memory_space<vmem>>, vector<16xf32>,
        tpu.vector_store %swap3A_644[%swap3A_645], %gather3A_606 {strides = array<i32>} : memref<128xf32, #tpu.memory_space<vmem>>, vector<16xf32>,
        %swap3A_647 = arith.constant 4 : i32
        %swap3A_648 = arith.constant 0 : i32
        %swap3A_649 = tpu.memref_slice %arg7[%add3A_594, %swap3A_647, %swap3A_648] : memref<8x8x128xf32, #tpu.memory_space<vmem>> -> memref<1x1x128xf32, #tpu.memory_space<vmem>>
        %swap3A_650 = tpu.memref_squeeze %swap3A_649 : memref<1x1x128xf32, #tpu.memory_space<vmem>> -> memref<128xf32, #tpu.memory_space<vmem>>
        %swap3A_651 = arith.constant 96 : index
        %swap3A_652 = tpu.vector_load %swap3A_650[%swap3A_651] {strides = array<i32>} : memref<128xf32, #tpu.memory_space<vmem>>, vector<16xf32>,
        tpu.vector_store %swap3A_650[%swap3A_651], %gather3A_608 {strides = array<i32>} : memref<128xf32, #tpu.memory_space<vmem>>, vector<16xf32>,
        %swap3A_653 = arith.constant 4 : i32
        %swap3A_654 = arith.constant 0 : i32
        %swap3A_655 = tpu.memref_slice %arg7[%add3A_594, %swap3A_653, %swap3A_654] : memref<8x8x128xf32, #tpu.memory_space<vmem>> -> memref<1x1x128xf32, #tpu.memory_space<vmem>>
        %swap3A_656 = tpu.memref_squeeze %swap3A_655 : memref<1x1x128xf32, #tpu.memory_space<vmem>> -> memref<128xf32, #tpu.memory_space<vmem>>
        %swap3A_657 = arith.constant 112 : index
        %swap3A_658 = tpu.vector_load %swap3A_656[%swap3A_657] {strides = array<i32>} : memref<128xf32, #tpu.memory_space<vmem>>, vector<16xf32>,
        tpu.vector_store %swap3A_656[%swap3A_657], %gather3A_610 {strides = array<i32>} : memref<128xf32, #tpu.memory_space<vmem>>, vector<16xf32>,
        %mul3A_659 = arith.constant 4 : i32
        %mul3A_660 = arith.muli %rem3A_250, %mul3A_659 : i32
        %add3A_661 = arith.constant 0 : i32
        %add3A_662 = arith.addi %mul3A_660, %add3A_661 : i32
        %add3A_663 = arith.addi %get3A_278, %broadcast_in_dim3A_17 : vector<16xi32>
        %gather3A_664 = tpu.vector_load_idx %arg6[%add3A_663] : memref<32000xf32, #tpu.memory_space<vmem>>[vector<16xi32>], vector<16xf32>,
        %add3A_665 = arith.addi %get3A_284, %broadcast_in_dim3A_17 : vector<16xi32>
        %gather3A_666 = tpu.vector_load_idx %arg6[%add3A_665] : memref<32000xf32, #tpu.memory_space<vmem>>[vector<16xi32>], vector<16xf32>,
        %add3A_667 = arith.addi %get3A_290, %broadcast_in_dim3A_17 : vector<16xi32>
        %gather3A_668 = tpu.vector_load_idx %arg6[%add3A_667] : memref<32000xf32, #tpu.memory_space<vmem>>[vector<16xi32>], vector<16xf32>,
        %add3A_669 = arith.addi %get3A_296, %broadcast_in_dim3A_17 : vector<16xi32>
        %gather3A_670 = tpu.vector_load_idx %arg6[%add3A_669] : memref<32000xf32, #tpu.memory_space<vmem>>[vector<16xi32>], vector<16xf32>,
        %add3A_671 = arith.addi %get3A_302, %broadcast_in_dim3A_17 : vector<16xi32>
        %gather3A_672 = tpu.vector_load_idx %arg6[%add3A_671] : memref<32000xf32, #tpu.memory_space<vmem>>[vector<16xi32>], vector<16xf32>,
        %add3A_673 = arith.addi %get3A_308, %broadcast_in_dim3A_17 : vector<16xi32>
        %gather3A_674 = tpu.vector_load_idx %arg6[%add3A_673] : memref<32000xf32, #tpu.memory_space<vmem>>[vector<16xi32>], vector<16xf32>,
        %add3A_675 = arith.addi %get3A_314, %broadcast_in_dim3A_17 : vector<16xi32>
        %gather3A_676 = tpu.vector_load_idx %arg6[%add3A_675] : memref<32000xf32, #tpu.memory_space<vmem>>[vector<16xi32>], vector<16xf32>,
        %add3A_677 = arith.addi %get3A_320, %broadcast_in_dim3A_17 : vector<16xi32>
        %gather3A_678 = tpu.vector_load_idx %arg6[%add3A_677] : memref<32000xf32, #tpu.memory_space<vmem>>[vector<16xi32>], vector<16xf32>,
        %swap3A_679 = arith.constant 5 : i32
        %swap3A_680 = arith.constant 0 : i32
        %swap3A_681 = tpu.memref_slice %arg7[%add3A_662, %swap3A_679, %swap3A_680] : memref<8x8x128xf32, #tpu.memory_space<vmem>> -> memref<1x1x128xf32, #tpu.memory_space<vmem>>
        %swap3A_682 = tpu.memref_squeeze %swap3A_681 : memref<1x1x128xf32, #tpu.memory_space<vmem>> -> memref<128xf32, #tpu.memory_space<vmem>>
        %swap3A_683 = arith.constant 0 : index
        %swap3A_684 = tpu.vector_load %swap3A_682[%swap3A_683] {strides = array<i32>} : memref<128xf32, #tpu.memory_space<vmem>>, vector<16xf32>,
        tpu.vector_store %swap3A_682[%swap3A_683], %gather3A_664 {strides = array<i32>} : memref<128xf32, #tpu.memory_space<vmem>>, vector<16xf32>,
        %swap3A_685 = arith.constant 5 : i32
        %swap3A_686 = arith.constant 0 : i32
        %swap3A_687 = tpu.memref_slice %arg7[%add3A_662, %swap3A_685, %swap3A_686] : memref<8x8x128xf32, #tpu.memory_space<vmem>> -> memref<1x1x128xf32, #tpu.memory_space<vmem>>
        %swap3A_688 = tpu.memref_squeeze %swap3A_687 : memref<1x1x128xf32, #tpu.memory_space<vmem>> -> memref<128xf32, #tpu.memory_space<vmem>>
        %swap3A_689 = arith.constant 16 : index
        %swap3A_690 = tpu.vector_load %swap3A_688[%swap3A_689] {strides = array<i32>} : memref<128xf32, #tpu.memory_space<vmem>>, vector<16xf32>,
        tpu.vector_store %swap3A_688[%swap3A_689], %gather3A_666 {strides = array<i32>} : memref<128xf32, #tpu.memory_space<vmem>>, vector<16xf32>,
        %swap3A_691 = arith.constant 5 : i32
        %swap3A_692 = arith.constant 0 : i32
        %swap3A_693 = tpu.memref_slice %arg7[%add3A_662, %swap3A_691, %swap3A_692] : memref<8x8x128xf32, #tpu.memory_space<vmem>> -> memref<1x1x128xf32, #tpu.memory_space<vmem>>
        %swap3A_694 = tpu.memref_squeeze %swap3A_693 : memref<1x1x128xf32, #tpu.memory_space<vmem>> -> memref<128xf32, #tpu.memory_space<vmem>>
        %swap3A_695 = arith.constant 32 : index
        %swap3A_696 = tpu.vector_load %swap3A_694[%swap3A_695] {strides = array<i32>} : memref<128xf32, #tpu.memory_space<vmem>>, vector<16xf32>,
        tpu.vector_store %swap3A_694[%swap3A_695], %gather3A_668 {strides = array<i32>} : memref<128xf32, #tpu.memory_space<vmem>>, vector<16xf32>,
        %swap3A_697 = arith.constant 5 : i32
        %swap3A_698 = arith.constant 0 : i32
        %swap3A_699 = tpu.memref_slice %arg7[%add3A_662, %swap3A_697, %swap3A_698] : memref<8x8x128xf32, #tpu.memory_space<vmem>> -> memref<1x1x128xf32, #tpu.memory_space<vmem>>
        %swap3A_700 = tpu.memref_squeeze %swap3A_699 : memref<1x1x128xf32, #tpu.memory_space<vmem>> -> memref<128xf32, #tpu.memory_space<vmem>>
        %swap3A_701 = arith.constant 48 : index
        %swap3A_702 = tpu.vector_load %swap3A_700[%swap3A_701] {strides = array<i32>} : memref<128xf32, #tpu.memory_space<vmem>>, vector<16xf32>,
        tpu.vector_store %swap3A_700[%swap3A_701], %gather3A_670 {strides = array<i32>} : memref<128xf32, #tpu.memory_space<vmem>>, vector<16xf32>,
        %swap3A_703 = arith.constant 5 : i32
        %swap3A_704 = arith.constant 0 : i32
        %swap3A_705 = tpu.memref_slice %arg7[%add3A_662, %swap3A_703, %swap3A_704] : memref<8x8x128xf32, #tpu.memory_space<vmem>> -> memref<1x1x128xf32, #tpu.memory_space<vmem>>
        %swap3A_706 = tpu.memref_squeeze %swap3A_705 : memref<1x1x128xf32, #tpu.memory_space<vmem>> -> memref<128xf32, #tpu.memory_space<vmem>>
        %swap3A_707 = arith.constant 64 : index
        %swap3A_708 = tpu.vector_load %swap3A_706[%swap3A_707] {strides = array<i32>} : memref<128xf32, #tpu.memory_space<vmem>>, vector<16xf32>,
        tpu.vector_store %swap3A_706[%swap3A_707], %gather3A_672 {strides = array<i32>} : memref<128xf32, #tpu.memory_space<vmem>>, vector<16xf32>,
        %swap3A_709 = arith.constant 5 : i32
        %swap3A_710 = arith.constant 0 : i32
        %swap3A_711 = tpu.memref_slice %arg7[%add3A_662, %swap3A_709, %swap3A_710] : memref<8x8x128xf32, #tpu.memory_space<vmem>> -> memref<1x1x128xf32, #tpu.memory_space<vmem>>
        %swap3A_712 = tpu.memref_squeeze %swap3A_711 : memref<1x1x128xf32, #tpu.memory_space<vmem>> -> memref<128xf32, #tpu.memory_space<vmem>>
        %swap3A_713 = arith.constant 80 : index
        %swap3A_714 = tpu.vector_load %swap3A_712[%swap3A_713] {strides = array<i32>} : memref<128xf32, #tpu.memory_space<vmem>>, vector<16xf32>,
        tpu.vector_store %swap3A_712[%swap3A_713], %gather3A_674 {strides = array<i32>} : memref<128xf32, #tpu.memory_space<vmem>>, vector<16xf32>,
        %swap3A_715 = arith.constant 5 : i32
        %swap3A_716 = arith.constant 0 : i32
        %swap3A_717 = tpu.memref_slice %arg7[%add3A_662, %swap3A_715, %swap3A_716] : memref<8x8x128xf32, #tpu.memory_space<vmem>> -> memref<1x1x128xf32, #tpu.memory_space<vmem>>
        %swap3A_718 = tpu.memref_squeeze %swap3A_717 : memref<1x1x128xf32, #tpu.memory_space<vmem>> -> memref<128xf32, #tpu.memory_space<vmem>>
        %swap3A_719 = arith.constant 96 : index
        %swap3A_720 = tpu.vector_load %swap3A_718[%swap3A_719] {strides = array<i32>} : memref<128xf32, #tpu.memory_space<vmem>>, vector<16xf32>,
        tpu.vector_store %swap3A_718[%swap3A_719], %gather3A_676 {strides = array<i32>} : memref<128xf32, #tpu.memory_space<vmem>>, vector<16xf32>,
        %swap3A_721 = arith.constant 5 : i32
        %swap3A_722 = arith.constant 0 : i32
        %swap3A_723 = tpu.memref_slice %arg7[%add3A_662, %swap3A_721, %swap3A_722] : memref<8x8x128xf32, #tpu.memory_space<vmem>> -> memref<1x1x128xf32, #tpu.memory_space<vmem>>
        %swap3A_724 = tpu.memref_squeeze %swap3A_723 : memref<1x1x128xf32, #tpu.memory_space<vmem>> -> memref<128xf32, #tpu.memory_space<vmem>>
        %swap3A_725 = arith.constant 112 : index
        %swap3A_726 = tpu.vector_load %swap3A_724[%swap3A_725] {strides = array<i32>} : memref<128xf32, #tpu.memory_space<vmem>>, vector<16xf32>,
        tpu.vector_store %swap3A_724[%swap3A_725], %gather3A_678 {strides = array<i32>} : memref<128xf32, #tpu.memory_space<vmem>>, vector<16xf32>,
        %mul3A_727 = arith.constant 4 : i32
        %mul3A_728 = arith.muli %rem3A_250, %mul3A_727 : i32
        %add3A_729 = arith.constant 0 : i32
        %add3A_730 = arith.addi %mul3A_728, %add3A_729 : i32
        %add3A_731 = arith.addi %get3A_278, %broadcast_in_dim3A_19 : vector<16xi32>
        %gather3A_732 = tpu.vector_load_idx %arg6[%add3A_731] : memref<32000xf32, #tpu.memory_space<vmem>>[vector<16xi32>], vector<16xf32>,
        %add3A_733 = arith.addi %get3A_284, %broadcast_in_dim3A_19 : vector<16xi32>
        %gather3A_734 = tpu.vector_load_idx %arg6[%add3A_733] : memref<32000xf32, #tpu.memory_space<vmem>>[vector<16xi32>], vector<16xf32>,
        %add3A_735 = arith.addi %get3A_290, %broadcast_in_dim3A_19 : vector<16xi32>
        %gather3A_736 = tpu.vector_load_idx %arg6[%add3A_735] : memref<32000xf32, #tpu.memory_space<vmem>>[vector<16xi32>], vector<16xf32>,
        %add3A_737 = arith.addi %get3A_296, %broadcast_in_dim3A_19 : vector<16xi32>
        %gather3A_738 = tpu.vector_load_idx %arg6[%add3A_737] : memref<32000xf32, #tpu.memory_space<vmem>>[vector<16xi32>], vector<16xf32>,
        %add3A_739 = arith.addi %get3A_302, %broadcast_in_dim3A_19 : vector<16xi32>
        %gather3A_740 = tpu.vector_load_idx %arg6[%add3A_739] : memref<32000xf32, #tpu.memory_space<vmem>>[vector<16xi32>], vector<16xf32>,
        %add3A_741 = arith.addi %get3A_308, %broadcast_in_dim3A_19 : vector<16xi32>
        %gather3A_742 = tpu.vector_load_idx %arg6[%add3A_741] : memref<32000xf32, #tpu.memory_space<vmem>>[vector<16xi32>], vector<16xf32>,
        %add3A_743 = arith.addi %get3A_314, %broadcast_in_dim3A_19 : vector<16xi32>
        %gather3A_744 = tpu.vector_load_idx %arg6[%add3A_743] : memref<32000xf32, #tpu.memory_space<vmem>>[vector<16xi32>], vector<16xf32>,
        %add3A_745 = arith.addi %get3A_320, %broadcast_in_dim3A_19 : vector<16xi32>
        %gather3A_746 = tpu.vector_load_idx %arg6[%add3A_745] : memref<32000xf32, #tpu.memory_space<vmem>>[vector<16xi32>], vector<16xf32>,
        %swap3A_747 = arith.constant 6 : i32
        %swap3A_748 = arith.constant 0 : i32
        %swap3A_749 = tpu.memref_slice %arg7[%add3A_730, %swap3A_747, %swap3A_748] : memref<8x8x128xf32, #tpu.memory_space<vmem>> -> memref<1x1x128xf32, #tpu.memory_space<vmem>>
        %swap3A_750 = tpu.memref_squeeze %swap3A_749 : memref<1x1x128xf32, #tpu.memory_space<vmem>> -> memref<128xf32, #tpu.memory_space<vmem>>
        %swap3A_751 = arith.constant 0 : index
        %swap3A_752 = tpu.vector_load %swap3A_750[%swap3A_751] {strides = array<i32>} : memref<128xf32, #tpu.memory_space<vmem>>, vector<16xf32>,
        tpu.vector_store %swap3A_750[%swap3A_751], %gather3A_732 {strides = array<i32>} : memref<128xf32, #tpu.memory_space<vmem>>, vector<16xf32>,
        %swap3A_753 = arith.constant 6 : i32
        %swap3A_754 = arith.constant 0 : i32
        %swap3A_755 = tpu.memref_slice %arg7[%add3A_730, %swap3A_753, %swap3A_754] : memref<8x8x128xf32, #tpu.memory_space<vmem>> -> memref<1x1x128xf32, #tpu.memory_space<vmem>>
        %swap3A_756 = tpu.memref_squeeze %swap3A_755 : memref<1x1x128xf32, #tpu.memory_space<vmem>> -> memref<128xf32, #tpu.memory_space<vmem>>
        %swap3A_757 = arith.constant 16 : index
        %swap3A_758 = tpu.vector_load %swap3A_756[%swap3A_757] {strides = array<i32>} : memref<128xf32, #tpu.memory_space<vmem>>, vector<16xf32>,
        tpu.vector_store %swap3A_756[%swap3A_757], %gather3A_734 {strides = array<i32>} : memref<128xf32, #tpu.memory_space<vmem>>, vector<16xf32>,
        %swap3A_759 = arith.constant 6 : i32
        %swap3A_760 = arith.constant 0 : i32
        %swap3A_761 = tpu.memref_slice %arg7[%add3A_730, %swap3A_759, %swap3A_760] : memref<8x8x128xf32, #tpu.memory_space<vmem>> -> memref<1x1x128xf32, #tpu.memory_space<vmem>>
        %swap3A_762 = tpu.memref_squeeze %swap3A_761 : memref<1x1x128xf32, #tpu.memory_space<vmem>> -> memref<128xf32, #tpu.memory_space<vmem>>
        %swap3A_763 = arith.constant 32 : index
        %swap3A_764 = tpu.vector_load %swap3A_762[%swap3A_763] {strides = array<i32>} : memref<128xf32, #tpu.memory_space<vmem>>, vector<16xf32>,
        tpu.vector_store %swap3A_762[%swap3A_763], %gather3A_736 {strides = array<i32>} : memref<128xf32, #tpu.memory_space<vmem>>, vector<16xf32>,
        %swap3A_765 = arith.constant 6 : i32
        %swap3A_766 = arith.constant 0 : i32
        %swap3A_767 = tpu.memref_slice %arg7[%add3A_730, %swap3A_765, %swap3A_766] : memref<8x8x128xf32, #tpu.memory_space<vmem>> -> memref<1x1x128xf32, #tpu.memory_space<vmem>>
        %swap3A_768 = tpu.memref_squeeze %swap3A_767 : memref<1x1x128xf32, #tpu.memory_space<vmem>> -> memref<128xf32, #tpu.memory_space<vmem>>
        %swap3A_769 = arith.constant 48 : index
        %swap3A_770 = tpu.vector_load %swap3A_768[%swap3A_769] {strides = array<i32>} : memref<128xf32, #tpu.memory_space<vmem>>, vector<16xf32>,
        tpu.vector_store %swap3A_768[%swap3A_769], %gather3A_738 {strides = array<i32>} : memref<128xf32, #tpu.memory_space<vmem>>, vector<16xf32>,
        %swap3A_771 = arith.constant 6 : i32
        %swap3A_772 = arith.constant 0 : i32
        %swap3A_773 = tpu.memref_slice %arg7[%add3A_730, %swap3A_771, %swap3A_772] : memref<8x8x128xf32, #tpu.memory_space<vmem>> -> memref<1x1x128xf32, #tpu.memory_space<vmem>>
        %swap3A_774 = tpu.memref_squeeze %swap3A_773 : memref<1x1x128xf32, #tpu.memory_space<vmem>> -> memref<128xf32, #tpu.memory_space<vmem>>
        %swap3A_775 = arith.constant 64 : index
        %swap3A_776 = tpu.vector_load %swap3A_774[%swap3A_775] {strides = array<i32>} : memref<128xf32, #tpu.memory_space<vmem>>, vector<16xf32>,
        tpu.vector_store %swap3A_774[%swap3A_775], %gather3A_740 {strides = array<i32>} : memref<128xf32, #tpu.memory_space<vmem>>, vector<16xf32>,
        %swap3A_777 = arith.constant 6 : i32
        %swap3A_778 = arith.constant 0 : i32
        %swap3A_779 = tpu.memref_slice %arg7[%add3A_730, %swap3A_777, %swap3A_778] : memref<8x8x128xf32, #tpu.memory_space<vmem>> -> memref<1x1x128xf32, #tpu.memory_space<vmem>>
        %swap3A_780 = tpu.memref_squeeze %swap3A_779 : memref<1x1x128xf32, #tpu.memory_space<vmem>> -> memref<128xf32, #tpu.memory_space<vmem>>
        %swap3A_781 = arith.constant 80 : index
        %swap3A_782 = tpu.vector_load %swap3A_780[%swap3A_781] {strides = array<i32>} : memref<128xf32, #tpu.memory_space<vmem>>, vector<16xf32>,
        tpu.vector_store %swap3A_780[%swap3A_781], %gather3A_742 {strides = array<i32>} : memref<128xf32, #tpu.memory_space<vmem>>, vector<16xf32>,
        %swap3A_783 = arith.constant 6 : i32
        %swap3A_784 = arith.constant 0 : i32
        %swap3A_785 = tpu.memref_slice %arg7[%add3A_730, %swap3A_783, %swap3A_784] : memref<8x8x128xf32, #tpu.memory_space<vmem>> -> memref<1x1x128xf32, #tpu.memory_space<vmem>>
        %swap3A_786 = tpu.memref_squeeze %swap3A_785 : memref<1x1x128xf32, #tpu.memory_space<vmem>> -> memref<128xf32, #tpu.memory_space<vmem>>
        %swap3A_787 = arith.constant 96 : index
        %swap3A_788 = tpu.vector_load %swap3A_786[%swap3A_787] {strides = array<i32>} : memref<128xf32, #tpu.memory_space<vmem>>, vector<16xf32>,
        tpu.vector_store %swap3A_786[%swap3A_787], %gather3A_744 {strides = array<i32>} : memref<128xf32, #tpu.memory_space<vmem>>, vector<16xf32>,
        %swap3A_789 = arith.constant 6 : i32
        %swap3A_790 = arith.constant 0 : i32
        %swap3A_791 = tpu.memref_slice %arg7[%add3A_730, %swap3A_789, %swap3A_790] : memref<8x8x128xf32, #tpu.memory_space<vmem>> -> memref<1x1x128xf32, #tpu.memory_space<vmem>>
        %swap3A_792 = tpu.memref_squeeze %swap3A_791 : memref<1x1x128xf32, #tpu.memory_space<vmem>> -> memref<128xf32, #tpu.memory_space<vmem>>
        %swap3A_793 = arith.constant 112 : index
        %swap3A_794 = tpu.vector_load %swap3A_792[%swap3A_793] {strides = array<i32>} : memref<128xf32, #tpu.memory_space<vmem>>, vector<16xf32>,
        tpu.vector_store %swap3A_792[%swap3A_793], %gather3A_746 {strides = array<i32>} : memref<128xf32, #tpu.memory_space<vmem>>, vector<16xf32>,
        %mul3A_795 = arith.constant 4 : i32
        %mul3A_796 = arith.muli %rem3A_250, %mul3A_795 : i32
        %add3A_797 = arith.constant 0 : i32
        %add3A_798 = arith.addi %mul3A_796, %add3A_797 : i32
        %add3A_799 = arith.addi %get3A_278, %broadcast_in_dim3A_21 : vector<16xi32>
        %gather3A_800 = tpu.vector_load_idx %arg6[%add3A_799] : memref<32000xf32, #tpu.memory_space<vmem>>[vector<16xi32>], vector<16xf32>,
        %add3A_801 = arith.addi %get3A_284, %broadcast_in_dim3A_21 : vector<16xi32>
        %gather3A_802 = tpu.vector_load_idx %arg6[%add3A_801] : memref<32000xf32, #tpu.memory_space<vmem>>[vector<16xi32>], vector<16xf32>,
        %add3A_803 = arith.addi %get3A_290, %broadcast_in_dim3A_21 : vector<16xi32>
        %gather3A_804 = tpu.vector_load_idx %arg6[%add3A_803] : memref<32000xf32, #tpu.memory_space<vmem>>[vector<16xi32>], vector<16xf32>,
        %add3A_805 = arith.addi %get3A_296, %broadcast_in_dim3A_21 : vector<16xi32>
        %gather3A_806 = tpu.vector_load_idx %arg6[%add3A_805] : memref<32000xf32, #tpu.memory_space<vmem>>[vector<16xi32>], vector<16xf32>,
        %add3A_807 = arith.addi %get3A_302, %broadcast_in_dim3A_21 : vector<16xi32>
        %gather3A_808 = tpu.vector_load_idx %arg6[%add3A_807] : memref<32000xf32, #tpu.memory_space<vmem>>[vector<16xi32>], vector<16xf32>,
        %add3A_809 = arith.addi %get3A_308, %broadcast_in_dim3A_21 : vector<16xi32>
        %gather3A_810 = tpu.vector_load_idx %arg6[%add3A_809] : memref<32000xf32, #tpu.memory_space<vmem>>[vector<16xi32>], vector<16xf32>,
        %add3A_811 = arith.addi %get3A_314, %broadcast_in_dim3A_21 : vector<16xi32>
        %gather3A_812 = tpu.vector_load_idx %arg6[%add3A_811] : memref<32000xf32, #tpu.memory_space<vmem>>[vector<16xi32>], vector<16xf32>,
        %add3A_813 = arith.addi %get3A_320, %broadcast_in_dim3A_21 : vector<16xi32>
        %gather3A_814 = tpu.vector_load_idx %arg6[%add3A_813] : memref<32000xf32, #tpu.memory_space<vmem>>[vector<16xi32>], vector<16xf32>,
        %swap3A_815 = arith.constant 7 : i32
        %swap3A_816 = arith.constant 0 : i32
        %swap3A_817 = tpu.memref_slice %arg7[%add3A_798, %swap3A_815, %swap3A_816] : memref<8x8x128xf32, #tpu.memory_space<vmem>> -> memref<1x1x128xf32, #tpu.memory_space<vmem>>
        %swap3A_818 = tpu.memref_squeeze %swap3A_817 : memref<1x1x128xf32, #tpu.memory_space<vmem>> -> memref<128xf32, #tpu.memory_space<vmem>>
        %swap3A_819 = arith.constant 0 : index
        %swap3A_820 = tpu.vector_load %swap3A_818[%swap3A_819] {strides = array<i32>} : memref<128xf32, #tpu.memory_space<vmem>>, vector<16xf32>,
        tpu.vector_store %swap3A_818[%swap3A_819], %gather3A_800 {strides = array<i32>} : memref<128xf32, #tpu.memory_space<vmem>>, vector<16xf32>,
        %swap3A_821 = arith.constant 7 : i32
        %swap3A_822 = arith.constant 0 : i32
        %swap3A_823 = tpu.memref_slice %arg7[%add3A_798, %swap3A_821, %swap3A_822] : memref<8x8x128xf32, #tpu.memory_space<vmem>> -> memref<1x1x128xf32, #tpu.memory_space<vmem>>
        %swap3A_824 = tpu.memref_squeeze %swap3A_823 : memref<1x1x128xf32, #tpu.memory_space<vmem>> -> memref<128xf32, #tpu.memory_space<vmem>>
        %swap3A_825 = arith.constant 16 : index
        %swap3A_826 = tpu.vector_load %swap3A_824[%swap3A_825] {strides = array<i32>} : memref<128xf32, #tpu.memory_space<vmem>>, vector<16xf32>,
        tpu.vector_store %swap3A_824[%swap3A_825], %gather3A_802 {strides = array<i32>} : memref<128xf32, #tpu.memory_space<vmem>>, vector<16xf32>,
        %swap3A_827 = arith.constant 7 : i32
        %swap3A_828 = arith.constant 0 : i32
        %swap3A_829 = tpu.memref_slice %arg7[%add3A_798, %swap3A_827, %swap3A_828] : memref<8x8x128xf32, #tpu.memory_space<vmem>> -> memref<1x1x128xf32, #tpu.memory_space<vmem>>
        %swap3A_830 = tpu.memref_squeeze %swap3A_829 : memref<1x1x128xf32, #tpu.memory_space<vmem>> -> memref<128xf32, #tpu.memory_space<vmem>>
        %swap3A_831 = arith.constant 32 : index
        %swap3A_832 = tpu.vector_load %swap3A_830[%swap3A_831] {strides = array<i32>} : memref<128xf32, #tpu.memory_space<vmem>>, vector<16xf32>,
        tpu.vector_store %swap3A_830[%swap3A_831], %gather3A_804 {strides = array<i32>} : memref<128xf32, #tpu.memory_space<vmem>>, vector<16xf32>,
        %swap3A_833 = arith.constant 7 : i32
        %swap3A_834 = arith.constant 0 : i32
        %swap3A_835 = tpu.memref_slice %arg7[%add3A_798, %swap3A_833, %swap3A_834] : memref<8x8x128xf32, #tpu.memory_space<vmem>> -> memref<1x1x128xf32, #tpu.memory_space<vmem>>
        %swap3A_836 = tpu.memref_squeeze %swap3A_835 : memref<1x1x128xf32, #tpu.memory_space<vmem>> -> memref<128xf32, #tpu.memory_space<vmem>>
        %swap3A_837 = arith.constant 48 : index
        %swap3A_838 = tpu.vector_load %swap3A_836[%swap3A_837] {strides = array<i32>} : memref<128xf32, #tpu.memory_space<vmem>>, vector<16xf32>,
        tpu.vector_store %swap3A_836[%swap3A_837], %gather3A_806 {strides = array<i32>} : memref<128xf32, #tpu.memory_space<vmem>>, vector<16xf32>,
        %swap3A_839 = arith.constant 7 : i32
        %swap3A_840 = arith.constant 0 : i32
        %swap3A_841 = tpu.memref_slice %arg7[%add3A_798, %swap3A_839, %swap3A_840] : memref<8x8x128xf32, #tpu.memory_space<vmem>> -> memref<1x1x128xf32, #tpu.memory_space<vmem>>
        %swap3A_842 = tpu.memref_squeeze %swap3A_841 : memref<1x1x128xf32, #tpu.memory_space<vmem>> -> memref<128xf32, #tpu.memory_space<vmem>>
        %swap3A_843 = arith.constant 64 : index
        %swap3A_844 = tpu.vector_load %swap3A_842[%swap3A_843] {strides = array<i32>} : memref<128xf32, #tpu.memory_space<vmem>>, vector<16xf32>,
        tpu.vector_store %swap3A_842[%swap3A_843], %gather3A_808 {strides = array<i32>} : memref<128xf32, #tpu.memory_space<vmem>>, vector<16xf32>,
        %swap3A_845 = arith.constant 7 : i32
        %swap3A_846 = arith.constant 0 : i32
        %swap3A_847 = tpu.memref_slice %arg7[%add3A_798, %swap3A_845, %swap3A_846] : memref<8x8x128xf32, #tpu.memory_space<vmem>> -> memref<1x1x128xf32, #tpu.memory_space<vmem>>
        %swap3A_848 = tpu.memref_squeeze %swap3A_847 : memref<1x1x128xf32, #tpu.memory_space<vmem>> -> memref<128xf32, #tpu.memory_space<vmem>>
        %swap3A_849 = arith.constant 80 : index
        %swap3A_850 = tpu.vector_load %swap3A_848[%swap3A_849] {strides = array<i32>} : memref<128xf32, #tpu.memory_space<vmem>>, vector<16xf32>,
        tpu.vector_store %swap3A_848[%swap3A_849], %gather3A_810 {strides = array<i32>} : memref<128xf32, #tpu.memory_space<vmem>>, vector<16xf32>,
        %swap3A_851 = arith.constant 7 : i32
        %swap3A_852 = arith.constant 0 : i32
        %swap3A_853 = tpu.memref_slice %arg7[%add3A_798, %swap3A_851, %swap3A_852] : memref<8x8x128xf32, #tpu.memory_space<vmem>> -> memref<1x1x128xf32, #tpu.memory_space<vmem>>
        %swap3A_854 = tpu.memref_squeeze %swap3A_853 : memref<1x1x128xf32, #tpu.memory_space<vmem>> -> memref<128xf32, #tpu.memory_space<vmem>>
        %swap3A_855 = arith.constant 96 : index
        %swap3A_856 = tpu.vector_load %swap3A_854[%swap3A_855] {strides = array<i32>} : memref<128xf32, #tpu.memory_space<vmem>>, vector<16xf32>,
        tpu.vector_store %swap3A_854[%swap3A_855], %gather3A_812 {strides = array<i32>} : memref<128xf32, #tpu.memory_space<vmem>>, vector<16xf32>,
        %swap3A_857 = arith.constant 7 : i32
        %swap3A_858 = arith.constant 0 : i32
        %swap3A_859 = tpu.memref_slice %arg7[%add3A_798, %swap3A_857, %swap3A_858] : memref<8x8x128xf32, #tpu.memory_space<vmem>> -> memref<1x1x128xf32, #tpu.memory_space<vmem>>
        %swap3A_860 = tpu.memref_squeeze %swap3A_859 : memref<1x1x128xf32, #tpu.memory_space<vmem>> -> memref<128xf32, #tpu.memory_space<vmem>>
        %swap3A_861 = arith.constant 112 : index
        %swap3A_862 = tpu.vector_load %swap3A_860[%swap3A_861] {strides = array<i32>} : memref<128xf32, #tpu.memory_space<vmem>>, vector<16xf32>,
        tpu.vector_store %swap3A_860[%swap3A_861], %gather3A_814 {strides = array<i32>} : memref<128xf32, #tpu.memory_space<vmem>>, vector<16xf32>,
        %mul3A_863 = arith.constant 4 : i32
        %mul3A_864 = arith.muli %rem3A_250, %mul3A_863 : i32
        %add3A_865 = arith.constant 1 : i32
        %add3A_866 = arith.addi %mul3A_864, %add3A_865 : i32
        %add3A_867 = arith.addi %get3A_278, %broadcast_in_dim3A_23 : vector<16xi32>
        %gather3A_868 = tpu.vector_load_idx %arg6[%add3A_867] : memref<32000xf32, #tpu.memory_space<vmem>>[vector<16xi32>], vector<16xf32>,
        %add3A_869 = arith.addi %get3A_284, %broadcast_in_dim3A_23 : vector<16xi32>
        %gather3A_870 = tpu.vector_load_idx %arg6[%add3A_869] : memref<32000xf32, #tpu.memory_space<vmem>>[vector<16xi32>], vector<16xf32>,
        %add3A_871 = arith.addi %get3A_290, %broadcast_in_dim3A_23 : vector<16xi32>
        %gather3A_872 = tpu.vector_load_idx %arg6[%add3A_871] : memref<32000xf32, #tpu.memory_space<vmem>>[vector<16xi32>], vector<16xf32>,
        %add3A_873 = arith.addi %get3A_296, %broadcast_in_dim3A_23 : vector<16xi32>
        %gather3A_874 = tpu.vector_load_idx %arg6[%add3A_873] : memref<32000xf32, #tpu.memory_space<vmem>>[vector<16xi32>], vector<16xf32>,
        %add3A_875 = arith.addi %get3A_302, %broadcast_in_dim3A_23 : vector<16xi32>
        %gather3A_876 = tpu.vector_load_idx %arg6[%add3A_875] : memref<32000xf32, #tpu.memory_space<vmem>>[vector<16xi32>], vector<16xf32>,
        %add3A_877 = arith.addi %get3A_308, %broadcast_in_dim3A_23 : vector<16xi32>
        %gather3A_878 = tpu.vector_load_idx %arg6[%add3A_877] : memref<32000xf32, #tpu.memory_space<vmem>>[vector<16xi32>], vector<16xf32>,
        %add3A_879 = arith.addi %get3A_314, %broadcast_in_dim3A_23 : vector<16xi32>
        %gather3A_880 = tpu.vector_load_idx %arg6[%add3A_879] : memref<32000xf32, #tpu.memory_space<vmem>>[vector<16xi32>], vector<16xf32>,
        %add3A_881 = arith.addi %get3A_320, %broadcast_in_dim3A_23 : vector<16xi32>
        %gather3A_882 = tpu.vector_load_idx %arg6[%add3A_881] : memref<32000xf32, #tpu.memory_space<vmem>>[vector<16xi32>], vector<16xf32>,
        %swap3A_883 = arith.constant 0 : i32
        %swap3A_884 = arith.constant 0 : i32
        %swap3A_885 = tpu.memref_slice %arg7[%add3A_866, %swap3A_883, %swap3A_884] : memref<8x8x128xf32, #tpu.memory_space<vmem>> -> memref<1x1x128xf32, #tpu.memory_space<vmem>>
        %swap3A_886 = tpu.memref_squeeze %swap3A_885 : memref<1x1x128xf32, #tpu.memory_space<vmem>> -> memref<128xf32, #tpu.memory_space<vmem>>
        %swap3A_887 = arith.constant 0 : index
        %swap3A_888 = tpu.vector_load %swap3A_886[%swap3A_887] {strides = array<i32>} : memref<128xf32, #tpu.memory_space<vmem>>, vector<16xf32>,
        tpu.vector_store %swap3A_886[%swap3A_887], %gather3A_868 {strides = array<i32>} : memref<128xf32, #tpu.memory_space<vmem>>, vector<16xf32>,
        %swap3A_889 = arith.constant 0 : i32
        %swap3A_890 = arith.constant 0 : i32
        %swap3A_891 = tpu.memref_slice %arg7[%add3A_866, %swap3A_889, %swap3A_890] : memref<8x8x128xf32, #tpu.memory_space<vmem>> -> memref<1x1x128xf32, #tpu.memory_space<vmem>>
        %swap3A_892 = tpu.memref_squeeze %swap3A_891 : memref<1x1x128xf32, #tpu.memory_space<vmem>> -> memref<128xf32, #tpu.memory_space<vmem>>
        %swap3A_893 = arith.constant 16 : index
        %swap3A_894 = tpu.vector_load %swap3A_892[%swap3A_893] {strides = array<i32>} : memref<128xf32, #tpu.memory_space<vmem>>, vector<16xf32>,
        tpu.vector_store %swap3A_892[%swap3A_893], %gather3A_870 {strides = array<i32>} : memref<128xf32, #tpu.memory_space<vmem>>, vector<16xf32>,
        %swap3A_895 = arith.constant 0 : i32
        %swap3A_896 = arith.constant 0 : i32
        %swap3A_897 = tpu.memref_slice %arg7[%add3A_866, %swap3A_895, %swap3A_896] : memref<8x8x128xf32, #tpu.memory_space<vmem>> -> memref<1x1x128xf32, #tpu.memory_space<vmem>>
        %swap3A_898 = tpu.memref_squeeze %swap3A_897 : memref<1x1x128xf32, #tpu.memory_space<vmem>> -> memref<128xf32, #tpu.memory_space<vmem>>
        %swap3A_899 = arith.constant 32 : index
        %swap3A_900 = tpu.vector_load %swap3A_898[%swap3A_899] {strides = array<i32>} : memref<128xf32, #tpu.memory_space<vmem>>, vector<16xf32>,
        tpu.vector_store %swap3A_898[%swap3A_899], %gather3A_872 {strides = array<i32>} : memref<128xf32, #tpu.memory_space<vmem>>, vector<16xf32>,
        %swap3A_901 = arith.constant 0 : i32
        %swap3A_902 = arith.constant 0 : i32
        %swap3A_903 = tpu.memref_slice %arg7[%add3A_866, %swap3A_901, %swap3A_902] : memref<8x8x128xf32, #tpu.memory_space<vmem>> -> memref<1x1x128xf32, #tpu.memory_space<vmem>>
        %swap3A_904 = tpu.memref_squeeze %swap3A_903 : memref<1x1x128xf32, #tpu.memory_space<vmem>> -> memref<128xf32, #tpu.memory_space<vmem>>
        %swap3A_905 = arith.constant 48 : index
        %swap3A_906 = tpu.vector_load %swap3A_904[%swap3A_905] {strides = array<i32>} : memref<128xf32, #tpu.memory_space<vmem>>, vector<16xf32>,
        tpu.vector_store %swap3A_904[%swap3A_905], %gather3A_874 {strides = array<i32>} : memref<128xf32, #tpu.memory_space<vmem>>, vector<16xf32>,
        %swap3A_907 = arith.constant 0 : i32
        %swap3A_908 = arith.constant 0 : i32
        %swap3A_909 = tpu.memref_slice %arg7[%add3A_866, %swap3A_907, %swap3A_908] : memref<8x8x128xf32, #tpu.memory_space<vmem>> -> memref<1x1x128xf32, #tpu.memory_space<vmem>>
        %swap3A_910 = tpu.memref_squeeze %swap3A_909 : memref<1x1x128xf32, #tpu.memory_space<vmem>> -> memref<128xf32, #tpu.memory_space<vmem>>
        %swap3A_911 = arith.constant 64 : index
        %swap3A_912 = tpu.vector_load %swap3A_910[%swap3A_911] {strides = array<i32>} : memref<128xf32, #tpu.memory_space<vmem>>, vector<16xf32>,
        tpu.vector_store %swap3A_910[%swap3A_911], %gather3A_876 {strides = array<i32>} : memref<128xf32, #tpu.memory_space<vmem>>, vector<16xf32>,
        %swap3A_913 = arith.constant 0 : i32
        %swap3A_914 = arith.constant 0 : i32
        %swap3A_915 = tpu.memref_slice %arg7[%add3A_866, %swap3A_913, %swap3A_914] : memref<8x8x128xf32, #tpu.memory_space<vmem>> -> memref<1x1x128xf32, #tpu.memory_space<vmem>>
        %swap3A_916 = tpu.memref_squeeze %swap3A_915 : memref<1x1x128xf32, #tpu.memory_space<vmem>> -> memref<128xf32, #tpu.memory_space<vmem>>
        %swap3A_917 = arith.constant 80 : index
        %swap3A_918 = tpu.vector_load %swap3A_916[%swap3A_917] {strides = array<i32>} : memref<128xf32, #tpu.memory_space<vmem>>, vector<16xf32>,
        tpu.vector_store %swap3A_916[%swap3A_917], %gather3A_878 {strides = array<i32>} : memref<128xf32, #tpu.memory_space<vmem>>, vector<16xf32>,
        %swap3A_919 = arith.constant 0 : i32
        %swap3A_920 = arith.constant 0 : i32
        %swap3A_921 = tpu.memref_slice %arg7[%add3A_866, %swap3A_919, %swap3A_920] : memref<8x8x128xf32, #tpu.memory_space<vmem>> -> memref<1x1x128xf32, #tpu.memory_space<vmem>>
        %swap3A_922 = tpu.memref_squeeze %swap3A_921 : memref<1x1x128xf32, #tpu.memory_space<vmem>> -> memref<128xf32, #tpu.memory_space<vmem>>
        %swap3A_923 = arith.constant 96 : index
        %swap3A_924 = tpu.vector_load %swap3A_922[%swap3A_923] {strides = array<i32>} : memref<128xf32, #tpu.memory_space<vmem>>, vector<16xf32>,
        tpu.vector_store %swap3A_922[%swap3A_923], %gather3A_880 {strides = array<i32>} : memref<128xf32, #tpu.memory_space<vmem>>, vector<16xf32>,
        %swap3A_925 = arith.constant 0 : i32
        %swap3A_926 = arith.constant 0 : i32
        %swap3A_927 = tpu.memref_slice %arg7[%add3A_866, %swap3A_925, %swap3A_926] : memref<8x8x128xf32, #tpu.memory_space<vmem>> -> memref<1x1x128xf32, #tpu.memory_space<vmem>>
        %swap3A_928 = tpu.memref_squeeze %swap3A_927 : memref<1x1x128xf32, #tpu.memory_space<vmem>> -> memref<128xf32, #tpu.memory_space<vmem>>
        %swap3A_929 = arith.constant 112 : index
        %swap3A_930 = tpu.vector_load %swap3A_928[%swap3A_929] {strides = array<i32>} : memref<128xf32, #tpu.memory_space<vmem>>, vector<16xf32>,
        tpu.vector_store %swap3A_928[%swap3A_929], %gather3A_882 {strides = array<i32>} : memref<128xf32, #tpu.memory_space<vmem>>, vector<16xf32>,
        %mul3A_931 = arith.constant 4 : i32
        %mul3A_932 = arith.muli %rem3A_250, %mul3A_931 : i32
        %add3A_933 = arith.constant 1 : i32
        %add3A_934 = arith.addi %mul3A_932, %add3A_933 : i32
        %add3A_935 = arith.addi %get3A_278, %broadcast_in_dim3A_25 : vector<16xi32>
        %gather3A_936 = tpu.vector_load_idx %arg6[%add3A_935] : memref<32000xf32, #tpu.memory_space<vmem>>[vector<16xi32>], vector<16xf32>,
        %add3A_937 = arith.addi %get3A_284, %broadcast_in_dim3A_25 : vector<16xi32>
        %gather3A_938 = tpu.vector_load_idx %arg6[%add3A_937] : memref<32000xf32, #tpu.memory_space<vmem>>[vector<16xi32>], vector<16xf32>,
        %add3A_939 = arith.addi %get3A_290, %broadcast_in_dim3A_25 : vector<16xi32>
        %gather3A_940 = tpu.vector_load_idx %arg6[%add3A_939] : memref<32000xf32, #tpu.memory_space<vmem>>[vector<16xi32>], vector<16xf32>,
        %add3A_941 = arith.addi %get3A_296, %broadcast_in_dim3A_25 : vector<16xi32>
        %gather3A_942 = tpu.vector_load_idx %arg6[%add3A_941] : memref<32000xf32, #tpu.memory_space<vmem>>[vector<16xi32>], vector<16xf32>,
        %add3A_943 = arith.addi %get3A_302, %broadcast_in_dim3A_25 : vector<16xi32>
        %gather3A_944 = tpu.vector_load_idx %arg6[%add3A_943] : memref<32000xf32, #tpu.memory_space<vmem>>[vector<16xi32>], vector<16xf32>,
        %add3A_945 = arith.addi %get3A_308, %broadcast_in_dim3A_25 : vector<16xi32>
        %gather3A_946 = tpu.vector_load_idx %arg6[%add3A_945] : memref<32000xf32, #tpu.memory_space<vmem>>[vector<16xi32>], vector<16xf32>,
        %add3A_947 = arith.addi %get3A_314, %broadcast_in_dim3A_25 : vector<16xi32>
        %gather3A_948 = tpu.vector_load_idx %arg6[%add3A_947] : memref<32000xf32, #tpu.memory_space<vmem>>[vector<16xi32>], vector<16xf32>,
        %add3A_949 = arith.addi %get3A_320, %broadcast_in_dim3A_25 : vector<16xi32>
        %gather3A_950 = tpu.vector_load_idx %arg6[%add3A_949] : memref<32000xf32, #tpu.memory_space<vmem>>[vector<16xi32>], vector<16xf32>,
        %swap3A_951 = arith.constant 1 : i32
        %swap3A_952 = arith.constant 0 : i32
        %swap3A_953 = tpu.memref_slice %arg7[%add3A_934, %swap3A_951, %swap3A_952] : memref<8x8x128xf32, #tpu.memory_space<vmem>> -> memref<1x1x128xf32, #tpu.memory_space<vmem>>
        %swap3A_954 = tpu.memref_squeeze %swap3A_953 : memref<1x1x128xf32, #tpu.memory_space<vmem>> -> memref<128xf32, #tpu.memory_space<vmem>>
        %swap3A_955 = arith.constant 0 : index
        %swap3A_956 = tpu.vector_load %swap3A_954[%swap3A_955] {strides = array<i32>} : memref<128xf32, #tpu.memory_space<vmem>>, vector<16xf32>,
        tpu.vector_store %swap3A_954[%swap3A_955], %gather3A_936 {strides = array<i32>} : memref<128xf32, #tpu.memory_space<vmem>>, vector<16xf32>,
        %swap3A_957 = arith.constant 1 : i32
        %swap3A_958 = arith.constant 0 : i32
        %swap3A_959 = tpu.memref_slice %arg7[%add3A_934, %swap3A_957, %swap3A_958] : memref<8x8x128xf32, #tpu.memory_space<vmem>> -> memref<1x1x128xf32, #tpu.memory_space<vmem>>
        %swap3A_960 = tpu.memref_squeeze %swap3A_959 : memref<1x1x128xf32, #tpu.memory_space<vmem>> -> memref<128xf32, #tpu.memory_space<vmem>>
        %swap3A_961 = arith.constant 16 : index
        %swap3A_962 = tpu.vector_load %swap3A_960[%swap3A_961] {strides = array<i32>} : memref<128xf32, #tpu.memory_space<vmem>>, vector<16xf32>,
        tpu.vector_store %swap3A_960[%swap3A_961], %gather3A_938 {strides = array<i32>} : memref<128xf32, #tpu.memory_space<vmem>>, vector<16xf32>,
        %swap3A_963 = arith.constant 1 : i32
        %swap3A_964 = arith.constant 0 : i32
        %swap3A_965 = tpu.memref_slice %arg7[%add3A_934, %swap3A_963, %swap3A_964] : memref<8x8x128xf32, #tpu.memory_space<vmem>> -> memref<1x1x128xf32, #tpu.memory_space<vmem>>
        %swap3A_966 = tpu.memref_squeeze %swap3A_965 : memref<1x1x128xf32, #tpu.memory_space<vmem>> -> memref<128xf32, #tpu.memory_space<vmem>>
        %swap3A_967 = arith.constant 32 : index
        %swap3A_968 = tpu.vector_load %swap3A_966[%swap3A_967] {strides = array<i32>} : memref<128xf32, #tpu.memory_space<vmem>>, vector<16xf32>,
        tpu.vector_store %swap3A_966[%swap3A_967], %gather3A_940 {strides = array<i32>} : memref<128xf32, #tpu.memory_space<vmem>>, vector<16xf32>,
        %swap3A_969 = arith.constant 1 : i32
        %swap3A_970 = arith.constant 0 : i32
        %swap3A_971 = tpu.memref_slice %arg7[%add3A_934, %swap3A_969, %swap3A_970] : memref<8x8x128xf32, #tpu.memory_space<vmem>> -> memref<1x1x128xf32, #tpu.memory_space<vmem>>
        %swap3A_972 = tpu.memref_squeeze %swap3A_971 : memref<1x1x128xf32, #tpu.memory_space<vmem>> -> memref<128xf32, #tpu.memory_space<vmem>>
        %swap3A_973 = arith.constant 48 : index
        %swap3A_974 = tpu.vector_load %swap3A_972[%swap3A_973] {strides = array<i32>} : memref<128xf32, #tpu.memory_space<vmem>>, vector<16xf32>,
        tpu.vector_store %swap3A_972[%swap3A_973], %gather3A_942 {strides = array<i32>} : memref<128xf32, #tpu.memory_space<vmem>>, vector<16xf32>,
        %swap3A_975 = arith.constant 1 : i32
        %swap3A_976 = arith.constant 0 : i32
        %swap3A_977 = tpu.memref_slice %arg7[%add3A_934, %swap3A_975, %swap3A_976] : memref<8x8x128xf32, #tpu.memory_space<vmem>> -> memref<1x1x128xf32, #tpu.memory_space<vmem>>
        %swap3A_978 = tpu.memref_squeeze %swap3A_977 : memref<1x1x128xf32, #tpu.memory_space<vmem>> -> memref<128xf32, #tpu.memory_space<vmem>>
        %swap3A_979 = arith.constant 64 : index
        %swap3A_980 = tpu.vector_load %swap3A_978[%swap3A_979] {strides = array<i32>} : memref<128xf32, #tpu.memory_space<vmem>>, vector<16xf32>,
        tpu.vector_store %swap3A_978[%swap3A_979], %gather3A_944 {strides = array<i32>} : memref<128xf32, #tpu.memory_space<vmem>>, vector<16xf32>,
        %swap3A_981 = arith.constant 1 : i32
        %swap3A_982 = arith.constant 0 : i32
        %swap3A_983 = tpu.memref_slice %arg7[%add3A_934, %swap3A_981, %swap3A_982] : memref<8x8x128xf32, #tpu.memory_space<vmem>> -> memref<1x1x128xf32, #tpu.memory_space<vmem>>
        %swap3A_984 = tpu.memref_squeeze %swap3A_983 : memref<1x1x128xf32, #tpu.memory_space<vmem>> -> memref<128xf32, #tpu.memory_space<vmem>>
        %swap3A_985 = arith.constant 80 : index
        %swap3A_986 = tpu.vector_load %swap3A_984[%swap3A_985] {strides = array<i32>} : memref<128xf32, #tpu.memory_space<vmem>>, vector<16xf32>,
        tpu.vector_store %swap3A_984[%swap3A_985], %gather3A_946 {strides = array<i32>} : memref<128xf32, #tpu.memory_space<vmem>>, vector<16xf32>,
        %swap3A_987 = arith.constant 1 : i32
        %swap3A_988 = arith.constant 0 : i32
        %swap3A_989 = tpu.memref_slice %arg7[%add3A_934, %swap3A_987, %swap3A_988] : memref<8x8x128xf32, #tpu.memory_space<vmem>> -> memref<1x1x128xf32, #tpu.memory_space<vmem>>
        %swap3A_990 = tpu.memref_squeeze %swap3A_989 : memref<1x1x128xf32, #tpu.memory_space<vmem>> -> memref<128xf32, #tpu.memory_space<vmem>>
        %swap3A_991 = arith.constant 96 : index
        %swap3A_992 = tpu.vector_load %swap3A_990[%swap3A_991] {strides = array<i32>} : memref<128xf32, #tpu.memory_space<vmem>>, vector<16xf32>,
        tpu.vector_store %swap3A_990[%swap3A_991], %gather3A_948 {strides = array<i32>} : memref<128xf32, #tpu.memory_space<vmem>>, vector<16xf32>,
        %swap3A_993 = arith.constant 1 : i32
        %swap3A_994 = arith.constant 0 : i32
        %swap3A_995 = tpu.memref_slice %arg7[%add3A_934, %swap3A_993, %swap3A_994] : memref<8x8x128xf32, #tpu.memory_space<vmem>> -> memref<1x1x128xf32, #tpu.memory_space<vmem>>
        %swap3A_996 = tpu.memref_squeeze %swap3A_995 : memref<1x1x128xf32, #tpu.memory_space<vmem>> -> memref<128xf32, #tpu.memory_space<vmem>>
        %swap3A_997 = arith.constant 112 : index
        %swap3A_998 = tpu.vector_load %swap3A_996[%swap3A_997] {strides = array<i32>} : memref<128xf32, #tpu.memory_space<vmem>>, vector<16xf32>,
        tpu.vector_store %swap3A_996[%swap3A_997], %gather3A_950 {strides = array<i32>} : memref<128xf32, #tpu.memory_space<vmem>>, vector<16xf32>,
        %mul3A_999 = arith.constant 4 : i32
        %mul3A_1000 = arith.muli %rem3A_250, %mul3A_999 : i32
        %add3A_1001 = arith.constant 1 : i32
        %add3A_1002 = arith.addi %mul3A_1000, %add3A_1001 : i32
        %add3A_1003 = arith.addi %get3A_278, %broadcast_in_dim3A_27 : vector<16xi32>
        %gather3A_1004 = tpu.vector_load_idx %arg6[%add3A_1003] : memref<32000xf32, #tpu.memory_space<vmem>>[vector<16xi32>], vector<16xf32>,
        %add3A_1005 = arith.addi %get3A_284, %broadcast_in_dim3A_27 : vector<16xi32>
        %gather3A_1006 = tpu.vector_load_idx %arg6[%add3A_1005] : memref<32000xf32, #tpu.memory_space<vmem>>[vector<16xi32>], vector<16xf32>,
        %add3A_1007 = arith.addi %get3A_290, %broadcast_in_dim3A_27 : vector<16xi32>
        %gather3A_1008 = tpu.vector_load_idx %arg6[%add3A_1007] : memref<32000xf32, #tpu.memory_space<vmem>>[vector<16xi32>], vector<16xf32>,
        %add3A_1009 = arith.addi %get3A_296, %broadcast_in_dim3A_27 : vector<16xi32>
        %gather3A_1010 = tpu.vector_load_idx %arg6[%add3A_1009] : memref<32000xf32, #tpu.memory_space<vmem>>[vector<16xi32>], vector<16xf32>,
        %add3A_1011 = arith.addi %get3A_302, %broadcast_in_dim3A_27 : vector<16xi32>
        %gather3A_1012 = tpu.vector_load_idx %arg6[%add3A_1011] : memref<32000xf32, #tpu.memory_space<vmem>>[vector<16xi32>], vector<16xf32>,
        %add3A_1013 = arith.addi %get3A_308, %broadcast_in_dim3A_27 : vector<16xi32>
        %gather3A_1014 = tpu.vector_load_idx %arg6[%add3A_1013] : memref<32000xf32, #tpu.memory_space<vmem>>[vector<16xi32>], vector<16xf32>,
        %add3A_1015 = arith.addi %get3A_314, %broadcast_in_dim3A_27 : vector<16xi32>
        %gather3A_1016 = tpu.vector_load_idx %arg6[%add3A_1015] : memref<32000xf32, #tpu.memory_space<vmem>>[vector<16xi32>], vector<16xf32>,
        %add3A_1017 = arith.addi %get3A_320, %broadcast_in_dim3A_27 : vector<16xi32>
        %gather3A_1018 = tpu.vector_load_idx %arg6[%add3A_1017] : memref<32000xf32, #tpu.memory_space<vmem>>[vector<16xi32>], vector<16xf32>,
        %swap3A_1019 = arith.constant 2 : i32
        %swap3A_1020 = arith.constant 0 : i32
        %swap3A_1021 = tpu.memref_slice %arg7[%add3A_1002, %swap3A_1019, %swap3A_1020] : memref<8x8x128xf32, #tpu.memory_space<vmem>> -> memref<1x1x128xf32, #tpu.memory_space<vmem>>
        %swap3A_1022 = tpu.memref_squeeze %swap3A_1021 : memref<1x1x128xf32, #tpu.memory_space<vmem>> -> memref<128xf32, #tpu.memory_space<vmem>>
        %swap3A_1023 = arith.constant 0 : index
        %swap3A_1024 = tpu.vector_load %swap3A_1022[%swap3A_1023] {strides = array<i32>} : memref<128xf32, #tpu.memory_space<vmem>>, vector<16xf32>,
        tpu.vector_store %swap3A_1022[%swap3A_1023], %gather3A_1004 {strides = array<i32>} : memref<128xf32, #tpu.memory_space<vmem>>, vector<16xf32>,
        %swap3A_1025 = arith.constant 2 : i32
        %swap3A_1026 = arith.constant 0 : i32
        %swap3A_1027 = tpu.memref_slice %arg7[%add3A_1002, %swap3A_1025, %swap3A_1026] : memref<8x8x128xf32, #tpu.memory_space<vmem>> -> memref<1x1x128xf32, #tpu.memory_space<vmem>>
        %swap3A_1028 = tpu.memref_squeeze %swap3A_1027 : memref<1x1x128xf32, #tpu.memory_space<vmem>> -> memref<128xf32, #tpu.memory_space<vmem>>
        %swap3A_1029 = arith.constant 16 : index
        %swap3A_1030 = tpu.vector_load %swap3A_1028[%swap3A_1029] {strides = array<i32>} : memref<128xf32, #tpu.memory_space<vmem>>, vector<16xf32>,
        tpu.vector_store %swap3A_1028[%swap3A_1029], %gather3A_1006 {strides = array<i32>} : memref<128xf32, #tpu.memory_space<vmem>>, vector<16xf32>,
        %swap3A_1031 = arith.constant 2 : i32
        %swap3A_1032 = arith.constant 0 : i32
        %swap3A_1033 = tpu.memref_slice %arg7[%add3A_1002, %swap3A_1031, %swap3A_1032] : memref<8x8x128xf32, #tpu.memory_space<vmem>> -> memref<1x1x128xf32, #tpu.memory_space<vmem>>
        %swap3A_1034 = tpu.memref_squeeze %swap3A_1033 : memref<1x1x128xf32, #tpu.memory_space<vmem>> -> memref<128xf32, #tpu.memory_space<vmem>>
        %swap3A_1035 = arith.constant 32 : index
        %swap3A_1036 = tpu.vector_load %swap3A_1034[%swap3A_1035] {strides = array<i32>} : memref<128xf32, #tpu.memory_space<vmem>>, vector<16xf32>,
        tpu.vector_store %swap3A_1034[%swap3A_1035], %gather3A_1008 {strides = array<i32>} : memref<128xf32, #tpu.memory_space<vmem>>, vector<16xf32>,
        %swap3A_1037 = arith.constant 2 : i32
        %swap3A_1038 = arith.constant 0 : i32
        %swap3A_1039 = tpu.memref_slice %arg7[%add3A_1002, %swap3A_1037, %swap3A_1038] : memref<8x8x128xf32, #tpu.memory_space<vmem>> -> memref<1x1x128xf32, #tpu.memory_space<vmem>>
        %swap3A_1040 = tpu.memref_squeeze %swap3A_1039 : memref<1x1x128xf32, #tpu.memory_space<vmem>> -> memref<128xf32, #tpu.memory_space<vmem>>
        %swap3A_1041 = arith.constant 48 : index
        %swap3A_1042 = tpu.vector_load %swap3A_1040[%swap3A_1041] {strides = array<i32>} : memref<128xf32, #tpu.memory_space<vmem>>, vector<16xf32>,
        tpu.vector_store %swap3A_1040[%swap3A_1041], %gather3A_1010 {strides = array<i32>} : memref<128xf32, #tpu.memory_space<vmem>>, vector<16xf32>,
        %swap3A_1043 = arith.constant 2 : i32
        %swap3A_1044 = arith.constant 0 : i32
        %swap3A_1045 = tpu.memref_slice %arg7[%add3A_1002, %swap3A_1043, %swap3A_1044] : memref<8x8x128xf32, #tpu.memory_space<vmem>> -> memref<1x1x128xf32, #tpu.memory_space<vmem>>
        %swap3A_1046 = tpu.memref_squeeze %swap3A_1045 : memref<1x1x128xf32, #tpu.memory_space<vmem>> -> memref<128xf32, #tpu.memory_space<vmem>>
        %swap3A_1047 = arith.constant 64 : index
        %swap3A_1048 = tpu.vector_load %swap3A_1046[%swap3A_1047] {strides = array<i32>} : memref<128xf32, #tpu.memory_space<vmem>>, vector<16xf32>,
        tpu.vector_store %swap3A_1046[%swap3A_1047], %gather3A_1012 {strides = array<i32>} : memref<128xf32, #tpu.memory_space<vmem>>, vector<16xf32>,
        %swap3A_1049 = arith.constant 2 : i32
        %swap3A_1050 = arith.constant 0 : i32
        %swap3A_1051 = tpu.memref_slice %arg7[%add3A_1002, %swap3A_1049, %swap3A_1050] : memref<8x8x128xf32, #tpu.memory_space<vmem>> -> memref<1x1x128xf32, #tpu.memory_space<vmem>>
        %swap3A_1052 = tpu.memref_squeeze %swap3A_1051 : memref<1x1x128xf32, #tpu.memory_space<vmem>> -> memref<128xf32, #tpu.memory_space<vmem>>
        %swap3A_1053 = arith.constant 80 : index
        %swap3A_1054 = tpu.vector_load %swap3A_1052[%swap3A_1053] {strides = array<i32>} : memref<128xf32, #tpu.memory_space<vmem>>, vector<16xf32>,
        tpu.vector_store %swap3A_1052[%swap3A_1053], %gather3A_1014 {strides = array<i32>} : memref<128xf32, #tpu.memory_space<vmem>>, vector<16xf32>,
        %swap3A_1055 = arith.constant 2 : i32
        %swap3A_1056 = arith.constant 0 : i32
        %swap3A_1057 = tpu.memref_slice %arg7[%add3A_1002, %swap3A_1055, %swap3A_1056] : memref<8x8x128xf32, #tpu.memory_space<vmem>> -> memref<1x1x128xf32, #tpu.memory_space<vmem>>
        %swap3A_1058 = tpu.memref_squeeze %swap3A_1057 : memref<1x1x128xf32, #tpu.memory_space<vmem>> -> memref<128xf32, #tpu.memory_space<vmem>>
        %swap3A_1059 = arith.constant 96 : index
        %swap3A_1060 = tpu.vector_load %swap3A_1058[%swap3A_1059] {strides = array<i32>} : memref<128xf32, #tpu.memory_space<vmem>>, vector<16xf32>,
        tpu.vector_store %swap3A_1058[%swap3A_1059], %gather3A_1016 {strides = array<i32>} : memref<128xf32, #tpu.memory_space<vmem>>, vector<16xf32>,
        %swap3A_1061 = arith.constant 2 : i32
        %swap3A_1062 = arith.constant 0 : i32
        %swap3A_1063 = tpu.memref_slice %arg7[%add3A_1002, %swap3A_1061, %swap3A_1062] : memref<8x8x128xf32, #tpu.memory_space<vmem>> -> memref<1x1x128xf32, #tpu.memory_space<vmem>>
        %swap3A_1064 = tpu.memref_squeeze %swap3A_1063 : memref<1x1x128xf32, #tpu.memory_space<vmem>> -> memref<128xf32, #tpu.memory_space<vmem>>
        %swap3A_1065 = arith.constant 112 : index
        %swap3A_1066 = tpu.vector_load %swap3A_1064[%swap3A_1065] {strides = array<i32>} : memref<128xf32, #tpu.memory_space<vmem>>, vector<16xf32>,
        tpu.vector_store %swap3A_1064[%swap3A_1065], %gather3A_1018 {strides = array<i32>} : memref<128xf32, #tpu.memory_space<vmem>>, vector<16xf32>,
        %mul3A_1067 = arith.constant 4 : i32
        %mul3A_1068 = arith.muli %rem3A_250, %mul3A_1067 : i32
        %add3A_1069 = arith.constant 1 : i32
        %add3A_1070 = arith.addi %mul3A_1068, %add3A_1069 : i32
        %add3A_1071 = arith.addi %get3A_278, %broadcast_in_dim3A_29 : vector<16xi32>
        %gather3A_1072 = tpu.vector_load_idx %arg6[%add3A_1071] : memref<32000xf32, #tpu.memory_space<vmem>>[vector<16xi32>], vector<16xf32>,
        %add3A_1073 = arith.addi %get3A_284, %broadcast_in_dim3A_29 : vector<16xi32>
        %gather3A_1074 = tpu.vector_load_idx %arg6[%add3A_1073] : memref<32000xf32, #tpu.memory_space<vmem>>[vector<16xi32>], vector<16xf32>,
        %add3A_1075 = arith.addi %get3A_290, %broadcast_in_dim3A_29 : vector<16xi32>
        %gather3A_1076 = tpu.vector_load_idx %arg6[%add3A_1075] : memref<32000xf32, #tpu.memory_space<vmem>>[vector<16xi32>], vector<16xf32>,
        %add3A_1077 = arith.addi %get3A_296, %broadcast_in_dim3A_29 : vector<16xi32>
        %gather3A_1078 = tpu.vector_load_idx %arg6[%add3A_1077] : memref<32000xf32, #tpu.memory_space<vmem>>[vector<16xi32>], vector<16xf32>,
        %add3A_1079 = arith.addi %get3A_302, %broadcast_in_dim3A_29 : vector<16xi32>
        %gather3A_1080 = tpu.vector_load_idx %arg6[%add3A_1079] : memref<32000xf32, #tpu.memory_space<vmem>>[vector<16xi32>], vector<16xf32>,
        %add3A_1081 = arith.addi %get3A_308, %broadcast_in_dim3A_29 : vector<16xi32>
        %gather3A_1082 = tpu.vector_load_idx %arg6[%add3A_1081] : memref<32000xf32, #tpu.memory_space<vmem>>[vector<16xi32>], vector<16xf32>,
        %add3A_1083 = arith.addi %get3A_314, %broadcast_in_dim3A_29 : vector<16xi32>
        %gather3A_1084 = tpu.vector_load_idx %arg6[%add3A_1083] : memref<32000xf32, #tpu.memory_space<vmem>>[vector<16xi32>], vector<16xf32>,
        %add3A_1085 = arith.addi %get3A_320, %broadcast_in_dim3A_29 : vector<16xi32>
        %gather3A_1086 = tpu.vector_load_idx %arg6[%add3A_1085] : memref<32000xf32, #tpu.memory_space<vmem>>[vector<16xi32>], vector<16xf32>,
        %swap3A_1087 = arith.constant 3 : i32
        %swap3A_1088 = arith.constant 0 : i32
        %swap3A_1089 = tpu.memref_slice %arg7[%add3A_1070, %swap3A_1087, %swap3A_1088] : memref<8x8x128xf32, #tpu.memory_space<vmem>> -> memref<1x1x128xf32, #tpu.memory_space<vmem>>
        %swap3A_1090 = tpu.memref_squeeze %swap3A_1089 : memref<1x1x128xf32, #tpu.memory_space<vmem>> -> memref<128xf32, #tpu.memory_space<vmem>>
        %swap3A_1091 = arith.constant 0 : index
        %swap3A_1092 = tpu.vector_load %swap3A_1090[%swap3A_1091] {strides = array<i32>} : memref<128xf32, #tpu.memory_space<vmem>>, vector<16xf32>,
        tpu.vector_store %swap3A_1090[%swap3A_1091], %gather3A_1072 {strides = array<i32>} : memref<128xf32, #tpu.memory_space<vmem>>, vector<16xf32>,
        %swap3A_1093 = arith.constant 3 : i32
        %swap3A_1094 = arith.constant 0 : i32
        %swap3A_1095 = tpu.memref_slice %arg7[%add3A_1070, %swap3A_1093, %swap3A_1094] : memref<8x8x128xf32, #tpu.memory_space<vmem>> -> memref<1x1x128xf32, #tpu.memory_space<vmem>>
        %swap3A_1096 = tpu.memref_squeeze %swap3A_1095 : memref<1x1x128xf32, #tpu.memory_space<vmem>> -> memref<128xf32, #tpu.memory_space<vmem>>
        %swap3A_1097 = arith.constant 16 : index
        %swap3A_1098 = tpu.vector_load %swap3A_1096[%swap3A_1097] {strides = array<i32>} : memref<128xf32, #tpu.memory_space<vmem>>, vector<16xf32>,
        tpu.vector_store %swap3A_1096[%swap3A_1097], %gather3A_1074 {strides = array<i32>} : memref<128xf32, #tpu.memory_space<vmem>>, vector<16xf32>,
        %swap3A_1099 = arith.constant 3 : i32
        %swap3A_1100 = arith.constant 0 : i32
        %swap3A_1101 = tpu.memref_slice %arg7[%add3A_1070, %swap3A_1099, %swap3A_1100] : memref<8x8x128xf32, #tpu.memory_space<vmem>> -> memref<1x1x128xf32, #tpu.memory_space<vmem>>
        %swap3A_1102 = tpu.memref_squeeze %swap3A_1101 : memref<1x1x128xf32, #tpu.memory_space<vmem>> -> memref<128xf32, #tpu.memory_space<vmem>>
        %swap3A_1103 = arith.constant 32 : index
        %swap3A_1104 = tpu.vector_load %swap3A_1102[%swap3A_1103] {strides = array<i32>} : memref<128xf32, #tpu.memory_space<vmem>>, vector<16xf32>,
        tpu.vector_store %swap3A_1102[%swap3A_1103], %gather3A_1076 {strides = array<i32>} : memref<128xf32, #tpu.memory_space<vmem>>, vector<16xf32>,
        %swap3A_1105 = arith.constant 3 : i32
        %swap3A_1106 = arith.constant 0 : i32
        %swap3A_1107 = tpu.memref_slice %arg7[%add3A_1070, %swap3A_1105, %swap3A_1106] : memref<8x8x128xf32, #tpu.memory_space<vmem>> -> memref<1x1x128xf32, #tpu.memory_space<vmem>>
        %swap3A_1108 = tpu.memref_squeeze %swap3A_1107 : memref<1x1x128xf32, #tpu.memory_space<vmem>> -> memref<128xf32, #tpu.memory_space<vmem>>
        %swap3A_1109 = arith.constant 48 : index
        %swap3A_1110 = tpu.vector_load %swap3A_1108[%swap3A_1109] {strides = array<i32>} : memref<128xf32, #tpu.memory_space<vmem>>, vector<16xf32>,
        tpu.vector_store %swap3A_1108[%swap3A_1109], %gather3A_1078 {strides = array<i32>} : memref<128xf32, #tpu.memory_space<vmem>>, vector<16xf32>,
        %swap3A_1111 = arith.constant 3 : i32
        %swap3A_1112 = arith.constant 0 : i32
        %swap3A_1113 = tpu.memref_slice %arg7[%add3A_1070, %swap3A_1111, %swap3A_1112] : memref<8x8x128xf32, #tpu.memory_space<vmem>> -> memref<1x1x128xf32, #tpu.memory_space<vmem>>
        %swap3A_1114 = tpu.memref_squeeze %swap3A_1113 : memref<1x1x128xf32, #tpu.memory_space<vmem>> -> memref<128xf32, #tpu.memory_space<vmem>>
        %swap3A_1115 = arith.constant 64 : index
        %swap3A_1116 = tpu.vector_load %swap3A_1114[%swap3A_1115] {strides = array<i32>} : memref<128xf32, #tpu.memory_space<vmem>>, vector<16xf32>,
        tpu.vector_store %swap3A_1114[%swap3A_1115], %gather3A_1080 {strides = array<i32>} : memref<128xf32, #tpu.memory_space<vmem>>, vector<16xf32>,
        %swap3A_1117 = arith.constant 3 : i32
        %swap3A_1118 = arith.constant 0 : i32
        %swap3A_1119 = tpu.memref_slice %arg7[%add3A_1070, %swap3A_1117, %swap3A_1118] : memref<8x8x128xf32, #tpu.memory_space<vmem>> -> memref<1x1x128xf32, #tpu.memory_space<vmem>>
        %swap3A_1120 = tpu.memref_squeeze %swap3A_1119 : memref<1x1x128xf32, #tpu.memory_space<vmem>> -> memref<128xf32, #tpu.memory_space<vmem>>
        %swap3A_1121 = arith.constant 80 : index
        %swap3A_1122 = tpu.vector_load %swap3A_1120[%swap3A_1121] {strides = array<i32>} : memref<128xf32, #tpu.memory_space<vmem>>, vector<16xf32>,
        tpu.vector_store %swap3A_1120[%swap3A_1121], %gather3A_1082 {strides = array<i32>} : memref<128xf32, #tpu.memory_space<vmem>>, vector<16xf32>,
        %swap3A_1123 = arith.constant 3 : i32
        %swap3A_1124 = arith.constant 0 : i32
        %swap3A_1125 = tpu.memref_slice %arg7[%add3A_1070, %swap3A_1123, %swap3A_1124] : memref<8x8x128xf32, #tpu.memory_space<vmem>> -> memref<1x1x128xf32, #tpu.memory_space<vmem>>
        %swap3A_1126 = tpu.memref_squeeze %swap3A_1125 : memref<1x1x128xf32, #tpu.memory_space<vmem>> -> memref<128xf32, #tpu.memory_space<vmem>>
        %swap3A_1127 = arith.constant 96 : index
        %swap3A_1128 = tpu.vector_load %swap3A_1126[%swap3A_1127] {strides = array<i32>} : memref<128xf32, #tpu.memory_space<vmem>>, vector<16xf32>,
        tpu.vector_store %swap3A_1126[%swap3A_1127], %gather3A_1084 {strides = array<i32>} : memref<128xf32, #tpu.memory_space<vmem>>, vector<16xf32>,
        %swap3A_1129 = arith.constant 3 : i32
        %swap3A_1130 = arith.constant 0 : i32
        %swap3A_1131 = tpu.memref_slice %arg7[%add3A_1070, %swap3A_1129, %swap3A_1130] : memref<8x8x128xf32, #tpu.memory_space<vmem>> -> memref<1x1x128xf32, #tpu.memory_space<vmem>>
        %swap3A_1132 = tpu.memref_squeeze %swap3A_1131 : memref<1x1x128xf32, #tpu.memory_space<vmem>> -> memref<128xf32, #tpu.memory_space<vmem>>
        %swap3A_1133 = arith.constant 112 : index
        %swap3A_1134 = tpu.vector_load %swap3A_1132[%swap3A_1133] {strides = array<i32>} : memref<128xf32, #tpu.memory_space<vmem>>, vector<16xf32>,
        tpu.vector_store %swap3A_1132[%swap3A_1133], %gather3A_1086 {strides = array<i32>} : memref<128xf32, #tpu.memory_space<vmem>>, vector<16xf32>,
        %mul3A_1135 = arith.constant 4 : i32
        %mul3A_1136 = arith.muli %rem3A_250, %mul3A_1135 : i32
        %add3A_1137 = arith.constant 1 : i32
        %add3A_1138 = arith.addi %mul3A_1136, %add3A_1137 : i32
        %add3A_1139 = arith.addi %get3A_278, %broadcast_in_dim3A_31 : vector<16xi32>
        %gather3A_1140 = tpu.vector_load_idx %arg6[%add3A_1139] : memref<32000xf32, #tpu.memory_space<vmem>>[vector<16xi32>], vector<16xf32>,
        %add3A_1141 = arith.addi %get3A_284, %broadcast_in_dim3A_31 : vector<16xi32>
        %gather3A_1142 = tpu.vector_load_idx %arg6[%add3A_1141] : memref<32000xf32, #tpu.memory_space<vmem>>[vector<16xi32>], vector<16xf32>,
        %add3A_1143 = arith.addi %get3A_290, %broadcast_in_dim3A_31 : vector<16xi32>
        %gather3A_1144 = tpu.vector_load_idx %arg6[%add3A_1143] : memref<32000xf32, #tpu.memory_space<vmem>>[vector<16xi32>], vector<16xf32>,
        %add3A_1145 = arith.addi %get3A_296, %broadcast_in_dim3A_31 : vector<16xi32>
        %gather3A_1146 = tpu.vector_load_idx %arg6[%add3A_1145] : memref<32000xf32, #tpu.memory_space<vmem>>[vector<16xi32>], vector<16xf32>,
        %add3A_1147 = arith.addi %get3A_302, %broadcast_in_dim3A_31 : vector<16xi32>
        %gather3A_1148 = tpu.vector_load_idx %arg6[%add3A_1147] : memref<32000xf32, #tpu.memory_space<vmem>>[vector<16xi32>], vector<16xf32>,
        %add3A_1149 = arith.addi %get3A_308, %broadcast_in_dim3A_31 : vector<16xi32>
        %gather3A_1150 = tpu.vector_load_idx %arg6[%add3A_1149] : memref<32000xf32, #tpu.memory_space<vmem>>[vector<16xi32>], vector<16xf32>,
        %add3A_1151 = arith.addi %get3A_314, %broadcast_in_dim3A_31 : vector<16xi32>
        %gather3A_1152 = tpu.vector_load_idx %arg6[%add3A_1151] : memref<32000xf32, #tpu.memory_space<vmem>>[vector<16xi32>], vector<16xf32>,
        %add3A_1153 = arith.addi %get3A_320, %broadcast_in_dim3A_31 : vector<16xi32>
        %gather3A_1154 = tpu.vector_load_idx %arg6[%add3A_1153] : memref<32000xf32, #tpu.memory_space<vmem>>[vector<16xi32>], vector<16xf32>,
        %swap3A_1155 = arith.constant 4 : i32
        %swap3A_1156 = arith.constant 0 : i32
        %swap3A_1157 = tpu.memref_slice %arg7[%add3A_1138, %swap3A_1155, %swap3A_1156] : memref<8x8x128xf32, #tpu.memory_space<vmem>> -> memref<1x1x128xf32, #tpu.memory_space<vmem>>
        %swap3A_1158 = tpu.memref_squeeze %swap3A_1157 : memref<1x1x128xf32, #tpu.memory_space<vmem>> -> memref<128xf32, #tpu.memory_space<vmem>>
        %swap3A_1159 = arith.constant 0 : index
        %swap3A_1160 = tpu.vector_load %swap3A_1158[%swap3A_1159] {strides = array<i32>} : memref<128xf32, #tpu.memory_space<vmem>>, vector<16xf32>,
        tpu.vector_store %swap3A_1158[%swap3A_1159], %gather3A_1140 {strides = array<i32>} : memref<128xf32, #tpu.memory_space<vmem>>, vector<16xf32>,
        %swap3A_1161 = arith.constant 4 : i32
        %swap3A_1162 = arith.constant 0 : i32
        %swap3A_1163 = tpu.memref_slice %arg7[%add3A_1138, %swap3A_1161, %swap3A_1162] : memref<8x8x128xf32, #tpu.memory_space<vmem>> -> memref<1x1x128xf32, #tpu.memory_space<vmem>>
        %swap3A_1164 = tpu.memref_squeeze %swap3A_1163 : memref<1x1x128xf32, #tpu.memory_space<vmem>> -> memref<128xf32, #tpu.memory_space<vmem>>
        %swap3A_1165 = arith.constant 16 : index
        %swap3A_1166 = tpu.vector_load %swap3A_1164[%swap3A_1165] {strides = array<i32>} : memref<128xf32, #tpu.memory_space<vmem>>, vector<16xf32>,
        tpu.vector_store %swap3A_1164[%swap3A_1165], %gather3A_1142 {strides = array<i32>} : memref<128xf32, #tpu.memory_space<vmem>>, vector<16xf32>,
        %swap3A_1167 = arith.constant 4 : i32
        %swap3A_1168 = arith.constant 0 : i32
        %swap3A_1169 = tpu.memref_slice %arg7[%add3A_1138, %swap3A_1167, %swap3A_1168] : memref<8x8x128xf32, #tpu.memory_space<vmem>> -> memref<1x1x128xf32, #tpu.memory_space<vmem>>
        %swap3A_1170 = tpu.memref_squeeze %swap3A_1169 : memref<1x1x128xf32, #tpu.memory_space<vmem>> -> memref<128xf32, #tpu.memory_space<vmem>>
        %swap3A_1171 = arith.constant 32 : index
        %swap3A_1172 = tpu.vector_load %swap3A_1170[%swap3A_1171] {strides = array<i32>} : memref<128xf32, #tpu.memory_space<vmem>>, vector<16xf32>,
        tpu.vector_store %swap3A_1170[%swap3A_1171], %gather3A_1144 {strides = array<i32>} : memref<128xf32, #tpu.memory_space<vmem>>, vector<16xf32>,
        %swap3A_1173 = arith.constant 4 : i32
        %swap3A_1174 = arith.constant 0 : i32
        %swap3A_1175 = tpu.memref_slice %arg7[%add3A_1138, %swap3A_1173, %swap3A_1174] : memref<8x8x128xf32, #tpu.memory_space<vmem>> -> memref<1x1x128xf32, #tpu.memory_space<vmem>>
        %swap3A_1176 = tpu.memref_squeeze %swap3A_1175 : memref<1x1x128xf32, #tpu.memory_space<vmem>> -> memref<128xf32, #tpu.memory_space<vmem>>
        %swap3A_1177 = arith.constant 48 : index
        %swap3A_1178 = tpu.vector_load %swap3A_1176[%swap3A_1177] {strides = array<i32>} : memref<128xf32, #tpu.memory_space<vmem>>, vector<16xf32>,
        tpu.vector_store %swap3A_1176[%swap3A_1177], %gather3A_1146 {strides = array<i32>} : memref<128xf32, #tpu.memory_space<vmem>>, vector<16xf32>,
        %swap3A_1179 = arith.constant 4 : i32
        %swap3A_1180 = arith.constant 0 : i32
        %swap3A_1181 = tpu.memref_slice %arg7[%add3A_1138, %swap3A_1179, %swap3A_1180] : memref<8x8x128xf32, #tpu.memory_space<vmem>> -> memref<1x1x128xf32, #tpu.memory_space<vmem>>
        %swap3A_1182 = tpu.memref_squeeze %swap3A_1181 : memref<1x1x128xf32, #tpu.memory_space<vmem>> -> memref<128xf32, #tpu.memory_space<vmem>>
        %swap3A_1183 = arith.constant 64 : index
        %swap3A_1184 = tpu.vector_load %swap3A_1182[%swap3A_1183] {strides = array<i32>} : memref<128xf32, #tpu.memory_space<vmem>>, vector<16xf32>,
        tpu.vector_store %swap3A_1182[%swap3A_1183], %gather3A_1148 {strides = array<i32>} : memref<128xf32, #tpu.memory_space<vmem>>, vector<16xf32>,
        %swap3A_1185 = arith.constant 4 : i32
        %swap3A_1186 = arith.constant 0 : i32
        %swap3A_1187 = tpu.memref_slice %arg7[%add3A_1138, %swap3A_1185, %swap3A_1186] : memref<8x8x128xf32, #tpu.memory_space<vmem>> -> memref<1x1x128xf32, #tpu.memory_space<vmem>>
        %swap3A_1188 = tpu.memref_squeeze %swap3A_1187 : memref<1x1x128xf32, #tpu.memory_space<vmem>> -> memref<128xf32, #tpu.memory_space<vmem>>
        %swap3A_1189 = arith.constant 80 : index
        %swap3A_1190 = tpu.vector_load %swap3A_1188[%swap3A_1189] {strides = array<i32>} : memref<128xf32, #tpu.memory_space<vmem>>, vector<16xf32>,
        tpu.vector_store %swap3A_1188[%swap3A_1189], %gather3A_1150 {strides = array<i32>} : memref<128xf32, #tpu.memory_space<vmem>>, vector<16xf32>,
        %swap3A_1191 = arith.constant 4 : i32
        %swap3A_1192 = arith.constant 0 : i32
        %swap3A_1193 = tpu.memref_slice %arg7[%add3A_1138, %swap3A_1191, %swap3A_1192] : memref<8x8x128xf32, #tpu.memory_space<vmem>> -> memref<1x1x128xf32, #tpu.memory_space<vmem>>
        %swap3A_1194 = tpu.memref_squeeze %swap3A_1193 : memref<1x1x128xf32, #tpu.memory_space<vmem>> -> memref<128xf32, #tpu.memory_space<vmem>>
        %swap3A_1195 = arith.constant 96 : index
        %swap3A_1196 = tpu.vector_load %swap3A_1194[%swap3A_1195] {strides = array<i32>} : memref<128xf32, #tpu.memory_space<vmem>>, vector<16xf32>,
        tpu.vector_store %swap3A_1194[%swap3A_1195], %gather3A_1152 {strides = array<i32>} : memref<128xf32, #tpu.memory_space<vmem>>, vector<16xf32>,
        %swap3A_1197 = arith.constant 4 : i32
        %swap3A_1198 = arith.constant 0 : i32
        %swap3A_1199 = tpu.memref_slice %arg7[%add3A_1138, %swap3A_1197, %swap3A_1198] : memref<8x8x128xf32, #tpu.memory_space<vmem>> -> memref<1x1x128xf32, #tpu.memory_space<vmem>>
        %swap3A_1200 = tpu.memref_squeeze %swap3A_1199 : memref<1x1x128xf32, #tpu.memory_space<vmem>> -> memref<128xf32, #tpu.memory_space<vmem>>
        %swap3A_1201 = arith.constant 112 : index
        %swap3A_1202 = tpu.vector_load %swap3A_1200[%swap3A_1201] {strides = array<i32>} : memref<128xf32, #tpu.memory_space<vmem>>, vector<16xf32>,
        tpu.vector_store %swap3A_1200[%swap3A_1201], %gather3A_1154 {strides = array<i32>} : memref<128xf32, #tpu.memory_space<vmem>>, vector<16xf32>,
        %mul3A_1203 = arith.constant 4 : i32
        %mul3A_1204 = arith.muli %rem3A_250, %mul3A_1203 : i32
        %add3A_1205 = arith.constant 1 : i32
        %add3A_1206 = arith.addi %mul3A_1204, %add3A_1205 : i32
        %add3A_1207 = arith.addi %get3A_278, %broadcast_in_dim3A_33 : vector<16xi32>
        %gather3A_1208 = tpu.vector_load_idx %arg6[%add3A_1207] : memref<32000xf32, #tpu.memory_space<vmem>>[vector<16xi32>], vector<16xf32>,
        %add3A_1209 = arith.addi %get3A_284, %broadcast_in_dim3A_33 : vector<16xi32>
        %gather3A_1210 = tpu.vector_load_idx %arg6[%add3A_1209] : memref<32000xf32, #tpu.memory_space<vmem>>[vector<16xi32>], vector<16xf32>,
        %add3A_1211 = arith.addi %get3A_290, %broadcast_in_dim3A_33 : vector<16xi32>
        %gather3A_1212 = tpu.vector_load_idx %arg6[%add3A_1211] : memref<32000xf32, #tpu.memory_space<vmem>>[vector<16xi32>], vector<16xf32>,
        %add3A_1213 = arith.addi %get3A_296, %broadcast_in_dim3A_33 : vector<16xi32>
        %gather3A_1214 = tpu.vector_load_idx %arg6[%add3A_1213] : memref<32000xf32, #tpu.memory_space<vmem>>[vector<16xi32>], vector<16xf32>,
        %add3A_1215 = arith.addi %get3A_302, %broadcast_in_dim3A_33 : vector<16xi32>
        %gather3A_1216 = tpu.vector_load_idx %arg6[%add3A_1215] : memref<32000xf32, #tpu.memory_space<vmem>>[vector<16xi32>], vector<16xf32>,
        %add3A_1217 = arith.addi %get3A_308, %broadcast_in_dim3A_33 : vector<16xi32>
        %gather3A_1218 = tpu.vector_load_idx %arg6[%add3A_1217] : memref<32000xf32, #tpu.memory_space<vmem>>[vector<16xi32>], vector<16xf32>,
        %add3A_1219 = arith.addi %get3A_314, %broadcast_in_dim3A_33 : vector<16xi32>
        %gather3A_1220 = tpu.vector_load_idx %arg6[%add3A_1219] : memref<32000xf32, #tpu.memory_space<vmem>>[vector<16xi32>], vector<16xf32>,
        %add3A_1221 = arith.addi %get3A_320, %broadcast_in_dim3A_33 : vector<16xi32>
        %gather3A_1222 = tpu.vector_load_idx %arg6[%add3A_1221] : memref<32000xf32, #tpu.memory_space<vmem>>[vector<16xi32>], vector<16xf32>,
        %swap3A_1223 = arith.constant 5 : i32
        %swap3A_1224 = arith.constant 0 : i32
        %swap3A_1225 = tpu.memref_slice %arg7[%add3A_1206, %swap3A_1223, %swap3A_1224] : memref<8x8x128xf32, #tpu.memory_space<vmem>> -> memref<1x1x128xf32, #tpu.memory_space<vmem>>
        %swap3A_1226 = tpu.memref_squeeze %swap3A_1225 : memref<1x1x128xf32, #tpu.memory_space<vmem>> -> memref<128xf32, #tpu.memory_space<vmem>>
        %swap3A_1227 = arith.constant 0 : index
        %swap3A_1228 = tpu.vector_load %swap3A_1226[%swap3A_1227] {strides = array<i32>} : memref<128xf32, #tpu.memory_space<vmem>>, vector<16xf32>,
        tpu.vector_store %swap3A_1226[%swap3A_1227], %gather3A_1208 {strides = array<i32>} : memref<128xf32, #tpu.memory_space<vmem>>, vector<16xf32>,
        %swap3A_1229 = arith.constant 5 : i32
        %swap3A_1230 = arith.constant 0 : i32
        %swap3A_1231 = tpu.memref_slice %arg7[%add3A_1206, %swap3A_1229, %swap3A_1230] : memref<8x8x128xf32, #tpu.memory_space<vmem>> -> memref<1x1x128xf32, #tpu.memory_space<vmem>>
        %swap3A_1232 = tpu.memref_squeeze %swap3A_1231 : memref<1x1x128xf32, #tpu.memory_space<vmem>> -> memref<128xf32, #tpu.memory_space<vmem>>
        %swap3A_1233 = arith.constant 16 : index
        %swap3A_1234 = tpu.vector_load %swap3A_1232[%swap3A_1233] {strides = array<i32>} : memref<128xf32, #tpu.memory_space<vmem>>, vector<16xf32>,
        tpu.vector_store %swap3A_1232[%swap3A_1233], %gather3A_1210 {strides = array<i32>} : memref<128xf32, #tpu.memory_space<vmem>>, vector<16xf32>,
        %swap3A_1235 = arith.constant 5 : i32
        %swap3A_1236 = arith.constant 0 : i32
        %swap3A_1237 = tpu.memref_slice %arg7[%add3A_1206, %swap3A_1235, %swap3A_1236] : memref<8x8x128xf32, #tpu.memory_space<vmem>> -> memref<1x1x128xf32, #tpu.memory_space<vmem>>
        %swap3A_1238 = tpu.memref_squeeze %swap3A_1237 : memref<1x1x128xf32, #tpu.memory_space<vmem>> -> memref<128xf32, #tpu.memory_space<vmem>>
        %swap3A_1239 = arith.constant 32 : index
        %swap3A_1240 = tpu.vector_load %swap3A_1238[%swap3A_1239] {strides = array<i32>} : memref<128xf32, #tpu.memory_space<vmem>>, vector<16xf32>,
        tpu.vector_store %swap3A_1238[%swap3A_1239], %gather3A_1212 {strides = array<i32>} : memref<128xf32, #tpu.memory_space<vmem>>, vector<16xf32>,
        %swap3A_1241 = arith.constant 5 : i32
        %swap3A_1242 = arith.constant 0 : i32
        %swap3A_1243 = tpu.memref_slice %arg7[%add3A_1206, %swap3A_1241, %swap3A_1242] : memref<8x8x128xf32, #tpu.memory_space<vmem>> -> memref<1x1x128xf32, #tpu.memory_space<vmem>>
        %swap3A_1244 = tpu.memref_squeeze %swap3A_1243 : memref<1x1x128xf32, #tpu.memory_space<vmem>> -> memref<128xf32, #tpu.memory_space<vmem>>
        %swap3A_1245 = arith.constant 48 : index
        %swap3A_1246 = tpu.vector_load %swap3A_1244[%swap3A_1245] {strides = array<i32>} : memref<128xf32, #tpu.memory_space<vmem>>, vector<16xf32>,
        tpu.vector_store %swap3A_1244[%swap3A_1245], %gather3A_1214 {strides = array<i32>} : memref<128xf32, #tpu.memory_space<vmem>>, vector<16xf32>,
        %swap3A_1247 = arith.constant 5 : i32
        %swap3A_1248 = arith.constant 0 : i32
        %swap3A_1249 = tpu.memref_slice %arg7[%add3A_1206, %swap3A_1247, %swap3A_1248] : memref<8x8x128xf32, #tpu.memory_space<vmem>> -> memref<1x1x128xf32, #tpu.memory_space<vmem>>
        %swap3A_1250 = tpu.memref_squeeze %swap3A_1249 : memref<1x1x128xf32, #tpu.memory_space<vmem>> -> memref<128xf32, #tpu.memory_space<vmem>>
        %swap3A_1251 = arith.constant 64 : index
        %swap3A_1252 = tpu.vector_load %swap3A_1250[%swap3A_1251] {strides = array<i32>} : memref<128xf32, #tpu.memory_space<vmem>>, vector<16xf32>,
        tpu.vector_store %swap3A_1250[%swap3A_1251], %gather3A_1216 {strides = array<i32>} : memref<128xf32, #tpu.memory_space<vmem>>, vector<16xf32>,
        %swap3A_1253 = arith.constant 5 : i32
        %swap3A_1254 = arith.constant 0 : i32
        %swap3A_1255 = tpu.memref_slice %arg7[%add3A_1206, %swap3A_1253, %swap3A_1254] : memref<8x8x128xf32, #tpu.memory_space<vmem>> -> memref<1x1x128xf32, #tpu.memory_space<vmem>>
        %swap3A_1256 = tpu.memref_squeeze %swap3A_1255 : memref<1x1x128xf32, #tpu.memory_space<vmem>> -> memref<128xf32, #tpu.memory_space<vmem>>
        %swap3A_1257 = arith.constant 80 : index
        %swap3A_1258 = tpu.vector_load %swap3A_1256[%swap3A_1257] {strides = array<i32>} : memref<128xf32, #tpu.memory_space<vmem>>, vector<16xf32>,
        tpu.vector_store %swap3A_1256[%swap3A_1257], %gather3A_1218 {strides = array<i32>} : memref<128xf32, #tpu.memory_space<vmem>>, vector<16xf32>,
        %swap3A_1259 = arith.constant 5 : i32
        %swap3A_1260 = arith.constant 0 : i32
        %swap3A_1261 = tpu.memref_slice %arg7[%add3A_1206, %swap3A_1259, %swap3A_1260] : memref<8x8x128xf32, #tpu.memory_space<vmem>> -> memref<1x1x128xf32, #tpu.memory_space<vmem>>
        %swap3A_1262 = tpu.memref_squeeze %swap3A_1261 : memref<1x1x128xf32, #tpu.memory_space<vmem>> -> memref<128xf32, #tpu.memory_space<vmem>>
        %swap3A_1263 = arith.constant 96 : index
        %swap3A_1264 = tpu.vector_load %swap3A_1262[%swap3A_1263] {strides = array<i32>} : memref<128xf32, #tpu.memory_space<vmem>>, vector<16xf32>,
        tpu.vector_store %swap3A_1262[%swap3A_1263], %gather3A_1220 {strides = array<i32>} : memref<128xf32, #tpu.memory_space<vmem>>, vector<16xf32>,
        %swap3A_1265 = arith.constant 5 : i32
        %swap3A_1266 = arith.constant 0 : i32
        %swap3A_1267 = tpu.memref_slice %arg7[%add3A_1206, %swap3A_1265, %swap3A_1266] : memref<8x8x128xf32, #tpu.memory_space<vmem>> -> memref<1x1x128xf32, #tpu.memory_space<vmem>>
        %swap3A_1268 = tpu.memref_squeeze %swap3A_1267 : memref<1x1x128xf32, #tpu.memory_space<vmem>> -> memref<128xf32, #tpu.memory_space<vmem>>
        %swap3A_1269 = arith.constant 112 : index
        %swap3A_1270 = tpu.vector_load %swap3A_1268[%swap3A_1269] {strides = array<i32>} : memref<128xf32, #tpu.memory_space<vmem>>, vector<16xf32>,
        tpu.vector_store %swap3A_1268[%swap3A_1269], %gather3A_1222 {strides = array<i32>} : memref<128xf32, #tpu.memory_space<vmem>>, vector<16xf32>,
        %mul3A_1271 = arith.constant 4 : i32
        %mul3A_1272 = arith.muli %rem3A_250, %mul3A_1271 : i32
        %add3A_1273 = arith.constant 1 : i32
        %add3A_1274 = arith.addi %mul3A_1272, %add3A_1273 : i32
        %add3A_1275 = arith.addi %get3A_278, %broadcast_in_dim3A_35 : vector<16xi32>
        %gather3A_1276 = tpu.vector_load_idx %arg6[%add3A_1275] : memref<32000xf32, #tpu.memory_space<vmem>>[vector<16xi32>], vector<16xf32>,
        %add3A_1277 = arith.addi %get3A_284, %broadcast_in_dim3A_35 : vector<16xi32>
        %gather3A_1278 = tpu.vector_load_idx %arg6[%add3A_1277] : memref<32000xf32, #tpu.memory_space<vmem>>[vector<16xi32>], vector<16xf32>,
        %add3A_1279 = arith.addi %get3A_290, %broadcast_in_dim3A_35 : vector<16xi32>
        %gather3A_1280 = tpu.vector_load_idx %arg6[%add3A_1279] : memref<32000xf32, #tpu.memory_space<vmem>>[vector<16xi32>], vector<16xf32>,
        %add3A_1281 = arith.addi %get3A_296, %broadcast_in_dim3A_35 : vector<16xi32>
        %gather3A_1282 = tpu.vector_load_idx %arg6[%add3A_1281] : memref<32000xf32, #tpu.memory_space<vmem>>[vector<16xi32>], vector<16xf32>,
        %add3A_1283 = arith.addi %get3A_302, %broadcast_in_dim3A_35 : vector<16xi32>
        %gather3A_1284 = tpu.vector_load_idx %arg6[%add3A_1283] : memref<32000xf32, #tpu.memory_space<vmem>>[vector<16xi32>], vector<16xf32>,
        %add3A_1285 = arith.addi %get3A_308, %broadcast_in_dim3A_35 : vector<16xi32>
        %gather3A_1286 = tpu.vector_load_idx %arg6[%add3A_1285] : memref<32000xf32, #tpu.memory_space<vmem>>[vector<16xi32>], vector<16xf32>,
        %add3A_1287 = arith.addi %get3A_314, %broadcast_in_dim3A_35 : vector<16xi32>
        %gather3A_1288 = tpu.vector_load_idx %arg6[%add3A_1287] : memref<32000xf32, #tpu.memory_space<vmem>>[vector<16xi32>], vector<16xf32>,
        %add3A_1289 = arith.addi %get3A_320, %broadcast_in_dim3A_35 : vector<16xi32>
        %gather3A_1290 = tpu.vector_load_idx %arg6[%add3A_1289] : memref<32000xf32, #tpu.memory_space<vmem>>[vector<16xi32>], vector<16xf32>,
        %swap3A_1291 = arith.constant 6 : i32
        %swap3A_1292 = arith.constant 0 : i32
        %swap3A_1293 = tpu.memref_slice %arg7[%add3A_1274, %swap3A_1291, %swap3A_1292] : memref<8x8x128xf32, #tpu.memory_space<vmem>> -> memref<1x1x128xf32, #tpu.memory_space<vmem>>
        %swap3A_1294 = tpu.memref_squeeze %swap3A_1293 : memref<1x1x128xf32, #tpu.memory_space<vmem>> -> memref<128xf32, #tpu.memory_space<vmem>>
        %swap3A_1295 = arith.constant 0 : index
        %swap3A_1296 = tpu.vector_load %swap3A_1294[%swap3A_1295] {strides = array<i32>} : memref<128xf32, #tpu.memory_space<vmem>>, vector<16xf32>,
        tpu.vector_store %swap3A_1294[%swap3A_1295], %gather3A_1276 {strides = array<i32>} : memref<128xf32, #tpu.memory_space<vmem>>, vector<16xf32>,
        %swap3A_1297 = arith.constant 6 : i32
        %swap3A_1298 = arith.constant 0 : i32
        %swap3A_1299 = tpu.memref_slice %arg7[%add3A_1274, %swap3A_1297, %swap3A_1298] : memref<8x8x128xf32, #tpu.memory_space<vmem>> -> memref<1x1x128xf32, #tpu.memory_space<vmem>>
        %swap3A_1300 = tpu.memref_squeeze %swap3A_1299 : memref<1x1x128xf32, #tpu.memory_space<vmem>> -> memref<128xf32, #tpu.memory_space<vmem>>
        %swap3A_1301 = arith.constant 16 : index
        %swap3A_1302 = tpu.vector_load %swap3A_1300[%swap3A_1301] {strides = array<i32>} : memref<128xf32, #tpu.memory_space<vmem>>, vector<16xf32>,
        tpu.vector_store %swap3A_1300[%swap3A_1301], %gather3A_1278 {strides = array<i32>} : memref<128xf32, #tpu.memory_space<vmem>>, vector<16xf32>,
        %swap3A_1303 = arith.constant 6 : i32
        %swap3A_1304 = arith.constant 0 : i32
        %swap3A_1305 = tpu.memref_slice %arg7[%add3A_1274, %swap3A_1303, %swap3A_1304] : memref<8x8x128xf32, #tpu.memory_space<vmem>> -> memref<1x1x128xf32, #tpu.memory_space<vmem>>
        %swap3A_1306 = tpu.memref_squeeze %swap3A_1305 : memref<1x1x128xf32, #tpu.memory_space<vmem>> -> memref<128xf32, #tpu.memory_space<vmem>>
        %swap3A_1307 = arith.constant 32 : index
        %swap3A_1308 = tpu.vector_load %swap3A_1306[%swap3A_1307] {strides = array<i32>} : memref<128xf32, #tpu.memory_space<vmem>>, vector<16xf32>,
        tpu.vector_store %swap3A_1306[%swap3A_1307], %gather3A_1280 {strides = array<i32>} : memref<128xf32, #tpu.memory_space<vmem>>, vector<16xf32>,
        %swap3A_1309 = arith.constant 6 : i32
        %swap3A_1310 = arith.constant 0 : i32
        %swap3A_1311 = tpu.memref_slice %arg7[%add3A_1274, %swap3A_1309, %swap3A_1310] : memref<8x8x128xf32, #tpu.memory_space<vmem>> -> memref<1x1x128xf32, #tpu.memory_space<vmem>>
        %swap3A_1312 = tpu.memref_squeeze %swap3A_1311 : memref<1x1x128xf32, #tpu.memory_space<vmem>> -> memref<128xf32, #tpu.memory_space<vmem>>
        %swap3A_1313 = arith.constant 48 : index
        %swap3A_1314 = tpu.vector_load %swap3A_1312[%swap3A_1313] {strides = array<i32>} : memref<128xf32, #tpu.memory_space<vmem>>, vector<16xf32>,
        tpu.vector_store %swap3A_1312[%swap3A_1313], %gather3A_1282 {strides = array<i32>} : memref<128xf32, #tpu.memory_space<vmem>>, vector<16xf32>,
        %swap3A_1315 = arith.constant 6 : i32
        %swap3A_1316 = arith.constant 0 : i32
        %swap3A_1317 = tpu.memref_slice %arg7[%add3A_1274, %swap3A_1315, %swap3A_1316] : memref<8x8x128xf32, #tpu.memory_space<vmem>> -> memref<1x1x128xf32, #tpu.memory_space<vmem>>
        %swap3A_1318 = tpu.memref_squeeze %swap3A_1317 : memref<1x1x128xf32, #tpu.memory_space<vmem>> -> memref<128xf32, #tpu.memory_space<vmem>>
        %swap3A_1319 = arith.constant 64 : index
        %swap3A_1320 = tpu.vector_load %swap3A_1318[%swap3A_1319] {strides = array<i32>} : memref<128xf32, #tpu.memory_space<vmem>>, vector<16xf32>,
        tpu.vector_store %swap3A_1318[%swap3A_1319], %gather3A_1284 {strides = array<i32>} : memref<128xf32, #tpu.memory_space<vmem>>, vector<16xf32>,
        %swap3A_1321 = arith.constant 6 : i32
        %swap3A_1322 = arith.constant 0 : i32
        %swap3A_1323 = tpu.memref_slice %arg7[%add3A_1274, %swap3A_1321, %swap3A_1322] : memref<8x8x128xf32, #tpu.memory_space<vmem>> -> memref<1x1x128xf32, #tpu.memory_space<vmem>>
        %swap3A_1324 = tpu.memref_squeeze %swap3A_1323 : memref<1x1x128xf32, #tpu.memory_space<vmem>> -> memref<128xf32, #tpu.memory_space<vmem>>
        %swap3A_1325 = arith.constant 80 : index
        %swap3A_1326 = tpu.vector_load %swap3A_1324[%swap3A_1325] {strides = array<i32>} : memref<128xf32, #tpu.memory_space<vmem>>, vector<16xf32>,
        tpu.vector_store %swap3A_1324[%swap3A_1325], %gather3A_1286 {strides = array<i32>} : memref<128xf32, #tpu.memory_space<vmem>>, vector<16xf32>,
        %swap3A_1327 = arith.constant 6 : i32
        %swap3A_1328 = arith.constant 0 : i32
        %swap3A_1329 = tpu.memref_slice %arg7[%add3A_1274, %swap3A_1327, %swap3A_1328] : memref<8x8x128xf32, #tpu.memory_space<vmem>> -> memref<1x1x128xf32, #tpu.memory_space<vmem>>
        %swap3A_1330 = tpu.memref_squeeze %swap3A_1329 : memref<1x1x128xf32, #tpu.memory_space<vmem>> -> memref<128xf32, #tpu.memory_space<vmem>>
        %swap3A_1331 = arith.constant 96 : index
        %swap3A_1332 = tpu.vector_load %swap3A_1330[%swap3A_1331] {strides = array<i32>} : memref<128xf32, #tpu.memory_space<vmem>>, vector<16xf32>,
        tpu.vector_store %swap3A_1330[%swap3A_1331], %gather3A_1288 {strides = array<i32>} : memref<128xf32, #tpu.memory_space<vmem>>, vector<16xf32>,
        %swap3A_1333 = arith.constant 6 : i32
        %swap3A_1334 = arith.constant 0 : i32
        %swap3A_1335 = tpu.memref_slice %arg7[%add3A_1274, %swap3A_1333, %swap3A_1334] : memref<8x8x128xf32, #tpu.memory_space<vmem>> -> memref<1x1x128xf32, #tpu.memory_space<vmem>>
        %swap3A_1336 = tpu.memref_squeeze %swap3A_1335 : memref<1x1x128xf32, #tpu.memory_space<vmem>> -> memref<128xf32, #tpu.memory_space<vmem>>
        %swap3A_1337 = arith.constant 112 : index
        %swap3A_1338 = tpu.vector_load %swap3A_1336[%swap3A_1337] {strides = array<i32>} : memref<128xf32, #tpu.memory_space<vmem>>, vector<16xf32>,
        tpu.vector_store %swap3A_1336[%swap3A_1337], %gather3A_1290 {strides = array<i32>} : memref<128xf32, #tpu.memory_space<vmem>>, vector<16xf32>,
        %mul3A_1339 = arith.constant 4 : i32
        %mul3A_1340 = arith.muli %rem3A_250, %mul3A_1339 : i32
        %add3A_1341 = arith.constant 1 : i32
        %add3A_1342 = arith.addi %mul3A_1340, %add3A_1341 : i32
        %add3A_1343 = arith.addi %get3A_278, %broadcast_in_dim3A_37 : vector<16xi32>
        %gather3A_1344 = tpu.vector_load_idx %arg6[%add3A_1343] : memref<32000xf32, #tpu.memory_space<vmem>>[vector<16xi32>], vector<16xf32>,
        %add3A_1345 = arith.addi %get3A_284, %broadcast_in_dim3A_37 : vector<16xi32>
        %gather3A_1346 = tpu.vector_load_idx %arg6[%add3A_1345] : memref<32000xf32, #tpu.memory_space<vmem>>[vector<16xi32>], vector<16xf32>,
        %add3A_1347 = arith.addi %get3A_290, %broadcast_in_dim3A_37 : vector<16xi32>
        %gather3A_1348 = tpu.vector_load_idx %arg6[%add3A_1347] : memref<32000xf32, #tpu.memory_space<vmem>>[vector<16xi32>], vector<16xf32>,
        %add3A_1349 = arith.addi %get3A_296, %broadcast_in_dim3A_37 : vector<16xi32>
        %gather3A_1350 = tpu.vector_load_idx %arg6[%add3A_1349] : memref<32000xf32, #tpu.memory_space<vmem>>[vector<16xi32>], vector<16xf32>,
        %add3A_1351 = arith.addi %get3A_302, %broadcast_in_dim3A_37 : vector<16xi32>
        %gather3A_1352 = tpu.vector_load_idx %arg6[%add3A_1351] : memref<32000xf32, #tpu.memory_space<vmem>>[vector<16xi32>], vector<16xf32>,
        %add3A_1353 = arith.addi %get3A_308, %broadcast_in_dim3A_37 : vector<16xi32>
        %gather3A_1354 = tpu.vector_load_idx %arg6[%add3A_1353] : memref<32000xf32, #tpu.memory_space<vmem>>[vector<16xi32>], vector<16xf32>,
        %add3A_1355 = arith.addi %get3A_314, %broadcast_in_dim3A_37 : vector<16xi32>
        %gather3A_1356 = tpu.vector_load_idx %arg6[%add3A_1355] : memref<32000xf32, #tpu.memory_space<vmem>>[vector<16xi32>], vector<16xf32>,
        %add3A_1357 = arith.addi %get3A_320, %broadcast_in_dim3A_37 : vector<16xi32>
        %gather3A_1358 = tpu.vector_load_idx %arg6[%add3A_1357] : memref<32000xf32, #tpu.memory_space<vmem>>[vector<16xi32>], vector<16xf32>,
        %swap3A_1359 = arith.constant 7 : i32
        %swap3A_1360 = arith.constant 0 : i32
        %swap3A_1361 = tpu.memref_slice %arg7[%add3A_1342, %swap3A_1359, %swap3A_1360] : memref<8x8x128xf32, #tpu.memory_space<vmem>> -> memref<1x1x128xf32, #tpu.memory_space<vmem>>
        %swap3A_1362 = tpu.memref_squeeze %swap3A_1361 : memref<1x1x128xf32, #tpu.memory_space<vmem>> -> memref<128xf32, #tpu.memory_space<vmem>>
        %swap3A_1363 = arith.constant 0 : index
        %swap3A_1364 = tpu.vector_load %swap3A_1362[%swap3A_1363] {strides = array<i32>} : memref<128xf32, #tpu.memory_space<vmem>>, vector<16xf32>,
        tpu.vector_store %swap3A_1362[%swap3A_1363], %gather3A_1344 {strides = array<i32>} : memref<128xf32, #tpu.memory_space<vmem>>, vector<16xf32>,
        %swap3A_1365 = arith.constant 7 : i32
        %swap3A_1366 = arith.constant 0 : i32
        %swap3A_1367 = tpu.memref_slice %arg7[%add3A_1342, %swap3A_1365, %swap3A_1366] : memref<8x8x128xf32, #tpu.memory_space<vmem>> -> memref<1x1x128xf32, #tpu.memory_space<vmem>>
        %swap3A_1368 = tpu.memref_squeeze %swap3A_1367 : memref<1x1x128xf32, #tpu.memory_space<vmem>> -> memref<128xf32, #tpu.memory_space<vmem>>
        %swap3A_1369 = arith.constant 16 : index
        %swap3A_1370 = tpu.vector_load %swap3A_1368[%swap3A_1369] {strides = array<i32>} : memref<128xf32, #tpu.memory_space<vmem>>, vector<16xf32>,
        tpu.vector_store %swap3A_1368[%swap3A_1369], %gather3A_1346 {strides = array<i32>} : memref<128xf32, #tpu.memory_space<vmem>>, vector<16xf32>,
        %swap3A_1371 = arith.constant 7 : i32
        %swap3A_1372 = arith.constant 0 : i32
        %swap3A_1373 = tpu.memref_slice %arg7[%add3A_1342, %swap3A_1371, %swap3A_1372] : memref<8x8x128xf32, #tpu.memory_space<vmem>> -> memref<1x1x128xf32, #tpu.memory_space<vmem>>
        %swap3A_1374 = tpu.memref_squeeze %swap3A_1373 : memref<1x1x128xf32, #tpu.memory_space<vmem>> -> memref<128xf32, #tpu.memory_space<vmem>>
        %swap3A_1375 = arith.constant 32 : index
        %swap3A_1376 = tpu.vector_load %swap3A_1374[%swap3A_1375] {strides = array<i32>} : memref<128xf32, #tpu.memory_space<vmem>>, vector<16xf32>,
        tpu.vector_store %swap3A_1374[%swap3A_1375], %gather3A_1348 {strides = array<i32>} : memref<128xf32, #tpu.memory_space<vmem>>, vector<16xf32>,
        %swap3A_1377 = arith.constant 7 : i32
        %swap3A_1378 = arith.constant 0 : i32
        %swap3A_1379 = tpu.memref_slice %arg7[%add3A_1342, %swap3A_1377, %swap3A_1378] : memref<8x8x128xf32, #tpu.memory_space<vmem>> -> memref<1x1x128xf32, #tpu.memory_space<vmem>>
        %swap3A_1380 = tpu.memref_squeeze %swap3A_1379 : memref<1x1x128xf32, #tpu.memory_space<vmem>> -> memref<128xf32, #tpu.memory_space<vmem>>
        %swap3A_1381 = arith.constant 48 : index
        %swap3A_1382 = tpu.vector_load %swap3A_1380[%swap3A_1381] {strides = array<i32>} : memref<128xf32, #tpu.memory_space<vmem>>, vector<16xf32>,
        tpu.vector_store %swap3A_1380[%swap3A_1381], %gather3A_1350 {strides = array<i32>} : memref<128xf32, #tpu.memory_space<vmem>>, vector<16xf32>,
        %swap3A_1383 = arith.constant 7 : i32
        %swap3A_1384 = arith.constant 0 : i32
        %swap3A_1385 = tpu.memref_slice %arg7[%add3A_1342, %swap3A_1383, %swap3A_1384] : memref<8x8x128xf32, #tpu.memory_space<vmem>> -> memref<1x1x128xf32, #tpu.memory_space<vmem>>
        %swap3A_1386 = tpu.memref_squeeze %swap3A_1385 : memref<1x1x128xf32, #tpu.memory_space<vmem>> -> memref<128xf32, #tpu.memory_space<vmem>>
        %swap3A_1387 = arith.constant 64 : index
        %swap3A_1388 = tpu.vector_load %swap3A_1386[%swap3A_1387] {strides = array<i32>} : memref<128xf32, #tpu.memory_space<vmem>>, vector<16xf32>,
        tpu.vector_store %swap3A_1386[%swap3A_1387], %gather3A_1352 {strides = array<i32>} : memref<128xf32, #tpu.memory_space<vmem>>, vector<16xf32>,
        %swap3A_1389 = arith.constant 7 : i32
        %swap3A_1390 = arith.constant 0 : i32
        %swap3A_1391 = tpu.memref_slice %arg7[%add3A_1342, %swap3A_1389, %swap3A_1390] : memref<8x8x128xf32, #tpu.memory_space<vmem>> -> memref<1x1x128xf32, #tpu.memory_space<vmem>>
        %swap3A_1392 = tpu.memref_squeeze %swap3A_1391 : memref<1x1x128xf32, #tpu.memory_space<vmem>> -> memref<128xf32, #tpu.memory_space<vmem>>
        %swap3A_1393 = arith.constant 80 : index
        %swap3A_1394 = tpu.vector_load %swap3A_1392[%swap3A_1393] {strides = array<i32>} : memref<128xf32, #tpu.memory_space<vmem>>, vector<16xf32>,
        tpu.vector_store %swap3A_1392[%swap3A_1393], %gather3A_1354 {strides = array<i32>} : memref<128xf32, #tpu.memory_space<vmem>>, vector<16xf32>,
        %swap3A_1395 = arith.constant 7 : i32
        %swap3A_1396 = arith.constant 0 : i32
        %swap3A_1397 = tpu.memref_slice %arg7[%add3A_1342, %swap3A_1395, %swap3A_1396] : memref<8x8x128xf32, #tpu.memory_space<vmem>> -> memref<1x1x128xf32, #tpu.memory_space<vmem>>
        %swap3A_1398 = tpu.memref_squeeze %swap3A_1397 : memref<1x1x128xf32, #tpu.memory_space<vmem>> -> memref<128xf32, #tpu.memory_space<vmem>>
        %swap3A_1399 = arith.constant 96 : index
        %swap3A_1400 = tpu.vector_load %swap3A_1398[%swap3A_1399] {strides = array<i32>} : memref<128xf32, #tpu.memory_space<vmem>>, vector<16xf32>,
        tpu.vector_store %swap3A_1398[%swap3A_1399], %gather3A_1356 {strides = array<i32>} : memref<128xf32, #tpu.memory_space<vmem>>, vector<16xf32>,
        %swap3A_1401 = arith.constant 7 : i32
        %swap3A_1402 = arith.constant 0 : i32
        %swap3A_1403 = tpu.memref_slice %arg7[%add3A_1342, %swap3A_1401, %swap3A_1402] : memref<8x8x128xf32, #tpu.memory_space<vmem>> -> memref<1x1x128xf32, #tpu.memory_space<vmem>>
        %swap3A_1404 = tpu.memref_squeeze %swap3A_1403 : memref<1x1x128xf32, #tpu.memory_space<vmem>> -> memref<128xf32, #tpu.memory_space<vmem>>
        %swap3A_1405 = arith.constant 112 : index
        %swap3A_1406 = tpu.vector_load %swap3A_1404[%swap3A_1405] {strides = array<i32>} : memref<128xf32, #tpu.memory_space<vmem>>, vector<16xf32>,
        tpu.vector_store %swap3A_1404[%swap3A_1405], %gather3A_1358 {strides = array<i32>} : memref<128xf32, #tpu.memory_space<vmem>>, vector<16xf32>,
        %mul3A_1407 = arith.constant 4 : i32
        %mul3A_1408 = arith.muli %rem3A_250, %mul3A_1407 : i32
        %add3A_1409 = arith.constant 2 : i32
        %add3A_1410 = arith.addi %mul3A_1408, %add3A_1409 : i32
        %add3A_1411 = arith.addi %get3A_278, %broadcast_in_dim3A_39 : vector<16xi32>
        %gather3A_1412 = tpu.vector_load_idx %arg6[%add3A_1411] : memref<32000xf32, #tpu.memory_space<vmem>>[vector<16xi32>], vector<16xf32>,
        %add3A_1413 = arith.addi %get3A_284, %broadcast_in_dim3A_39 : vector<16xi32>
        %gather3A_1414 = tpu.vector_load_idx %arg6[%add3A_1413] : memref<32000xf32, #tpu.memory_space<vmem>>[vector<16xi32>], vector<16xf32>,
        %add3A_1415 = arith.addi %get3A_290, %broadcast_in_dim3A_39 : vector<16xi32>
        %gather3A_1416 = tpu.vector_load_idx %arg6[%add3A_1415] : memref<32000xf32, #tpu.memory_space<vmem>>[vector<16xi32>], vector<16xf32>,
        %add3A_1417 = arith.addi %get3A_296, %broadcast_in_dim3A_39 : vector<16xi32>
        %gather3A_1418 = tpu.vector_load_idx %arg6[%add3A_1417] : memref<32000xf32, #tpu.memory_space<vmem>>[vector<16xi32>], vector<16xf32>,
        %add3A_1419 = arith.addi %get3A_302, %broadcast_in_dim3A_39 : vector<16xi32>
        %gather3A_1420 = tpu.vector_load_idx %arg6[%add3A_1419] : memref<32000xf32, #tpu.memory_space<vmem>>[vector<16xi32>], vector<16xf32>,
        %add3A_1421 = arith.addi %get3A_308, %broadcast_in_dim3A_39 : vector<16xi32>
        %gather3A_1422 = tpu.vector_load_idx %arg6[%add3A_1421] : memref<32000xf32, #tpu.memory_space<vmem>>[vector<16xi32>], vector<16xf32>,
        %add3A_1423 = arith.addi %get3A_314, %broadcast_in_dim3A_39 : vector<16xi32>
        %gather3A_1424 = tpu.vector_load_idx %arg6[%add3A_1423] : memref<32000xf32, #tpu.memory_space<vmem>>[vector<16xi32>], vector<16xf32>,
        %add3A_1425 = arith.addi %get3A_320, %broadcast_in_dim3A_39 : vector<16xi32>
        %gather3A_1426 = tpu.vector_load_idx %arg6[%add3A_1425] : memref<32000xf32, #tpu.memory_space<vmem>>[vector<16xi32>], vector<16xf32>,
        %swap3A_1427 = arith.constant 0 : i32
        %swap3A_1428 = arith.constant 0 : i32
        %swap3A_1429 = tpu.memref_slice %arg7[%add3A_1410, %swap3A_1427, %swap3A_1428] : memref<8x8x128xf32, #tpu.memory_space<vmem>> -> memref<1x1x128xf32, #tpu.memory_space<vmem>>
        %swap3A_1430 = tpu.memref_squeeze %swap3A_1429 : memref<1x1x128xf32, #tpu.memory_space<vmem>> -> memref<128xf32, #tpu.memory_space<vmem>>
        %swap3A_1431 = arith.constant 0 : index
        %swap3A_1432 = tpu.vector_load %swap3A_1430[%swap3A_1431] {strides = array<i32>} : memref<128xf32, #tpu.memory_space<vmem>>, vector<16xf32>,
        tpu.vector_store %swap3A_1430[%swap3A_1431], %gather3A_1412 {strides = array<i32>} : memref<128xf32, #tpu.memory_space<vmem>>, vector<16xf32>,
        %swap3A_1433 = arith.constant 0 : i32
        %swap3A_1434 = arith.constant 0 : i32
        %swap3A_1435 = tpu.memref_slice %arg7[%add3A_1410, %swap3A_1433, %swap3A_1434] : memref<8x8x128xf32, #tpu.memory_space<vmem>> -> memref<1x1x128xf32, #tpu.memory_space<vmem>>
        %swap3A_1436 = tpu.memref_squeeze %swap3A_1435 : memref<1x1x128xf32, #tpu.memory_space<vmem>> -> memref<128xf32, #tpu.memory_space<vmem>>
        %swap3A_1437 = arith.constant 16 : index
        %swap3A_1438 = tpu.vector_load %swap3A_1436[%swap3A_1437] {strides = array<i32>} : memref<128xf32, #tpu.memory_space<vmem>>, vector<16xf32>,
        tpu.vector_store %swap3A_1436[%swap3A_1437], %gather3A_1414 {strides = array<i32>} : memref<128xf32, #tpu.memory_space<vmem>>, vector<16xf32>,
        %swap3A_1439 = arith.constant 0 : i32
        %swap3A_1440 = arith.constant 0 : i32
        %swap3A_1441 = tpu.memref_slice %arg7[%add3A_1410, %swap3A_1439, %swap3A_1440] : memref<8x8x128xf32, #tpu.memory_space<vmem>> -> memref<1x1x128xf32, #tpu.memory_space<vmem>>
        %swap3A_1442 = tpu.memref_squeeze %swap3A_1441 : memref<1x1x128xf32, #tpu.memory_space<vmem>> -> memref<128xf32, #tpu.memory_space<vmem>>
        %swap3A_1443 = arith.constant 32 : index
        %swap3A_1444 = tpu.vector_load %swap3A_1442[%swap3A_1443] {strides = array<i32>} : memref<128xf32, #tpu.memory_space<vmem>>, vector<16xf32>,
        tpu.vector_store %swap3A_1442[%swap3A_1443], %gather3A_1416 {strides = array<i32>} : memref<128xf32, #tpu.memory_space<vmem>>, vector<16xf32>,
        %swap3A_1445 = arith.constant 0 : i32
        %swap3A_1446 = arith.constant 0 : i32
        %swap3A_1447 = tpu.memref_slice %arg7[%add3A_1410, %swap3A_1445, %swap3A_1446] : memref<8x8x128xf32, #tpu.memory_space<vmem>> -> memref<1x1x128xf32, #tpu.memory_space<vmem>>
        %swap3A_1448 = tpu.memref_squeeze %swap3A_1447 : memref<1x1x128xf32, #tpu.memory_space<vmem>> -> memref<128xf32, #tpu.memory_space<vmem>>
        %swap3A_1449 = arith.constant 48 : index
        %swap3A_1450 = tpu.vector_load %swap3A_1448[%swap3A_1449] {strides = array<i32>} : memref<128xf32, #tpu.memory_space<vmem>>, vector<16xf32>,
        tpu.vector_store %swap3A_1448[%swap3A_1449], %gather3A_1418 {strides = array<i32>} : memref<128xf32, #tpu.memory_space<vmem>>, vector<16xf32>,
        %swap3A_1451 = arith.constant 0 : i32
        %swap3A_1452 = arith.constant 0 : i32
        %swap3A_1453 = tpu.memref_slice %arg7[%add3A_1410, %swap3A_1451, %swap3A_1452] : memref<8x8x128xf32, #tpu.memory_space<vmem>> -> memref<1x1x128xf32, #tpu.memory_space<vmem>>
        %swap3A_1454 = tpu.memref_squeeze %swap3A_1453 : memref<1x1x128xf32, #tpu.memory_space<vmem>> -> memref<128xf32, #tpu.memory_space<vmem>>
        %swap3A_1455 = arith.constant 64 : index
        %swap3A_1456 = tpu.vector_load %swap3A_1454[%swap3A_1455] {strides = array<i32>} : memref<128xf32, #tpu.memory_space<vmem>>, vector<16xf32>,
        tpu.vector_store %swap3A_1454[%swap3A_1455], %gather3A_1420 {strides = array<i32>} : memref<128xf32, #tpu.memory_space<vmem>>, vector<16xf32>,
        %swap3A_1457 = arith.constant 0 : i32
        %swap3A_1458 = arith.constant 0 : i32
        %swap3A_1459 = tpu.memref_slice %arg7[%add3A_1410, %swap3A_1457, %swap3A_1458] : memref<8x8x128xf32, #tpu.memory_space<vmem>> -> memref<1x1x128xf32, #tpu.memory_space<vmem>>
        %swap3A_1460 = tpu.memref_squeeze %swap3A_1459 : memref<1x1x128xf32, #tpu.memory_space<vmem>> -> memref<128xf32, #tpu.memory_space<vmem>>
        %swap3A_1461 = arith.constant 80 : index
        %swap3A_1462 = tpu.vector_load %swap3A_1460[%swap3A_1461] {strides = array<i32>} : memref<128xf32, #tpu.memory_space<vmem>>, vector<16xf32>,
        tpu.vector_store %swap3A_1460[%swap3A_1461], %gather3A_1422 {strides = array<i32>} : memref<128xf32, #tpu.memory_space<vmem>>, vector<16xf32>,
        %swap3A_1463 = arith.constant 0 : i32
        %swap3A_1464 = arith.constant 0 : i32
        %swap3A_1465 = tpu.memref_slice %arg7[%add3A_1410, %swap3A_1463, %swap3A_1464] : memref<8x8x128xf32, #tpu.memory_space<vmem>> -> memref<1x1x128xf32, #tpu.memory_space<vmem>>
        %swap3A_1466 = tpu.memref_squeeze %swap3A_1465 : memref<1x1x128xf32, #tpu.memory_space<vmem>> -> memref<128xf32, #tpu.memory_space<vmem>>
        %swap3A_1467 = arith.constant 96 : index
        %swap3A_1468 = tpu.vector_load %swap3A_1466[%swap3A_1467] {strides = array<i32>} : memref<128xf32, #tpu.memory_space<vmem>>, vector<16xf32>,
        tpu.vector_store %swap3A_1466[%swap3A_1467], %gather3A_1424 {strides = array<i32>} : memref<128xf32, #tpu.memory_space<vmem>>, vector<16xf32>,
        %swap3A_1469 = arith.constant 0 : i32
        %swap3A_1470 = arith.constant 0 : i32
        %swap3A_1471 = tpu.memref_slice %arg7[%add3A_1410, %swap3A_1469, %swap3A_1470] : memref<8x8x128xf32, #tpu.memory_space<vmem>> -> memref<1x1x128xf32, #tpu.memory_space<vmem>>
        %swap3A_1472 = tpu.memref_squeeze %swap3A_1471 : memref<1x1x128xf32, #tpu.memory_space<vmem>> -> memref<128xf32, #tpu.memory_space<vmem>>
        %swap3A_1473 = arith.constant 112 : index
        %swap3A_1474 = tpu.vector_load %swap3A_1472[%swap3A_1473] {strides = array<i32>} : memref<128xf32, #tpu.memory_space<vmem>>, vector<16xf32>,
        tpu.vector_store %swap3A_1472[%swap3A_1473], %gather3A_1426 {strides = array<i32>} : memref<128xf32, #tpu.memory_space<vmem>>, vector<16xf32>,
        %mul3A_1475 = arith.constant 4 : i32
        %mul3A_1476 = arith.muli %rem3A_250, %mul3A_1475 : i32
        %add3A_1477 = arith.constant 2 : i32
        %add3A_1478 = arith.addi %mul3A_1476, %add3A_1477 : i32
        %add3A_1479 = arith.addi %get3A_278, %broadcast_in_dim3A_41 : vector<16xi32>
        %gather3A_1480 = tpu.vector_load_idx %arg6[%add3A_1479] : memref<32000xf32, #tpu.memory_space<vmem>>[vector<16xi32>], vector<16xf32>,
        %add3A_1481 = arith.addi %get3A_284, %broadcast_in_dim3A_41 : vector<16xi32>
        %gather3A_1482 = tpu.vector_load_idx %arg6[%add3A_1481] : memref<32000xf32, #tpu.memory_space<vmem>>[vector<16xi32>], vector<16xf32>,
        %add3A_1483 = arith.addi %get3A_290, %broadcast_in_dim3A_41 : vector<16xi32>
        %gather3A_1484 = tpu.vector_load_idx %arg6[%add3A_1483] : memref<32000xf32, #tpu.memory_space<vmem>>[vector<16xi32>], vector<16xf32>,
        %add3A_1485 = arith.addi %get3A_296, %broadcast_in_dim3A_41 : vector<16xi32>
        %gather3A_1486 = tpu.vector_load_idx %arg6[%add3A_1485] : memref<32000xf32, #tpu.memory_space<vmem>>[vector<16xi32>], vector<16xf32>,
        %add3A_1487 = arith.addi %get3A_302, %broadcast_in_dim3A_41 : vector<16xi32>
        %gather3A_1488 = tpu.vector_load_idx %arg6[%add3A_1487] : memref<32000xf32, #tpu.memory_space<vmem>>[vector<16xi32>], vector<16xf32>,
        %add3A_1489 = arith.addi %get3A_308, %broadcast_in_dim3A_41 : vector<16xi32>
        %gather3A_1490 = tpu.vector_load_idx %arg6[%add3A_1489] : memref<32000xf32, #tpu.memory_space<vmem>>[vector<16xi32>], vector<16xf32>,
        %add3A_1491 = arith.addi %get3A_314, %broadcast_in_dim3A_41 : vector<16xi32>
        %gather3A_1492 = tpu.vector_load_idx %arg6[%add3A_1491] : memref<32000xf32, #tpu.memory_space<vmem>>[vector<16xi32>], vector<16xf32>,
        %add3A_1493 = arith.addi %get3A_320, %broadcast_in_dim3A_41 : vector<16xi32>
        %gather3A_1494 = tpu.vector_load_idx %arg6[%add3A_1493] : memref<32000xf32, #tpu.memory_space<vmem>>[vector<16xi32>], vector<16xf32>,
        %swap3A_1495 = arith.constant 1 : i32
        %swap3A_1496 = arith.constant 0 : i32
        %swap3A_1497 = tpu.memref_slice %arg7[%add3A_1478, %swap3A_1495, %swap3A_1496] : memref<8x8x128xf32, #tpu.memory_space<vmem>> -> memref<1x1x128xf32, #tpu.memory_space<vmem>>
        %swap3A_1498 = tpu.memref_squeeze %swap3A_1497 : memref<1x1x128xf32, #tpu.memory_space<vmem>> -> memref<128xf32, #tpu.memory_space<vmem>>
        %swap3A_1499 = arith.constant 0 : index
        %swap3A_1500 = tpu.vector_load %swap3A_1498[%swap3A_1499] {strides = array<i32>} : memref<128xf32, #tpu.memory_space<vmem>>, vector<16xf32>,
        tpu.vector_store %swap3A_1498[%swap3A_1499], %gather3A_1480 {strides = array<i32>} : memref<128xf32, #tpu.memory_space<vmem>>, vector<16xf32>,
        %swap3A_1501 = arith.constant 1 : i32
        %swap3A_1502 = arith.constant 0 : i32
        %swap3A_1503 = tpu.memref_slice %arg7[%add3A_1478, %swap3A_1501, %swap3A_1502] : memref<8x8x128xf32, #tpu.memory_space<vmem>> -> memref<1x1x128xf32, #tpu.memory_space<vmem>>
        %swap3A_1504 = tpu.memref_squeeze %swap3A_1503 : memref<1x1x128xf32, #tpu.memory_space<vmem>> -> memref<128xf32, #tpu.memory_space<vmem>>
        %swap3A_1505 = arith.constant 16 : index
        %swap3A_1506 = tpu.vector_load %swap3A_1504[%swap3A_1505] {strides = array<i32>} : memref<128xf32, #tpu.memory_space<vmem>>, vector<16xf32>,
        tpu.vector_store %swap3A_1504[%swap3A_1505], %gather3A_1482 {strides = array<i32>} : memref<128xf32, #tpu.memory_space<vmem>>, vector<16xf32>,
        %swap3A_1507 = arith.constant 1 : i32
        %swap3A_1508 = arith.constant 0 : i32
        %swap3A_1509 = tpu.memref_slice %arg7[%add3A_1478, %swap3A_1507, %swap3A_1508] : memref<8x8x128xf32, #tpu.memory_space<vmem>> -> memref<1x1x128xf32, #tpu.memory_space<vmem>>
        %swap3A_1510 = tpu.memref_squeeze %swap3A_1509 : memref<1x1x128xf32, #tpu.memory_space<vmem>> -> memref<128xf32, #tpu.memory_space<vmem>>
        %swap3A_1511 = arith.constant 32 : index
        %swap3A_1512 = tpu.vector_load %swap3A_1510[%swap3A_1511] {strides = array<i32>} : memref<128xf32, #tpu.memory_space<vmem>>, vector<16xf32>,
        tpu.vector_store %swap3A_1510[%swap3A_1511], %gather3A_1484 {strides = array<i32>} : memref<128xf32, #tpu.memory_space<vmem>>, vector<16xf32>,
        %swap3A_1513 = arith.constant 1 : i32
        %swap3A_1514 = arith.constant 0 : i32
        %swap3A_1515 = tpu.memref_slice %arg7[%add3A_1478, %swap3A_1513, %swap3A_1514] : memref<8x8x128xf32, #tpu.memory_space<vmem>> -> memref<1x1x128xf32, #tpu.memory_space<vmem>>
        %swap3A_1516 = tpu.memref_squeeze %swap3A_1515 : memref<1x1x128xf32, #tpu.memory_space<vmem>> -> memref<128xf32, #tpu.memory_space<vmem>>
        %swap3A_1517 = arith.constant 48 : index
        %swap3A_1518 = tpu.vector_load %swap3A_1516[%swap3A_1517] {strides = array<i32>} : memref<128xf32, #tpu.memory_space<vmem>>, vector<16xf32>,
        tpu.vector_store %swap3A_1516[%swap3A_1517], %gather3A_1486 {strides = array<i32>} : memref<128xf32, #tpu.memory_space<vmem>>, vector<16xf32>,
        %swap3A_1519 = arith.constant 1 : i32
        %swap3A_1520 = arith.constant 0 : i32
        %swap3A_1521 = tpu.memref_slice %arg7[%add3A_1478, %swap3A_1519, %swap3A_1520] : memref<8x8x128xf32, #tpu.memory_space<vmem>> -> memref<1x1x128xf32, #tpu.memory_space<vmem>>
        %swap3A_1522 = tpu.memref_squeeze %swap3A_1521 : memref<1x1x128xf32, #tpu.memory_space<vmem>> -> memref<128xf32, #tpu.memory_space<vmem>>
        %swap3A_1523 = arith.constant 64 : index
        %swap3A_1524 = tpu.vector_load %swap3A_1522[%swap3A_1523] {strides = array<i32>} : memref<128xf32, #tpu.memory_space<vmem>>, vector<16xf32>,
        tpu.vector_store %swap3A_1522[%swap3A_1523], %gather3A_1488 {strides = array<i32>} : memref<128xf32, #tpu.memory_space<vmem>>, vector<16xf32>,
        %swap3A_1525 = arith.constant 1 : i32
        %swap3A_1526 = arith.constant 0 : i32
        %swap3A_1527 = tpu.memref_slice %arg7[%add3A_1478, %swap3A_1525, %swap3A_1526] : memref<8x8x128xf32, #tpu.memory_space<vmem>> -> memref<1x1x128xf32, #tpu.memory_space<vmem>>
        %swap3A_1528 = tpu.memref_squeeze %swap3A_1527 : memref<1x1x128xf32, #tpu.memory_space<vmem>> -> memref<128xf32, #tpu.memory_space<vmem>>
        %swap3A_1529 = arith.constant 80 : index
        %swap3A_1530 = tpu.vector_load %swap3A_1528[%swap3A_1529] {strides = array<i32>} : memref<128xf32, #tpu.memory_space<vmem>>, vector<16xf32>,
        tpu.vector_store %swap3A_1528[%swap3A_1529], %gather3A_1490 {strides = array<i32>} : memref<128xf32, #tpu.memory_space<vmem>>, vector<16xf32>,
        %swap3A_1531 = arith.constant 1 : i32
        %swap3A_1532 = arith.constant 0 : i32
        %swap3A_1533 = tpu.memref_slice %arg7[%add3A_1478, %swap3A_1531, %swap3A_1532] : memref<8x8x128xf32, #tpu.memory_space<vmem>> -> memref<1x1x128xf32, #tpu.memory_space<vmem>>
        %swap3A_1534 = tpu.memref_squeeze %swap3A_1533 : memref<1x1x128xf32, #tpu.memory_space<vmem>> -> memref<128xf32, #tpu.memory_space<vmem>>
        %swap3A_1535 = arith.constant 96 : index
        %swap3A_1536 = tpu.vector_load %swap3A_1534[%swap3A_1535] {strides = array<i32>} : memref<128xf32, #tpu.memory_space<vmem>>, vector<16xf32>,
        tpu.vector_store %swap3A_1534[%swap3A_1535], %gather3A_1492 {strides = array<i32>} : memref<128xf32, #tpu.memory_space<vmem>>, vector<16xf32>,
        %swap3A_1537 = arith.constant 1 : i32
        %swap3A_1538 = arith.constant 0 : i32
        %swap3A_1539 = tpu.memref_slice %arg7[%add3A_1478, %swap3A_1537, %swap3A_1538] : memref<8x8x128xf32, #tpu.memory_space<vmem>> -> memref<1x1x128xf32, #tpu.memory_space<vmem>>
        %swap3A_1540 = tpu.memref_squeeze %swap3A_1539 : memref<1x1x128xf32, #tpu.memory_space<vmem>> -> memref<128xf32, #tpu.memory_space<vmem>>
        %swap3A_1541 = arith.constant 112 : index
        %swap3A_1542 = tpu.vector_load %swap3A_1540[%swap3A_1541] {strides = array<i32>} : memref<128xf32, #tpu.memory_space<vmem>>, vector<16xf32>,
        tpu.vector_store %swap3A_1540[%swap3A_1541], %gather3A_1494 {strides = array<i32>} : memref<128xf32, #tpu.memory_space<vmem>>, vector<16xf32>,
        %mul3A_1543 = arith.constant 4 : i32
        %mul3A_1544 = arith.muli %rem3A_250, %mul3A_1543 : i32
        %add3A_1545 = arith.constant 2 : i32
        %add3A_1546 = arith.addi %mul3A_1544, %add3A_1545 : i32
        %add3A_1547 = arith.addi %get3A_278, %broadcast_in_dim3A_43 : vector<16xi32>
        %gather3A_1548 = tpu.vector_load_idx %arg6[%add3A_1547] : memref<32000xf32, #tpu.memory_space<vmem>>[vector<16xi32>], vector<16xf32>,
        %add3A_1549 = arith.addi %get3A_284, %broadcast_in_dim3A_43 : vector<16xi32>
        %gather3A_1550 = tpu.vector_load_idx %arg6[%add3A_1549] : memref<32000xf32, #tpu.memory_space<vmem>>[vector<16xi32>], vector<16xf32>,
        %add3A_1551 = arith.addi %get3A_290, %broadcast_in_dim3A_43 : vector<16xi32>
        %gather3A_1552 = tpu.vector_load_idx %arg6[%add3A_1551] : memref<32000xf32, #tpu.memory_space<vmem>>[vector<16xi32>], vector<16xf32>,
        %add3A_1553 = arith.addi %get3A_296, %broadcast_in_dim3A_43 : vector<16xi32>
        %gather3A_1554 = tpu.vector_load_idx %arg6[%add3A_1553] : memref<32000xf32, #tpu.memory_space<vmem>>[vector<16xi32>], vector<16xf32>,
        %add3A_1555 = arith.addi %get3A_302, %broadcast_in_dim3A_43 : vector<16xi32>
        %gather3A_1556 = tpu.vector_load_idx %arg6[%add3A_1555] : memref<32000xf32, #tpu.memory_space<vmem>>[vector<16xi32>], vector<16xf32>,
        %add3A_1557 = arith.addi %get3A_308, %broadcast_in_dim3A_43 : vector<16xi32>
        %gather3A_1558 = tpu.vector_load_idx %arg6[%add3A_1557] : memref<32000xf32, #tpu.memory_space<vmem>>[vector<16xi32>], vector<16xf32>,
        %add3A_1559 = arith.addi %get3A_314, %broadcast_in_dim3A_43 : vector<16xi32>
        %gather3A_1560 = tpu.vector_load_idx %arg6[%add3A_1559] : memref<32000xf32, #tpu.memory_space<vmem>>[vector<16xi32>], vector<16xf32>,
        %add3A_1561 = arith.addi %get3A_320, %broadcast_in_dim3A_43 : vector<16xi32>
        %gather3A_1562 = tpu.vector_load_idx %arg6[%add3A_1561] : memref<32000xf32, #tpu.memory_space<vmem>>[vector<16xi32>], vector<16xf32>,
        %swap3A_1563 = arith.constant 2 : i32
        %swap3A_1564 = arith.constant 0 : i32
        %swap3A_1565 = tpu.memref_slice %arg7[%add3A_1546, %swap3A_1563, %swap3A_1564] : memref<8x8x128xf32, #tpu.memory_space<vmem>> -> memref<1x1x128xf32, #tpu.memory_space<vmem>>
        %swap3A_1566 = tpu.memref_squeeze %swap3A_1565 : memref<1x1x128xf32, #tpu.memory_space<vmem>> -> memref<128xf32, #tpu.memory_space<vmem>>
        %swap3A_1567 = arith.constant 0 : index
        %swap3A_1568 = tpu.vector_load %swap3A_1566[%swap3A_1567] {strides = array<i32>} : memref<128xf32, #tpu.memory_space<vmem>>, vector<16xf32>,
        tpu.vector_store %swap3A_1566[%swap3A_1567], %gather3A_1548 {strides = array<i32>} : memref<128xf32, #tpu.memory_space<vmem>>, vector<16xf32>,
        %swap3A_1569 = arith.constant 2 : i32
        %swap3A_1570 = arith.constant 0 : i32
        %swap3A_1571 = tpu.memref_slice %arg7[%add3A_1546, %swap3A_1569, %swap3A_1570] : memref<8x8x128xf32, #tpu.memory_space<vmem>> -> memref<1x1x128xf32, #tpu.memory_space<vmem>>
        %swap3A_1572 = tpu.memref_squeeze %swap3A_1571 : memref<1x1x128xf32, #tpu.memory_space<vmem>> -> memref<128xf32, #tpu.memory_space<vmem>>
        %swap3A_1573 = arith.constant 16 : index
        %swap3A_1574 = tpu.vector_load %swap3A_1572[%swap3A_1573] {strides = array<i32>} : memref<128xf32, #tpu.memory_space<vmem>>, vector<16xf32>,
        tpu.vector_store %swap3A_1572[%swap3A_1573], %gather3A_1550 {strides = array<i32>} : memref<128xf32, #tpu.memory_space<vmem>>, vector<16xf32>,
        %swap3A_1575 = arith.constant 2 : i32
        %swap3A_1576 = arith.constant 0 : i32
        %swap3A_1577 = tpu.memref_slice %arg7[%add3A_1546, %swap3A_1575, %swap3A_1576] : memref<8x8x128xf32, #tpu.memory_space<vmem>> -> memref<1x1x128xf32, #tpu.memory_space<vmem>>
        %swap3A_1578 = tpu.memref_squeeze %swap3A_1577 : memref<1x1x128xf32, #tpu.memory_space<vmem>> -> memref<128xf32, #tpu.memory_space<vmem>>
        %swap3A_1579 = arith.constant 32 : index
        %swap3A_1580 = tpu.vector_load %swap3A_1578[%swap3A_1579] {strides = array<i32>} : memref<128xf32, #tpu.memory_space<vmem>>, vector<16xf32>,
        tpu.vector_store %swap3A_1578[%swap3A_1579], %gather3A_1552 {strides = array<i32>} : memref<128xf32, #tpu.memory_space<vmem>>, vector<16xf32>,
        %swap3A_1581 = arith.constant 2 : i32
        %swap3A_1582 = arith.constant 0 : i32
        %swap3A_1583 = tpu.memref_slice %arg7[%add3A_1546, %swap3A_1581, %swap3A_1582] : memref<8x8x128xf32, #tpu.memory_space<vmem>> -> memref<1x1x128xf32, #tpu.memory_space<vmem>>
        %swap3A_1584 = tpu.memref_squeeze %swap3A_1583 : memref<1x1x128xf32, #tpu.memory_space<vmem>> -> memref<128xf32, #tpu.memory_space<vmem>>
        %swap3A_1585 = arith.constant 48 : index
        %swap3A_1586 = tpu.vector_load %swap3A_1584[%swap3A_1585] {strides = array<i32>} : memref<128xf32, #tpu.memory_space<vmem>>, vector<16xf32>,
        tpu.vector_store %swap3A_1584[%swap3A_1585], %gather3A_1554 {strides = array<i32>} : memref<128xf32, #tpu.memory_space<vmem>>, vector<16xf32>,
        %swap3A_1587 = arith.constant 2 : i32
        %swap3A_1588 = arith.constant 0 : i32
        %swap3A_1589 = tpu.memref_slice %arg7[%add3A_1546, %swap3A_1587, %swap3A_1588] : memref<8x8x128xf32, #tpu.memory_space<vmem>> -> memref<1x1x128xf32, #tpu.memory_space<vmem>>
        %swap3A_1590 = tpu.memref_squeeze %swap3A_1589 : memref<1x1x128xf32, #tpu.memory_space<vmem>> -> memref<128xf32, #tpu.memory_space<vmem>>
        %swap3A_1591 = arith.constant 64 : index
        %swap3A_1592 = tpu.vector_load %swap3A_1590[%swap3A_1591] {strides = array<i32>} : memref<128xf32, #tpu.memory_space<vmem>>, vector<16xf32>,
        tpu.vector_store %swap3A_1590[%swap3A_1591], %gather3A_1556 {strides = array<i32>} : memref<128xf32, #tpu.memory_space<vmem>>, vector<16xf32>,
        %swap3A_1593 = arith.constant 2 : i32
        %swap3A_1594 = arith.constant 0 : i32
        %swap3A_1595 = tpu.memref_slice %arg7[%add3A_1546, %swap3A_1593, %swap3A_1594] : memref<8x8x128xf32, #tpu.memory_space<vmem>> -> memref<1x1x128xf32, #tpu.memory_space<vmem>>
        %swap3A_1596 = tpu.memref_squeeze %swap3A_1595 : memref<1x1x128xf32, #tpu.memory_space<vmem>> -> memref<128xf32, #tpu.memory_space<vmem>>
        %swap3A_1597 = arith.constant 80 : index
        %swap3A_1598 = tpu.vector_load %swap3A_1596[%swap3A_1597] {strides = array<i32>} : memref<128xf32, #tpu.memory_space<vmem>>, vector<16xf32>,
        tpu.vector_store %swap3A_1596[%swap3A_1597], %gather3A_1558 {strides = array<i32>} : memref<128xf32, #tpu.memory_space<vmem>>, vector<16xf32>,
        %swap3A_1599 = arith.constant 2 : i32
        %swap3A_1600 = arith.constant 0 : i32
        %swap3A_1601 = tpu.memref_slice %arg7[%add3A_1546, %swap3A_1599, %swap3A_1600] : memref<8x8x128xf32, #tpu.memory_space<vmem>> -> memref<1x1x128xf32, #tpu.memory_space<vmem>>
        %swap3A_1602 = tpu.memref_squeeze %swap3A_1601 : memref<1x1x128xf32, #tpu.memory_space<vmem>> -> memref<128xf32, #tpu.memory_space<vmem>>
        %swap3A_1603 = arith.constant 96 : index
        %swap3A_1604 = tpu.vector_load %swap3A_1602[%swap3A_1603] {strides = array<i32>} : memref<128xf32, #tpu.memory_space<vmem>>, vector<16xf32>,
        tpu.vector_store %swap3A_1602[%swap3A_1603], %gather3A_1560 {strides = array<i32>} : memref<128xf32, #tpu.memory_space<vmem>>, vector<16xf32>,
        %swap3A_1605 = arith.constant 2 : i32
        %swap3A_1606 = arith.constant 0 : i32
        %swap3A_1607 = tpu.memref_slice %arg7[%add3A_1546, %swap3A_1605, %swap3A_1606] : memref<8x8x128xf32, #tpu.memory_space<vmem>> -> memref<1x1x128xf32, #tpu.memory_space<vmem>>
        %swap3A_1608 = tpu.memref_squeeze %swap3A_1607 : memref<1x1x128xf32, #tpu.memory_space<vmem>> -> memref<128xf32, #tpu.memory_space<vmem>>
        %swap3A_1609 = arith.constant 112 : index
        %swap3A_1610 = tpu.vector_load %swap3A_1608[%swap3A_1609] {strides = array<i32>} : memref<128xf32, #tpu.memory_space<vmem>>, vector<16xf32>,
        tpu.vector_store %swap3A_1608[%swap3A_1609], %gather3A_1562 {strides = array<i32>} : memref<128xf32, #tpu.memory_space<vmem>>, vector<16xf32>,
        %mul3A_1611 = arith.constant 4 : i32
        %mul3A_1612 = arith.muli %rem3A_250, %mul3A_1611 : i32
        %add3A_1613 = arith.constant 2 : i32
        %add3A_1614 = arith.addi %mul3A_1612, %add3A_1613 : i32
        %add3A_1615 = arith.addi %get3A_278, %broadcast_in_dim3A_45 : vector<16xi32>
        %gather3A_1616 = tpu.vector_load_idx %arg6[%add3A_1615] : memref<32000xf32, #tpu.memory_space<vmem>>[vector<16xi32>], vector<16xf32>,
        %add3A_1617 = arith.addi %get3A_284, %broadcast_in_dim3A_45 : vector<16xi32>
        %gather3A_1618 = tpu.vector_load_idx %arg6[%add3A_1617] : memref<32000xf32, #tpu.memory_space<vmem>>[vector<16xi32>], vector<16xf32>,
        %add3A_1619 = arith.addi %get3A_290, %broadcast_in_dim3A_45 : vector<16xi32>
        %gather3A_1620 = tpu.vector_load_idx %arg6[%add3A_1619] : memref<32000xf32, #tpu.memory_space<vmem>>[vector<16xi32>], vector<16xf32>,
        %add3A_1621 = arith.addi %get3A_296, %broadcast_in_dim3A_45 : vector<16xi32>
        %gather3A_1622 = tpu.vector_load_idx %arg6[%add3A_1621] : memref<32000xf32, #tpu.memory_space<vmem>>[vector<16xi32>], vector<16xf32>,
        %add3A_1623 = arith.addi %get3A_302, %broadcast_in_dim3A_45 : vector<16xi32>
        %gather3A_1624 = tpu.vector_load_idx %arg6[%add3A_1623] : memref<32000xf32, #tpu.memory_space<vmem>>[vector<16xi32>], vector<16xf32>,
        %add3A_1625 = arith.addi %get3A_308, %broadcast_in_dim3A_45 : vector<16xi32>
        %gather3A_1626 = tpu.vector_load_idx %arg6[%add3A_1625] : memref<32000xf32, #tpu.memory_space<vmem>>[vector<16xi32>], vector<16xf32>,
        %add3A_1627 = arith.addi %get3A_314, %broadcast_in_dim3A_45 : vector<16xi32>
        %gather3A_1628 = tpu.vector_load_idx %arg6[%add3A_1627] : memref<32000xf32, #tpu.memory_space<vmem>>[vector<16xi32>], vector<16xf32>,
        %add3A_1629 = arith.addi %get3A_320, %broadcast_in_dim3A_45 : vector<16xi32>
        %gather3A_1630 = tpu.vector_load_idx %arg6[%add3A_1629] : memref<32000xf32, #tpu.memory_space<vmem>>[vector<16xi32>], vector<16xf32>,
        %swap3A_1631 = arith.constant 3 : i32
        %swap3A_1632 = arith.constant 0 : i32
        %swap3A_1633 = tpu.memref_slice %arg7[%add3A_1614, %swap3A_1631, %swap3A_1632] : memref<8x8x128xf32, #tpu.memory_space<vmem>> -> memref<1x1x128xf32, #tpu.memory_space<vmem>>
        %swap3A_1634 = tpu.memref_squeeze %swap3A_1633 : memref<1x1x128xf32, #tpu.memory_space<vmem>> -> memref<128xf32, #tpu.memory_space<vmem>>
        %swap3A_1635 = arith.constant 0 : index
        %swap3A_1636 = tpu.vector_load %swap3A_1634[%swap3A_1635] {strides = array<i32>} : memref<128xf32, #tpu.memory_space<vmem>>, vector<16xf32>,
        tpu.vector_store %swap3A_1634[%swap3A_1635], %gather3A_1616 {strides = array<i32>} : memref<128xf32, #tpu.memory_space<vmem>>, vector<16xf32>,
        %swap3A_1637 = arith.constant 3 : i32
        %swap3A_1638 = arith.constant 0 : i32
        %swap3A_1639 = tpu.memref_slice %arg7[%add3A_1614, %swap3A_1637, %swap3A_1638] : memref<8x8x128xf32, #tpu.memory_space<vmem>> -> memref<1x1x128xf32, #tpu.memory_space<vmem>>
        %swap3A_1640 = tpu.memref_squeeze %swap3A_1639 : memref<1x1x128xf32, #tpu.memory_space<vmem>> -> memref<128xf32, #tpu.memory_space<vmem>>
        %swap3A_1641 = arith.constant 16 : index
        %swap3A_1642 = tpu.vector_load %swap3A_1640[%swap3A_1641] {strides = array<i32>} : memref<128xf32, #tpu.memory_space<vmem>>, vector<16xf32>,
        tpu.vector_store %swap3A_1640[%swap3A_1641], %gather3A_1618 {strides = array<i32>} : memref<128xf32, #tpu.memory_space<vmem>>, vector<16xf32>,
        %swap3A_1643 = arith.constant 3 : i32
        %swap3A_1644 = arith.constant 0 : i32
        %swap3A_1645 = tpu.memref_slice %arg7[%add3A_1614, %swap3A_1643, %swap3A_1644] : memref<8x8x128xf32, #tpu.memory_space<vmem>> -> memref<1x1x128xf32, #tpu.memory_space<vmem>>
        %swap3A_1646 = tpu.memref_squeeze %swap3A_1645 : memref<1x1x128xf32, #tpu.memory_space<vmem>> -> memref<128xf32, #tpu.memory_space<vmem>>
        %swap3A_1647 = arith.constant 32 : index
        %swap3A_1648 = tpu.vector_load %swap3A_1646[%swap3A_1647] {strides = array<i32>} : memref<128xf32, #tpu.memory_space<vmem>>, vector<16xf32>,
        tpu.vector_store %swap3A_1646[%swap3A_1647], %gather3A_1620 {strides = array<i32>} : memref<128xf32, #tpu.memory_space<vmem>>, vector<16xf32>,
        %swap3A_1649 = arith.constant 3 : i32
        %swap3A_1650 = arith.constant 0 : i32
        %swap3A_1651 = tpu.memref_slice %arg7[%add3A_1614, %swap3A_1649, %swap3A_1650] : memref<8x8x128xf32, #tpu.memory_space<vmem>> -> memref<1x1x128xf32, #tpu.memory_space<vmem>>
        %swap3A_1652 = tpu.memref_squeeze %swap3A_1651 : memref<1x1x128xf32, #tpu.memory_space<vmem>> -> memref<128xf32, #tpu.memory_space<vmem>>
        %swap3A_1653 = arith.constant 48 : index
        %swap3A_1654 = tpu.vector_load %swap3A_1652[%swap3A_1653] {strides = array<i32>} : memref<128xf32, #tpu.memory_space<vmem>>, vector<16xf32>,
        tpu.vector_store %swap3A_1652[%swap3A_1653], %gather3A_1622 {strides = array<i32>} : memref<128xf32, #tpu.memory_space<vmem>>, vector<16xf32>,
        %swap3A_1655 = arith.constant 3 : i32
        %swap3A_1656 = arith.constant 0 : i32
        %swap3A_1657 = tpu.memref_slice %arg7[%add3A_1614, %swap3A_1655, %swap3A_1656] : memref<8x8x128xf32, #tpu.memory_space<vmem>> -> memref<1x1x128xf32, #tpu.memory_space<vmem>>
        %swap3A_1658 = tpu.memref_squeeze %swap3A_1657 : memref<1x1x128xf32, #tpu.memory_space<vmem>> -> memref<128xf32, #tpu.memory_space<vmem>>
        %swap3A_1659 = arith.constant 64 : index
        %swap3A_1660 = tpu.vector_load %swap3A_1658[%swap3A_1659] {strides = array<i32>} : memref<128xf32, #tpu.memory_space<vmem>>, vector<16xf32>,
        tpu.vector_store %swap3A_1658[%swap3A_1659], %gather3A_1624 {strides = array<i32>} : memref<128xf32, #tpu.memory_space<vmem>>, vector<16xf32>,
        %swap3A_1661 = arith.constant 3 : i32
        %swap3A_1662 = arith.constant 0 : i32
        %swap3A_1663 = tpu.memref_slice %arg7[%add3A_1614, %swap3A_1661, %swap3A_1662] : memref<8x8x128xf32, #tpu.memory_space<vmem>> -> memref<1x1x128xf32, #tpu.memory_space<vmem>>
        %swap3A_1664 = tpu.memref_squeeze %swap3A_1663 : memref<1x1x128xf32, #tpu.memory_space<vmem>> -> memref<128xf32, #tpu.memory_space<vmem>>
        %swap3A_1665 = arith.constant 80 : index
        %swap3A_1666 = tpu.vector_load %swap3A_1664[%swap3A_1665] {strides = array<i32>} : memref<128xf32, #tpu.memory_space<vmem>>, vector<16xf32>,
        tpu.vector_store %swap3A_1664[%swap3A_1665], %gather3A_1626 {strides = array<i32>} : memref<128xf32, #tpu.memory_space<vmem>>, vector<16xf32>,
        %swap3A_1667 = arith.constant 3 : i32
        %swap3A_1668 = arith.constant 0 : i32
        %swap3A_1669 = tpu.memref_slice %arg7[%add3A_1614, %swap3A_1667, %swap3A_1668] : memref<8x8x128xf32, #tpu.memory_space<vmem>> -> memref<1x1x128xf32, #tpu.memory_space<vmem>>
        %swap3A_1670 = tpu.memref_squeeze %swap3A_1669 : memref<1x1x128xf32, #tpu.memory_space<vmem>> -> memref<128xf32, #tpu.memory_space<vmem>>
        %swap3A_1671 = arith.constant 96 : index
        %swap3A_1672 = tpu.vector_load %swap3A_1670[%swap3A_1671] {strides = array<i32>} : memref<128xf32, #tpu.memory_space<vmem>>, vector<16xf32>,
        tpu.vector_store %swap3A_1670[%swap3A_1671], %gather3A_1628 {strides = array<i32>} : memref<128xf32, #tpu.memory_space<vmem>>, vector<16xf32>,
        %swap3A_1673 = arith.constant 3 : i32
        %swap3A_1674 = arith.constant 0 : i32
        %swap3A_1675 = tpu.memref_slice %arg7[%add3A_1614, %swap3A_1673, %swap3A_1674] : memref<8x8x128xf32, #tpu.memory_space<vmem>> -> memref<1x1x128xf32, #tpu.memory_space<vmem>>
        %swap3A_1676 = tpu.memref_squeeze %swap3A_1675 : memref<1x1x128xf32, #tpu.memory_space<vmem>> -> memref<128xf32, #tpu.memory_space<vmem>>
        %swap3A_1677 = arith.constant 112 : index
        %swap3A_1678 = tpu.vector_load %swap3A_1676[%swap3A_1677] {strides = array<i32>} : memref<128xf32, #tpu.memory_space<vmem>>, vector<16xf32>,
        tpu.vector_store %swap3A_1676[%swap3A_1677], %gather3A_1630 {strides = array<i32>} : memref<128xf32, #tpu.memory_space<vmem>>, vector<16xf32>,
        %mul3A_1679 = arith.constant 4 : i32
        %mul3A_1680 = arith.muli %rem3A_250, %mul3A_1679 : i32
        %add3A_1681 = arith.constant 2 : i32
        %add3A_1682 = arith.addi %mul3A_1680, %add3A_1681 : i32
        %add3A_1683 = arith.addi %get3A_278, %broadcast_in_dim3A_47 : vector<16xi32>
        %gather3A_1684 = tpu.vector_load_idx %arg6[%add3A_1683] : memref<32000xf32, #tpu.memory_space<vmem>>[vector<16xi32>], vector<16xf32>,
        %add3A_1685 = arith.addi %get3A_284, %broadcast_in_dim3A_47 : vector<16xi32>
        %gather3A_1686 = tpu.vector_load_idx %arg6[%add3A_1685] : memref<32000xf32, #tpu.memory_space<vmem>>[vector<16xi32>], vector<16xf32>,
        %add3A_1687 = arith.addi %get3A_290, %broadcast_in_dim3A_47 : vector<16xi32>
        %gather3A_1688 = tpu.vector_load_idx %arg6[%add3A_1687] : memref<32000xf32, #tpu.memory_space<vmem>>[vector<16xi32>], vector<16xf32>,
        %add3A_1689 = arith.addi %get3A_296, %broadcast_in_dim3A_47 : vector<16xi32>
        %gather3A_1690 = tpu.vector_load_idx %arg6[%add3A_1689] : memref<32000xf32, #tpu.memory_space<vmem>>[vector<16xi32>], vector<16xf32>,
        %add3A_1691 = arith.addi %get3A_302, %broadcast_in_dim3A_47 : vector<16xi32>
        %gather3A_1692 = tpu.vector_load_idx %arg6[%add3A_1691] : memref<32000xf32, #tpu.memory_space<vmem>>[vector<16xi32>], vector<16xf32>,
        %add3A_1693 = arith.addi %get3A_308, %broadcast_in_dim3A_47 : vector<16xi32>
        %gather3A_1694 = tpu.vector_load_idx %arg6[%add3A_1693] : memref<32000xf32, #tpu.memory_space<vmem>>[vector<16xi32>], vector<16xf32>,
        %add3A_1695 = arith.addi %get3A_314, %broadcast_in_dim3A_47 : vector<16xi32>
        %gather3A_1696 = tpu.vector_load_idx %arg6[%add3A_1695] : memref<32000xf32, #tpu.memory_space<vmem>>[vector<16xi32>], vector<16xf32>,
        %add3A_1697 = arith.addi %get3A_320, %broadcast_in_dim3A_47 : vector<16xi32>
        %gather3A_1698 = tpu.vector_load_idx %arg6[%add3A_1697] : memref<32000xf32, #tpu.memory_space<vmem>>[vector<16xi32>], vector<16xf32>,
        %swap3A_1699 = arith.constant 4 : i32
        %swap3A_1700 = arith.constant 0 : i32
        %swap3A_1701 = tpu.memref_slice %arg7[%add3A_1682, %swap3A_1699, %swap3A_1700] : memref<8x8x128xf32, #tpu.memory_space<vmem>> -> memref<1x1x128xf32, #tpu.memory_space<vmem>>
        %swap3A_1702 = tpu.memref_squeeze %swap3A_1701 : memref<1x1x128xf32, #tpu.memory_space<vmem>> -> memref<128xf32, #tpu.memory_space<vmem>>
        %swap3A_1703 = arith.constant 0 : index
        %swap3A_1704 = tpu.vector_load %swap3A_1702[%swap3A_1703] {strides = array<i32>} : memref<128xf32, #tpu.memory_space<vmem>>, vector<16xf32>,
        tpu.vector_store %swap3A_1702[%swap3A_1703], %gather3A_1684 {strides = array<i32>} : memref<128xf32, #tpu.memory_space<vmem>>, vector<16xf32>,
        %swap3A_1705 = arith.constant 4 : i32
        %swap3A_1706 = arith.constant 0 : i32
        %swap3A_1707 = tpu.memref_slice %arg7[%add3A_1682, %swap3A_1705, %swap3A_1706] : memref<8x8x128xf32, #tpu.memory_space<vmem>> -> memref<1x1x128xf32, #tpu.memory_space<vmem>>
        %swap3A_1708 = tpu.memref_squeeze %swap3A_1707 : memref<1x1x128xf32, #tpu.memory_space<vmem>> -> memref<128xf32, #tpu.memory_space<vmem>>
        %swap3A_1709 = arith.constant 16 : index
        %swap3A_1710 = tpu.vector_load %swap3A_1708[%swap3A_1709] {strides = array<i32>} : memref<128xf32, #tpu.memory_space<vmem>>, vector<16xf32>,
        tpu.vector_store %swap3A_1708[%swap3A_1709], %gather3A_1686 {strides = array<i32>} : memref<128xf32, #tpu.memory_space<vmem>>, vector<16xf32>,
        %swap3A_1711 = arith.constant 4 : i32
        %swap3A_1712 = arith.constant 0 : i32
        %swap3A_1713 = tpu.memref_slice %arg7[%add3A_1682, %swap3A_1711, %swap3A_1712] : memref<8x8x128xf32, #tpu.memory_space<vmem>> -> memref<1x1x128xf32, #tpu.memory_space<vmem>>
        %swap3A_1714 = tpu.memref_squeeze %swap3A_1713 : memref<1x1x128xf32, #tpu.memory_space<vmem>> -> memref<128xf32, #tpu.memory_space<vmem>>
        %swap3A_1715 = arith.constant 32 : index
        %swap3A_1716 = tpu.vector_load %swap3A_1714[%swap3A_1715] {strides = array<i32>} : memref<128xf32, #tpu.memory_space<vmem>>, vector<16xf32>,
        tpu.vector_store %swap3A_1714[%swap3A_1715], %gather3A_1688 {strides = array<i32>} : memref<128xf32, #tpu.memory_space<vmem>>, vector<16xf32>,
        %swap3A_1717 = arith.constant 4 : i32
        %swap3A_1718 = arith.constant 0 : i32
        %swap3A_1719 = tpu.memref_slice %arg7[%add3A_1682, %swap3A_1717, %swap3A_1718] : memref<8x8x128xf32, #tpu.memory_space<vmem>> -> memref<1x1x128xf32, #tpu.memory_space<vmem>>
        %swap3A_1720 = tpu.memref_squeeze %swap3A_1719 : memref<1x1x128xf32, #tpu.memory_space<vmem>> -> memref<128xf32, #tpu.memory_space<vmem>>
        %swap3A_1721 = arith.constant 48 : index
        %swap3A_1722 = tpu.vector_load %swap3A_1720[%swap3A_1721] {strides = array<i32>} : memref<128xf32, #tpu.memory_space<vmem>>, vector<16xf32>,
        tpu.vector_store %swap3A_1720[%swap3A_1721], %gather3A_1690 {strides = array<i32>} : memref<128xf32, #tpu.memory_space<vmem>>, vector<16xf32>,
        %swap3A_1723 = arith.constant 4 : i32
        %swap3A_1724 = arith.constant 0 : i32
        %swap3A_1725 = tpu.memref_slice %arg7[%add3A_1682, %swap3A_1723, %swap3A_1724] : memref<8x8x128xf32, #tpu.memory_space<vmem>> -> memref<1x1x128xf32, #tpu.memory_space<vmem>>
        %swap3A_1726 = tpu.memref_squeeze %swap3A_1725 : memref<1x1x128xf32, #tpu.memory_space<vmem>> -> memref<128xf32, #tpu.memory_space<vmem>>
        %swap3A_1727 = arith.constant 64 : index
        %swap3A_1728 = tpu.vector_load %swap3A_1726[%swap3A_1727] {strides = array<i32>} : memref<128xf32, #tpu.memory_space<vmem>>, vector<16xf32>,
        tpu.vector_store %swap3A_1726[%swap3A_1727], %gather3A_1692 {strides = array<i32>} : memref<128xf32, #tpu.memory_space<vmem>>, vector<16xf32>,
        %swap3A_1729 = arith.constant 4 : i32
        %swap3A_1730 = arith.constant 0 : i32
        %swap3A_1731 = tpu.memref_slice %arg7[%add3A_1682, %swap3A_1729, %swap3A_1730] : memref<8x8x128xf32, #tpu.memory_space<vmem>> -> memref<1x1x128xf32, #tpu.memory_space<vmem>>
        %swap3A_1732 = tpu.memref_squeeze %swap3A_1731 : memref<1x1x128xf32, #tpu.memory_space<vmem>> -> memref<128xf32, #tpu.memory_space<vmem>>
        %swap3A_1733 = arith.constant 80 : index
        %swap3A_1734 = tpu.vector_load %swap3A_1732[%swap3A_1733] {strides = array<i32>} : memref<128xf32, #tpu.memory_space<vmem>>, vector<16xf32>,
        tpu.vector_store %swap3A_1732[%swap3A_1733], %gather3A_1694 {strides = array<i32>} : memref<128xf32, #tpu.memory_space<vmem>>, vector<16xf32>,
        %swap3A_1735 = arith.constant 4 : i32
        %swap3A_1736 = arith.constant 0 : i32
        %swap3A_1737 = tpu.memref_slice %arg7[%add3A_1682, %swap3A_1735, %swap3A_1736] : memref<8x8x128xf32, #tpu.memory_space<vmem>> -> memref<1x1x128xf32, #tpu.memory_space<vmem>>
        %swap3A_1738 = tpu.memref_squeeze %swap3A_1737 : memref<1x1x128xf32, #tpu.memory_space<vmem>> -> memref<128xf32, #tpu.memory_space<vmem>>
        %swap3A_1739 = arith.constant 96 : index
        %swap3A_1740 = tpu.vector_load %swap3A_1738[%swap3A_1739] {strides = array<i32>} : memref<128xf32, #tpu.memory_space<vmem>>, vector<16xf32>,
        tpu.vector_store %swap3A_1738[%swap3A_1739], %gather3A_1696 {strides = array<i32>} : memref<128xf32, #tpu.memory_space<vmem>>, vector<16xf32>,
        %swap3A_1741 = arith.constant 4 : i32
        %swap3A_1742 = arith.constant 0 : i32
        %swap3A_1743 = tpu.memref_slice %arg7[%add3A_1682, %swap3A_1741, %swap3A_1742] : memref<8x8x128xf32, #tpu.memory_space<vmem>> -> memref<1x1x128xf32, #tpu.memory_space<vmem>>
        %swap3A_1744 = tpu.memref_squeeze %swap3A_1743 : memref<1x1x128xf32, #tpu.memory_space<vmem>> -> memref<128xf32, #tpu.memory_space<vmem>>
        %swap3A_1745 = arith.constant 112 : index
        %swap3A_1746 = tpu.vector_load %swap3A_1744[%swap3A_1745] {strides = array<i32>} : memref<128xf32, #tpu.memory_space<vmem>>, vector<16xf32>,
        tpu.vector_store %swap3A_1744[%swap3A_1745], %gather3A_1698 {strides = array<i32>} : memref<128xf32, #tpu.memory_space<vmem>>, vector<16xf32>,
        %mul3A_1747 = arith.constant 4 : i32
        %mul3A_1748 = arith.muli %rem3A_250, %mul3A_1747 : i32
        %add3A_1749 = arith.constant 2 : i32
        %add3A_1750 = arith.addi %mul3A_1748, %add3A_1749 : i32
        %add3A_1751 = arith.addi %get3A_278, %broadcast_in_dim3A_49 : vector<16xi32>
        %gather3A_1752 = tpu.vector_load_idx %arg6[%add3A_1751] : memref<32000xf32, #tpu.memory_space<vmem>>[vector<16xi32>], vector<16xf32>,
        %add3A_1753 = arith.addi %get3A_284, %broadcast_in_dim3A_49 : vector<16xi32>
        %gather3A_1754 = tpu.vector_load_idx %arg6[%add3A_1753] : memref<32000xf32, #tpu.memory_space<vmem>>[vector<16xi32>], vector<16xf32>,
        %add3A_1755 = arith.addi %get3A_290, %broadcast_in_dim3A_49 : vector<16xi32>
        %gather3A_1756 = tpu.vector_load_idx %arg6[%add3A_1755] : memref<32000xf32, #tpu.memory_space<vmem>>[vector<16xi32>], vector<16xf32>,
        %add3A_1757 = arith.addi %get3A_296, %broadcast_in_dim3A_49 : vector<16xi32>
        %gather3A_1758 = tpu.vector_load_idx %arg6[%add3A_1757] : memref<32000xf32, #tpu.memory_space<vmem>>[vector<16xi32>], vector<16xf32>,
        %add3A_1759 = arith.addi %get3A_302, %broadcast_in_dim3A_49 : vector<16xi32>
        %gather3A_1760 = tpu.vector_load_idx %arg6[%add3A_1759] : memref<32000xf32, #tpu.memory_space<vmem>>[vector<16xi32>], vector<16xf32>,
        %add3A_1761 = arith.addi %get3A_308, %broadcast_in_dim3A_49 : vector<16xi32>
        %gather3A_1762 = tpu.vector_load_idx %arg6[%add3A_1761] : memref<32000xf32, #tpu.memory_space<vmem>>[vector<16xi32>], vector<16xf32>,
        %add3A_1763 = arith.addi %get3A_314, %broadcast_in_dim3A_49 : vector<16xi32>
        %gather3A_1764 = tpu.vector_load_idx %arg6[%add3A_1763] : memref<32000xf32, #tpu.memory_space<vmem>>[vector<16xi32>], vector<16xf32>,
        %add3A_1765 = arith.addi %get3A_320, %broadcast_in_dim3A_49 : vector<16xi32>
        %gather3A_1766 = tpu.vector_load_idx %arg6[%add3A_1765] : memref<32000xf32, #tpu.memory_space<vmem>>[vector<16xi32>], vector<16xf32>,
        %swap3A_1767 = arith.constant 5 : i32
        %swap3A_1768 = arith.constant 0 : i32
        %swap3A_1769 = tpu.memref_slice %arg7[%add3A_1750, %swap3A_1767, %swap3A_1768] : memref<8x8x128xf32, #tpu.memory_space<vmem>> -> memref<1x1x128xf32, #tpu.memory_space<vmem>>
        %swap3A_1770 = tpu.memref_squeeze %swap3A_1769 : memref<1x1x128xf32, #tpu.memory_space<vmem>> -> memref<128xf32, #tpu.memory_space<vmem>>
        %swap3A_1771 = arith.constant 0 : index
        %swap3A_1772 = tpu.vector_load %swap3A_1770[%swap3A_1771] {strides = array<i32>} : memref<128xf32, #tpu.memory_space<vmem>>, vector<16xf32>,
        tpu.vector_store %swap3A_1770[%swap3A_1771], %gather3A_1752 {strides = array<i32>} : memref<128xf32, #tpu.memory_space<vmem>>, vector<16xf32>,
        %swap3A_1773 = arith.constant 5 : i32
        %swap3A_1774 = arith.constant 0 : i32
        %swap3A_1775 = tpu.memref_slice %arg7[%add3A_1750, %swap3A_1773, %swap3A_1774] : memref<8x8x128xf32, #tpu.memory_space<vmem>> -> memref<1x1x128xf32, #tpu.memory_space<vmem>>
        %swap3A_1776 = tpu.memref_squeeze %swap3A_1775 : memref<1x1x128xf32, #tpu.memory_space<vmem>> -> memref<128xf32, #tpu.memory_space<vmem>>
        %swap3A_1777 = arith.constant 16 : index
        %swap3A_1778 = tpu.vector_load %swap3A_1776[%swap3A_1777] {strides = array<i32>} : memref<128xf32, #tpu.memory_space<vmem>>, vector<16xf32>,
        tpu.vector_store %swap3A_1776[%swap3A_1777], %gather3A_1754 {strides = array<i32>} : memref<128xf32, #tpu.memory_space<vmem>>, vector<16xf32>,
        %swap3A_1779 = arith.constant 5 : i32
        %swap3A_1780 = arith.constant 0 : i32
        %swap3A_1781 = tpu.memref_slice %arg7[%add3A_1750, %swap3A_1779, %swap3A_1780] : memref<8x8x128xf32, #tpu.memory_space<vmem>> -> memref<1x1x128xf32, #tpu.memory_space<vmem>>
        %swap3A_1782 = tpu.memref_squeeze %swap3A_1781 : memref<1x1x128xf32, #tpu.memory_space<vmem>> -> memref<128xf32, #tpu.memory_space<vmem>>
        %swap3A_1783 = arith.constant 32 : index
        %swap3A_1784 = tpu.vector_load %swap3A_1782[%swap3A_1783] {strides = array<i32>} : memref<128xf32, #tpu.memory_space<vmem>>, vector<16xf32>,
        tpu.vector_store %swap3A_1782[%swap3A_1783], %gather3A_1756 {strides = array<i32>} : memref<128xf32, #tpu.memory_space<vmem>>, vector<16xf32>,
        %swap3A_1785 = arith.constant 5 : i32
        %swap3A_1786 = arith.constant 0 : i32
        %swap3A_1787 = tpu.memref_slice %arg7[%add3A_1750, %swap3A_1785, %swap3A_1786] : memref<8x8x128xf32, #tpu.memory_space<vmem>> -> memref<1x1x128xf32, #tpu.memory_space<vmem>>
        %swap3A_1788 = tpu.memref_squeeze %swap3A_1787 : memref<1x1x128xf32, #tpu.memory_space<vmem>> -> memref<128xf32, #tpu.memory_space<vmem>>
        %swap3A_1789 = arith.constant 48 : index
        %swap3A_1790 = tpu.vector_load %swap3A_1788[%swap3A_1789] {strides = array<i32>} : memref<128xf32, #tpu.memory_space<vmem>>, vector<16xf32>,
        tpu.vector_store %swap3A_1788[%swap3A_1789], %gather3A_1758 {strides = array<i32>} : memref<128xf32, #tpu.memory_space<vmem>>, vector<16xf32>,
        %swap3A_1791 = arith.constant 5 : i32
        %swap3A_1792 = arith.constant 0 : i32
        %swap3A_1793 = tpu.memref_slice %arg7[%add3A_1750, %swap3A_1791, %swap3A_1792] : memref<8x8x128xf32, #tpu.memory_space<vmem>> -> memref<1x1x128xf32, #tpu.memory_space<vmem>>
        %swap3A_1794 = tpu.memref_squeeze %swap3A_1793 : memref<1x1x128xf32, #tpu.memory_space<vmem>> -> memref<128xf32, #tpu.memory_space<vmem>>
        %swap3A_1795 = arith.constant 64 : index
        %swap3A_1796 = tpu.vector_load %swap3A_1794[%swap3A_1795] {strides = array<i32>} : memref<128xf32, #tpu.memory_space<vmem>>, vector<16xf32>,
        tpu.vector_store %swap3A_1794[%swap3A_1795], %gather3A_1760 {strides = array<i32>} : memref<128xf32, #tpu.memory_space<vmem>>, vector<16xf32>,
        %swap3A_1797 = arith.constant 5 : i32
        %swap3A_1798 = arith.constant 0 : i32
        %swap3A_1799 = tpu.memref_slice %arg7[%add3A_1750, %swap3A_1797, %swap3A_1798] : memref<8x8x128xf32, #tpu.memory_space<vmem>> -> memref<1x1x128xf32, #tpu.memory_space<vmem>>
        %swap3A_1800 = tpu.memref_squeeze %swap3A_1799 : memref<1x1x128xf32, #tpu.memory_space<vmem>> -> memref<128xf32, #tpu.memory_space<vmem>>
        %swap3A_1801 = arith.constant 80 : index
        %swap3A_1802 = tpu.vector_load %swap3A_1800[%swap3A_1801] {strides = array<i32>} : memref<128xf32, #tpu.memory_space<vmem>>, vector<16xf32>,
        tpu.vector_store %swap3A_1800[%swap3A_1801], %gather3A_1762 {strides = array<i32>} : memref<128xf32, #tpu.memory_space<vmem>>, vector<16xf32>,
        %swap3A_1803 = arith.constant 5 : i32
        %swap3A_1804 = arith.constant 0 : i32
        %swap3A_1805 = tpu.memref_slice %arg7[%add3A_1750, %swap3A_1803, %swap3A_1804] : memref<8x8x128xf32, #tpu.memory_space<vmem>> -> memref<1x1x128xf32, #tpu.memory_space<vmem>>
        %swap3A_1806 = tpu.memref_squeeze %swap3A_1805 : memref<1x1x128xf32, #tpu.memory_space<vmem>> -> memref<128xf32, #tpu.memory_space<vmem>>
        %swap3A_1807 = arith.constant 96 : index
        %swap3A_1808 = tpu.vector_load %swap3A_1806[%swap3A_1807] {strides = array<i32>} : memref<128xf32, #tpu.memory_space<vmem>>, vector<16xf32>,
        tpu.vector_store %swap3A_1806[%swap3A_1807], %gather3A_1764 {strides = array<i32>} : memref<128xf32, #tpu.memory_space<vmem>>, vector<16xf32>,
        %swap3A_1809 = arith.constant 5 : i32
        %swap3A_1810 = arith.constant 0 : i32
        %swap3A_1811 = tpu.memref_slice %arg7[%add3A_1750, %swap3A_1809, %swap3A_1810] : memref<8x8x128xf32, #tpu.memory_space<vmem>> -> memref<1x1x128xf32, #tpu.memory_space<vmem>>
        %swap3A_1812 = tpu.memref_squeeze %swap3A_1811 : memref<1x1x128xf32, #tpu.memory_space<vmem>> -> memref<128xf32, #tpu.memory_space<vmem>>
        %swap3A_1813 = arith.constant 112 : index
        %swap3A_1814 = tpu.vector_load %swap3A_1812[%swap3A_1813] {strides = array<i32>} : memref<128xf32, #tpu.memory_space<vmem>>, vector<16xf32>,
        tpu.vector_store %swap3A_1812[%swap3A_1813], %gather3A_1766 {strides = array<i32>} : memref<128xf32, #tpu.memory_space<vmem>>, vector<16xf32>,
        %mul3A_1815 = arith.constant 4 : i32
        %mul3A_1816 = arith.muli %rem3A_250, %mul3A_1815 : i32
        %add3A_1817 = arith.constant 2 : i32
        %add3A_1818 = arith.addi %mul3A_1816, %add3A_1817 : i32
        %add3A_1819 = arith.addi %get3A_278, %broadcast_in_dim3A_51 : vector<16xi32>
        %gather3A_1820 = tpu.vector_load_idx %arg6[%add3A_1819] : memref<32000xf32, #tpu.memory_space<vmem>>[vector<16xi32>], vector<16xf32>,
        %add3A_1821 = arith.addi %get3A_284, %broadcast_in_dim3A_51 : vector<16xi32>
        %gather3A_1822 = tpu.vector_load_idx %arg6[%add3A_1821] : memref<32000xf32, #tpu.memory_space<vmem>>[vector<16xi32>], vector<16xf32>,
        %add3A_1823 = arith.addi %get3A_290, %broadcast_in_dim3A_51 : vector<16xi32>
        %gather3A_1824 = tpu.vector_load_idx %arg6[%add3A_1823] : memref<32000xf32, #tpu.memory_space<vmem>>[vector<16xi32>], vector<16xf32>,
        %add3A_1825 = arith.addi %get3A_296, %broadcast_in_dim3A_51 : vector<16xi32>
        %gather3A_1826 = tpu.vector_load_idx %arg6[%add3A_1825] : memref<32000xf32, #tpu.memory_space<vmem>>[vector<16xi32>], vector<16xf32>,
        %add3A_1827 = arith.addi %get3A_302, %broadcast_in_dim3A_51 : vector<16xi32>
        %gather3A_1828 = tpu.vector_load_idx %arg6[%add3A_1827] : memref<32000xf32, #tpu.memory_space<vmem>>[vector<16xi32>], vector<16xf32>,
        %add3A_1829 = arith.addi %get3A_308, %broadcast_in_dim3A_51 : vector<16xi32>
        %gather3A_1830 = tpu.vector_load_idx %arg6[%add3A_1829] : memref<32000xf32, #tpu.memory_space<vmem>>[vector<16xi32>], vector<16xf32>,
        %add3A_1831 = arith.addi %get3A_314, %broadcast_in_dim3A_51 : vector<16xi32>
        %gather3A_1832 = tpu.vector_load_idx %arg6[%add3A_1831] : memref<32000xf32, #tpu.memory_space<vmem>>[vector<16xi32>], vector<16xf32>,
        %add3A_1833 = arith.addi %get3A_320, %broadcast_in_dim3A_51 : vector<16xi32>
        %gather3A_1834 = tpu.vector_load_idx %arg6[%add3A_1833] : memref<32000xf32, #tpu.memory_space<vmem>>[vector<16xi32>], vector<16xf32>,
        %swap3A_1835 = arith.constant 6 : i32
        %swap3A_1836 = arith.constant 0 : i32
        %swap3A_1837 = tpu.memref_slice %arg7[%add3A_1818, %swap3A_1835, %swap3A_1836] : memref<8x8x128xf32, #tpu.memory_space<vmem>> -> memref<1x1x128xf32, #tpu.memory_space<vmem>>
        %swap3A_1838 = tpu.memref_squeeze %swap3A_1837 : memref<1x1x128xf32, #tpu.memory_space<vmem>> -> memref<128xf32, #tpu.memory_space<vmem>>
        %swap3A_1839 = arith.constant 0 : index
        %swap3A_1840 = tpu.vector_load %swap3A_1838[%swap3A_1839] {strides = array<i32>} : memref<128xf32, #tpu.memory_space<vmem>>, vector<16xf32>,
        tpu.vector_store %swap3A_1838[%swap3A_1839], %gather3A_1820 {strides = array<i32>} : memref<128xf32, #tpu.memory_space<vmem>>, vector<16xf32>,
        %swap3A_1841 = arith.constant 6 : i32
        %swap3A_1842 = arith.constant 0 : i32
        %swap3A_1843 = tpu.memref_slice %arg7[%add3A_1818, %swap3A_1841, %swap3A_1842] : memref<8x8x128xf32, #tpu.memory_space<vmem>> -> memref<1x1x128xf32, #tpu.memory_space<vmem>>
        %swap3A_1844 = tpu.memref_squeeze %swap3A_1843 : memref<1x1x128xf32, #tpu.memory_space<vmem>> -> memref<128xf32, #tpu.memory_space<vmem>>
        %swap3A_1845 = arith.constant 16 : index
        %swap3A_1846 = tpu.vector_load %swap3A_1844[%swap3A_1845] {strides = array<i32>} : memref<128xf32, #tpu.memory_space<vmem>>, vector<16xf32>,
        tpu.vector_store %swap3A_1844[%swap3A_1845], %gather3A_1822 {strides = array<i32>} : memref<128xf32, #tpu.memory_space<vmem>>, vector<16xf32>,
        %swap3A_1847 = arith.constant 6 : i32
        %swap3A_1848 = arith.constant 0 : i32
        %swap3A_1849 = tpu.memref_slice %arg7[%add3A_1818, %swap3A_1847, %swap3A_1848] : memref<8x8x128xf32, #tpu.memory_space<vmem>> -> memref<1x1x128xf32, #tpu.memory_space<vmem>>
        %swap3A_1850 = tpu.memref_squeeze %swap3A_1849 : memref<1x1x128xf32, #tpu.memory_space<vmem>> -> memref<128xf32, #tpu.memory_space<vmem>>
        %swap3A_1851 = arith.constant 32 : index
        %swap3A_1852 = tpu.vector_load %swap3A_1850[%swap3A_1851] {strides = array<i32>} : memref<128xf32, #tpu.memory_space<vmem>>, vector<16xf32>,
        tpu.vector_store %swap3A_1850[%swap3A_1851], %gather3A_1824 {strides = array<i32>} : memref<128xf32, #tpu.memory_space<vmem>>, vector<16xf32>,
        %swap3A_1853 = arith.constant 6 : i32
        %swap3A_1854 = arith.constant 0 : i32
        %swap3A_1855 = tpu.memref_slice %arg7[%add3A_1818, %swap3A_1853, %swap3A_1854] : memref<8x8x128xf32, #tpu.memory_space<vmem>> -> memref<1x1x128xf32, #tpu.memory_space<vmem>>
        %swap3A_1856 = tpu.memref_squeeze %swap3A_1855 : memref<1x1x128xf32, #tpu.memory_space<vmem>> -> memref<128xf32, #tpu.memory_space<vmem>>
        %swap3A_1857 = arith.constant 48 : index
        %swap3A_1858 = tpu.vector_load %swap3A_1856[%swap3A_1857] {strides = array<i32>} : memref<128xf32, #tpu.memory_space<vmem>>, vector<16xf32>,
        tpu.vector_store %swap3A_1856[%swap3A_1857], %gather3A_1826 {strides = array<i32>} : memref<128xf32, #tpu.memory_space<vmem>>, vector<16xf32>,
        %swap3A_1859 = arith.constant 6 : i32
        %swap3A_1860 = arith.constant 0 : i32
        %swap3A_1861 = tpu.memref_slice %arg7[%add3A_1818, %swap3A_1859, %swap3A_1860] : memref<8x8x128xf32, #tpu.memory_space<vmem>> -> memref<1x1x128xf32, #tpu.memory_space<vmem>>
        %swap3A_1862 = tpu.memref_squeeze %swap3A_1861 : memref<1x1x128xf32, #tpu.memory_space<vmem>> -> memref<128xf32, #tpu.memory_space<vmem>>
        %swap3A_1863 = arith.constant 64 : index
        %swap3A_1864 = tpu.vector_load %swap3A_1862[%swap3A_1863] {strides = array<i32>} : memref<128xf32, #tpu.memory_space<vmem>>, vector<16xf32>,
        tpu.vector_store %swap3A_1862[%swap3A_1863], %gather3A_1828 {strides = array<i32>} : memref<128xf32, #tpu.memory_space<vmem>>, vector<16xf32>,
        %swap3A_1865 = arith.constant 6 : i32
        %swap3A_1866 = arith.constant 0 : i32
        %swap3A_1867 = tpu.memref_slice %arg7[%add3A_1818, %swap3A_1865, %swap3A_1866] : memref<8x8x128xf32, #tpu.memory_space<vmem>> -> memref<1x1x128xf32, #tpu.memory_space<vmem>>
        %swap3A_1868 = tpu.memref_squeeze %swap3A_1867 : memref<1x1x128xf32, #tpu.memory_space<vmem>> -> memref<128xf32, #tpu.memory_space<vmem>>
        %swap3A_1869 = arith.constant 80 : index
        %swap3A_1870 = tpu.vector_load %swap3A_1868[%swap3A_1869] {strides = array<i32>} : memref<128xf32, #tpu.memory_space<vmem>>, vector<16xf32>,
        tpu.vector_store %swap3A_1868[%swap3A_1869], %gather3A_1830 {strides = array<i32>} : memref<128xf32, #tpu.memory_space<vmem>>, vector<16xf32>,
        %swap3A_1871 = arith.constant 6 : i32
        %swap3A_1872 = arith.constant 0 : i32
        %swap3A_1873 = tpu.memref_slice %arg7[%add3A_1818, %swap3A_1871, %swap3A_1872] : memref<8x8x128xf32, #tpu.memory_space<vmem>> -> memref<1x1x128xf32, #tpu.memory_space<vmem>>
        %swap3A_1874 = tpu.memref_squeeze %swap3A_1873 : memref<1x1x128xf32, #tpu.memory_space<vmem>> -> memref<128xf32, #tpu.memory_space<vmem>>
        %swap3A_1875 = arith.constant 96 : index
        %swap3A_1876 = tpu.vector_load %swap3A_1874[%swap3A_1875] {strides = array<i32>} : memref<128xf32, #tpu.memory_space<vmem>>, vector<16xf32>,
        tpu.vector_store %swap3A_1874[%swap3A_1875], %gather3A_1832 {strides = array<i32>} : memref<128xf32, #tpu.memory_space<vmem>>, vector<16xf32>,
        %swap3A_1877 = arith.constant 6 : i32
        %swap3A_1878 = arith.constant 0 : i32
        %swap3A_1879 = tpu.memref_slice %arg7[%add3A_1818, %swap3A_1877, %swap3A_1878] : memref<8x8x128xf32, #tpu.memory_space<vmem>> -> memref<1x1x128xf32, #tpu.memory_space<vmem>>
        %swap3A_1880 = tpu.memref_squeeze %swap3A_1879 : memref<1x1x128xf32, #tpu.memory_space<vmem>> -> memref<128xf32, #tpu.memory_space<vmem>>
        %swap3A_1881 = arith.constant 112 : index
        %swap3A_1882 = tpu.vector_load %swap3A_1880[%swap3A_1881] {strides = array<i32>} : memref<128xf32, #tpu.memory_space<vmem>>, vector<16xf32>,
        tpu.vector_store %swap3A_1880[%swap3A_1881], %gather3A_1834 {strides = array<i32>} : memref<128xf32, #tpu.memory_space<vmem>>, vector<16xf32>,
        %mul3A_1883 = arith.constant 4 : i32
        %mul3A_1884 = arith.muli %rem3A_250, %mul3A_1883 : i32
        %add3A_1885 = arith.constant 2 : i32
        %add3A_1886 = arith.addi %mul3A_1884, %add3A_1885 : i32
        %add3A_1887 = arith.addi %get3A_278, %broadcast_in_dim3A_53 : vector<16xi32>
        %gather3A_1888 = tpu.vector_load_idx %arg6[%add3A_1887] : memref<32000xf32, #tpu.memory_space<vmem>>[vector<16xi32>], vector<16xf32>,
        %add3A_1889 = arith.addi %get3A_284, %broadcast_in_dim3A_53 : vector<16xi32>
        %gather3A_1890 = tpu.vector_load_idx %arg6[%add3A_1889] : memref<32000xf32, #tpu.memory_space<vmem>>[vector<16xi32>], vector<16xf32>,
        %add3A_1891 = arith.addi %get3A_290, %broadcast_in_dim3A_53 : vector<16xi32>
        %gather3A_1892 = tpu.vector_load_idx %arg6[%add3A_1891] : memref<32000xf32, #tpu.memory_space<vmem>>[vector<16xi32>], vector<16xf32>,
        %add3A_1893 = arith.addi %get3A_296, %broadcast_in_dim3A_53 : vector<16xi32>
        %gather3A_1894 = tpu.vector_load_idx %arg6[%add3A_1893] : memref<32000xf32, #tpu.memory_space<vmem>>[vector<16xi32>], vector<16xf32>,
        %add3A_1895 = arith.addi %get3A_302, %broadcast_in_dim3A_53 : vector<16xi32>
        %gather3A_1896 = tpu.vector_load_idx %arg6[%add3A_1895] : memref<32000xf32, #tpu.memory_space<vmem>>[vector<16xi32>], vector<16xf32>,
        %add3A_1897 = arith.addi %get3A_308, %broadcast_in_dim3A_53 : vector<16xi32>
        %gather3A_1898 = tpu.vector_load_idx %arg6[%add3A_1897] : memref<32000xf32, #tpu.memory_space<vmem>>[vector<16xi32>], vector<16xf32>,
        %add3A_1899 = arith.addi %get3A_314, %broadcast_in_dim3A_53 : vector<16xi32>
        %gather3A_1900 = tpu.vector_load_idx %arg6[%add3A_1899] : memref<32000xf32, #tpu.memory_space<vmem>>[vector<16xi32>], vector<16xf32>,
        %add3A_1901 = arith.addi %get3A_320, %broadcast_in_dim3A_53 : vector<16xi32>
        %gather3A_1902 = tpu.vector_load_idx %arg6[%add3A_1901] : memref<32000xf32, #tpu.memory_space<vmem>>[vector<16xi32>], vector<16xf32>,
        %swap3A_1903 = arith.constant 7 : i32
        %swap3A_1904 = arith.constant 0 : i32
        %swap3A_1905 = tpu.memref_slice %arg7[%add3A_1886, %swap3A_1903, %swap3A_1904] : memref<8x8x128xf32, #tpu.memory_space<vmem>> -> memref<1x1x128xf32, #tpu.memory_space<vmem>>
        %swap3A_1906 = tpu.memref_squeeze %swap3A_1905 : memref<1x1x128xf32, #tpu.memory_space<vmem>> -> memref<128xf32, #tpu.memory_space<vmem>>
        %swap3A_1907 = arith.constant 0 : index
        %swap3A_1908 = tpu.vector_load %swap3A_1906[%swap3A_1907] {strides = array<i32>} : memref<128xf32, #tpu.memory_space<vmem>>, vector<16xf32>,
        tpu.vector_store %swap3A_1906[%swap3A_1907], %gather3A_1888 {strides = array<i32>} : memref<128xf32, #tpu.memory_space<vmem>>, vector<16xf32>,
        %swap3A_1909 = arith.constant 7 : i32
        %swap3A_1910 = arith.constant 0 : i32
        %swap3A_1911 = tpu.memref_slice %arg7[%add3A_1886, %swap3A_1909, %swap3A_1910] : memref<8x8x128xf32, #tpu.memory_space<vmem>> -> memref<1x1x128xf32, #tpu.memory_space<vmem>>
        %swap3A_1912 = tpu.memref_squeeze %swap3A_1911 : memref<1x1x128xf32, #tpu.memory_space<vmem>> -> memref<128xf32, #tpu.memory_space<vmem>>
        %swap3A_1913 = arith.constant 16 : index
        %swap3A_1914 = tpu.vector_load %swap3A_1912[%swap3A_1913] {strides = array<i32>} : memref<128xf32, #tpu.memory_space<vmem>>, vector<16xf32>,
        tpu.vector_store %swap3A_1912[%swap3A_1913], %gather3A_1890 {strides = array<i32>} : memref<128xf32, #tpu.memory_space<vmem>>, vector<16xf32>,
        %swap3A_1915 = arith.constant 7 : i32
        %swap3A_1916 = arith.constant 0 : i32
        %swap3A_1917 = tpu.memref_slice %arg7[%add3A_1886, %swap3A_1915, %swap3A_1916] : memref<8x8x128xf32, #tpu.memory_space<vmem>> -> memref<1x1x128xf32, #tpu.memory_space<vmem>>
        %swap3A_1918 = tpu.memref_squeeze %swap3A_1917 : memref<1x1x128xf32, #tpu.memory_space<vmem>> -> memref<128xf32, #tpu.memory_space<vmem>>
        %swap3A_1919 = arith.constant 32 : index
        %swap3A_1920 = tpu.vector_load %swap3A_1918[%swap3A_1919] {strides = array<i32>} : memref<128xf32, #tpu.memory_space<vmem>>, vector<16xf32>,
        tpu.vector_store %swap3A_1918[%swap3A_1919], %gather3A_1892 {strides = array<i32>} : memref<128xf32, #tpu.memory_space<vmem>>, vector<16xf32>,
        %swap3A_1921 = arith.constant 7 : i32
        %swap3A_1922 = arith.constant 0 : i32
        %swap3A_1923 = tpu.memref_slice %arg7[%add3A_1886, %swap3A_1921, %swap3A_1922] : memref<8x8x128xf32, #tpu.memory_space<vmem>> -> memref<1x1x128xf32, #tpu.memory_space<vmem>>
        %swap3A_1924 = tpu.memref_squeeze %swap3A_1923 : memref<1x1x128xf32, #tpu.memory_space<vmem>> -> memref<128xf32, #tpu.memory_space<vmem>>
        %swap3A_1925 = arith.constant 48 : index
        %swap3A_1926 = tpu.vector_load %swap3A_1924[%swap3A_1925] {strides = array<i32>} : memref<128xf32, #tpu.memory_space<vmem>>, vector<16xf32>,
        tpu.vector_store %swap3A_1924[%swap3A_1925], %gather3A_1894 {strides = array<i32>} : memref<128xf32, #tpu.memory_space<vmem>>, vector<16xf32>,
        %swap3A_1927 = arith.constant 7 : i32
        %swap3A_1928 = arith.constant 0 : i32
        %swap3A_1929 = tpu.memref_slice %arg7[%add3A_1886, %swap3A_1927, %swap3A_1928] : memref<8x8x128xf32, #tpu.memory_space<vmem>> -> memref<1x1x128xf32, #tpu.memory_space<vmem>>
        %swap3A_1930 = tpu.memref_squeeze %swap3A_1929 : memref<1x1x128xf32, #tpu.memory_space<vmem>> -> memref<128xf32, #tpu.memory_space<vmem>>
        %swap3A_1931 = arith.constant 64 : index
        %swap3A_1932 = tpu.vector_load %swap3A_1930[%swap3A_1931] {strides = array<i32>} : memref<128xf32, #tpu.memory_space<vmem>>, vector<16xf32>,
        tpu.vector_store %swap3A_1930[%swap3A_1931], %gather3A_1896 {strides = array<i32>} : memref<128xf32, #tpu.memory_space<vmem>>, vector<16xf32>,
        %swap3A_1933 = arith.constant 7 : i32
        %swap3A_1934 = arith.constant 0 : i32
        %swap3A_1935 = tpu.memref_slice %arg7[%add3A_1886, %swap3A_1933, %swap3A_1934] : memref<8x8x128xf32, #tpu.memory_space<vmem>> -> memref<1x1x128xf32, #tpu.memory_space<vmem>>
        %swap3A_1936 = tpu.memref_squeeze %swap3A_1935 : memref<1x1x128xf32, #tpu.memory_space<vmem>> -> memref<128xf32, #tpu.memory_space<vmem>>
        %swap3A_1937 = arith.constant 80 : index
        %swap3A_1938 = tpu.vector_load %swap3A_1936[%swap3A_1937] {strides = array<i32>} : memref<128xf32, #tpu.memory_space<vmem>>, vector<16xf32>,
        tpu.vector_store %swap3A_1936[%swap3A_1937], %gather3A_1898 {strides = array<i32>} : memref<128xf32, #tpu.memory_space<vmem>>, vector<16xf32>,
        %swap3A_1939 = arith.constant 7 : i32
        %swap3A_1940 = arith.constant 0 : i32
        %swap3A_1941 = tpu.memref_slice %arg7[%add3A_1886, %swap3A_1939, %swap3A_1940] : memref<8x8x128xf32, #tpu.memory_space<vmem>> -> memref<1x1x128xf32, #tpu.memory_space<vmem>>
        %swap3A_1942 = tpu.memref_squeeze %swap3A_1941 : memref<1x1x128xf32, #tpu.memory_space<vmem>> -> memref<128xf32, #tpu.memory_space<vmem>>
        %swap3A_1943 = arith.constant 96 : index
        %swap3A_1944 = tpu.vector_load %swap3A_1942[%swap3A_1943] {strides = array<i32>} : memref<128xf32, #tpu.memory_space<vmem>>, vector<16xf32>,
        tpu.vector_store %swap3A_1942[%swap3A_1943], %gather3A_1900 {strides = array<i32>} : memref<128xf32, #tpu.memory_space<vmem>>, vector<16xf32>,
        %swap3A_1945 = arith.constant 7 : i32
        %swap3A_1946 = arith.constant 0 : i32
        %swap3A_1947 = tpu.memref_slice %arg7[%add3A_1886, %swap3A_1945, %swap3A_1946] : memref<8x8x128xf32, #tpu.memory_space<vmem>> -> memref<1x1x128xf32, #tpu.memory_space<vmem>>
        %swap3A_1948 = tpu.memref_squeeze %swap3A_1947 : memref<1x1x128xf32, #tpu.memory_space<vmem>> -> memref<128xf32, #tpu.memory_space<vmem>>
        %swap3A_1949 = arith.constant 112 : index
        %swap3A_1950 = tpu.vector_load %swap3A_1948[%swap3A_1949] {strides = array<i32>} : memref<128xf32, #tpu.memory_space<vmem>>, vector<16xf32>,
        tpu.vector_store %swap3A_1948[%swap3A_1949], %gather3A_1902 {strides = array<i32>} : memref<128xf32, #tpu.memory_space<vmem>>, vector<16xf32>,
        %mul3A_1951 = arith.constant 4 : i32
        %mul3A_1952 = arith.muli %rem3A_250, %mul3A_1951 : i32
        %add3A_1953 = arith.constant 3 : i32
        %add3A_1954 = arith.addi %mul3A_1952, %add3A_1953 : i32
        %add3A_1955 = arith.addi %get3A_278, %broadcast_in_dim3A_55 : vector<16xi32>
        %gather3A_1956 = tpu.vector_load_idx %arg6[%add3A_1955] : memref<32000xf32, #tpu.memory_space<vmem>>[vector<16xi32>], vector<16xf32>,
        %add3A_1957 = arith.addi %get3A_284, %broadcast_in_dim3A_55 : vector<16xi32>
        %gather3A_1958 = tpu.vector_load_idx %arg6[%add3A_1957] : memref<32000xf32, #tpu.memory_space<vmem>>[vector<16xi32>], vector<16xf32>,
        %add3A_1959 = arith.addi %get3A_290, %broadcast_in_dim3A_55 : vector<16xi32>
        %gather3A_1960 = tpu.vector_load_idx %arg6[%add3A_1959] : memref<32000xf32, #tpu.memory_space<vmem>>[vector<16xi32>], vector<16xf32>,
        %add3A_1961 = arith.addi %get3A_296, %broadcast_in_dim3A_55 : vector<16xi32>
        %gather3A_1962 = tpu.vector_load_idx %arg6[%add3A_1961] : memref<32000xf32, #tpu.memory_space<vmem>>[vector<16xi32>], vector<16xf32>,
        %add3A_1963 = arith.addi %get3A_302, %broadcast_in_dim3A_55 : vector<16xi32>
        %gather3A_1964 = tpu.vector_load_idx %arg6[%add3A_1963] : memref<32000xf32, #tpu.memory_space<vmem>>[vector<16xi32>], vector<16xf32>,
        %add3A_1965 = arith.addi %get3A_308, %broadcast_in_dim3A_55 : vector<16xi32>
        %gather3A_1966 = tpu.vector_load_idx %arg6[%add3A_1965] : memref<32000xf32, #tpu.memory_space<vmem>>[vector<16xi32>], vector<16xf32>,
        %add3A_1967 = arith.addi %get3A_314, %broadcast_in_dim3A_55 : vector<16xi32>
        %gather3A_1968 = tpu.vector_load_idx %arg6[%add3A_1967] : memref<32000xf32, #tpu.memory_space<vmem>>[vector<16xi32>], vector<16xf32>,
        %add3A_1969 = arith.addi %get3A_320, %broadcast_in_dim3A_55 : vector<16xi32>
        %gather3A_1970 = tpu.vector_load_idx %arg6[%add3A_1969] : memref<32000xf32, #tpu.memory_space<vmem>>[vector<16xi32>], vector<16xf32>,
        %swap3A_1971 = arith.constant 0 : i32
        %swap3A_1972 = arith.constant 0 : i32
        %swap3A_1973 = tpu.memref_slice %arg7[%add3A_1954, %swap3A_1971, %swap3A_1972] : memref<8x8x128xf32, #tpu.memory_space<vmem>> -> memref<1x1x128xf32, #tpu.memory_space<vmem>>
        %swap3A_1974 = tpu.memref_squeeze %swap3A_1973 : memref<1x1x128xf32, #tpu.memory_space<vmem>> -> memref<128xf32, #tpu.memory_space<vmem>>
        %swap3A_1975 = arith.constant 0 : index
        %swap3A_1976 = tpu.vector_load %swap3A_1974[%swap3A_1975] {strides = array<i32>} : memref<128xf32, #tpu.memory_space<vmem>>, vector<16xf32>,
        tpu.vector_store %swap3A_1974[%swap3A_1975], %gather3A_1956 {strides = array<i32>} : memref<128xf32, #tpu.memory_space<vmem>>, vector<16xf32>,
        %swap3A_1977 = arith.constant 0 : i32
        %swap3A_1978 = arith.constant 0 : i32
        %swap3A_1979 = tpu.memref_slice %arg7[%add3A_1954, %swap3A_1977, %swap3A_1978] : memref<8x8x128xf32, #tpu.memory_space<vmem>> -> memref<1x1x128xf32, #tpu.memory_space<vmem>>
        %swap3A_1980 = tpu.memref_squeeze %swap3A_1979 : memref<1x1x128xf32, #tpu.memory_space<vmem>> -> memref<128xf32, #tpu.memory_space<vmem>>
        %swap3A_1981 = arith.constant 16 : index
        %swap3A_1982 = tpu.vector_load %swap3A_1980[%swap3A_1981] {strides = array<i32>} : memref<128xf32, #tpu.memory_space<vmem>>, vector<16xf32>,
        tpu.vector_store %swap3A_1980[%swap3A_1981], %gather3A_1958 {strides = array<i32>} : memref<128xf32, #tpu.memory_space<vmem>>, vector<16xf32>,
        %swap3A_1983 = arith.constant 0 : i32
        %swap3A_1984 = arith.constant 0 : i32
        %swap3A_1985 = tpu.memref_slice %arg7[%add3A_1954, %swap3A_1983, %swap3A_1984] : memref<8x8x128xf32, #tpu.memory_space<vmem>> -> memref<1x1x128xf32, #tpu.memory_space<vmem>>
        %swap3A_1986 = tpu.memref_squeeze %swap3A_1985 : memref<1x1x128xf32, #tpu.memory_space<vmem>> -> memref<128xf32, #tpu.memory_space<vmem>>
        %swap3A_1987 = arith.constant 32 : index
        %swap3A_1988 = tpu.vector_load %swap3A_1986[%swap3A_1987] {strides = array<i32>} : memref<128xf32, #tpu.memory_space<vmem>>, vector<16xf32>,
        tpu.vector_store %swap3A_1986[%swap3A_1987], %gather3A_1960 {strides = array<i32>} : memref<128xf32, #tpu.memory_space<vmem>>, vector<16xf32>,
        %swap3A_1989 = arith.constant 0 : i32
        %swap3A_1990 = arith.constant 0 : i32
        %swap3A_1991 = tpu.memref_slice %arg7[%add3A_1954, %swap3A_1989, %swap3A_1990] : memref<8x8x128xf32, #tpu.memory_space<vmem>> -> memref<1x1x128xf32, #tpu.memory_space<vmem>>
        %swap3A_1992 = tpu.memref_squeeze %swap3A_1991 : memref<1x1x128xf32, #tpu.memory_space<vmem>> -> memref<128xf32, #tpu.memory_space<vmem>>
        %swap3A_1993 = arith.constant 48 : index
        %swap3A_1994 = tpu.vector_load %swap3A_1992[%swap3A_1993] {strides = array<i32>} : memref<128xf32, #tpu.memory_space<vmem>>, vector<16xf32>,
        tpu.vector_store %swap3A_1992[%swap3A_1993], %gather3A_1962 {strides = array<i32>} : memref<128xf32, #tpu.memory_space<vmem>>, vector<16xf32>,
        %swap3A_1995 = arith.constant 0 : i32
        %swap3A_1996 = arith.constant 0 : i32
        %swap3A_1997 = tpu.memref_slice %arg7[%add3A_1954, %swap3A_1995, %swap3A_1996] : memref<8x8x128xf32, #tpu.memory_space<vmem>> -> memref<1x1x128xf32, #tpu.memory_space<vmem>>
        %swap3A_1998 = tpu.memref_squeeze %swap3A_1997 : memref<1x1x128xf32, #tpu.memory_space<vmem>> -> memref<128xf32, #tpu.memory_space<vmem>>
        %swap3A_1999 = arith.constant 64 : index
        %swap3A_2000 = tpu.vector_load %swap3A_1998[%swap3A_1999] {strides = array<i32>} : memref<128xf32, #tpu.memory_space<vmem>>, vector<16xf32>,
        tpu.vector_store %swap3A_1998[%swap3A_1999], %gather3A_1964 {strides = array<i32>} : memref<128xf32, #tpu.memory_space<vmem>>, vector<16xf32>,
        %swap3A_2001 = arith.constant 0 : i32
        %swap3A_2002 = arith.constant 0 : i32
        %swap3A_2003 = tpu.memref_slice %arg7[%add3A_1954, %swap3A_2001, %swap3A_2002] : memref<8x8x128xf32, #tpu.memory_space<vmem>> -> memref<1x1x128xf32, #tpu.memory_space<vmem>>
        %swap3A_2004 = tpu.memref_squeeze %swap3A_2003 : memref<1x1x128xf32, #tpu.memory_space<vmem>> -> memref<128xf32, #tpu.memory_space<vmem>>
        %swap3A_2005 = arith.constant 80 : index
        %swap3A_2006 = tpu.vector_load %swap3A_2004[%swap3A_2005] {strides = array<i32>} : memref<128xf32, #tpu.memory_space<vmem>>, vector<16xf32>,
        tpu.vector_store %swap3A_2004[%swap3A_2005], %gather3A_1966 {strides = array<i32>} : memref<128xf32, #tpu.memory_space<vmem>>, vector<16xf32>,
        %swap3A_2007 = arith.constant 0 : i32
        %swap3A_2008 = arith.constant 0 : i32
        %swap3A_2009 = tpu.memref_slice %arg7[%add3A_1954, %swap3A_2007, %swap3A_2008] : memref<8x8x128xf32, #tpu.memory_space<vmem>> -> memref<1x1x128xf32, #tpu.memory_space<vmem>>
        %swap3A_2010 = tpu.memref_squeeze %swap3A_2009 : memref<1x1x128xf32, #tpu.memory_space<vmem>> -> memref<128xf32, #tpu.memory_space<vmem>>
        %swap3A_2011 = arith.constant 96 : index
        %swap3A_2012 = tpu.vector_load %swap3A_2010[%swap3A_2011] {strides = array<i32>} : memref<128xf32, #tpu.memory_space<vmem>>, vector<16xf32>,
        tpu.vector_store %swap3A_2010[%swap3A_2011], %gather3A_1968 {strides = array<i32>} : memref<128xf32, #tpu.memory_space<vmem>>, vector<16xf32>,
        %swap3A_2013 = arith.constant 0 : i32
        %swap3A_2014 = arith.constant 0 : i32
        %swap3A_2015 = tpu.memref_slice %arg7[%add3A_1954, %swap3A_2013, %swap3A_2014] : memref<8x8x128xf32, #tpu.memory_space<vmem>> -> memref<1x1x128xf32, #tpu.memory_space<vmem>>
        %swap3A_2016 = tpu.memref_squeeze %swap3A_2015 : memref<1x1x128xf32, #tpu.memory_space<vmem>> -> memref<128xf32, #tpu.memory_space<vmem>>
        %swap3A_2017 = arith.constant 112 : index
        %swap3A_2018 = tpu.vector_load %swap3A_2016[%swap3A_2017] {strides = array<i32>} : memref<128xf32, #tpu.memory_space<vmem>>, vector<16xf32>,
        tpu.vector_store %swap3A_2016[%swap3A_2017], %gather3A_1970 {strides = array<i32>} : memref<128xf32, #tpu.memory_space<vmem>>, vector<16xf32>,
        %mul3A_2019 = arith.constant 4 : i32
        %mul3A_2020 = arith.muli %rem3A_250, %mul3A_2019 : i32
        %add3A_2021 = arith.constant 3 : i32
        %add3A_2022 = arith.addi %mul3A_2020, %add3A_2021 : i32
        %add3A_2023 = arith.addi %get3A_278, %broadcast_in_dim3A_57 : vector<16xi32>
        %gather3A_2024 = tpu.vector_load_idx %arg6[%add3A_2023] : memref<32000xf32, #tpu.memory_space<vmem>>[vector<16xi32>], vector<16xf32>,
        %add3A_2025 = arith.addi %get3A_284, %broadcast_in_dim3A_57 : vector<16xi32>
        %gather3A_2026 = tpu.vector_load_idx %arg6[%add3A_2025] : memref<32000xf32, #tpu.memory_space<vmem>>[vector<16xi32>], vector<16xf32>,
        %add3A_2027 = arith.addi %get3A_290, %broadcast_in_dim3A_57 : vector<16xi32>
        %gather3A_2028 = tpu.vector_load_idx %arg6[%add3A_2027] : memref<32000xf32, #tpu.memory_space<vmem>>[vector<16xi32>], vector<16xf32>,
        %add3A_2029 = arith.addi %get3A_296, %broadcast_in_dim3A_57 : vector<16xi32>
        %gather3A_2030 = tpu.vector_load_idx %arg6[%add3A_2029] : memref<32000xf32, #tpu.memory_space<vmem>>[vector<16xi32>], vector<16xf32>,
        %add3A_2031 = arith.addi %get3A_302, %broadcast_in_dim3A_57 : vector<16xi32>
        %gather3A_2032 = tpu.vector_load_idx %arg6[%add3A_2031] : memref<32000xf32, #tpu.memory_space<vmem>>[vector<16xi32>], vector<16xf32>,
        %add3A_2033 = arith.addi %get3A_308, %broadcast_in_dim3A_57 : vector<16xi32>
        %gather3A_2034 = tpu.vector_load_idx %arg6[%add3A_2033] : memref<32000xf32, #tpu.memory_space<vmem>>[vector<16xi32>], vector<16xf32>,
        %add3A_2035 = arith.addi %get3A_314, %broadcast_in_dim3A_57 : vector<16xi32>
        %gather3A_2036 = tpu.vector_load_idx %arg6[%add3A_2035] : memref<32000xf32, #tpu.memory_space<vmem>>[vector<16xi32>], vector<16xf32>,
        %add3A_2037 = arith.addi %get3A_320, %broadcast_in_dim3A_57 : vector<16xi32>
        %gather3A_2038 = tpu.vector_load_idx %arg6[%add3A_2037] : memref<32000xf32, #tpu.memory_space<vmem>>[vector<16xi32>], vector<16xf32>,
        %swap3A_2039 = arith.constant 1 : i32
        %swap3A_2040 = arith.constant 0 : i32
        %swap3A_2041 = tpu.memref_slice %arg7[%add3A_2022, %swap3A_2039, %swap3A_2040] : memref<8x8x128xf32, #tpu.memory_space<vmem>> -> memref<1x1x128xf32, #tpu.memory_space<vmem>>
        %swap3A_2042 = tpu.memref_squeeze %swap3A_2041 : memref<1x1x128xf32, #tpu.memory_space<vmem>> -> memref<128xf32, #tpu.memory_space<vmem>>
        %swap3A_2043 = arith.constant 0 : index
        %swap3A_2044 = tpu.vector_load %swap3A_2042[%swap3A_2043] {strides = array<i32>} : memref<128xf32, #tpu.memory_space<vmem>>, vector<16xf32>,
        tpu.vector_store %swap3A_2042[%swap3A_2043], %gather3A_2024 {strides = array<i32>} : memref<128xf32, #tpu.memory_space<vmem>>, vector<16xf32>,
        %swap3A_2045 = arith.constant 1 : i32
        %swap3A_2046 = arith.constant 0 : i32
        %swap3A_2047 = tpu.memref_slice %arg7[%add3A_2022, %swap3A_2045, %swap3A_2046] : memref<8x8x128xf32, #tpu.memory_space<vmem>> -> memref<1x1x128xf32, #tpu.memory_space<vmem>>
        %swap3A_2048 = tpu.memref_squeeze %swap3A_2047 : memref<1x1x128xf32, #tpu.memory_space<vmem>> -> memref<128xf32, #tpu.memory_space<vmem>>
        %swap3A_2049 = arith.constant 16 : index
        %swap3A_2050 = tpu.vector_load %swap3A_2048[%swap3A_2049] {strides = array<i32>} : memref<128xf32, #tpu.memory_space<vmem>>, vector<16xf32>,
        tpu.vector_store %swap3A_2048[%swap3A_2049], %gather3A_2026 {strides = array<i32>} : memref<128xf32, #tpu.memory_space<vmem>>, vector<16xf32>,
        %swap3A_2051 = arith.constant 1 : i32
        %swap3A_2052 = arith.constant 0 : i32
        %swap3A_2053 = tpu.memref_slice %arg7[%add3A_2022, %swap3A_2051, %swap3A_2052] : memref<8x8x128xf32, #tpu.memory_space<vmem>> -> memref<1x1x128xf32, #tpu.memory_space<vmem>>
        %swap3A_2054 = tpu.memref_squeeze %swap3A_2053 : memref<1x1x128xf32, #tpu.memory_space<vmem>> -> memref<128xf32, #tpu.memory_space<vmem>>
        %swap3A_2055 = arith.constant 32 : index
        %swap3A_2056 = tpu.vector_load %swap3A_2054[%swap3A_2055] {strides = array<i32>} : memref<128xf32, #tpu.memory_space<vmem>>, vector<16xf32>,
        tpu.vector_store %swap3A_2054[%swap3A_2055], %gather3A_2028 {strides = array<i32>} : memref<128xf32, #tpu.memory_space<vmem>>, vector<16xf32>,
        %swap3A_2057 = arith.constant 1 : i32
        %swap3A_2058 = arith.constant 0 : i32
        %swap3A_2059 = tpu.memref_slice %arg7[%add3A_2022, %swap3A_2057, %swap3A_2058] : memref<8x8x128xf32, #tpu.memory_space<vmem>> -> memref<1x1x128xf32, #tpu.memory_space<vmem>>
        %swap3A_2060 = tpu.memref_squeeze %swap3A_2059 : memref<1x1x128xf32, #tpu.memory_space<vmem>> -> memref<128xf32, #tpu.memory_space<vmem>>
        %swap3A_2061 = arith.constant 48 : index
        %swap3A_2062 = tpu.vector_load %swap3A_2060[%swap3A_2061] {strides = array<i32>} : memref<128xf32, #tpu.memory_space<vmem>>, vector<16xf32>,
        tpu.vector_store %swap3A_2060[%swap3A_2061], %gather3A_2030 {strides = array<i32>} : memref<128xf32, #tpu.memory_space<vmem>>, vector<16xf32>,
        %swap3A_2063 = arith.constant 1 : i32
        %swap3A_2064 = arith.constant 0 : i32
        %swap3A_2065 = tpu.memref_slice %arg7[%add3A_2022, %swap3A_2063, %swap3A_2064] : memref<8x8x128xf32, #tpu.memory_space<vmem>> -> memref<1x1x128xf32, #tpu.memory_space<vmem>>
        %swap3A_2066 = tpu.memref_squeeze %swap3A_2065 : memref<1x1x128xf32, #tpu.memory_space<vmem>> -> memref<128xf32, #tpu.memory_space<vmem>>
        %swap3A_2067 = arith.constant 64 : index
        %swap3A_2068 = tpu.vector_load %swap3A_2066[%swap3A_2067] {strides = array<i32>} : memref<128xf32, #tpu.memory_space<vmem>>, vector<16xf32>,
        tpu.vector_store %swap3A_2066[%swap3A_2067], %gather3A_2032 {strides = array<i32>} : memref<128xf32, #tpu.memory_space<vmem>>, vector<16xf32>,
        %swap3A_2069 = arith.constant 1 : i32
        %swap3A_2070 = arith.constant 0 : i32
        %swap3A_2071 = tpu.memref_slice %arg7[%add3A_2022, %swap3A_2069, %swap3A_2070] : memref<8x8x128xf32, #tpu.memory_space<vmem>> -> memref<1x1x128xf32, #tpu.memory_space<vmem>>
        %swap3A_2072 = tpu.memref_squeeze %swap3A_2071 : memref<1x1x128xf32, #tpu.memory_space<vmem>> -> memref<128xf32, #tpu.memory_space<vmem>>
        %swap3A_2073 = arith.constant 80 : index
        %swap3A_2074 = tpu.vector_load %swap3A_2072[%swap3A_2073] {strides = array<i32>} : memref<128xf32, #tpu.memory_space<vmem>>, vector<16xf32>,
        tpu.vector_store %swap3A_2072[%swap3A_2073], %gather3A_2034 {strides = array<i32>} : memref<128xf32, #tpu.memory_space<vmem>>, vector<16xf32>,
        %swap3A_2075 = arith.constant 1 : i32
        %swap3A_2076 = arith.constant 0 : i32
        %swap3A_2077 = tpu.memref_slice %arg7[%add3A_2022, %swap3A_2075, %swap3A_2076] : memref<8x8x128xf32, #tpu.memory_space<vmem>> -> memref<1x1x128xf32, #tpu.memory_space<vmem>>
        %swap3A_2078 = tpu.memref_squeeze %swap3A_2077 : memref<1x1x128xf32, #tpu.memory_space<vmem>> -> memref<128xf32, #tpu.memory_space<vmem>>
        %swap3A_2079 = arith.constant 96 : index
        %swap3A_2080 = tpu.vector_load %swap3A_2078[%swap3A_2079] {strides = array<i32>} : memref<128xf32, #tpu.memory_space<vmem>>, vector<16xf32>,
        tpu.vector_store %swap3A_2078[%swap3A_2079], %gather3A_2036 {strides = array<i32>} : memref<128xf32, #tpu.memory_space<vmem>>, vector<16xf32>,
        %swap3A_2081 = arith.constant 1 : i32
        %swap3A_2082 = arith.constant 0 : i32
        %swap3A_2083 = tpu.memref_slice %arg7[%add3A_2022, %swap3A_2081, %swap3A_2082] : memref<8x8x128xf32, #tpu.memory_space<vmem>> -> memref<1x1x128xf32, #tpu.memory_space<vmem>>
        %swap3A_2084 = tpu.memref_squeeze %swap3A_2083 : memref<1x1x128xf32, #tpu.memory_space<vmem>> -> memref<128xf32, #tpu.memory_space<vmem>>
        %swap3A_2085 = arith.constant 112 : index
        %swap3A_2086 = tpu.vector_load %swap3A_2084[%swap3A_2085] {strides = array<i32>} : memref<128xf32, #tpu.memory_space<vmem>>, vector<16xf32>,
        tpu.vector_store %swap3A_2084[%swap3A_2085], %gather3A_2038 {strides = array<i32>} : memref<128xf32, #tpu.memory_space<vmem>>, vector<16xf32>,
        %mul3A_2087 = arith.constant 4 : i32
        %mul3A_2088 = arith.muli %rem3A_250, %mul3A_2087 : i32
        %add3A_2089 = arith.constant 3 : i32
        %add3A_2090 = arith.addi %mul3A_2088, %add3A_2089 : i32
        %add3A_2091 = arith.addi %get3A_278, %broadcast_in_dim3A_59 : vector<16xi32>
        %gather3A_2092 = tpu.vector_load_idx %arg6[%add3A_2091] : memref<32000xf32, #tpu.memory_space<vmem>>[vector<16xi32>], vector<16xf32>,
        %add3A_2093 = arith.addi %get3A_284, %broadcast_in_dim3A_59 : vector<16xi32>
        %gather3A_2094 = tpu.vector_load_idx %arg6[%add3A_2093] : memref<32000xf32, #tpu.memory_space<vmem>>[vector<16xi32>], vector<16xf32>,
        %add3A_2095 = arith.addi %get3A_290, %broadcast_in_dim3A_59 : vector<16xi32>
        %gather3A_2096 = tpu.vector_load_idx %arg6[%add3A_2095] : memref<32000xf32, #tpu.memory_space<vmem>>[vector<16xi32>], vector<16xf32>,
        %add3A_2097 = arith.addi %get3A_296, %broadcast_in_dim3A_59 : vector<16xi32>
        %gather3A_2098 = tpu.vector_load_idx %arg6[%add3A_2097] : memref<32000xf32, #tpu.memory_space<vmem>>[vector<16xi32>], vector<16xf32>,
        %add3A_2099 = arith.addi %get3A_302, %broadcast_in_dim3A_59 : vector<16xi32>
        %gather3A_2100 = tpu.vector_load_idx %arg6[%add3A_2099] : memref<32000xf32, #tpu.memory_space<vmem>>[vector<16xi32>], vector<16xf32>,
        %add3A_2101 = arith.addi %get3A_308, %broadcast_in_dim3A_59 : vector<16xi32>
        %gather3A_2102 = tpu.vector_load_idx %arg6[%add3A_2101] : memref<32000xf32, #tpu.memory_space<vmem>>[vector<16xi32>], vector<16xf32>,
        %add3A_2103 = arith.addi %get3A_314, %broadcast_in_dim3A_59 : vector<16xi32>
        %gather3A_2104 = tpu.vector_load_idx %arg6[%add3A_2103] : memref<32000xf32, #tpu.memory_space<vmem>>[vector<16xi32>], vector<16xf32>,
        %add3A_2105 = arith.addi %get3A_320, %broadcast_in_dim3A_59 : vector<16xi32>
        %gather3A_2106 = tpu.vector_load_idx %arg6[%add3A_2105] : memref<32000xf32, #tpu.memory_space<vmem>>[vector<16xi32>], vector<16xf32>,
        %swap3A_2107 = arith.constant 2 : i32
        %swap3A_2108 = arith.constant 0 : i32
        %swap3A_2109 = tpu.memref_slice %arg7[%add3A_2090, %swap3A_2107, %swap3A_2108] : memref<8x8x128xf32, #tpu.memory_space<vmem>> -> memref<1x1x128xf32, #tpu.memory_space<vmem>>
        %swap3A_2110 = tpu.memref_squeeze %swap3A_2109 : memref<1x1x128xf32, #tpu.memory_space<vmem>> -> memref<128xf32, #tpu.memory_space<vmem>>
        %swap3A_2111 = arith.constant 0 : index
        %swap3A_2112 = tpu.vector_load %swap3A_2110[%swap3A_2111] {strides = array<i32>} : memref<128xf32, #tpu.memory_space<vmem>>, vector<16xf32>,
        tpu.vector_store %swap3A_2110[%swap3A_2111], %gather3A_2092 {strides = array<i32>} : memref<128xf32, #tpu.memory_space<vmem>>, vector<16xf32>,
        %swap3A_2113 = arith.constant 2 : i32
        %swap3A_2114 = arith.constant 0 : i32
        %swap3A_2115 = tpu.memref_slice %arg7[%add3A_2090, %swap3A_2113, %swap3A_2114] : memref<8x8x128xf32, #tpu.memory_space<vmem>> -> memref<1x1x128xf32, #tpu.memory_space<vmem>>
        %swap3A_2116 = tpu.memref_squeeze %swap3A_2115 : memref<1x1x128xf32, #tpu.memory_space<vmem>> -> memref<128xf32, #tpu.memory_space<vmem>>
        %swap3A_2117 = arith.constant 16 : index
        %swap3A_2118 = tpu.vector_load %swap3A_2116[%swap3A_2117] {strides = array<i32>} : memref<128xf32, #tpu.memory_space<vmem>>, vector<16xf32>,
        tpu.vector_store %swap3A_2116[%swap3A_2117], %gather3A_2094 {strides = array<i32>} : memref<128xf32, #tpu.memory_space<vmem>>, vector<16xf32>,
        %swap3A_2119 = arith.constant 2 : i32
        %swap3A_2120 = arith.constant 0 : i32
        %swap3A_2121 = tpu.memref_slice %arg7[%add3A_2090, %swap3A_2119, %swap3A_2120] : memref<8x8x128xf32, #tpu.memory_space<vmem>> -> memref<1x1x128xf32, #tpu.memory_space<vmem>>
        %swap3A_2122 = tpu.memref_squeeze %swap3A_2121 : memref<1x1x128xf32, #tpu.memory_space<vmem>> -> memref<128xf32, #tpu.memory_space<vmem>>
        %swap3A_2123 = arith.constant 32 : index
        %swap3A_2124 = tpu.vector_load %swap3A_2122[%swap3A_2123] {strides = array<i32>} : memref<128xf32, #tpu.memory_space<vmem>>, vector<16xf32>,
        tpu.vector_store %swap3A_2122[%swap3A_2123], %gather3A_2096 {strides = array<i32>} : memref<128xf32, #tpu.memory_space<vmem>>, vector<16xf32>,
        %swap3A_2125 = arith.constant 2 : i32
        %swap3A_2126 = arith.constant 0 : i32
        %swap3A_2127 = tpu.memref_slice %arg7[%add3A_2090, %swap3A_2125, %swap3A_2126] : memref<8x8x128xf32, #tpu.memory_space<vmem>> -> memref<1x1x128xf32, #tpu.memory_space<vmem>>
        %swap3A_2128 = tpu.memref_squeeze %swap3A_2127 : memref<1x1x128xf32, #tpu.memory_space<vmem>> -> memref<128xf32, #tpu.memory_space<vmem>>
        %swap3A_2129 = arith.constant 48 : index
        %swap3A_2130 = tpu.vector_load %swap3A_2128[%swap3A_2129] {strides = array<i32>} : memref<128xf32, #tpu.memory_space<vmem>>, vector<16xf32>,
        tpu.vector_store %swap3A_2128[%swap3A_2129], %gather3A_2098 {strides = array<i32>} : memref<128xf32, #tpu.memory_space<vmem>>, vector<16xf32>,
        %swap3A_2131 = arith.constant 2 : i32
        %swap3A_2132 = arith.constant 0 : i32
        %swap3A_2133 = tpu.memref_slice %arg7[%add3A_2090, %swap3A_2131, %swap3A_2132] : memref<8x8x128xf32, #tpu.memory_space<vmem>> -> memref<1x1x128xf32, #tpu.memory_space<vmem>>
        %swap3A_2134 = tpu.memref_squeeze %swap3A_2133 : memref<1x1x128xf32, #tpu.memory_space<vmem>> -> memref<128xf32, #tpu.memory_space<vmem>>
        %swap3A_2135 = arith.constant 64 : index
        %swap3A_2136 = tpu.vector_load %swap3A_2134[%swap3A_2135] {strides = array<i32>} : memref<128xf32, #tpu.memory_space<vmem>>, vector<16xf32>,
        tpu.vector_store %swap3A_2134[%swap3A_2135], %gather3A_2100 {strides = array<i32>} : memref<128xf32, #tpu.memory_space<vmem>>, vector<16xf32>,
        %swap3A_2137 = arith.constant 2 : i32
        %swap3A_2138 = arith.constant 0 : i32
        %swap3A_2139 = tpu.memref_slice %arg7[%add3A_2090, %swap3A_2137, %swap3A_2138] : memref<8x8x128xf32, #tpu.memory_space<vmem>> -> memref<1x1x128xf32, #tpu.memory_space<vmem>>
        %swap3A_2140 = tpu.memref_squeeze %swap3A_2139 : memref<1x1x128xf32, #tpu.memory_space<vmem>> -> memref<128xf32, #tpu.memory_space<vmem>>
        %swap3A_2141 = arith.constant 80 : index
        %swap3A_2142 = tpu.vector_load %swap3A_2140[%swap3A_2141] {strides = array<i32>} : memref<128xf32, #tpu.memory_space<vmem>>, vector<16xf32>,
        tpu.vector_store %swap3A_2140[%swap3A_2141], %gather3A_2102 {strides = array<i32>} : memref<128xf32, #tpu.memory_space<vmem>>, vector<16xf32>,
        %swap3A_2143 = arith.constant 2 : i32
        %swap3A_2144 = arith.constant 0 : i32
        %swap3A_2145 = tpu.memref_slice %arg7[%add3A_2090, %swap3A_2143, %swap3A_2144] : memref<8x8x128xf32, #tpu.memory_space<vmem>> -> memref<1x1x128xf32, #tpu.memory_space<vmem>>
        %swap3A_2146 = tpu.memref_squeeze %swap3A_2145 : memref<1x1x128xf32, #tpu.memory_space<vmem>> -> memref<128xf32, #tpu.memory_space<vmem>>
        %swap3A_2147 = arith.constant 96 : index
        %swap3A_2148 = tpu.vector_load %swap3A_2146[%swap3A_2147] {strides = array<i32>} : memref<128xf32, #tpu.memory_space<vmem>>, vector<16xf32>,
        tpu.vector_store %swap3A_2146[%swap3A_2147], %gather3A_2104 {strides = array<i32>} : memref<128xf32, #tpu.memory_space<vmem>>, vector<16xf32>,
        %swap3A_2149 = arith.constant 2 : i32
        %swap3A_2150 = arith.constant 0 : i32
        %swap3A_2151 = tpu.memref_slice %arg7[%add3A_2090, %swap3A_2149, %swap3A_2150] : memref<8x8x128xf32, #tpu.memory_space<vmem>> -> memref<1x1x128xf32, #tpu.memory_space<vmem>>
        %swap3A_2152 = tpu.memref_squeeze %swap3A_2151 : memref<1x1x128xf32, #tpu.memory_space<vmem>> -> memref<128xf32, #tpu.memory_space<vmem>>
        %swap3A_2153 = arith.constant 112 : index
        %swap3A_2154 = tpu.vector_load %swap3A_2152[%swap3A_2153] {strides = array<i32>} : memref<128xf32, #tpu.memory_space<vmem>>, vector<16xf32>,
        tpu.vector_store %swap3A_2152[%swap3A_2153], %gather3A_2106 {strides = array<i32>} : memref<128xf32, #tpu.memory_space<vmem>>, vector<16xf32>,
        %mul3A_2155 = arith.constant 4 : i32
        %mul3A_2156 = arith.muli %rem3A_250, %mul3A_2155 : i32
        %add3A_2157 = arith.constant 3 : i32
        %add3A_2158 = arith.addi %mul3A_2156, %add3A_2157 : i32
        %add3A_2159 = arith.addi %get3A_278, %broadcast_in_dim3A_61 : vector<16xi32>
        %gather3A_2160 = tpu.vector_load_idx %arg6[%add3A_2159] : memref<32000xf32, #tpu.memory_space<vmem>>[vector<16xi32>], vector<16xf32>,
        %add3A_2161 = arith.addi %get3A_284, %broadcast_in_dim3A_61 : vector<16xi32>
        %gather3A_2162 = tpu.vector_load_idx %arg6[%add3A_2161] : memref<32000xf32, #tpu.memory_space<vmem>>[vector<16xi32>], vector<16xf32>,
        %add3A_2163 = arith.addi %get3A_290, %broadcast_in_dim3A_61 : vector<16xi32>
        %gather3A_2164 = tpu.vector_load_idx %arg6[%add3A_2163] : memref<32000xf32, #tpu.memory_space<vmem>>[vector<16xi32>], vector<16xf32>,
        %add3A_2165 = arith.addi %get3A_296, %broadcast_in_dim3A_61 : vector<16xi32>
        %gather3A_2166 = tpu.vector_load_idx %arg6[%add3A_2165] : memref<32000xf32, #tpu.memory_space<vmem>>[vector<16xi32>], vector<16xf32>,
        %add3A_2167 = arith.addi %get3A_302, %broadcast_in_dim3A_61 : vector<16xi32>
        %gather3A_2168 = tpu.vector_load_idx %arg6[%add3A_2167] : memref<32000xf32, #tpu.memory_space<vmem>>[vector<16xi32>], vector<16xf32>,
        %add3A_2169 = arith.addi %get3A_308, %broadcast_in_dim3A_61 : vector<16xi32>
        %gather3A_2170 = tpu.vector_load_idx %arg6[%add3A_2169] : memref<32000xf32, #tpu.memory_space<vmem>>[vector<16xi32>], vector<16xf32>,
        %add3A_2171 = arith.addi %get3A_314, %broadcast_in_dim3A_61 : vector<16xi32>
        %gather3A_2172 = tpu.vector_load_idx %arg6[%add3A_2171] : memref<32000xf32, #tpu.memory_space<vmem>>[vector<16xi32>], vector<16xf32>,
        %add3A_2173 = arith.addi %get3A_320, %broadcast_in_dim3A_61 : vector<16xi32>
        %gather3A_2174 = tpu.vector_load_idx %arg6[%add3A_2173] : memref<32000xf32, #tpu.memory_space<vmem>>[vector<16xi32>], vector<16xf32>,
        %swap3A_2175 = arith.constant 3 : i32
        %swap3A_2176 = arith.constant 0 : i32
        %swap3A_2177 = tpu.memref_slice %arg7[%add3A_2158, %swap3A_2175, %swap3A_2176] : memref<8x8x128xf32, #tpu.memory_space<vmem>> -> memref<1x1x128xf32, #tpu.memory_space<vmem>>
        %swap3A_2178 = tpu.memref_squeeze %swap3A_2177 : memref<1x1x128xf32, #tpu.memory_space<vmem>> -> memref<128xf32, #tpu.memory_space<vmem>>
        %swap3A_2179 = arith.constant 0 : index
        %swap3A_2180 = tpu.vector_load %swap3A_2178[%swap3A_2179] {strides = array<i32>} : memref<128xf32, #tpu.memory_space<vmem>>, vector<16xf32>,
        tpu.vector_store %swap3A_2178[%swap3A_2179], %gather3A_2160 {strides = array<i32>} : memref<128xf32, #tpu.memory_space<vmem>>, vector<16xf32>,
        %swap3A_2181 = arith.constant 3 : i32
        %swap3A_2182 = arith.constant 0 : i32
        %swap3A_2183 = tpu.memref_slice %arg7[%add3A_2158, %swap3A_2181, %swap3A_2182] : memref<8x8x128xf32, #tpu.memory_space<vmem>> -> memref<1x1x128xf32, #tpu.memory_space<vmem>>
        %swap3A_2184 = tpu.memref_squeeze %swap3A_2183 : memref<1x1x128xf32, #tpu.memory_space<vmem>> -> memref<128xf32, #tpu.memory_space<vmem>>
        %swap3A_2185 = arith.constant 16 : index
        %swap3A_2186 = tpu.vector_load %swap3A_2184[%swap3A_2185] {strides = array<i32>} : memref<128xf32, #tpu.memory_space<vmem>>, vector<16xf32>,
        tpu.vector_store %swap3A_2184[%swap3A_2185], %gather3A_2162 {strides = array<i32>} : memref<128xf32, #tpu.memory_space<vmem>>, vector<16xf32>,
        %swap3A_2187 = arith.constant 3 : i32
        %swap3A_2188 = arith.constant 0 : i32
        %swap3A_2189 = tpu.memref_slice %arg7[%add3A_2158, %swap3A_2187, %swap3A_2188] : memref<8x8x128xf32, #tpu.memory_space<vmem>> -> memref<1x1x128xf32, #tpu.memory_space<vmem>>
        %swap3A_2190 = tpu.memref_squeeze %swap3A_2189 : memref<1x1x128xf32, #tpu.memory_space<vmem>> -> memref<128xf32, #tpu.memory_space<vmem>>
        %swap3A_2191 = arith.constant 32 : index
        %swap3A_2192 = tpu.vector_load %swap3A_2190[%swap3A_2191] {strides = array<i32>} : memref<128xf32, #tpu.memory_space<vmem>>, vector<16xf32>,
        tpu.vector_store %swap3A_2190[%swap3A_2191], %gather3A_2164 {strides = array<i32>} : memref<128xf32, #tpu.memory_space<vmem>>, vector<16xf32>,
        %swap3A_2193 = arith.constant 3 : i32
        %swap3A_2194 = arith.constant 0 : i32
        %swap3A_2195 = tpu.memref_slice %arg7[%add3A_2158, %swap3A_2193, %swap3A_2194] : memref<8x8x128xf32, #tpu.memory_space<vmem>> -> memref<1x1x128xf32, #tpu.memory_space<vmem>>
        %swap3A_2196 = tpu.memref_squeeze %swap3A_2195 : memref<1x1x128xf32, #tpu.memory_space<vmem>> -> memref<128xf32, #tpu.memory_space<vmem>>
        %swap3A_2197 = arith.constant 48 : index
        %swap3A_2198 = tpu.vector_load %swap3A_2196[%swap3A_2197] {strides = array<i32>} : memref<128xf32, #tpu.memory_space<vmem>>, vector<16xf32>,
        tpu.vector_store %swap3A_2196[%swap3A_2197], %gather3A_2166 {strides = array<i32>} : memref<128xf32, #tpu.memory_space<vmem>>, vector<16xf32>,
        %swap3A_2199 = arith.constant 3 : i32
        %swap3A_2200 = arith.constant 0 : i32
        %swap3A_2201 = tpu.memref_slice %arg7[%add3A_2158, %swap3A_2199, %swap3A_2200] : memref<8x8x128xf32, #tpu.memory_space<vmem>> -> memref<1x1x128xf32, #tpu.memory_space<vmem>>
        %swap3A_2202 = tpu.memref_squeeze %swap3A_2201 : memref<1x1x128xf32, #tpu.memory_space<vmem>> -> memref<128xf32, #tpu.memory_space<vmem>>
        %swap3A_2203 = arith.constant 64 : index
        %swap3A_2204 = tpu.vector_load %swap3A_2202[%swap3A_2203] {strides = array<i32>} : memref<128xf32, #tpu.memory_space<vmem>>, vector<16xf32>,
        tpu.vector_store %swap3A_2202[%swap3A_2203], %gather3A_2168 {strides = array<i32>} : memref<128xf32, #tpu.memory_space<vmem>>, vector<16xf32>,
        %swap3A_2205 = arith.constant 3 : i32
        %swap3A_2206 = arith.constant 0 : i32
        %swap3A_2207 = tpu.memref_slice %arg7[%add3A_2158, %swap3A_2205, %swap3A_2206] : memref<8x8x128xf32, #tpu.memory_space<vmem>> -> memref<1x1x128xf32, #tpu.memory_space<vmem>>
        %swap3A_2208 = tpu.memref_squeeze %swap3A_2207 : memref<1x1x128xf32, #tpu.memory_space<vmem>> -> memref<128xf32, #tpu.memory_space<vmem>>
        %swap3A_2209 = arith.constant 80 : index
        %swap3A_2210 = tpu.vector_load %swap3A_2208[%swap3A_2209] {strides = array<i32>} : memref<128xf32, #tpu.memory_space<vmem>>, vector<16xf32>,
        tpu.vector_store %swap3A_2208[%swap3A_2209], %gather3A_2170 {strides = array<i32>} : memref<128xf32, #tpu.memory_space<vmem>>, vector<16xf32>,
        %swap3A_2211 = arith.constant 3 : i32
        %swap3A_2212 = arith.constant 0 : i32
        %swap3A_2213 = tpu.memref_slice %arg7[%add3A_2158, %swap3A_2211, %swap3A_2212] : memref<8x8x128xf32, #tpu.memory_space<vmem>> -> memref<1x1x128xf32, #tpu.memory_space<vmem>>
        %swap3A_2214 = tpu.memref_squeeze %swap3A_2213 : memref<1x1x128xf32, #tpu.memory_space<vmem>> -> memref<128xf32, #tpu.memory_space<vmem>>
        %swap3A_2215 = arith.constant 96 : index
        %swap3A_2216 = tpu.vector_load %swap3A_2214[%swap3A_2215] {strides = array<i32>} : memref<128xf32, #tpu.memory_space<vmem>>, vector<16xf32>,
        tpu.vector_store %swap3A_2214[%swap3A_2215], %gather3A_2172 {strides = array<i32>} : memref<128xf32, #tpu.memory_space<vmem>>, vector<16xf32>,
        %swap3A_2217 = arith.constant 3 : i32
        %swap3A_2218 = arith.constant 0 : i32
        %swap3A_2219 = tpu.memref_slice %arg7[%add3A_2158, %swap3A_2217, %swap3A_2218] : memref<8x8x128xf32, #tpu.memory_space<vmem>> -> memref<1x1x128xf32, #tpu.memory_space<vmem>>
        %swap3A_2220 = tpu.memref_squeeze %swap3A_2219 : memref<1x1x128xf32, #tpu.memory_space<vmem>> -> memref<128xf32, #tpu.memory_space<vmem>>
        %swap3A_2221 = arith.constant 112 : index
        %swap3A_2222 = tpu.vector_load %swap3A_2220[%swap3A_2221] {strides = array<i32>} : memref<128xf32, #tpu.memory_space<vmem>>, vector<16xf32>,
        tpu.vector_store %swap3A_2220[%swap3A_2221], %gather3A_2174 {strides = array<i32>} : memref<128xf32, #tpu.memory_space<vmem>>, vector<16xf32>,
        %mul3A_2223 = arith.constant 4 : i32
        %mul3A_2224 = arith.muli %rem3A_250, %mul3A_2223 : i32
        %add3A_2225 = arith.constant 3 : i32
        %add3A_2226 = arith.addi %mul3A_2224, %add3A_2225 : i32
        %add3A_2227 = arith.addi %get3A_278, %broadcast_in_dim3A_63 : vector<16xi32>
        %gather3A_2228 = tpu.vector_load_idx %arg6[%add3A_2227] : memref<32000xf32, #tpu.memory_space<vmem>>[vector<16xi32>], vector<16xf32>,
        %add3A_2229 = arith.addi %get3A_284, %broadcast_in_dim3A_63 : vector<16xi32>
        %gather3A_2230 = tpu.vector_load_idx %arg6[%add3A_2229] : memref<32000xf32, #tpu.memory_space<vmem>>[vector<16xi32>], vector<16xf32>,
        %add3A_2231 = arith.addi %get3A_290, %broadcast_in_dim3A_63 : vector<16xi32>
        %gather3A_2232 = tpu.vector_load_idx %arg6[%add3A_2231] : memref<32000xf32, #tpu.memory_space<vmem>>[vector<16xi32>], vector<16xf32>,
        %add3A_2233 = arith.addi %get3A_296, %broadcast_in_dim3A_63 : vector<16xi32>
        %gather3A_2234 = tpu.vector_load_idx %arg6[%add3A_2233] : memref<32000xf32, #tpu.memory_space<vmem>>[vector<16xi32>], vector<16xf32>,
        %add3A_2235 = arith.addi %get3A_302, %broadcast_in_dim3A_63 : vector<16xi32>
        %gather3A_2236 = tpu.vector_load_idx %arg6[%add3A_2235] : memref<32000xf32, #tpu.memory_space<vmem>>[vector<16xi32>], vector<16xf32>,
        %add3A_2237 = arith.addi %get3A_308, %broadcast_in_dim3A_63 : vector<16xi32>
        %gather3A_2238 = tpu.vector_load_idx %arg6[%add3A_2237] : memref<32000xf32, #tpu.memory_space<vmem>>[vector<16xi32>], vector<16xf32>,
        %add3A_2239 = arith.addi %get3A_314, %broadcast_in_dim3A_63 : vector<16xi32>
        %gather3A_2240 = tpu.vector_load_idx %arg6[%add3A_2239] : memref<32000xf32, #tpu.memory_space<vmem>>[vector<16xi32>], vector<16xf32>,
        %add3A_2241 = arith.addi %get3A_320, %broadcast_in_dim3A_63 : vector<16xi32>
        %gather3A_2242 = tpu.vector_load_idx %arg6[%add3A_2241] : memref<32000xf32, #tpu.memory_space<vmem>>[vector<16xi32>], vector<16xf32>,
        %swap3A_2243 = arith.constant 4 : i32
        %swap3A_2244 = arith.constant 0 : i32
        %swap3A_2245 = tpu.memref_slice %arg7[%add3A_2226, %swap3A_2243, %swap3A_2244] : memref<8x8x128xf32, #tpu.memory_space<vmem>> -> memref<1x1x128xf32, #tpu.memory_space<vmem>>
        %swap3A_2246 = tpu.memref_squeeze %swap3A_2245 : memref<1x1x128xf32, #tpu.memory_space<vmem>> -> memref<128xf32, #tpu.memory_space<vmem>>
        %swap3A_2247 = arith.constant 0 : index
        %swap3A_2248 = tpu.vector_load %swap3A_2246[%swap3A_2247] {strides = array<i32>} : memref<128xf32, #tpu.memory_space<vmem>>, vector<16xf32>,
        tpu.vector_store %swap3A_2246[%swap3A_2247], %gather3A_2228 {strides = array<i32>} : memref<128xf32, #tpu.memory_space<vmem>>, vector<16xf32>,
        %swap3A_2249 = arith.constant 4 : i32
        %swap3A_2250 = arith.constant 0 : i32
        %swap3A_2251 = tpu.memref_slice %arg7[%add3A_2226, %swap3A_2249, %swap3A_2250] : memref<8x8x128xf32, #tpu.memory_space<vmem>> -> memref<1x1x128xf32, #tpu.memory_space<vmem>>
        %swap3A_2252 = tpu.memref_squeeze %swap3A_2251 : memref<1x1x128xf32, #tpu.memory_space<vmem>> -> memref<128xf32, #tpu.memory_space<vmem>>
        %swap3A_2253 = arith.constant 16 : index
        %swap3A_2254 = tpu.vector_load %swap3A_2252[%swap3A_2253] {strides = array<i32>} : memref<128xf32, #tpu.memory_space<vmem>>, vector<16xf32>,
        tpu.vector_store %swap3A_2252[%swap3A_2253], %gather3A_2230 {strides = array<i32>} : memref<128xf32, #tpu.memory_space<vmem>>, vector<16xf32>,
        %swap3A_2255 = arith.constant 4 : i32
        %swap3A_2256 = arith.constant 0 : i32
        %swap3A_2257 = tpu.memref_slice %arg7[%add3A_2226, %swap3A_2255, %swap3A_2256] : memref<8x8x128xf32, #tpu.memory_space<vmem>> -> memref<1x1x128xf32, #tpu.memory_space<vmem>>
        %swap3A_2258 = tpu.memref_squeeze %swap3A_2257 : memref<1x1x128xf32, #tpu.memory_space<vmem>> -> memref<128xf32, #tpu.memory_space<vmem>>
        %swap3A_2259 = arith.constant 32 : index
        %swap3A_2260 = tpu.vector_load %swap3A_2258[%swap3A_2259] {strides = array<i32>} : memref<128xf32, #tpu.memory_space<vmem>>, vector<16xf32>,
        tpu.vector_store %swap3A_2258[%swap3A_2259], %gather3A_2232 {strides = array<i32>} : memref<128xf32, #tpu.memory_space<vmem>>, vector<16xf32>,
        %swap3A_2261 = arith.constant 4 : i32
        %swap3A_2262 = arith.constant 0 : i32
        %swap3A_2263 = tpu.memref_slice %arg7[%add3A_2226, %swap3A_2261, %swap3A_2262] : memref<8x8x128xf32, #tpu.memory_space<vmem>> -> memref<1x1x128xf32, #tpu.memory_space<vmem>>
        %swap3A_2264 = tpu.memref_squeeze %swap3A_2263 : memref<1x1x128xf32, #tpu.memory_space<vmem>> -> memref<128xf32, #tpu.memory_space<vmem>>
        %swap3A_2265 = arith.constant 48 : index
        %swap3A_2266 = tpu.vector_load %swap3A_2264[%swap3A_2265] {strides = array<i32>} : memref<128xf32, #tpu.memory_space<vmem>>, vector<16xf32>,
        tpu.vector_store %swap3A_2264[%swap3A_2265], %gather3A_2234 {strides = array<i32>} : memref<128xf32, #tpu.memory_space<vmem>>, vector<16xf32>,
        %swap3A_2267 = arith.constant 4 : i32
        %swap3A_2268 = arith.constant 0 : i32
        %swap3A_2269 = tpu.memref_slice %arg7[%add3A_2226, %swap3A_2267, %swap3A_2268] : memref<8x8x128xf32, #tpu.memory_space<vmem>> -> memref<1x1x128xf32, #tpu.memory_space<vmem>>
        %swap3A_2270 = tpu.memref_squeeze %swap3A_2269 : memref<1x1x128xf32, #tpu.memory_space<vmem>> -> memref<128xf32, #tpu.memory_space<vmem>>
        %swap3A_2271 = arith.constant 64 : index
        %swap3A_2272 = tpu.vector_load %swap3A_2270[%swap3A_2271] {strides = array<i32>} : memref<128xf32, #tpu.memory_space<vmem>>, vector<16xf32>,
        tpu.vector_store %swap3A_2270[%swap3A_2271], %gather3A_2236 {strides = array<i32>} : memref<128xf32, #tpu.memory_space<vmem>>, vector<16xf32>,
        %swap3A_2273 = arith.constant 4 : i32
        %swap3A_2274 = arith.constant 0 : i32
        %swap3A_2275 = tpu.memref_slice %arg7[%add3A_2226, %swap3A_2273, %swap3A_2274] : memref<8x8x128xf32, #tpu.memory_space<vmem>> -> memref<1x1x128xf32, #tpu.memory_space<vmem>>
        %swap3A_2276 = tpu.memref_squeeze %swap3A_2275 : memref<1x1x128xf32, #tpu.memory_space<vmem>> -> memref<128xf32, #tpu.memory_space<vmem>>
        %swap3A_2277 = arith.constant 80 : index
        %swap3A_2278 = tpu.vector_load %swap3A_2276[%swap3A_2277] {strides = array<i32>} : memref<128xf32, #tpu.memory_space<vmem>>, vector<16xf32>,
        tpu.vector_store %swap3A_2276[%swap3A_2277], %gather3A_2238 {strides = array<i32>} : memref<128xf32, #tpu.memory_space<vmem>>, vector<16xf32>,
        %swap3A_2279 = arith.constant 4 : i32
        %swap3A_2280 = arith.constant 0 : i32
        %swap3A_2281 = tpu.memref_slice %arg7[%add3A_2226, %swap3A_2279, %swap3A_2280] : memref<8x8x128xf32, #tpu.memory_space<vmem>> -> memref<1x1x128xf32, #tpu.memory_space<vmem>>
        %swap3A_2282 = tpu.memref_squeeze %swap3A_2281 : memref<1x1x128xf32, #tpu.memory_space<vmem>> -> memref<128xf32, #tpu.memory_space<vmem>>
        %swap3A_2283 = arith.constant 96 : index
        %swap3A_2284 = tpu.vector_load %swap3A_2282[%swap3A_2283] {strides = array<i32>} : memref<128xf32, #tpu.memory_space<vmem>>, vector<16xf32>,
        tpu.vector_store %swap3A_2282[%swap3A_2283], %gather3A_2240 {strides = array<i32>} : memref<128xf32, #tpu.memory_space<vmem>>, vector<16xf32>,
        %swap3A_2285 = arith.constant 4 : i32
        %swap3A_2286 = arith.constant 0 : i32
        %swap3A_2287 = tpu.memref_slice %arg7[%add3A_2226, %swap3A_2285, %swap3A_2286] : memref<8x8x128xf32, #tpu.memory_space<vmem>> -> memref<1x1x128xf32, #tpu.memory_space<vmem>>
        %swap3A_2288 = tpu.memref_squeeze %swap3A_2287 : memref<1x1x128xf32, #tpu.memory_space<vmem>> -> memref<128xf32, #tpu.memory_space<vmem>>
        %swap3A_2289 = arith.constant 112 : index
        %swap3A_2290 = tpu.vector_load %swap3A_2288[%swap3A_2289] {strides = array<i32>} : memref<128xf32, #tpu.memory_space<vmem>>, vector<16xf32>,
        tpu.vector_store %swap3A_2288[%swap3A_2289], %gather3A_2242 {strides = array<i32>} : memref<128xf32, #tpu.memory_space<vmem>>, vector<16xf32>,
        %mul3A_2291 = arith.constant 4 : i32
        %mul3A_2292 = arith.muli %rem3A_250, %mul3A_2291 : i32
        %add3A_2293 = arith.constant 3 : i32
        %add3A_2294 = arith.addi %mul3A_2292, %add3A_2293 : i32
        %add3A_2295 = arith.addi %get3A_278, %broadcast_in_dim3A_65 : vector<16xi32>
        %gather3A_2296 = tpu.vector_load_idx %arg6[%add3A_2295] : memref<32000xf32, #tpu.memory_space<vmem>>[vector<16xi32>], vector<16xf32>,
        %add3A_2297 = arith.addi %get3A_284, %broadcast_in_dim3A_65 : vector<16xi32>
        %gather3A_2298 = tpu.vector_load_idx %arg6[%add3A_2297] : memref<32000xf32, #tpu.memory_space<vmem>>[vector<16xi32>], vector<16xf32>,
        %add3A_2299 = arith.addi %get3A_290, %broadcast_in_dim3A_65 : vector<16xi32>
        %gather3A_2300 = tpu.vector_load_idx %arg6[%add3A_2299] : memref<32000xf32, #tpu.memory_space<vmem>>[vector<16xi32>], vector<16xf32>,
        %add3A_2301 = arith.addi %get3A_296, %broadcast_in_dim3A_65 : vector<16xi32>
        %gather3A_2302 = tpu.vector_load_idx %arg6[%add3A_2301] : memref<32000xf32, #tpu.memory_space<vmem>>[vector<16xi32>], vector<16xf32>,
        %add3A_2303 = arith.addi %get3A_302, %broadcast_in_dim3A_65 : vector<16xi32>
        %gather3A_2304 = tpu.vector_load_idx %arg6[%add3A_2303] : memref<32000xf32, #tpu.memory_space<vmem>>[vector<16xi32>], vector<16xf32>,
        %add3A_2305 = arith.addi %get3A_308, %broadcast_in_dim3A_65 : vector<16xi32>
        %gather3A_2306 = tpu.vector_load_idx %arg6[%add3A_2305] : memref<32000xf32, #tpu.memory_space<vmem>>[vector<16xi32>], vector<16xf32>,
        %add3A_2307 = arith.addi %get3A_314, %broadcast_in_dim3A_65 : vector<16xi32>
        %gather3A_2308 = tpu.vector_load_idx %arg6[%add3A_2307] : memref<32000xf32, #tpu.memory_space<vmem>>[vector<16xi32>], vector<16xf32>,
        %add3A_2309 = arith.addi %get3A_320, %broadcast_in_dim3A_65 : vector<16xi32>
        %gather3A_2310 = tpu.vector_load_idx %arg6[%add3A_2309] : memref<32000xf32, #tpu.memory_space<vmem>>[vector<16xi32>], vector<16xf32>,
        %swap3A_2311 = arith.constant 5 : i32
        %swap3A_2312 = arith.constant 0 : i32
        %swap3A_2313 = tpu.memref_slice %arg7[%add3A_2294, %swap3A_2311, %swap3A_2312] : memref<8x8x128xf32, #tpu.memory_space<vmem>> -> memref<1x1x128xf32, #tpu.memory_space<vmem>>
        %swap3A_2314 = tpu.memref_squeeze %swap3A_2313 : memref<1x1x128xf32, #tpu.memory_space<vmem>> -> memref<128xf32, #tpu.memory_space<vmem>>
        %swap3A_2315 = arith.constant 0 : index
        %swap3A_2316 = tpu.vector_load %swap3A_2314[%swap3A_2315] {strides = array<i32>} : memref<128xf32, #tpu.memory_space<vmem>>, vector<16xf32>,
        tpu.vector_store %swap3A_2314[%swap3A_2315], %gather3A_2296 {strides = array<i32>} : memref<128xf32, #tpu.memory_space<vmem>>, vector<16xf32>,
        %swap3A_2317 = arith.constant 5 : i32
        %swap3A_2318 = arith.constant 0 : i32
        %swap3A_2319 = tpu.memref_slice %arg7[%add3A_2294, %swap3A_2317, %swap3A_2318] : memref<8x8x128xf32, #tpu.memory_space<vmem>> -> memref<1x1x128xf32, #tpu.memory_space<vmem>>
        %swap3A_2320 = tpu.memref_squeeze %swap3A_2319 : memref<1x1x128xf32, #tpu.memory_space<vmem>> -> memref<128xf32, #tpu.memory_space<vmem>>
        %swap3A_2321 = arith.constant 16 : index
        %swap3A_2322 = tpu.vector_load %swap3A_2320[%swap3A_2321] {strides = array<i32>} : memref<128xf32, #tpu.memory_space<vmem>>, vector<16xf32>,
        tpu.vector_store %swap3A_2320[%swap3A_2321], %gather3A_2298 {strides = array<i32>} : memref<128xf32, #tpu.memory_space<vmem>>, vector<16xf32>,
        %swap3A_2323 = arith.constant 5 : i32
        %swap3A_2324 = arith.constant 0 : i32
        %swap3A_2325 = tpu.memref_slice %arg7[%add3A_2294, %swap3A_2323, %swap3A_2324] : memref<8x8x128xf32, #tpu.memory_space<vmem>> -> memref<1x1x128xf32, #tpu.memory_space<vmem>>
        %swap3A_2326 = tpu.memref_squeeze %swap3A_2325 : memref<1x1x128xf32, #tpu.memory_space<vmem>> -> memref<128xf32, #tpu.memory_space<vmem>>
        %swap3A_2327 = arith.constant 32 : index
        %swap3A_2328 = tpu.vector_load %swap3A_2326[%swap3A_2327] {strides = array<i32>} : memref<128xf32, #tpu.memory_space<vmem>>, vector<16xf32>,
        tpu.vector_store %swap3A_2326[%swap3A_2327], %gather3A_2300 {strides = array<i32>} : memref<128xf32, #tpu.memory_space<vmem>>, vector<16xf32>,
        %swap3A_2329 = arith.constant 5 : i32
        %swap3A_2330 = arith.constant 0 : i32
        %swap3A_2331 = tpu.memref_slice %arg7[%add3A_2294, %swap3A_2329, %swap3A_2330] : memref<8x8x128xf32, #tpu.memory_space<vmem>> -> memref<1x1x128xf32, #tpu.memory_space<vmem>>
        %swap3A_2332 = tpu.memref_squeeze %swap3A_2331 : memref<1x1x128xf32, #tpu.memory_space<vmem>> -> memref<128xf32, #tpu.memory_space<vmem>>
        %swap3A_2333 = arith.constant 48 : index
        %swap3A_2334 = tpu.vector_load %swap3A_2332[%swap3A_2333] {strides = array<i32>} : memref<128xf32, #tpu.memory_space<vmem>>, vector<16xf32>,
        tpu.vector_store %swap3A_2332[%swap3A_2333], %gather3A_2302 {strides = array<i32>} : memref<128xf32, #tpu.memory_space<vmem>>, vector<16xf32>,
        %swap3A_2335 = arith.constant 5 : i32
        %swap3A_2336 = arith.constant 0 : i32
        %swap3A_2337 = tpu.memref_slice %arg7[%add3A_2294, %swap3A_2335, %swap3A_2336] : memref<8x8x128xf32, #tpu.memory_space<vmem>> -> memref<1x1x128xf32, #tpu.memory_space<vmem>>
        %swap3A_2338 = tpu.memref_squeeze %swap3A_2337 : memref<1x1x128xf32, #tpu.memory_space<vmem>> -> memref<128xf32, #tpu.memory_space<vmem>>
        %swap3A_2339 = arith.constant 64 : index
        %swap3A_2340 = tpu.vector_load %swap3A_2338[%swap3A_2339] {strides = array<i32>} : memref<128xf32, #tpu.memory_space<vmem>>, vector<16xf32>,
        tpu.vector_store %swap3A_2338[%swap3A_2339], %gather3A_2304 {strides = array<i32>} : memref<128xf32, #tpu.memory_space<vmem>>, vector<16xf32>,
        %swap3A_2341 = arith.constant 5 : i32
        %swap3A_2342 = arith.constant 0 : i32
        %swap3A_2343 = tpu.memref_slice %arg7[%add3A_2294, %swap3A_2341, %swap3A_2342] : memref<8x8x128xf32, #tpu.memory_space<vmem>> -> memref<1x1x128xf32, #tpu.memory_space<vmem>>
        %swap3A_2344 = tpu.memref_squeeze %swap3A_2343 : memref<1x1x128xf32, #tpu.memory_space<vmem>> -> memref<128xf32, #tpu.memory_space<vmem>>
        %swap3A_2345 = arith.constant 80 : index
        %swap3A_2346 = tpu.vector_load %swap3A_2344[%swap3A_2345] {strides = array<i32>} : memref<128xf32, #tpu.memory_space<vmem>>, vector<16xf32>,
        tpu.vector_store %swap3A_2344[%swap3A_2345], %gather3A_2306 {strides = array<i32>} : memref<128xf32, #tpu.memory_space<vmem>>, vector<16xf32>,
        %swap3A_2347 = arith.constant 5 : i32
        %swap3A_2348 = arith.constant 0 : i32
        %swap3A_2349 = tpu.memref_slice %arg7[%add3A_2294, %swap3A_2347, %swap3A_2348] : memref<8x8x128xf32, #tpu.memory_space<vmem>> -> memref<1x1x128xf32, #tpu.memory_space<vmem>>
        %swap3A_2350 = tpu.memref_squeeze %swap3A_2349 : memref<1x1x128xf32, #tpu.memory_space<vmem>> -> memref<128xf32, #tpu.memory_space<vmem>>
        %swap3A_2351 = arith.constant 96 : index
        %swap3A_2352 = tpu.vector_load %swap3A_2350[%swap3A_2351] {strides = array<i32>} : memref<128xf32, #tpu.memory_space<vmem>>, vector<16xf32>,
        tpu.vector_store %swap3A_2350[%swap3A_2351], %gather3A_2308 {strides = array<i32>} : memref<128xf32, #tpu.memory_space<vmem>>, vector<16xf32>,
        %swap3A_2353 = arith.constant 5 : i32
        %swap3A_2354 = arith.constant 0 : i32
        %swap3A_2355 = tpu.memref_slice %arg7[%add3A_2294, %swap3A_2353, %swap3A_2354] : memref<8x8x128xf32, #tpu.memory_space<vmem>> -> memref<1x1x128xf32, #tpu.memory_space<vmem>>
        %swap3A_2356 = tpu.memref_squeeze %swap3A_2355 : memref<1x1x128xf32, #tpu.memory_space<vmem>> -> memref<128xf32, #tpu.memory_space<vmem>>
        %swap3A_2357 = arith.constant 112 : index
        %swap3A_2358 = tpu.vector_load %swap3A_2356[%swap3A_2357] {strides = array<i32>} : memref<128xf32, #tpu.memory_space<vmem>>, vector<16xf32>,
        tpu.vector_store %swap3A_2356[%swap3A_2357], %gather3A_2310 {strides = array<i32>} : memref<128xf32, #tpu.memory_space<vmem>>, vector<16xf32>,
        %mul3A_2359 = arith.constant 4 : i32
        %mul3A_2360 = arith.muli %rem3A_250, %mul3A_2359 : i32
        %add3A_2361 = arith.constant 3 : i32
        %add3A_2362 = arith.addi %mul3A_2360, %add3A_2361 : i32
        %add3A_2363 = arith.addi %get3A_278, %broadcast_in_dim3A_67 : vector<16xi32>
        %gather3A_2364 = tpu.vector_load_idx %arg6[%add3A_2363] : memref<32000xf32, #tpu.memory_space<vmem>>[vector<16xi32>], vector<16xf32>,
        %add3A_2365 = arith.addi %get3A_284, %broadcast_in_dim3A_67 : vector<16xi32>
        %gather3A_2366 = tpu.vector_load_idx %arg6[%add3A_2365] : memref<32000xf32, #tpu.memory_space<vmem>>[vector<16xi32>], vector<16xf32>,
        %add3A_2367 = arith.addi %get3A_290, %broadcast_in_dim3A_67 : vector<16xi32>
        %gather3A_2368 = tpu.vector_load_idx %arg6[%add3A_2367] : memref<32000xf32, #tpu.memory_space<vmem>>[vector<16xi32>], vector<16xf32>,
        %add3A_2369 = arith.addi %get3A_296, %broadcast_in_dim3A_67 : vector<16xi32>
        %gather3A_2370 = tpu.vector_load_idx %arg6[%add3A_2369] : memref<32000xf32, #tpu.memory_space<vmem>>[vector<16xi32>], vector<16xf32>,
        %add3A_2371 = arith.addi %get3A_302, %broadcast_in_dim3A_67 : vector<16xi32>
        %gather3A_2372 = tpu.vector_load_idx %arg6[%add3A_2371] : memref<32000xf32, #tpu.memory_space<vmem>>[vector<16xi32>], vector<16xf32>,
        %add3A_2373 = arith.addi %get3A_308, %broadcast_in_dim3A_67 : vector<16xi32>
        %gather3A_2374 = tpu.vector_load_idx %arg6[%add3A_2373] : memref<32000xf32, #tpu.memory_space<vmem>>[vector<16xi32>], vector<16xf32>,
        %add3A_2375 = arith.addi %get3A_314, %broadcast_in_dim3A_67 : vector<16xi32>
        %gather3A_2376 = tpu.vector_load_idx %arg6[%add3A_2375] : memref<32000xf32, #tpu.memory_space<vmem>>[vector<16xi32>], vector<16xf32>,
        %add3A_2377 = arith.addi %get3A_320, %broadcast_in_dim3A_67 : vector<16xi32>
        %gather3A_2378 = tpu.vector_load_idx %arg6[%add3A_2377] : memref<32000xf32, #tpu.memory_space<vmem>>[vector<16xi32>], vector<16xf32>,
        %swap3A_2379 = arith.constant 6 : i32
        %swap3A_2380 = arith.constant 0 : i32
        %swap3A_2381 = tpu.memref_slice %arg7[%add3A_2362, %swap3A_2379, %swap3A_2380] : memref<8x8x128xf32, #tpu.memory_space<vmem>> -> memref<1x1x128xf32, #tpu.memory_space<vmem>>
        %swap3A_2382 = tpu.memref_squeeze %swap3A_2381 : memref<1x1x128xf32, #tpu.memory_space<vmem>> -> memref<128xf32, #tpu.memory_space<vmem>>
        %swap3A_2383 = arith.constant 0 : index
        %swap3A_2384 = tpu.vector_load %swap3A_2382[%swap3A_2383] {strides = array<i32>} : memref<128xf32, #tpu.memory_space<vmem>>, vector<16xf32>,
        tpu.vector_store %swap3A_2382[%swap3A_2383], %gather3A_2364 {strides = array<i32>} : memref<128xf32, #tpu.memory_space<vmem>>, vector<16xf32>,
        %swap3A_2385 = arith.constant 6 : i32
        %swap3A_2386 = arith.constant 0 : i32
        %swap3A_2387 = tpu.memref_slice %arg7[%add3A_2362, %swap3A_2385, %swap3A_2386] : memref<8x8x128xf32, #tpu.memory_space<vmem>> -> memref<1x1x128xf32, #tpu.memory_space<vmem>>
        %swap3A_2388 = tpu.memref_squeeze %swap3A_2387 : memref<1x1x128xf32, #tpu.memory_space<vmem>> -> memref<128xf32, #tpu.memory_space<vmem>>
        %swap3A_2389 = arith.constant 16 : index
        %swap3A_2390 = tpu.vector_load %swap3A_2388[%swap3A_2389] {strides = array<i32>} : memref<128xf32, #tpu.memory_space<vmem>>, vector<16xf32>,
        tpu.vector_store %swap3A_2388[%swap3A_2389], %gather3A_2366 {strides = array<i32>} : memref<128xf32, #tpu.memory_space<vmem>>, vector<16xf32>,
        %swap3A_2391 = arith.constant 6 : i32
        %swap3A_2392 = arith.constant 0 : i32
        %swap3A_2393 = tpu.memref_slice %arg7[%add3A_2362, %swap3A_2391, %swap3A_2392] : memref<8x8x128xf32, #tpu.memory_space<vmem>> -> memref<1x1x128xf32, #tpu.memory_space<vmem>>
        %swap3A_2394 = tpu.memref_squeeze %swap3A_2393 : memref<1x1x128xf32, #tpu.memory_space<vmem>> -> memref<128xf32, #tpu.memory_space<vmem>>
        %swap3A_2395 = arith.constant 32 : index
        %swap3A_2396 = tpu.vector_load %swap3A_2394[%swap3A_2395] {strides = array<i32>} : memref<128xf32, #tpu.memory_space<vmem>>, vector<16xf32>,
        tpu.vector_store %swap3A_2394[%swap3A_2395], %gather3A_2368 {strides = array<i32>} : memref<128xf32, #tpu.memory_space<vmem>>, vector<16xf32>,
        %swap3A_2397 = arith.constant 6 : i32
        %swap3A_2398 = arith.constant 0 : i32
        %swap3A_2399 = tpu.memref_slice %arg7[%add3A_2362, %swap3A_2397, %swap3A_2398] : memref<8x8x128xf32, #tpu.memory_space<vmem>> -> memref<1x1x128xf32, #tpu.memory_space<vmem>>
        %swap3A_2400 = tpu.memref_squeeze %swap3A_2399 : memref<1x1x128xf32, #tpu.memory_space<vmem>> -> memref<128xf32, #tpu.memory_space<vmem>>
        %swap3A_2401 = arith.constant 48 : index
        %swap3A_2402 = tpu.vector_load %swap3A_2400[%swap3A_2401] {strides = array<i32>} : memref<128xf32, #tpu.memory_space<vmem>>, vector<16xf32>,
        tpu.vector_store %swap3A_2400[%swap3A_2401], %gather3A_2370 {strides = array<i32>} : memref<128xf32, #tpu.memory_space<vmem>>, vector<16xf32>,
        %swap3A_2403 = arith.constant 6 : i32
        %swap3A_2404 = arith.constant 0 : i32
        %swap3A_2405 = tpu.memref_slice %arg7[%add3A_2362, %swap3A_2403, %swap3A_2404] : memref<8x8x128xf32, #tpu.memory_space<vmem>> -> memref<1x1x128xf32, #tpu.memory_space<vmem>>
        %swap3A_2406 = tpu.memref_squeeze %swap3A_2405 : memref<1x1x128xf32, #tpu.memory_space<vmem>> -> memref<128xf32, #tpu.memory_space<vmem>>
        %swap3A_2407 = arith.constant 64 : index
        %swap3A_2408 = tpu.vector_load %swap3A_2406[%swap3A_2407] {strides = array<i32>} : memref<128xf32, #tpu.memory_space<vmem>>, vector<16xf32>,
        tpu.vector_store %swap3A_2406[%swap3A_2407], %gather3A_2372 {strides = array<i32>} : memref<128xf32, #tpu.memory_space<vmem>>, vector<16xf32>,
        %swap3A_2409 = arith.constant 6 : i32
        %swap3A_2410 = arith.constant 0 : i32
        %swap3A_2411 = tpu.memref_slice %arg7[%add3A_2362, %swap3A_2409, %swap3A_2410] : memref<8x8x128xf32, #tpu.memory_space<vmem>> -> memref<1x1x128xf32, #tpu.memory_space<vmem>>
        %swap3A_2412 = tpu.memref_squeeze %swap3A_2411 : memref<1x1x128xf32, #tpu.memory_space<vmem>> -> memref<128xf32, #tpu.memory_space<vmem>>
        %swap3A_2413 = arith.constant 80 : index
        %swap3A_2414 = tpu.vector_load %swap3A_2412[%swap3A_2413] {strides = array<i32>} : memref<128xf32, #tpu.memory_space<vmem>>, vector<16xf32>,
        tpu.vector_store %swap3A_2412[%swap3A_2413], %gather3A_2374 {strides = array<i32>} : memref<128xf32, #tpu.memory_space<vmem>>, vector<16xf32>,
        %swap3A_2415 = arith.constant 6 : i32
        %swap3A_2416 = arith.constant 0 : i32
        %swap3A_2417 = tpu.memref_slice %arg7[%add3A_2362, %swap3A_2415, %swap3A_2416] : memref<8x8x128xf32, #tpu.memory_space<vmem>> -> memref<1x1x128xf32, #tpu.memory_space<vmem>>
        %swap3A_2418 = tpu.memref_squeeze %swap3A_2417 : memref<1x1x128xf32, #tpu.memory_space<vmem>> -> memref<128xf32, #tpu.memory_space<vmem>>
        %swap3A_2419 = arith.constant 96 : index
        %swap3A_2420 = tpu.vector_load %swap3A_2418[%swap3A_2419] {strides = array<i32>} : memref<128xf32, #tpu.memory_space<vmem>>, vector<16xf32>,
        tpu.vector_store %swap3A_2418[%swap3A_2419], %gather3A_2376 {strides = array<i32>} : memref<128xf32, #tpu.memory_space<vmem>>, vector<16xf32>,
        %swap3A_2421 = arith.constant 6 : i32
        %swap3A_2422 = arith.constant 0 : i32
        %swap3A_2423 = tpu.memref_slice %arg7[%add3A_2362, %swap3A_2421, %swap3A_2422] : memref<8x8x128xf32, #tpu.memory_space<vmem>> -> memref<1x1x128xf32, #tpu.memory_space<vmem>>
        %swap3A_2424 = tpu.memref_squeeze %swap3A_2423 : memref<1x1x128xf32, #tpu.memory_space<vmem>> -> memref<128xf32, #tpu.memory_space<vmem>>
        %swap3A_2425 = arith.constant 112 : index
        %swap3A_2426 = tpu.vector_load %swap3A_2424[%swap3A_2425] {strides = array<i32>} : memref<128xf32, #tpu.memory_space<vmem>>, vector<16xf32>,
        tpu.vector_store %swap3A_2424[%swap3A_2425], %gather3A_2378 {strides = array<i32>} : memref<128xf32, #tpu.memory_space<vmem>>, vector<16xf32>,
        %mul3A_2427 = arith.constant 4 : i32
        %mul3A_2428 = arith.muli %rem3A_250, %mul3A_2427 : i32
        %add3A_2429 = arith.constant 3 : i32
        %add3A_2430 = arith.addi %mul3A_2428, %add3A_2429 : i32
        %add3A_2431 = arith.addi %get3A_278, %broadcast_in_dim3A_69 : vector<16xi32>
        %gather3A_2432 = tpu.vector_load_idx %arg6[%add3A_2431] : memref<32000xf32, #tpu.memory_space<vmem>>[vector<16xi32>], vector<16xf32>,
        %add3A_2433 = arith.addi %get3A_284, %broadcast_in_dim3A_69 : vector<16xi32>
        %gather3A_2434 = tpu.vector_load_idx %arg6[%add3A_2433] : memref<32000xf32, #tpu.memory_space<vmem>>[vector<16xi32>], vector<16xf32>,
        %add3A_2435 = arith.addi %get3A_290, %broadcast_in_dim3A_69 : vector<16xi32>
        %gather3A_2436 = tpu.vector_load_idx %arg6[%add3A_2435] : memref<32000xf32, #tpu.memory_space<vmem>>[vector<16xi32>], vector<16xf32>,
        %add3A_2437 = arith.addi %get3A_296, %broadcast_in_dim3A_69 : vector<16xi32>
        %gather3A_2438 = tpu.vector_load_idx %arg6[%add3A_2437] : memref<32000xf32, #tpu.memory_space<vmem>>[vector<16xi32>], vector<16xf32>,
        %add3A_2439 = arith.addi %get3A_302, %broadcast_in_dim3A_69 : vector<16xi32>
        %gather3A_2440 = tpu.vector_load_idx %arg6[%add3A_2439] : memref<32000xf32, #tpu.memory_space<vmem>>[vector<16xi32>], vector<16xf32>,
        %add3A_2441 = arith.addi %get3A_308, %broadcast_in_dim3A_69 : vector<16xi32>
        %gather3A_2442 = tpu.vector_load_idx %arg6[%add3A_2441] : memref<32000xf32, #tpu.memory_space<vmem>>[vector<16xi32>], vector<16xf32>,
        %add3A_2443 = arith.addi %get3A_314, %broadcast_in_dim3A_69 : vector<16xi32>
        %gather3A_2444 = tpu.vector_load_idx %arg6[%add3A_2443] : memref<32000xf32, #tpu.memory_space<vmem>>[vector<16xi32>], vector<16xf32>,
        %add3A_2445 = arith.addi %get3A_320, %broadcast_in_dim3A_69 : vector<16xi32>
        %gather3A_2446 = tpu.vector_load_idx %arg6[%add3A_2445] : memref<32000xf32, #tpu.memory_space<vmem>>[vector<16xi32>], vector<16xf32>,
        %swap3A_2447 = arith.constant 7 : i32
        %swap3A_2448 = arith.constant 0 : i32
        %swap3A_2449 = tpu.memref_slice %arg7[%add3A_2430, %swap3A_2447, %swap3A_2448] : memref<8x8x128xf32, #tpu.memory_space<vmem>> -> memref<1x1x128xf32, #tpu.memory_space<vmem>>
        %swap3A_2450 = tpu.memref_squeeze %swap3A_2449 : memref<1x1x128xf32, #tpu.memory_space<vmem>> -> memref<128xf32, #tpu.memory_space<vmem>>
        %swap3A_2451 = arith.constant 0 : index
        %swap3A_2452 = tpu.vector_load %swap3A_2450[%swap3A_2451] {strides = array<i32>} : memref<128xf32, #tpu.memory_space<vmem>>, vector<16xf32>,
        tpu.vector_store %swap3A_2450[%swap3A_2451], %gather3A_2432 {strides = array<i32>} : memref<128xf32, #tpu.memory_space<vmem>>, vector<16xf32>,
        %swap3A_2453 = arith.constant 7 : i32
        %swap3A_2454 = arith.constant 0 : i32
        %swap3A_2455 = tpu.memref_slice %arg7[%add3A_2430, %swap3A_2453, %swap3A_2454] : memref<8x8x128xf32, #tpu.memory_space<vmem>> -> memref<1x1x128xf32, #tpu.memory_space<vmem>>
        %swap3A_2456 = tpu.memref_squeeze %swap3A_2455 : memref<1x1x128xf32, #tpu.memory_space<vmem>> -> memref<128xf32, #tpu.memory_space<vmem>>
        %swap3A_2457 = arith.constant 16 : index
        %swap3A_2458 = tpu.vector_load %swap3A_2456[%swap3A_2457] {strides = array<i32>} : memref<128xf32, #tpu.memory_space<vmem>>, vector<16xf32>,
        tpu.vector_store %swap3A_2456[%swap3A_2457], %gather3A_2434 {strides = array<i32>} : memref<128xf32, #tpu.memory_space<vmem>>, vector<16xf32>,
        %swap3A_2459 = arith.constant 7 : i32
        %swap3A_2460 = arith.constant 0 : i32
        %swap3A_2461 = tpu.memref_slice %arg7[%add3A_2430, %swap3A_2459, %swap3A_2460] : memref<8x8x128xf32, #tpu.memory_space<vmem>> -> memref<1x1x128xf32, #tpu.memory_space<vmem>>
        %swap3A_2462 = tpu.memref_squeeze %swap3A_2461 : memref<1x1x128xf32, #tpu.memory_space<vmem>> -> memref<128xf32, #tpu.memory_space<vmem>>
        %swap3A_2463 = arith.constant 32 : index
        %swap3A_2464 = tpu.vector_load %swap3A_2462[%swap3A_2463] {strides = array<i32>} : memref<128xf32, #tpu.memory_space<vmem>>, vector<16xf32>,
        tpu.vector_store %swap3A_2462[%swap3A_2463], %gather3A_2436 {strides = array<i32>} : memref<128xf32, #tpu.memory_space<vmem>>, vector<16xf32>,
        %swap3A_2465 = arith.constant 7 : i32
        %swap3A_2466 = arith.constant 0 : i32
        %swap3A_2467 = tpu.memref_slice %arg7[%add3A_2430, %swap3A_2465, %swap3A_2466] : memref<8x8x128xf32, #tpu.memory_space<vmem>> -> memref<1x1x128xf32, #tpu.memory_space<vmem>>
        %swap3A_2468 = tpu.memref_squeeze %swap3A_2467 : memref<1x1x128xf32, #tpu.memory_space<vmem>> -> memref<128xf32, #tpu.memory_space<vmem>>
        %swap3A_2469 = arith.constant 48 : index
        %swap3A_2470 = tpu.vector_load %swap3A_2468[%swap3A_2469] {strides = array<i32>} : memref<128xf32, #tpu.memory_space<vmem>>, vector<16xf32>,
        tpu.vector_store %swap3A_2468[%swap3A_2469], %gather3A_2438 {strides = array<i32>} : memref<128xf32, #tpu.memory_space<vmem>>, vector<16xf32>,
        %swap3A_2471 = arith.constant 7 : i32
        %swap3A_2472 = arith.constant 0 : i32
        %swap3A_2473 = tpu.memref_slice %arg7[%add3A_2430, %swap3A_2471, %swap3A_2472] : memref<8x8x128xf32, #tpu.memory_space<vmem>> -> memref<1x1x128xf32, #tpu.memory_space<vmem>>
        %swap3A_2474 = tpu.memref_squeeze %swap3A_2473 : memref<1x1x128xf32, #tpu.memory_space<vmem>> -> memref<128xf32, #tpu.memory_space<vmem>>
        %swap3A_2475 = arith.constant 64 : index
        %swap3A_2476 = tpu.vector_load %swap3A_2474[%swap3A_2475] {strides = array<i32>} : memref<128xf32, #tpu.memory_space<vmem>>, vector<16xf32>,
        tpu.vector_store %swap3A_2474[%swap3A_2475], %gather3A_2440 {strides = array<i32>} : memref<128xf32, #tpu.memory_space<vmem>>, vector<16xf32>,
        %swap3A_2477 = arith.constant 7 : i32
        %swap3A_2478 = arith.constant 0 : i32
        %swap3A_2479 = tpu.memref_slice %arg7[%add3A_2430, %swap3A_2477, %swap3A_2478] : memref<8x8x128xf32, #tpu.memory_space<vmem>> -> memref<1x1x128xf32, #tpu.memory_space<vmem>>
        %swap3A_2480 = tpu.memref_squeeze %swap3A_2479 : memref<1x1x128xf32, #tpu.memory_space<vmem>> -> memref<128xf32, #tpu.memory_space<vmem>>
        %swap3A_2481 = arith.constant 80 : index
        %swap3A_2482 = tpu.vector_load %swap3A_2480[%swap3A_2481] {strides = array<i32>} : memref<128xf32, #tpu.memory_space<vmem>>, vector<16xf32>,
        tpu.vector_store %swap3A_2480[%swap3A_2481], %gather3A_2442 {strides = array<i32>} : memref<128xf32, #tpu.memory_space<vmem>>, vector<16xf32>,
        %swap3A_2483 = arith.constant 7 : i32
        %swap3A_2484 = arith.constant 0 : i32
        %swap3A_2485 = tpu.memref_slice %arg7[%add3A_2430, %swap3A_2483, %swap3A_2484] : memref<8x8x128xf32, #tpu.memory_space<vmem>> -> memref<1x1x128xf32, #tpu.memory_space<vmem>>
        %swap3A_2486 = tpu.memref_squeeze %swap3A_2485 : memref<1x1x128xf32, #tpu.memory_space<vmem>> -> memref<128xf32, #tpu.memory_space<vmem>>
        %swap3A_2487 = arith.constant 96 : index
        %swap3A_2488 = tpu.vector_load %swap3A_2486[%swap3A_2487] {strides = array<i32>} : memref<128xf32, #tpu.memory_space<vmem>>, vector<16xf32>,
        tpu.vector_store %swap3A_2486[%swap3A_2487], %gather3A_2444 {strides = array<i32>} : memref<128xf32, #tpu.memory_space<vmem>>, vector<16xf32>,
        %swap3A_2489 = arith.constant 7 : i32
        %swap3A_2490 = arith.constant 0 : i32
        %swap3A_2491 = tpu.memref_slice %arg7[%add3A_2430, %swap3A_2489, %swap3A_2490] : memref<8x8x128xf32, #tpu.memory_space<vmem>> -> memref<1x1x128xf32, #tpu.memory_space<vmem>>
        %swap3A_2492 = tpu.memref_squeeze %swap3A_2491 : memref<1x1x128xf32, #tpu.memory_space<vmem>> -> memref<128xf32, #tpu.memory_space<vmem>>
        %swap3A_2493 = arith.constant 112 : index
        %swap3A_2494 = tpu.vector_load %swap3A_2492[%swap3A_2493] {strides = array<i32>} : memref<128xf32, #tpu.memory_space<vmem>>, vector<16xf32>,
        tpu.vector_store %swap3A_2492[%swap3A_2493], %gather3A_2446 {strides = array<i32>} : memref<128xf32, #tpu.memory_space<vmem>>, vector<16xf32>,
        %mul3A_2495 = arith.constant 4 : i32
        %mul3A_2496 = arith.muli %rem3A_250, %mul3A_2495 : i32
        %add3A_2497 = arith.constant 0 : i32
        %add3A_2498 = arith.addi %mul3A_2496, %add3A_2497 : i32
        %add3A_2499 = arith.addi %add3A_6, %add3A_249 : i32
        %mul3A_2500 = arith.constant 128 : i32
        %mul3A_2501 = arith.muli %add3A_2499, %mul3A_2500 : i32
        %dma_start3A_2502 = arith.constant 0 : i32
        %dma_start3A_2503 = arith.constant 0 : i32
        %dma_start3A_2504 = tpu.memref_slice %arg7[%add3A_2498, %dma_start3A_2502, %dma_start3A_2503] : memref<8x8x128xf32, #tpu.memory_space<vmem>> -> memref<1x8x128xf32, #tpu.memory_space<vmem>>
        %dma_start3A_2505 = tpu.memref_squeeze %dma_start3A_2504 : memref<1x8x128xf32, #tpu.memory_space<vmem>> -> memref<8x128xf32, #tpu.memory_space<vmem>>
        %dma_start3A_2506 = arith.constant 0 : i32
        %dma_start3A_2507 = tpu.memref_slice %arg4[%dma_start3A_2506, %mul3A_2501] : memref<32x1600000xf32, #tpu.memory_space<hbm>> -> memref<8x128xf32, #tpu.memory_space<hbm>>
        %dma_start3A_2508 = tpu.memref_slice %arg10[%rem3A_250] : memref<2x!tpu.dma_semaphore, #tpu.memory_space<semaphore_mem>> -> memref<1x!tpu.dma_semaphore, #tpu.memory_space<semaphore_mem>>
        %dma_start3A_2509 = tpu.memref_squeeze %dma_start3A_2508 : memref<1x!tpu.dma_semaphore, #tpu.memory_space<semaphore_mem>> -> memref<!tpu.dma_semaphore, #tpu.memory_space<semaphore_mem>>
        %dma_start3A_2510 = arith.constant 0 : i32
        %dma_start3A_2511 = tpu.memref_slice %arg4[%dma_start3A_2510, %mul3A_2501] : memref<32x1600000xf32, #tpu.memory_space<hbm>> -> memref<8x128xf32, #tpu.memory_space<hbm>>
        %dma_start3A_2512 = arith.constant 0 : i32
        %dma_start3A_2513 = arith.constant 0 : i32
        %dma_start3A_2514 = tpu.memref_slice %arg7[%add3A_2498, %dma_start3A_2512, %dma_start3A_2513] : memref<8x8x128xf32, #tpu.memory_space<vmem>> -> memref<1x8x128xf32, #tpu.memory_space<vmem>>
        %dma_start3A_2515 = tpu.memref_squeeze %dma_start3A_2514 : memref<1x8x128xf32, #tpu.memory_space<vmem>> -> memref<8x128xf32, #tpu.memory_space<vmem>>
        tpu.enqueue_dma source(%dma_start3A_2515 : memref<8x128xf32, #tpu.memory_space<vmem>>) target(%dma_start3A_2511 : memref<8x128xf32, #tpu.memory_space<hbm>>) target_semaphore(%dma_start3A_2509 : memref<!tpu.dma_semaphore, #tpu.memory_space<semaphore_mem>>)
        %mul3A_2516 = arith.constant 4 : i32
        %mul3A_2517 = arith.muli %rem3A_250, %mul3A_2516 : i32
        %add3A_2518 = arith.constant 1 : i32
        %add3A_2519 = arith.addi %mul3A_2517, %add3A_2518 : i32
        %add3A_2520 = arith.addi %add3A_6, %add3A_249 : i32
        %mul3A_2521 = arith.constant 128 : i32
        %mul3A_2522 = arith.muli %add3A_2520, %mul3A_2521 : i32
        %dma_start3A_2523 = arith.constant 0 : i32
        %dma_start3A_2524 = arith.constant 0 : i32
        %dma_start3A_2525 = tpu.memref_slice %arg7[%add3A_2519, %dma_start3A_2523, %dma_start3A_2524] : memref<8x8x128xf32, #tpu.memory_space<vmem>> -> memref<1x8x128xf32, #tpu.memory_space<vmem>>
        %dma_start3A_2526 = tpu.memref_squeeze %dma_start3A_2525 : memref<1x8x128xf32, #tpu.memory_space<vmem>> -> memref<8x128xf32, #tpu.memory_space<vmem>>
        %dma_start3A_2527 = arith.constant 8 : i32
        %dma_start3A_2528 = tpu.memref_slice %arg4[%dma_start3A_2527, %mul3A_2522] : memref<32x1600000xf32, #tpu.memory_space<hbm>> -> memref<8x128xf32, #tpu.memory_space<hbm>>
        %dma_start3A_2529 = tpu.memref_slice %arg10[%rem3A_250] : memref<2x!tpu.dma_semaphore, #tpu.memory_space<semaphore_mem>> -> memref<1x!tpu.dma_semaphore, #tpu.memory_space<semaphore_mem>>
        %dma_start3A_2530 = tpu.memref_squeeze %dma_start3A_2529 : memref<1x!tpu.dma_semaphore, #tpu.memory_space<semaphore_mem>> -> memref<!tpu.dma_semaphore, #tpu.memory_space<semaphore_mem>>
        %dma_start3A_2531 = arith.constant 8 : i32
        %dma_start3A_2532 = tpu.memref_slice %arg4[%dma_start3A_2531, %mul3A_2522] : memref<32x1600000xf32, #tpu.memory_space<hbm>> -> memref<8x128xf32, #tpu.memory_space<hbm>>
        %dma_start3A_2533 = arith.constant 0 : i32
        %dma_start3A_2534 = arith.constant 0 : i32
        %dma_start3A_2535 = tpu.memref_slice %arg7[%add3A_2519, %dma_start3A_2533, %dma_start3A_2534] : memref<8x8x128xf32, #tpu.memory_space<vmem>> -> memref<1x8x128xf32, #tpu.memory_space<vmem>>
        %dma_start3A_2536 = tpu.memref_squeeze %dma_start3A_2535 : memref<1x8x128xf32, #tpu.memory_space<vmem>> -> memref<8x128xf32, #tpu.memory_space<vmem>>
        tpu.enqueue_dma source(%dma_start3A_2536 : memref<8x128xf32, #tpu.memory_space<vmem>>) target(%dma_start3A_2532 : memref<8x128xf32, #tpu.memory_space<hbm>>) target_semaphore(%dma_start3A_2530 : memref<!tpu.dma_semaphore, #tpu.memory_space<semaphore_mem>>)
        %mul3A_2537 = arith.constant 4 : i32
        %mul3A_2538 = arith.muli %rem3A_250, %mul3A_2537 : i32
        %add3A_2539 = arith.constant 2 : i32
        %add3A_2540 = arith.addi %mul3A_2538, %add3A_2539 : i32
        %add3A_2541 = arith.addi %add3A_6, %add3A_249 : i32
        %mul3A_2542 = arith.constant 128 : i32
        %mul3A_2543 = arith.muli %add3A_2541, %mul3A_2542 : i32
        %dma_start3A_2544 = arith.constant 0 : i32
        %dma_start3A_2545 = arith.constant 0 : i32
        %dma_start3A_2546 = tpu.memref_slice %arg7[%add3A_2540, %dma_start3A_2544, %dma_start3A_2545] : memref<8x8x128xf32, #tpu.memory_space<vmem>> -> memref<1x8x128xf32, #tpu.memory_space<vmem>>
        %dma_start3A_2547 = tpu.memref_squeeze %dma_start3A_2546 : memref<1x8x128xf32, #tpu.memory_space<vmem>> -> memref<8x128xf32, #tpu.memory_space<vmem>>
        %dma_start3A_2548 = arith.constant 16 : i32
        %dma_start3A_2549 = tpu.memref_slice %arg4[%dma_start3A_2548, %mul3A_2543] : memref<32x1600000xf32, #tpu.memory_space<hbm>> -> memref<8x128xf32, #tpu.memory_space<hbm>>
        %dma_start3A_2550 = tpu.memref_slice %arg10[%rem3A_250] : memref<2x!tpu.dma_semaphore, #tpu.memory_space<semaphore_mem>> -> memref<1x!tpu.dma_semaphore, #tpu.memory_space<semaphore_mem>>
        %dma_start3A_2551 = tpu.memref_squeeze %dma_start3A_2550 : memref<1x!tpu.dma_semaphore, #tpu.memory_space<semaphore_mem>> -> memref<!tpu.dma_semaphore, #tpu.memory_space<semaphore_mem>>
        %dma_start3A_2552 = arith.constant 16 : i32
        %dma_start3A_2553 = tpu.memref_slice %arg4[%dma_start3A_2552, %mul3A_2543] : memref<32x1600000xf32, #tpu.memory_space<hbm>> -> memref<8x128xf32, #tpu.memory_space<hbm>>
        %dma_start3A_2554 = arith.constant 0 : i32
        %dma_start3A_2555 = arith.constant 0 : i32
        %dma_start3A_2556 = tpu.memref_slice %arg7[%add3A_2540, %dma_start3A_2554, %dma_start3A_2555] : memref<8x8x128xf32, #tpu.memory_space<vmem>> -> memref<1x8x128xf32, #tpu.memory_space<vmem>>
        %dma_start3A_2557 = tpu.memref_squeeze %dma_start3A_2556 : memref<1x8x128xf32, #tpu.memory_space<vmem>> -> memref<8x128xf32, #tpu.memory_space<vmem>>
        tpu.enqueue_dma source(%dma_start3A_2557 : memref<8x128xf32, #tpu.memory_space<vmem>>) target(%dma_start3A_2553 : memref<8x128xf32, #tpu.memory_space<hbm>>) target_semaphore(%dma_start3A_2551 : memref<!tpu.dma_semaphore, #tpu.memory_space<semaphore_mem>>)
        %mul3A_2558 = arith.constant 4 : i32
        %mul3A_2559 = arith.muli %rem3A_250, %mul3A_2558 : i32
        %add3A_2560 = arith.constant 3 : i32
        %add3A_2561 = arith.addi %mul3A_2559, %add3A_2560 : i32
        %add3A_2562 = arith.addi %add3A_6, %add3A_249 : i32
        %mul3A_2563 = arith.constant 128 : i32
        %mul3A_2564 = arith.muli %add3A_2562, %mul3A_2563 : i32
        %dma_start3A_2565 = arith.constant 0 : i32
        %dma_start3A_2566 = arith.constant 0 : i32
        %dma_start3A_2567 = tpu.memref_slice %arg7[%add3A_2561, %dma_start3A_2565, %dma_start3A_2566] : memref<8x8x128xf32, #tpu.memory_space<vmem>> -> memref<1x8x128xf32, #tpu.memory_space<vmem>>
        %dma_start3A_2568 = tpu.memref_squeeze %dma_start3A_2567 : memref<1x8x128xf32, #tpu.memory_space<vmem>> -> memref<8x128xf32, #tpu.memory_space<vmem>>
        %dma_start3A_2569 = arith.constant 24 : i32
        %dma_start3A_2570 = tpu.memref_slice %arg4[%dma_start3A_2569, %mul3A_2564] : memref<32x1600000xf32, #tpu.memory_space<hbm>> -> memref<8x128xf32, #tpu.memory_space<hbm>>
        %dma_start3A_2571 = tpu.memref_slice %arg10[%rem3A_250] : memref<2x!tpu.dma_semaphore, #tpu.memory_space<semaphore_mem>> -> memref<1x!tpu.dma_semaphore, #tpu.memory_space<semaphore_mem>>
        %dma_start3A_2572 = tpu.memref_squeeze %dma_start3A_2571 : memref<1x!tpu.dma_semaphore, #tpu.memory_space<semaphore_mem>> -> memref<!tpu.dma_semaphore, #tpu.memory_space<semaphore_mem>>
        %dma_start3A_2573 = arith.constant 24 : i32
        %dma_start3A_2574 = tpu.memref_slice %arg4[%dma_start3A_2573, %mul3A_2564] : memref<32x1600000xf32, #tpu.memory_space<hbm>> -> memref<8x128xf32, #tpu.memory_space<hbm>>
        %dma_start3A_2575 = arith.constant 0 : i32
        %dma_start3A_2576 = arith.constant 0 : i32
        %dma_start3A_2577 = tpu.memref_slice %arg7[%add3A_2561, %dma_start3A_2575, %dma_start3A_2576] : memref<8x8x128xf32, #tpu.memory_space<vmem>> -> memref<1x8x128xf32, #tpu.memory_space<vmem>>
        %dma_start3A_2578 = tpu.memref_squeeze %dma_start3A_2577 : memref<1x8x128xf32, #tpu.memory_space<vmem>> -> memref<8x128xf32, #tpu.memory_space<vmem>>
        tpu.enqueue_dma source(%dma_start3A_2578 : memref<8x128xf32, #tpu.memory_space<vmem>>) target(%dma_start3A_2574 : memref<8x128xf32, #tpu.memory_space<hbm>>) target_semaphore(%dma_start3A_2572 : memref<!tpu.dma_semaphore, #tpu.memory_space<semaphore_mem>>)
      } else {
      }
    }
    %scan3A_85 = arith.constant 391 : i32
    %add3A_86 = arith.constant 0 : i32
    %add3A_87 = arith.addi %add3A_6, %add3A_86 : i32
    %mul3A_88 = arith.constant 128 : i32
    %mul3A_89 = arith.muli %add3A_87, %mul3A_88 : i32
    %dma_wait3A = arith.constant 0 : i32
    %dma_wait3A_90 = arith.constant 0 : i32
    %dma_wait3A_91 = arith.constant 0 : i32
    %dma_wait3A_92 = arith.constant 0 : i32
    %dma_wait3A_93 = tpu.memref_slice %arg7[%dma_wait3A, %dma_wait3A_91, %dma_wait3A_92] : memref<8x8x128xf32, #tpu.memory_space<vmem>> -> memref<1x8x128xf32, #tpu.memory_space<vmem>>
    %dma_wait3A_94 = tpu.memref_squeeze %dma_wait3A_93 : memref<1x8x128xf32, #tpu.memory_space<vmem>> -> memref<8x128xf32, #tpu.memory_space<vmem>>
    %dma_wait3A_95 = arith.constant 0 : i32
    %dma_wait3A_96 = tpu.memref_slice %arg4[%dma_wait3A_95, %mul3A_89] : memref<32x1600000xf32, #tpu.memory_space<hbm>> -> memref<8x128xf32, #tpu.memory_space<hbm>>
    %dma_wait3A_97 = tpu.memref_slice %arg10[%dma_wait3A_90] : memref<2x!tpu.dma_semaphore, #tpu.memory_space<semaphore_mem>> -> memref<1x!tpu.dma_semaphore, #tpu.memory_space<semaphore_mem>>
    %dma_wait3A_98 = tpu.memref_squeeze %dma_wait3A_97 : memref<1x!tpu.dma_semaphore, #tpu.memory_space<semaphore_mem>> -> memref<!tpu.dma_semaphore, #tpu.memory_space<semaphore_mem>>
    %dma_wait3A_99 = arith.constant 0 : i32
    %dma_wait3A_100 = tpu.memref_slice %arg4[%dma_wait3A_99, %mul3A_89] : memref<32x1600000xf32, #tpu.memory_space<hbm>> -> memref<8x128xf32, #tpu.memory_space<hbm>>
    %dma_wait3A_101 = arith.constant 0 : i32
    %dma_wait3A_102 = arith.constant 0 : i32
    %dma_wait3A_103 = tpu.memref_slice %arg7[%dma_wait3A, %dma_wait3A_101, %dma_wait3A_102] : memref<8x8x128xf32, #tpu.memory_space<vmem>> -> memref<1x8x128xf32, #tpu.memory_space<vmem>>
    %dma_wait3A_104 = tpu.memref_squeeze %dma_wait3A_103 : memref<1x8x128xf32, #tpu.memory_space<vmem>> -> memref<8x128xf32, #tpu.memory_space<vmem>>
    tpu.wait_dma2 semaphore(%dma_wait3A_98 : memref<!tpu.dma_semaphore, #tpu.memory_space<semaphore_mem>>) src(%dma_wait3A_104 : memref<8x128xf32, #tpu.memory_space<vmem>>) dst(%dma_wait3A_100 : memref<8x128xf32, #tpu.memory_space<hbm>>)
    %add3A_105 = arith.constant 0 : i32
    %add3A_106 = arith.addi %add3A_6, %add3A_105 : i32
    %mul3A_107 = arith.constant 128 : i32
    %mul3A_108 = arith.muli %add3A_106, %mul3A_107 : i32
    %dma_wait3A_109 = arith.constant 1 : i32
    %dma_wait3A_110 = arith.constant 0 : i32
    %dma_wait3A_111 = arith.constant 0 : i32
    %dma_wait3A_112 = arith.constant 0 : i32
    %dma_wait3A_113 = tpu.memref_slice %arg7[%dma_wait3A_109, %dma_wait3A_111, %dma_wait3A_112] : memref<8x8x128xf32, #tpu.memory_space<vmem>> -> memref<1x8x128xf32, #tpu.memory_space<vmem>>
    %dma_wait3A_114 = tpu.memref_squeeze %dma_wait3A_113 : memref<1x8x128xf32, #tpu.memory_space<vmem>> -> memref<8x128xf32, #tpu.memory_space<vmem>>
    %dma_wait3A_115 = arith.constant 8 : i32
    %dma_wait3A_116 = tpu.memref_slice %arg4[%dma_wait3A_115, %mul3A_108] : memref<32x1600000xf32, #tpu.memory_space<hbm>> -> memref<8x128xf32, #tpu.memory_space<hbm>>
    %dma_wait3A_117 = tpu.memref_slice %arg10[%dma_wait3A_110] : memref<2x!tpu.dma_semaphore, #tpu.memory_space<semaphore_mem>> -> memref<1x!tpu.dma_semaphore, #tpu.memory_space<semaphore_mem>>
    %dma_wait3A_118 = tpu.memref_squeeze %dma_wait3A_117 : memref<1x!tpu.dma_semaphore, #tpu.memory_space<semaphore_mem>> -> memref<!tpu.dma_semaphore, #tpu.memory_space<semaphore_mem>>
    %dma_wait3A_119 = arith.constant 8 : i32
    %dma_wait3A_120 = tpu.memref_slice %arg4[%dma_wait3A_119, %mul3A_108] : memref<32x1600000xf32, #tpu.memory_space<hbm>> -> memref<8x128xf32, #tpu.memory_space<hbm>>
    %dma_wait3A_121 = arith.constant 0 : i32
    %dma_wait3A_122 = arith.constant 0 : i32
    %dma_wait3A_123 = tpu.memref_slice %arg7[%dma_wait3A_109, %dma_wait3A_121, %dma_wait3A_122] : memref<8x8x128xf32, #tpu.memory_space<vmem>> -> memref<1x8x128xf32, #tpu.memory_space<vmem>>
    %dma_wait3A_124 = tpu.memref_squeeze %dma_wait3A_123 : memref<1x8x128xf32, #tpu.memory_space<vmem>> -> memref<8x128xf32, #tpu.memory_space<vmem>>
    tpu.wait_dma2 semaphore(%dma_wait3A_118 : memref<!tpu.dma_semaphore, #tpu.memory_space<semaphore_mem>>) src(%dma_wait3A_124 : memref<8x128xf32, #tpu.memory_space<vmem>>) dst(%dma_wait3A_120 : memref<8x128xf32, #tpu.memory_space<hbm>>)
    %add3A_125 = arith.constant 0 : i32
    %add3A_126 = arith.addi %add3A_6, %add3A_125 : i32
    %mul3A_127 = arith.constant 128 : i32
    %mul3A_128 = arith.muli %add3A_126, %mul3A_127 : i32
    %dma_wait3A_129 = arith.constant 2 : i32
    %dma_wait3A_130 = arith.constant 0 : i32
    %dma_wait3A_131 = arith.constant 0 : i32
    %dma_wait3A_132 = arith.constant 0 : i32
    %dma_wait3A_133 = tpu.memref_slice %arg7[%dma_wait3A_129, %dma_wait3A_131, %dma_wait3A_132] : memref<8x8x128xf32, #tpu.memory_space<vmem>> -> memref<1x8x128xf32, #tpu.memory_space<vmem>>
    %dma_wait3A_134 = tpu.memref_squeeze %dma_wait3A_133 : memref<1x8x128xf32, #tpu.memory_space<vmem>> -> memref<8x128xf32, #tpu.memory_space<vmem>>
    %dma_wait3A_135 = arith.constant 16 : i32
    %dma_wait3A_136 = tpu.memref_slice %arg4[%dma_wait3A_135, %mul3A_128] : memref<32x1600000xf32, #tpu.memory_space<hbm>> -> memref<8x128xf32, #tpu.memory_space<hbm>>
    %dma_wait3A_137 = tpu.memref_slice %arg10[%dma_wait3A_130] : memref<2x!tpu.dma_semaphore, #tpu.memory_space<semaphore_mem>> -> memref<1x!tpu.dma_semaphore, #tpu.memory_space<semaphore_mem>>
    %dma_wait3A_138 = tpu.memref_squeeze %dma_wait3A_137 : memref<1x!tpu.dma_semaphore, #tpu.memory_space<semaphore_mem>> -> memref<!tpu.dma_semaphore, #tpu.memory_space<semaphore_mem>>
    %dma_wait3A_139 = arith.constant 16 : i32
    %dma_wait3A_140 = tpu.memref_slice %arg4[%dma_wait3A_139, %mul3A_128] : memref<32x1600000xf32, #tpu.memory_space<hbm>> -> memref<8x128xf32, #tpu.memory_space<hbm>>
    %dma_wait3A_141 = arith.constant 0 : i32
    %dma_wait3A_142 = arith.constant 0 : i32
    %dma_wait3A_143 = tpu.memref_slice %arg7[%dma_wait3A_129, %dma_wait3A_141, %dma_wait3A_142] : memref<8x8x128xf32, #tpu.memory_space<vmem>> -> memref<1x8x128xf32, #tpu.memory_space<vmem>>
    %dma_wait3A_144 = tpu.memref_squeeze %dma_wait3A_143 : memref<1x8x128xf32, #tpu.memory_space<vmem>> -> memref<8x128xf32, #tpu.memory_space<vmem>>
    tpu.wait_dma2 semaphore(%dma_wait3A_138 : memref<!tpu.dma_semaphore, #tpu.memory_space<semaphore_mem>>) src(%dma_wait3A_144 : memref<8x128xf32, #tpu.memory_space<vmem>>) dst(%dma_wait3A_140 : memref<8x128xf32, #tpu.memory_space<hbm>>)
    %add3A_145 = arith.constant 0 : i32
    %add3A_146 = arith.addi %add3A_6, %add3A_145 : i32
    %mul3A_147 = arith.constant 128 : i32
    %mul3A_148 = arith.muli %add3A_146, %mul3A_147 : i32
    %dma_wait3A_149 = arith.constant 3 : i32
    %dma_wait3A_150 = arith.constant 0 : i32
    %dma_wait3A_151 = arith.constant 0 : i32
    %dma_wait3A_152 = arith.constant 0 : i32
    %dma_wait3A_153 = tpu.memref_slice %arg7[%dma_wait3A_149, %dma_wait3A_151, %dma_wait3A_152] : memref<8x8x128xf32, #tpu.memory_space<vmem>> -> memref<1x8x128xf32, #tpu.memory_space<vmem>>
    %dma_wait3A_154 = tpu.memref_squeeze %dma_wait3A_153 : memref<1x8x128xf32, #tpu.memory_space<vmem>> -> memref<8x128xf32, #tpu.memory_space<vmem>>
    %dma_wait3A_155 = arith.constant 24 : i32
    %dma_wait3A_156 = tpu.memref_slice %arg4[%dma_wait3A_155, %mul3A_148] : memref<32x1600000xf32, #tpu.memory_space<hbm>> -> memref<8x128xf32, #tpu.memory_space<hbm>>
    %dma_wait3A_157 = tpu.memref_slice %arg10[%dma_wait3A_150] : memref<2x!tpu.dma_semaphore, #tpu.memory_space<semaphore_mem>> -> memref<1x!tpu.dma_semaphore, #tpu.memory_space<semaphore_mem>>
    %dma_wait3A_158 = tpu.memref_squeeze %dma_wait3A_157 : memref<1x!tpu.dma_semaphore, #tpu.memory_space<semaphore_mem>> -> memref<!tpu.dma_semaphore, #tpu.memory_space<semaphore_mem>>
    %dma_wait3A_159 = arith.constant 24 : i32
    %dma_wait3A_160 = tpu.memref_slice %arg4[%dma_wait3A_159, %mul3A_148] : memref<32x1600000xf32, #tpu.memory_space<hbm>> -> memref<8x128xf32, #tpu.memory_space<hbm>>
    %dma_wait3A_161 = arith.constant 0 : i32
    %dma_wait3A_162 = arith.constant 0 : i32
    %dma_wait3A_163 = tpu.memref_slice %arg7[%dma_wait3A_149, %dma_wait3A_161, %dma_wait3A_162] : memref<8x8x128xf32, #tpu.memory_space<vmem>> -> memref<1x8x128xf32, #tpu.memory_space<vmem>>
    %dma_wait3A_164 = tpu.memref_squeeze %dma_wait3A_163 : memref<1x8x128xf32, #tpu.memory_space<vmem>> -> memref<8x128xf32, #tpu.memory_space<vmem>>
    tpu.wait_dma2 semaphore(%dma_wait3A_158 : memref<!tpu.dma_semaphore, #tpu.memory_space<semaphore_mem>>) src(%dma_wait3A_164 : memref<8x128xf32, #tpu.memory_space<vmem>>) dst(%dma_wait3A_160 : memref<8x128xf32, #tpu.memory_space<hbm>>)
    %add3A_165 = arith.constant 0 : i32
    %add3A_166 = arith.addi %add3A_6, %add3A_165 : i32
    %mul3A_167 = arith.constant 128 : i32
    %mul3A_168 = arith.muli %add3A_166, %mul3A_167 : i32
    %dma_wait3A_169 = arith.constant 4 : i32
    %dma_wait3A_170 = arith.constant 1 : i32
    %dma_wait3A_171 = arith.constant 0 : i32
    %dma_wait3A_172 = arith.constant 0 : i32
    %dma_wait3A_173 = tpu.memref_slice %arg7[%dma_wait3A_169, %dma_wait3A_171, %dma_wait3A_172] : memref<8x8x128xf32, #tpu.memory_space<vmem>> -> memref<1x8x128xf32, #tpu.memory_space<vmem>>
    %dma_wait3A_174 = tpu.memref_squeeze %dma_wait3A_173 : memref<1x8x128xf32, #tpu.memory_space<vmem>> -> memref<8x128xf32, #tpu.memory_space<vmem>>
    %dma_wait3A_175 = arith.constant 0 : i32
    %dma_wait3A_176 = tpu.memref_slice %arg4[%dma_wait3A_175, %mul3A_168] : memref<32x1600000xf32, #tpu.memory_space<hbm>> -> memref<8x128xf32, #tpu.memory_space<hbm>>
    %dma_wait3A_177 = tpu.memref_slice %arg10[%dma_wait3A_170] : memref<2x!tpu.dma_semaphore, #tpu.memory_space<semaphore_mem>> -> memref<1x!tpu.dma_semaphore, #tpu.memory_space<semaphore_mem>>
    %dma_wait3A_178 = tpu.memref_squeeze %dma_wait3A_177 : memref<1x!tpu.dma_semaphore, #tpu.memory_space<semaphore_mem>> -> memref<!tpu.dma_semaphore, #tpu.memory_space<semaphore_mem>>
    %dma_wait3A_179 = arith.constant 0 : i32
    %dma_wait3A_180 = tpu.memref_slice %arg4[%dma_wait3A_179, %mul3A_168] : memref<32x1600000xf32, #tpu.memory_space<hbm>> -> memref<8x128xf32, #tpu.memory_space<hbm>>
    %dma_wait3A_181 = arith.constant 0 : i32
    %dma_wait3A_182 = arith.constant 0 : i32
    %dma_wait3A_183 = tpu.memref_slice %arg7[%dma_wait3A_169, %dma_wait3A_181, %dma_wait3A_182] : memref<8x8x128xf32, #tpu.memory_space<vmem>> -> memref<1x8x128xf32, #tpu.memory_space<vmem>>
    %dma_wait3A_184 = tpu.memref_squeeze %dma_wait3A_183 : memref<1x8x128xf32, #tpu.memory_space<vmem>> -> memref<8x128xf32, #tpu.memory_space<vmem>>
    tpu.wait_dma2 semaphore(%dma_wait3A_178 : memref<!tpu.dma_semaphore, #tpu.memory_space<semaphore_mem>>) src(%dma_wait3A_184 : memref<8x128xf32, #tpu.memory_space<vmem>>) dst(%dma_wait3A_180 : memref<8x128xf32, #tpu.memory_space<hbm>>)
    %add3A_185 = arith.constant 0 : i32
    %add3A_186 = arith.addi %add3A_6, %add3A_185 : i32
    %mul3A_187 = arith.constant 128 : i32
    %mul3A_188 = arith.muli %add3A_186, %mul3A_187 : i32
    %dma_wait3A_189 = arith.constant 5 : i32
    %dma_wait3A_190 = arith.constant 1 : i32
    %dma_wait3A_191 = arith.constant 0 : i32
    %dma_wait3A_192 = arith.constant 0 : i32
    %dma_wait3A_193 = tpu.memref_slice %arg7[%dma_wait3A_189, %dma_wait3A_191, %dma_wait3A_192] : memref<8x8x128xf32, #tpu.memory_space<vmem>> -> memref<1x8x128xf32, #tpu.memory_space<vmem>>
    %dma_wait3A_194 = tpu.memref_squeeze %dma_wait3A_193 : memref<1x8x128xf32, #tpu.memory_space<vmem>> -> memref<8x128xf32, #tpu.memory_space<vmem>>
    %dma_wait3A_195 = arith.constant 8 : i32
    %dma_wait3A_196 = tpu.memref_slice %arg4[%dma_wait3A_195, %mul3A_188] : memref<32x1600000xf32, #tpu.memory_space<hbm>> -> memref<8x128xf32, #tpu.memory_space<hbm>>
    %dma_wait3A_197 = tpu.memref_slice %arg10[%dma_wait3A_190] : memref<2x!tpu.dma_semaphore, #tpu.memory_space<semaphore_mem>> -> memref<1x!tpu.dma_semaphore, #tpu.memory_space<semaphore_mem>>
    %dma_wait3A_198 = tpu.memref_squeeze %dma_wait3A_197 : memref<1x!tpu.dma_semaphore, #tpu.memory_space<semaphore_mem>> -> memref<!tpu.dma_semaphore, #tpu.memory_space<semaphore_mem>>
    %dma_wait3A_199 = arith.constant 8 : i32
    %dma_wait3A_200 = tpu.memref_slice %arg4[%dma_wait3A_199, %mul3A_188] : memref<32x1600000xf32, #tpu.memory_space<hbm>> -> memref<8x128xf32, #tpu.memory_space<hbm>>
    %dma_wait3A_201 = arith.constant 0 : i32
    %dma_wait3A_202 = arith.constant 0 : i32
    %dma_wait3A_203 = tpu.memref_slice %arg7[%dma_wait3A_189, %dma_wait3A_201, %dma_wait3A_202] : memref<8x8x128xf32, #tpu.memory_space<vmem>> -> memref<1x8x128xf32, #tpu.memory_space<vmem>>
    %dma_wait3A_204 = tpu.memref_squeeze %dma_wait3A_203 : memref<1x8x128xf32, #tpu.memory_space<vmem>> -> memref<8x128xf32, #tpu.memory_space<vmem>>
    tpu.wait_dma2 semaphore(%dma_wait3A_198 : memref<!tpu.dma_semaphore, #tpu.memory_space<semaphore_mem>>) src(%dma_wait3A_204 : memref<8x128xf32, #tpu.memory_space<vmem>>) dst(%dma_wait3A_200 : memref<8x128xf32, #tpu.memory_space<hbm>>)
    %add3A_205 = arith.constant 0 : i32
    %add3A_206 = arith.addi %add3A_6, %add3A_205 : i32
    %mul3A_207 = arith.constant 128 : i32
    %mul3A_208 = arith.muli %add3A_206, %mul3A_207 : i32
    %dma_wait3A_209 = arith.constant 6 : i32
    %dma_wait3A_210 = arith.constant 1 : i32
    %dma_wait3A_211 = arith.constant 0 : i32
    %dma_wait3A_212 = arith.constant 0 : i32
    %dma_wait3A_213 = tpu.memref_slice %arg7[%dma_wait3A_209, %dma_wait3A_211, %dma_wait3A_212] : memref<8x8x128xf32, #tpu.memory_space<vmem>> -> memref<1x8x128xf32, #tpu.memory_space<vmem>>
    %dma_wait3A_214 = tpu.memref_squeeze %dma_wait3A_213 : memref<1x8x128xf32, #tpu.memory_space<vmem>> -> memref<8x128xf32, #tpu.memory_space<vmem>>
    %dma_wait3A_215 = arith.constant 16 : i32
    %dma_wait3A_216 = tpu.memref_slice %arg4[%dma_wait3A_215, %mul3A_208] : memref<32x1600000xf32, #tpu.memory_space<hbm>> -> memref<8x128xf32, #tpu.memory_space<hbm>>
    %dma_wait3A_217 = tpu.memref_slice %arg10[%dma_wait3A_210] : memref<2x!tpu.dma_semaphore, #tpu.memory_space<semaphore_mem>> -> memref<1x!tpu.dma_semaphore, #tpu.memory_space<semaphore_mem>>
    %dma_wait3A_218 = tpu.memref_squeeze %dma_wait3A_217 : memref<1x!tpu.dma_semaphore, #tpu.memory_space<semaphore_mem>> -> memref<!tpu.dma_semaphore, #tpu.memory_space<semaphore_mem>>
    %dma_wait3A_219 = arith.constant 16 : i32
    %dma_wait3A_220 = tpu.memref_slice %arg4[%dma_wait3A_219, %mul3A_208] : memref<32x1600000xf32, #tpu.memory_space<hbm>> -> memref<8x128xf32, #tpu.memory_space<hbm>>
    %dma_wait3A_221 = arith.constant 0 : i32
    %dma_wait3A_222 = arith.constant 0 : i32
    %dma_wait3A_223 = tpu.memref_slice %arg7[%dma_wait3A_209, %dma_wait3A_221, %dma_wait3A_222] : memref<8x8x128xf32, #tpu.memory_space<vmem>> -> memref<1x8x128xf32, #tpu.memory_space<vmem>>
    %dma_wait3A_224 = tpu.memref_squeeze %dma_wait3A_223 : memref<1x8x128xf32, #tpu.memory_space<vmem>> -> memref<8x128xf32, #tpu.memory_space<vmem>>
    tpu.wait_dma2 semaphore(%dma_wait3A_218 : memref<!tpu.dma_semaphore, #tpu.memory_space<semaphore_mem>>) src(%dma_wait3A_224 : memref<8x128xf32, #tpu.memory_space<vmem>>) dst(%dma_wait3A_220 : memref<8x128xf32, #tpu.memory_space<hbm>>)
    %add3A_225 = arith.constant 0 : i32
    %add3A_226 = arith.addi %add3A_6, %add3A_225 : i32
    %mul3A_227 = arith.constant 128 : i32
    %mul3A_228 = arith.muli %add3A_226, %mul3A_227 : i32
    %dma_wait3A_229 = arith.constant 7 : i32
    %dma_wait3A_230 = arith.constant 1 : i32
    %dma_wait3A_231 = arith.constant 0 : i32
    %dma_wait3A_232 = arith.constant 0 : i32
    %dma_wait3A_233 = tpu.memref_slice %arg7[%dma_wait3A_229, %dma_wait3A_231, %dma_wait3A_232] : memref<8x8x128xf32, #tpu.memory_space<vmem>> -> memref<1x8x128xf32, #tpu.memory_space<vmem>>
    %dma_wait3A_234 = tpu.memref_squeeze %dma_wait3A_233 : memref<1x8x128xf32, #tpu.memory_space<vmem>> -> memref<8x128xf32, #tpu.memory_space<vmem>>
    %dma_wait3A_235 = arith.constant 24 : i32
    %dma_wait3A_236 = tpu.memref_slice %arg4[%dma_wait3A_235, %mul3A_228] : memref<32x1600000xf32, #tpu.memory_space<hbm>> -> memref<8x128xf32, #tpu.memory_space<hbm>>
    %dma_wait3A_237 = tpu.memref_slice %arg10[%dma_wait3A_230] : memref<2x!tpu.dma_semaphore, #tpu.memory_space<semaphore_mem>> -> memref<1x!tpu.dma_semaphore, #tpu.memory_space<semaphore_mem>>
    %dma_wait3A_238 = tpu.memref_squeeze %dma_wait3A_237 : memref<1x!tpu.dma_semaphore, #tpu.memory_space<semaphore_mem>> -> memref<!tpu.dma_semaphore, #tpu.memory_space<semaphore_mem>>
    %dma_wait3A_239 = arith.constant 24 : i32
    %dma_wait3A_240 = tpu.memref_slice %arg4[%dma_wait3A_239, %mul3A_228] : memref<32x1600000xf32, #tpu.memory_space<hbm>> -> memref<8x128xf32, #tpu.memory_space<hbm>>
    %dma_wait3A_241 = arith.constant 0 : i32
    %dma_wait3A_242 = arith.constant 0 : i32
    %dma_wait3A_243 = tpu.memref_slice %arg7[%dma_wait3A_229, %dma_wait3A_241, %dma_wait3A_242] : memref<8x8x128xf32, #tpu.memory_space<vmem>> -> memref<1x8x128xf32, #tpu.memory_space<vmem>>
    %dma_wait3A_244 = tpu.memref_squeeze %dma_wait3A_243 : memref<1x8x128xf32, #tpu.memory_space<vmem>> -> memref<8x128xf32, #tpu.memory_space<vmem>>
    tpu.wait_dma2 semaphore(%dma_wait3A_238 : memref<!tpu.dma_semaphore, #tpu.memory_space<semaphore_mem>>) src(%dma_wait3A_244 : memref<8x128xf32, #tpu.memory_space<vmem>>) dst(%dma_wait3A_240 : memref<8x128xf32, #tpu.memory_space<hbm>>)
    return
  }
}

</mosaic_0001>

<sc_bundles>
// kernel: kernel.3.cloned.1.call-start
scs
__scs_entry_jumppad:
0x0: {  	(pc) =	sbr.rel $0x88, $3  }
0x1: {  	(tag) =	ssettag $0x0;
	lr =	simm.s32 $0x1  }
0x2: {  	[smem:$0x3F9F] =	sst lr;
	_ =	strace $0xD0000000  }
0x3: {  	_ = 	snop  }
0x4: {  	_ = 	snop  }
0x5: {  	_ = 	snop  }
0x6: {  	_ = 	snop  }
0x7: {  	_ = 	snop  }
__scs_overlays_trampoline_lowered:
0x8: {  	[smem:$0x3FAE] =	sst s0  }
0x9: {  	[smem:$0x3FAF] =	sst s1  }
0xa: {  	[smem:$0x3FB0] =	sst s2  }
0xb: {  	[smem:$0x3FB1] =	sst s3  }
0xc: {  	[smem:$0x3FB2] =	sst s4  }
0xd: {  	[smem:$0x3FB3] =	sst s5  }
0xe: {  	[smem:$0x3FB4] =	sst s6  }
0xf: {  	[smem:$0x3FB5] =	sst s7  }
0x10: {  	[smem:$0x3FB6] =	sst s8  }
0x11: {  	[smem:$0x3FB7] =	sst s9;
	s0 =	simm.s32 @!p0 $0x0  }
0x12: {  	s1 =	sld [smem:$0x3F9D];
	s0 =	simm.s32 @p0 $0x1  }
0x13: {  	[smem:$0x3FB8] =	sst s0;
	s0 =	simm.s32 @!p1 $0x0  }
0x14: {  	s2 =	sld [smem:$0x3F9C];
	s0 =	simm.s32 @p1 $0x1  }
0x15: {  	[smem:$0x3FB9] =	sst s0;
	s0 =	simm.s32 @!p2 $0x0  }
0x16: {  	s3 =	sld [smem:$0x3FDB];
	s0 =	simm.s32 @p2 $0x1  }
0x17: {  	s4 =	simm.s32 $0x1BF5;
	[smem:$0x3FBB] =	sst s0  }
0x18: {  	s0 =	sld [smem:$0x3F9E];
	_ =	swait.ge [sflag:s4], $0x0  }
0x19: {  	s7 =	sld [smem:$0x3F9F]  }
0x1a: {  	s8 =	sadd.s32 $0xFFFFE003, lr  }
0x1b: {  	s9 =	sadd.s32 $0xFFFFFEF7, lr;
	s5 =	simm.s32 $0xFFFFFFFF;
	p2 =	slt.u32 s8, $0xFFFFF086  }
0x1c: {  	p1 =	slt.u32 s9, $0xF7A;
	s5 =	simm.s32 @!p2 $0x0  }
0x1d: {  	s5 =	simm.s32 @p1 $0x1;
	p0 =	seq.s32 s7, s2  }
0x1e: {  	s7 =	smul.u32 @!p0 $0xF7A, s2;
	p2 =	seq.s32 @!p0 s5, $0x0  }
0x1f: {  	s9 =	smul.u32 $0xF7A, s1;
	s8 =	simm.s32 @!p0 $0x1BF5;
	p2 =	por !p2, p0  }
0x20: {  	[sflag:s8] =	ssyncset.s32 @!p0 $0xFFFFF086;
	s6 =	sadd.s32 @!p0 s3, s7;
	s7 =	simm.s32 @!p0 $0x108  }
0x21: {  	s3 =	sadd.s32 s3, s9;
	s6 =	sadd.s32 @!p0 $0x88, s6;
	s7 =	simm.s32 @p2 $0x1082  }
0x22: {  	[simem:s7], [sflag:s8] =	dma.local @!p0 [hbm:s6], $0xF7A  }
0x23: {  	s9 =	sor.u32 $0xD0000000, s2;
	s6 =	simm.s32 $0x108;
	_ =	swait.ge @!p0 [sflag:s8], $0x0  }
0x24: {  	s3 =	sadd.s32 $0x88, s3;
	s6 =	simm.s32 @!p1 $0x1082;
	[sflag:s4] =	ssyncset.s32 $0xFFFFF086  }
0x25: {  	[simem:s6], [sflag:s4] =	dma.local [hbm:s3], $0xF7A  }
0x26: {  	[smem:$0x3F9F] =	sst s1;
	(tag) =	ssettag s2;
	_ =	strace s9  }
0x27: {  	s1 =	sld [smem:$0x3FAF]  }
0x28: {  	s2 =	sld [smem:$0x3FB0]  }
0x29: {  	s4 =	sld [smem:$0x3FB2]  }
0x2a: {  	p0 =	seq.s32 s5, $0x0;
	s5 =	sld [smem:$0x3FB3]  }
0x2b: {  	s6 =	sld [smem:$0x3FB4]  }
0x2c: {  	s7 =	sld [smem:$0x3FB5]  }
0x2d: {  	s3 =	simm.s32 $0x108;
	s8 =	sld [smem:$0x3FB6]  }
0x2e: {  	s3 =	simm.s32 @!p0 $0x1082;
	s9 =	sld [smem:$0x3FB7]  }
0x2f: {  	lr =	sadd.s32 s0, s3;
	s0 =	sld [smem:$0x3FAE]  }
0x30: {  	s3 =	sld [smem:$0x3FB1]  }
0x31: {  	[smem:$0x3FBA] =	sst s10  }
0x32: {  	s10 =	sld [smem:$0x3FB8];
	_ =	sdelay $0x3  }
0x33: {  	p0 =	seq.s32 s10, $0x1;
	s10 =	sld [smem:$0x3FBA];
	_ =	sdelay $0x3  }
0x34: {  	[smem:$0x3FBA] =	sst s10  }
0x35: {  	s10 =	sld [smem:$0x3FB9];
	_ =	sdelay $0x3  }
0x36: {  	p1 =	seq.s32 s10, $0x1;
	s10 =	sld [smem:$0x3FBA];
	_ =	sdelay $0x3  }
0x37: {  	[smem:$0x3FBA] =	sst s10  }
0x38: {  	s10 =	sld [smem:$0x3FBB]  }
0x39: {  	_ = 	snop;
	(pc) =	sbr.ind lr, $3  }
0x3a: {  	_ = 	snop  }
0x3b: {  	_ = 	snop  }
0x3c: {  	p2 =	seq.s32 s10, $0x1;
	s10 =	sld [smem:$0x3FBA]  }
0x3d: {  	_ =	shalt  }
0x3e: {  	_ =	shalt  }
0x3f: {  	_ =	shalt  }
0x40: {  	_ =	shalt  }
0x41: {  	_ =	shalt  }
0x42: {  	_ =	shalt  }
0x43: {  	_ =	shalt  }
0x44: {  	_ =	shalt  }
0x45: {  	_ =	shalt  }
0x46: {  	_ =	shalt  }
0x47: {  	_ =	shalt  }
0x48: {  	_ =	shalt  }
0x49: {  	_ =	shalt  }
0x4a: {  	_ =	shalt  }
0x4b: {  	_ =	shalt  }
0x4c: {  	_ =	shalt  }
0x4d: {  	_ =	shalt  }
0x4e: {  	_ =	shalt  }
0x4f: {  	_ =	shalt  }
0x50: {  	_ =	shalt  }
0x51: {  	_ =	shalt  }
0x52: {  	_ =	shalt  }
0x53: {  	_ =	shalt  }
0x54: {  	_ =	shalt  }
0x55: {  	_ =	shalt  }
0x56: {  	_ =	shalt  }
0x57: {  	_ =	shalt  }
0x58: {  	_ =	shalt  }
0x59: {  	_ =	shalt  }
0x5a: {  	_ =	shalt  }
0x5b: {  	_ =	shalt  }
0x5c: {  	_ =	shalt  }
0x5d: {  	_ =	shalt  }
0x5e: {  	_ =	shalt  }
0x5f: {  	_ =	shalt  }
0x60: {  	_ =	shalt  }
0x61: {  	_ =	shalt  }
0x62: {  	_ =	shalt  }
0x63: {  	_ =	shalt  }
0x64: {  	_ =	shalt  }
0x65: {  	_ =	shalt  }
0x66: {  	_ =	shalt  }
0x67: {  	_ =	shalt  }
0x68: {  	_ =	shalt  }
0x69: {  	_ =	shalt  }
0x6a: {  	_ =	shalt  }
0x6b: {  	_ =	shalt  }
0x6c: {  	_ =	shalt  }
0x6d: {  	_ =	shalt  }
0x6e: {  	_ =	shalt  }
0x6f: {  	_ =	shalt  }
0x70: {  	_ =	shalt  }
0x71: {  	_ =	shalt  }
0x72: {  	_ =	shalt  }
0x73: {  	_ =	shalt  }
0x74: {  	_ =	shalt  }
0x75: {  	_ =	shalt  }
0x76: {  	_ =	shalt  }
0x77: {  	_ =	shalt  }
0x78: {  	_ =	shalt  }
0x79: {  	_ =	shalt  }
0x7a: {  	_ =	shalt  }
0x7b: {  	_ =	shalt  }
0x7c: {  	_ =	shalt  }
0x7d: {  	_ =	shalt  }
0x7e: {  	_ =	shalt  }
0x7f: {  	_ =	shalt  }
0x80: {  	_ =	shalt  }
0x81: {  	_ =	shalt  }
0x82: {  	_ =	shalt  }
0x83: {  	_ =	shalt  }
0x84: {  	_ =	shalt  }
0x85: {  	_ =	shalt  }
0x86: {  	_ =	shalt  }
0x87: {  	_ =	shalt  }
.Lfunc_end0:
.L_simem_size_0:
called_computation_lowered:
.L_overlay_start_0:
0x88: {  	s2 =	sld [smem:$0x3FD9]  }
0x89: {  	s3 =	sld [smem:$0x3FFE];
	_ =	sdelay $0x1  }
0x8a: {  	s1 =	srdreg.scid  }
0x8b: {  	s0 =	sand.u32 $0x1, s1  }
0x8c: {  	s17 =	sshll.u32 s0, $0xA;
	s2 =	sadd.s32 s3, s2  }
0x8d: {  	s2 =	sadd.s32 s2, s17  }
0x8e: {  	[smem:$0x3FC6] =	sst s2  }
0x8f: {  	_ = 	snop  }
0x90: {  	s2 =	sld [smem:$0x3FC9]  }
0x91: {  	s18 =	sld [smem:$0x3FD0];
	(tm) =	ssettm $0x1  }
0x92: {  	s4 =	sld [smem:$0x3FFB];
	_ =	sdelay $0x3  }
0x93: {  	_ =	strace s4  }
0x94: {  	s4 =	sld [smem:$0x3FFC];
	_ =	sdelay $0x3  }
0x95: {  	_ =	strace s4  }
0x96: {  	s4 =	sld [smem:$0x3FFD];
	_ =	sdelay $0x3  }
0x97: {  	_ =	strace s4  }
0x98: {  	_ =	strace $0x8FFFFFFF  }
0x99: {  	s19 =	sld [smem:$0x3FDB];
	_ =	sdelay $0x1  }
0x9a: {  	s5 =	simm.s32 $_scs_section_size  }
0x9b: {  	s6 =	simm.s32 $_size__tile_overlayer_lowered;
	s7 =	simm.s32 $_tile_overlayer_lowered  }
0x9c: {  	s22 =	simm.s32 $0x1BFF;
	s21 =	sshll.u32 s7, $0x1;
	s4 =	sadd.s32 s5, s19  }
0x9d: {  	s8 =	simm.s32 $0x0;
	s20 =	sshll.u32 s6, $0x1;
	s6 =	sadd.s32 s21, s4  }
0x9e: {  	[timem:s8], [sflag:s22] =	dma.local [hbm:s6], s20  }
0x9f: {  	_ =	swait.ge [sflag:s22], s20  }
0xa0: {  	s5 =	ssub.s32 $0x0, s20;
	[sflag:s22] =	ssyncset.done $0x0  }
0xa1: {  	[sflag:s22] =	ssyncadd.s32 s5;
	_ =	sdelay $0x1  }
0xa2: {  	s23 =	simm.s32 $0x1B8B  }
0xa3: {  	_ =	swait.ge [sflag:s23], $0x1  }
0xa4: {  	[sflag:s23] =	ssyncset.done $0x0  }
0xa5: {  	s25 =	simm.s32 $0x1B8E;
	s24 =	sld [smem:$0x3FFE];
	[sflag:s23] =	ssyncadd.s32 $0xFFFFFFFF  }
0xa6: {  	s26 =	simm.s32 $execute0_lowered;
	[smem:$0x3FD2] =	sst s25  }
0xa7: {  	s6 =	sshll.u32 s26, $0x1;
	_ =	strace $0x80000046;
	[dreg:$0x1] =	wrdreg $0xFFFFFFFF  }
0xa8: {  	s28 =	simm.s32 $_size_execute0_lowered;
	s4 =	sadd.s32 s4, s6;
	[dreg:$0x0] =	wrdreg $0x0  }
0xa9: {  	s6 =	sshll.u32 s28, $0x1;
	[dreg:$0x2] =	wrdreg s4  }
0xaa: {  	[dreg:$0x3] =	wrdreg s6  }
0xab: {  	[dreg:$0x4] =	wrdreg $0xC0  }
0xac: {  	_ =	task [dreg:s8], $0x5FFFF  }
0xad: {  	[dreg:$0x1] =	wrdreg $0xFFFFFFFF  }
0xae: {  	[dreg:$0x0] =	wrdreg $0x60  }
0xaf: {  	[dreg:$0x2] =	wrdreg s2  }
0xb0: {  	[dreg:$0x3] =	wrdreg s24  }
0xb1: {  	[dreg:$0x4] =	wrdreg s18  }
0xb2: {  	[dreg:$0x5] =	wrdreg $0x9  }
0xb3: {  	_ =	task.clear_ibuf [dreg:s8], $0x6FFFF;
	_ =	strace $0x90000046  }
0xb4: {  	s29 =	simm.s32 $0x9;
	_ =	strace $0x80000048  }
0xb5: {  	_ =	swait.ge [sflag:s29], $0x1  }
0xb6: {  	[sflag:s29] =	ssyncadd.s32 $0xFFFFFFFF  }
0xb7: {  	_ =	strace $0x90000048  }
0xb8: {  	_ =	sfence  }
0xb9: {  	s30 =	sld [smem:$0x0];
	_ =	sdelay $0x2  }
0xba: {  	s31 =	sshll.u32 s1, $0xD;
	s1 =	sshrl.u32 s1, $0x2  }
0xbb: {  	s3 =	sand.u32 $0x4000, s31;
	s1 =	sadd.s32 s1, s30  }
0xbc: {  	s0 =	sor.u32 s3, s0;
	s1 =	sshll.u32 s1, $0x11  }
0xbd: {  	s0 =	sor.u32 s1, s0  }
0xbe: {  	s0 =	sadd.s32 $0x8F2B, s0  }
0xbf: {  	[sflag:s0] =	ssyncadd.remote.s32 $0x1  }
0xc0: {  	_ =	sfence.sel $0xFFFF  }
0xc1: {  	[dreg:$0x0] =	wrdreg $0xFFFFFFFF;
	(pc) =	sbr.abs _section_cstart, $3  }
0xc2: {  	[dreg:$0x1] =	wrdreg $0xFFFFFFFF  }
0xc3: {  	_ =	task.clear_ibuf [dreg:s8], $0x2FFFF;
	_ =	strace $0x9FFFFFFF  }
0xc4: {  	(tm) =	ssettm $0x7FFFFFFF  }
0xc5: {  	_ =	shalt  }
tec
execute0_lowered:
.L_overlay_start_1:
0x0: {  	(tag) =	ssettag $0x1  }
0x1: {  	s7 =	rddreg [dreg:$0x0]  }
0x2: {  	s4 =	rddreg [dreg:$0x1]  }
0x3: {  	s8 =	rddreg [dreg:$0x2]  }
0x4: {  	s0 =	rddreg [dreg:$0x3]  }
0x5: {  	s3 =	srdreg.scid;
	s1 =	stileid.u32;
	s2 =	simm.s32 $0x0  }
0x6: {  	s6 =	sand.u32 $0x1, s3;
	s25 =	sshll.u32 s1, $0x1;
	[smem:$0x7FF] =	sst s2  }
0x7: {  	p0 =	slt.u32 s1, $0xA;
	s28 =	smul.u32 $0x30C, s1;
	s3 =	simm.s32 $0x187  }
0x8: {  	s4 =	sadd.s32 $0x400, s4;
	s13 =	smul.u32 $0x18600, s1;
	s5 =	ssub.s32 $0x2, s6  }
0x9: {  	s9 =	sor.u32 s6, s25;
	_ =	strace $0x80000047;
	s12 =	smul.u32 $0x186, s6  }
0xa: {  	s3 =	simm.s32 @!p0 $0x186;
	s29 =	smul.u32 $0xC300, s6;
	s26 =	sshrl.u32 s5, $0x1  }
0xb: {  	s10 =	smul.u32 $0x186, s9;
	s9 =	smin.u32 s9, $0x14;
	s8 =	sadd.s32 s13, s8  }
0xc: {  	s11 =	ssub.s32 s5, s26;
	s12 =	sadd.s32 s12, s28;
	s8 =	sadd.s32 s29, s8  }
.Ltmp0:
0xd: {  	s10 =	sadd.s32 s9, s10;
	s12 =	sadd.s32 s9, s12;
	(pc) =	sbr.rel .LBB2_1-.Ltmp0, $4  }
0xe: {  	s6 =	smax.u32 s11, $0x1;
	s9 =	sshll.u32 s9, $0x7;
	s11 =	simm.s32 $0x5  }
0xf: {  	s10 =	sshll.u32 s10, $0x4;
	s30 =	sshll.u32 s12, $0x4;
	s12 =	simm.s32 $0x0  }
0x10: {  	s5 =	sadd.s32 s7, s10;
	s31 =	sadd.s32 s30, s7;
	s7 =	sadd.s32 s9, s8  }
0x11: {  	s9 =	simm.s32 $0x100;
	s10 =	simm.s32 $0x4;
	s8 =	sadd.s32 $0x10, s31  }
.LBB2_6:
0x12: {  	_ =	swait.ge [sflag:s10], $0x400  }
0x13: {  	[sflag:s10] =	ssyncset.done $0x0  }
0x14: {  	[sflag:s10] =	ssyncadd.s32 $0xFFFFFC00  }
0x15: {  	_ =	swait.ge [sflag:s10], $0x400  }
0x16: {  	[sflag:s10] =	ssyncset.done $0x0  }
0x17: {  	[sflag:s10] =	ssyncadd.s32 $0xFFFFFC00  }
0x18: {  	_ =	swait.ge [sflag:s10], $0x400  }
0x19: {  	[sflag:s10] =	ssyncset.done $0x0  }
0x1a: {  	[sflag:s10] =	ssyncadd.s32 $0xFFFFFC00  }
0x1b: {  	_ =	swait.ge [sflag:s10], $0x400  }
0x1c: {  	[sflag:s10] =	ssyncset.done $0x0  }
0x1d: {  	[sflag:s10] =	ssyncadd.s32 $0xFFFFFC00  }
0x1e: {  	_ =	swait.ge [sflag:s11], $0x400  }
0x1f: {  	[sflag:s11] =	ssyncset.done $0x0  }
0x20: {  	[sflag:s11] =	ssyncadd.s32 $0xFFFFFC00  }
0x21: {  	_ =	swait.ge [sflag:s11], $0x400  }
0x22: {  	[sflag:s11] =	ssyncset.done $0x0  }
0x23: {  	s12 =	sadd.s32 $0x1, s12;
	[sflag:s11] =	ssyncadd.s32 $0xFFFFFC00  }
0x24: {  	p0 =	sne.s32 s12, s6;
	_ =	swait.ge [sflag:s11], $0x400  }
.Ltmp1:
0x25: {  	[sflag:s11] =	ssyncset.done $0x0;
	(pc) =	sbr.rel @!p0 .LBB2_7-.Ltmp1, $4  }
0x26: {  	[sflag:s11] =	ssyncadd.s32 $0xFFFFFC00  }
0x27: {  	_ =	swait.ge [sflag:s11], $0x400  }
0x28: {  	[sflag:s11] =	ssyncset.done $0x0  }
0x29: {  	[sflag:s11] =	ssyncadd.s32 $0xFFFFFC00  }
.LBB2_1:
0x2a: {  	[tilespmem:s9], [sflag:$0x1] =	stream.linear.gather [hbm4b:s4+s2], $0x7D00, $0x38;
	[tilespmem:$0x9E00] =	vst v63  }
.Ltmp2:
0x2b: {  	s13 =	simm.s32 $0x1;
	(pc) =	sbr.rel .LBB2_2-.Ltmp2, $4  }
0x2c: {  	_ =	swait.ge [sflag:s13], $0x7D00  }
0x2d: {  	s14 =	smov.u32 s8;
	[sflag:s13] =	ssyncset.done $0x0  }
0x2e: {  	s15 =	simm.s32 $0x0;
	s16 =	simm.s32 $0x0;
	[sflag:s13] =	ssyncadd.s32 $0xFFFF8300  }
0x2f: {  	[tilespmem:s2], [sflag:$0x2] =	stream.linear.gather [hbm4b:s5+s2], $0x80, $0x38;
	[tilespmem:$0x9E00] =	vst v63  }
.LBB2_4:
0x30: {  	s17 =	sand.u32 $0x1, s18  }
0x31: {  	s19 =	sor.u32 $0x2, s17  }
0x32: {  	_ =	swait.ge [sflag:s19], $0x80  }
0x33: {  	p0 =	sge.u32 s13, s3;
	[sflag:s19] =	ssyncset.done $0x0  }
0x34: {  	[sflag:s19] =	ssyncadd.s32 $0xFFFFFF80;
	s19 =	sxor.u32 @!p0 $0x1, s17  }
0x35: {  	s21 =	simm.s32 @!p0 $0x0;
	s20 =	sshll.u32 @!p0 s19, $0x7;
	s19 =	sor.u32 @!p0 $0x2, s19  }
0x36: {  	[tilespmem:s20], [sflag:s19] =	stream.linear.gather @!p0 [hbm4b:s14+s21], $0x80, $0x38;
	[tilespmem:$0x9E00] =	vst v63  }
0x37: {  	p0 =	slt.u32 s18, $0x2  }
0x38: {  	s18 =	sor.u32 @!p0 $0x4, s17  }
0x39: {  	_ =	swait.ge @!p0 [sflag:s18], $0x400  }
0x3a: {  	[sflag:s18] =	ssyncset.done @!p0 $0x0  }
0x3b: {  	[sflag:s18] =	ssyncadd.s32 @!p0 $0xFFFFFC00  }
0x3c: {  	_ =	swait.ge @!p0 [sflag:s18], $0x400  }
0x3d: {  	[sflag:s18] =	ssyncset.done @!p0 $0x0  }
0x3e: {  	[sflag:s18] =	ssyncadd.s32 @!p0 $0xFFFFFC00  }
0x3f: {  	_ =	swait.ge @!p0 [sflag:s18], $0x400  }
0x40: {  	[sflag:s18] =	ssyncset.done @!p0 $0x0  }
0x41: {  	[sflag:s18] =	ssyncadd.s32 @!p0 $0xFFFFFC00  }
0x42: {  	_ =	swait.ge @!p0 [sflag:s18], $0x400  }
0x43: {  	[sflag:s18] =	ssyncset.done @!p0 $0x0  }
0x44: {  	s22 =	sshll.u32 s17, $0x7;
	[sflag:s18] =	ssyncadd.s32 @!p0 $0xFFFFFC00  }
0x45: {  	v7 =	vld [tilespmem:s22+$0x0]  }
0x46: {  	v6 =	vld [tilespmem:s22+$0x10]  }
0x47: {  	v5 =	vld [tilespmem:s22+$0x20]  }
0x48: {  	v4 =	vld [tilespmem:s22+$0x30]  }
0x49: {  	v3 =	vld [tilespmem:s22+$0x40]  }
0x4a: {  	v2 =	vld [tilespmem:s22+$0x50]  }
0x4b: {  	v1 =	vld [tilespmem:s22+$0x60]  }
0x4c: {  	v0 =	vld [tilespmem:s22+$0x70]  }
0x4d: {  	v8 =	vld.idx.msk [tilespmem:v7+s9+$0x0], $0xffff  }
0x4e: {  	v9 =	vld.idx.msk [tilespmem:v6+s9+$0x0], $0xffff  }
0x4f: {  	v10 =	vld.idx.msk [tilespmem:v5+s9+$0x0], $0xffff  }
0x50: {  	v11 =	vld.idx.msk [tilespmem:v4+s9+$0x0], $0xffff  }
0x51: {  	v12 =	vld.idx.msk [tilespmem:v3+s9+$0x0], $0xffff  }
0x52: {  	v13 =	vld.idx.msk [tilespmem:v2+s9+$0x0], $0xffff  }
0x53: {  	s23 =	sshll.u32 s17, $0xC;
	v14 =	vld.idx.msk [tilespmem:v1+s9+$0x0], $0xffff  }
0x54: {  	v15 =	vld.idx.msk [tilespmem:v0+s9+$0x0], $0xffff;
	[tilespmem:s23+$0x7E00] =	vst v8  }
0x55: {  	[tilespmem:s23+$0x7E10] =	vst v9  }
0x56: {  	[tilespmem:s23+$0x7E20] =	vst v10  }
0x57: {  	v16 =	vadd.s32 $0x3E8, v7;
	[tilespmem:s23+$0x7E30] =	vst v11  }
0x58: {  	v17 =	vadd.s32 $0x3E8, v6;
	[tilespmem:s23+$0x7E40] =	vst v12  }
0x59: {  	v18 =	vadd.s32 $0x3E8, v5;
	[tilespmem:s23+$0x7E50] =	vst v13  }
0x5a: {  	v19 =	vadd.s32 $0x3E8, v4;
	[tilespmem:s23+$0x7E60] =	vst v14  }
0x5b: {  	v20 =	vadd.s32 $0x3E8, v3;
	[tilespmem:s23+$0x7E70] =	vst v15  }
0x5c: {  	v21 =	vadd.s32 $0x3E8, v2;
	v8 =	vld.idx.msk [tilespmem:v16+s9+$0x0], $0xffff  }
0x5d: {  	v22 =	vadd.s32 $0x3E8, v1;
	v9 =	vld.idx.msk [tilespmem:v17+s9+$0x0], $0xffff  }
0x5e: {  	v23 =	vadd.s32 $0x3E8, v0;
	v10 =	vld.idx.msk [tilespmem:v18+s9+$0x0], $0xffff  }
0x5f: {  	v11 =	vld.idx.msk [tilespmem:v19+s9+$0x0], $0xffff  }
0x60: {  	v12 =	vld.idx.msk [tilespmem:v20+s9+$0x0], $0xffff  }
0x61: {  	v13 =	vld.idx.msk [tilespmem:v21+s9+$0x0], $0xffff  }
0x62: {  	v14 =	vld.idx.msk [tilespmem:v22+s9+$0x0], $0xffff  }
0x63: {  	v15 =	vld.idx.msk [tilespmem:v23+s9+$0x0], $0xffff;
	[tilespmem:s23+$0x7E80] =	vst v8  }
0x64: {  	[tilespmem:s23+$0x7E90] =	vst v9  }
0x65: {  	[tilespmem:s23+$0x7EA0] =	vst v10  }
0x66: {  	v24 =	vadd.s32 $0x7D0, v7;
	[tilespmem:s23+$0x7EB0] =	vst v11  }
0x67: {  	v25 =	vadd.s32 $0x7D0, v6;
	[tilespmem:s23+$0x7EC0] =	vst v12  }
0x68: {  	v26 =	vadd.s32 $0x7D0, v5;
	[tilespmem:s23+$0x7ED0] =	vst v13  }
0x69: {  	v27 =	vadd.s32 $0x7D0, v4;
	[tilespmem:s23+$0x7EE0] =	vst v14  }
0x6a: {  	v28 =	vadd.s32 $0x7D0, v3;
	[tilespmem:s23+$0x7EF0] =	vst v15  }
0x6b: {  	v29 =	vadd.s32 $0x7D0, v2;
	v8 =	vld.idx.msk [tilespmem:v24+s9+$0x0], $0xffff  }
0x6c: {  	v30 =	vadd.s32 $0x7D0, v1;
	v9 =	vld.idx.msk [tilespmem:v25+s9+$0x0], $0xffff  }
0x6d: {  	v31 =	vadd.s32 $0x7D0, v0;
	v10 =	vld.idx.msk [tilespmem:v26+s9+$0x0], $0xffff  }
0x6e: {  	v11 =	vld.idx.msk [tilespmem:v27+s9+$0x0], $0xffff  }
0x6f: {  	v12 =	vld.idx.msk [tilespmem:v28+s9+$0x0], $0xffff  }
0x70: {  	v13 =	vld.idx.msk [tilespmem:v29+s9+$0x0], $0xffff  }
0x71: {  	v14 =	vld.idx.msk [tilespmem:v30+s9+$0x0], $0xffff  }
0x72: {  	v15 =	vld.idx.msk [tilespmem:v31+s9+$0x0], $0xffff;
	[tilespmem:s23+$0x7F00] =	vst v8  }
0x73: {  	[tilespmem:s23+$0x7F10] =	vst v9  }
0x74: {  	[tilespmem:s23+$0x7F20] =	vst v10  }
0x75: {  	v32 =	vadd.s32 $0xBB8, v7;
	[tilespmem:s23+$0x7F30] =	vst v11  }
0x76: {  	v33 =	vadd.s32 $0xBB8, v6;
	[tilespmem:s23+$0x7F40] =	vst v12  }
0x77: {  	v34 =	vadd.s32 $0xBB8, v5;
	[tilespmem:s23+$0x7F50] =	vst v13  }
0x78: {  	v35 =	vadd.s32 $0xBB8, v4;
	[tilespmem:s23+$0x7F60] =	vst v14  }
0x79: {  	v36 =	vadd.s32 $0xBB8, v3;
	[tilespmem:s23+$0x7F70] =	vst v15  }
0x7a: {  	v37 =	vadd.s32 $0xBB8, v2;
	v8 =	vld.idx.msk [tilespmem:v32+s9+$0x0], $0xffff  }
0x7b: {  	v38 =	vadd.s32 $0xBB8, v1;
	v9 =	vld.idx.msk [tilespmem:v33+s9+$0x0], $0xffff  }
0x7c: {  	v39 =	vadd.s32 $0xBB8, v0;
	v10 =	vld.idx.msk [tilespmem:v34+s9+$0x0], $0xffff  }
0x7d: {  	v11 =	vld.idx.msk [tilespmem:v35+s9+$0x0], $0xffff  }
0x7e: {  	v12 =	vld.idx.msk [tilespmem:v36+s9+$0x0], $0xffff  }
0x7f: {  	v13 =	vld.idx.msk [tilespmem:v37+s9+$0x0], $0xffff  }
0x80: {  	v14 =	vld.idx.msk [tilespmem:v38+s9+$0x0], $0xffff  }
0x81: {  	v15 =	vld.idx.msk [tilespmem:v39+s9+$0x0], $0xffff;
	[tilespmem:s23+$0x7F80] =	vst v8  }
0x82: {  	[tilespmem:s23+$0x7F90] =	vst v9  }
0x83: {  	[tilespmem:s23+$0x7FA0] =	vst v10  }
0x84: {  	v40 =	vadd.s32 $0xFA0, v7;
	[tilespmem:s23+$0x7FB0] =	vst v11  }
0x85: {  	v41 =	vadd.s32 $0xFA0, v6;
	[tilespmem:s23+$0x7FC0] =	vst v12  }
0x86: {  	v42 =	vadd.s32 $0xFA0, v5;
	[tilespmem:s23+$0x7FD0] =	vst v13  }
0x87: {  	v43 =	vadd.s32 $0xFA0, v4;
	[tilespmem:s23+$0x7FE0] =	vst v14  }
0x88: {  	v44 =	vadd.s32 $0xFA0, v3;
	[tilespmem:s23+$0x7FF0] =	vst v15  }
0x89: {  	v45 =	vadd.s32 $0xFA0, v2;
	v8 =	vld.idx.msk [tilespmem:v40+s9+$0x0], $0xffff  }
0x8a: {  	v46 =	vadd.s32 $0xFA0, v1;
	v9 =	vld.idx.msk [tilespmem:v41+s9+$0x0], $0xffff  }
0x8b: {  	v47 =	vadd.s32 $0xFA0, v0;
	v10 =	vld.idx.msk [tilespmem:v42+s9+$0x0], $0xffff  }
0x8c: {  	v11 =	vld.idx.msk [tilespmem:v43+s9+$0x0], $0xffff  }
0x8d: {  	v12 =	vld.idx.msk [tilespmem:v44+s9+$0x0], $0xffff  }
0x8e: {  	v13 =	vld.idx.msk [tilespmem:v45+s9+$0x0], $0xffff  }
0x8f: {  	v14 =	vld.idx.msk [tilespmem:v46+s9+$0x0], $0xffff  }
0x90: {  	v15 =	vld.idx.msk [tilespmem:v47+s9+$0x0], $0xffff;
	[tilespmem:s23+$0x8000] =	vst v8  }
0x91: {  	[tilespmem:s23+$0x8010] =	vst v9  }
0x92: {  	[tilespmem:s23+$0x8020] =	vst v10  }
0x93: {  	v48 =	vadd.s32 $0x1388, v7;
	[tilespmem:s23+$0x8030] =	vst v11  }
0x94: {  	v49 =	vadd.s32 $0x1388, v6;
	[tilespmem:s23+$0x8040] =	vst v12  }
0x95: {  	v50 =	vadd.s32 $0x1388, v5;
	[tilespmem:s23+$0x8050] =	vst v13  }
0x96: {  	v51 =	vadd.s32 $0x1388, v4;
	[tilespmem:s23+$0x8060] =	vst v14  }
0x97: {  	v52 =	vadd.s32 $0x1388, v3;
	[tilespmem:s23+$0x8070] =	vst v15  }
0x98: {  	v53 =	vadd.s32 $0x1388, v2;
	v8 =	vld.idx.msk [tilespmem:v48+s9+$0x0], $0xffff  }
0x99: {  	v54 =	vadd.s32 $0x1388, v1;
	v9 =	vld.idx.msk [tilespmem:v49+s9+$0x0], $0xffff  }
0x9a: {  	v55 =	vadd.s32 $0x1388, v0;
	v10 =	vld.idx.msk [tilespmem:v50+s9+$0x0], $0xffff  }
0x9b: {  	v11 =	vld.idx.msk [tilespmem:v51+s9+$0x0], $0xffff  }
0x9c: {  	v12 =	vld.idx.msk [tilespmem:v52+s9+$0x0], $0xffff  }
0x9d: {  	v13 =	vld.idx.msk [tilespmem:v53+s9+$0x0], $0xffff  }
0x9e: {  	v14 =	vld.idx.msk [tilespmem:v54+s9+$0x0], $0xffff  }
0x9f: {  	v15 =	vld.idx.msk [tilespmem:v55+s9+$0x0], $0xffff;
	[tilespmem:s23+$0x8080] =	vst v8  }
0xa0: {  	[tilespmem:s23+$0x8090] =	vst v9  }
0xa1: {  	[tilespmem:s23+$0x80A0] =	vst v10  }
0xa2: {  	v56 =	vadd.s32 $0x1770, v7;
	[tilespmem:s23+$0x80B0] =	vst v11  }
0xa3: {  	v57 =	vadd.s32 $0x1770, v6;
	[tilespmem:s23+$0x80C0] =	vst v12  }
0xa4: {  	v58 =	vadd.s32 $0x1770, v5;
	[tilespmem:s23+$0x80D0] =	vst v13  }
0xa5: {  	v59 =	vadd.s32 $0x1770, v4;
	[tilespmem:s23+$0x80E0] =	vst v14  }
0xa6: {  	v60 =	vadd.s32 $0x1770, v3;
	[tilespmem:s23+$0x80F0] =	vst v15  }
0xa7: {  	v61 =	vadd.s32 $0x1770, v2;
	v8 =	vld.idx.msk [tilespmem:v56+s9+$0x0], $0xffff  }
0xa8: {  	v62 =	vadd.s32 $0x1770, v1;
	v9 =	vld.idx.msk [tilespmem:v57+s9+$0x0], $0xffff  }
0xa9: {  	v63 =	vadd.s32 $0x1770, v0;
	v10 =	vld.idx.msk [tilespmem:v58+s9+$0x0], $0xffff  }
0xaa: {  	v11 =	vld.idx.msk [tilespmem:v59+s9+$0x0], $0xffff  }
0xab: {  	v12 =	vld.idx.msk [tilespmem:v60+s9+$0x0], $0xffff  }
0xac: {  	v13 =	vld.idx.msk [tilespmem:v61+s9+$0x0], $0xffff  }
0xad: {  	v14 =	vld.idx.msk [tilespmem:v62+s9+$0x0], $0xffff  }
0xae: {  	v15 =	vld.idx.msk [tilespmem:v63+s9+$0x0], $0xffff;
	[tilespmem:s23+$0x8100] =	vst v8  }
0xaf: {  	[tilespmem:s23+$0x8110] =	vst v9  }
0xb0: {  	[tilespmem:s23+$0x8120] =	vst v10  }
0xb1: {  	v16 =	vadd.s32 $0x1B58, v7;
	[tilespmem:s23+$0x8130] =	vst v11  }
0xb2: {  	v17 =	vadd.s32 $0x1B58, v6;
	[tilespmem:s23+$0x8140] =	vst v12  }
0xb3: {  	v18 =	vadd.s32 $0x1B58, v5;
	[tilespmem:s23+$0x8150] =	vst v13  }
0xb4: {  	v19 =	vadd.s32 $0x1B58, v4;
	[tilespmem:s23+$0x8160] =	vst v14  }
0xb5: {  	v20 =	vadd.s32 $0x1B58, v3;
	[tilespmem:s23+$0x8170] =	vst v15  }
0xb6: {  	v21 =	vadd.s32 $0x1B58, v2;
	v8 =	vld.idx.msk [tilespmem:v16+s9+$0x0], $0xffff  }
0xb7: {  	v22 =	vadd.s32 $0x1B58, v1;
	v9 =	vld.idx.msk [tilespmem:v17+s9+$0x0], $0xffff  }
0xb8: {  	v23 =	vadd.s32 $0x1B58, v0;
	v10 =	vld.idx.msk [tilespmem:v18+s9+$0x0], $0xffff  }
0xb9: {  	v11 =	vld.idx.msk [tilespmem:v19+s9+$0x0], $0xffff  }
0xba: {  	v12 =	vld.idx.msk [tilespmem:v20+s9+$0x0], $0xffff  }
0xbb: {  	v13 =	vld.idx.msk [tilespmem:v21+s9+$0x0], $0xffff  }
0xbc: {  	v14 =	vld.idx.msk [tilespmem:v22+s9+$0x0], $0xffff  }
0xbd: {  	v15 =	vld.idx.msk [tilespmem:v23+s9+$0x0], $0xffff;
	[tilespmem:s23+$0x8180] =	vst v8  }
0xbe: {  	[tilespmem:s23+$0x8190] =	vst v9  }
0xbf: {  	[tilespmem:s23+$0x81A0] =	vst v10  }
0xc0: {  	v24 =	vadd.s32 $0x1F40, v7;
	[tilespmem:s23+$0x81B0] =	vst v11  }
0xc1: {  	v25 =	vadd.s32 $0x1F40, v6;
	[tilespmem:s23+$0x81C0] =	vst v12  }
0xc2: {  	v26 =	vadd.s32 $0x1F40, v5;
	[tilespmem:s23+$0x81D0] =	vst v13  }
0xc3: {  	v27 =	vadd.s32 $0x1F40, v4;
	[tilespmem:s23+$0x81E0] =	vst v14  }
0xc4: {  	v28 =	vadd.s32 $0x1F40, v3;
	[tilespmem:s23+$0x81F0] =	vst v15  }
0xc5: {  	v29 =	vadd.s32 $0x1F40, v2;
	v8 =	vld.idx.msk [tilespmem:v24+s9+$0x0], $0xffff  }
0xc6: {  	v30 =	vadd.s32 $0x1F40, v1;
	v9 =	vld.idx.msk [tilespmem:v25+s9+$0x0], $0xffff  }
0xc7: {  	v31 =	vadd.s32 $0x1F40, v0;
	v10 =	vld.idx.msk [tilespmem:v26+s9+$0x0], $0xffff  }
0xc8: {  	v11 =	vld.idx.msk [tilespmem:v27+s9+$0x0], $0xffff  }
0xc9: {  	v12 =	vld.idx.msk [tilespmem:v28+s9+$0x0], $0xffff  }
0xca: {  	v13 =	vld.idx.msk [tilespmem:v29+s9+$0x0], $0xffff  }
0xcb: {  	v14 =	vld.idx.msk [tilespmem:v30+s9+$0x0], $0xffff  }
0xcc: {  	v15 =	vld.idx.msk [tilespmem:v31+s9+$0x0], $0xffff;
	[tilespmem:s23+$0x8200] =	vst v8  }
0xcd: {  	[tilespmem:s23+$0x8210] =	vst v9  }
0xce: {  	[tilespmem:s23+$0x8220] =	vst v10  }
0xcf: {  	v32 =	vadd.s32 $0x2328, v7;
	[tilespmem:s23+$0x8230] =	vst v11  }
0xd0: {  	v33 =	vadd.s32 $0x2328, v6;
	[tilespmem:s23+$0x8240] =	vst v12  }
0xd1: {  	v34 =	vadd.s32 $0x2328, v5;
	[tilespmem:s23+$0x8250] =	vst v13  }
0xd2: {  	v35 =	vadd.s32 $0x2328, v4;
	[tilespmem:s23+$0x8260] =	vst v14  }
0xd3: {  	v36 =	vadd.s32 $0x2328, v3;
	[tilespmem:s23+$0x8270] =	vst v15  }
0xd4: {  	v37 =	vadd.s32 $0x2328, v2;
	v8 =	vld.idx.msk [tilespmem:v32+s9+$0x0], $0xffff  }
0xd5: {  	v38 =	vadd.s32 $0x2328, v1;
	v9 =	vld.idx.msk [tilespmem:v33+s9+$0x0], $0xffff  }
0xd6: {  	v39 =	vadd.s32 $0x2328, v0;
	v10 =	vld.idx.msk [tilespmem:v34+s9+$0x0], $0xffff  }
0xd7: {  	v11 =	vld.idx.msk [tilespmem:v35+s9+$0x0], $0xffff  }
0xd8: {  	v12 =	vld.idx.msk [tilespmem:v36+s9+$0x0], $0xffff  }
0xd9: {  	v13 =	vld.idx.msk [tilespmem:v37+s9+$0x0], $0xffff  }
0xda: {  	v14 =	vld.idx.msk [tilespmem:v38+s9+$0x0], $0xffff  }
0xdb: {  	v15 =	vld.idx.msk [tilespmem:v39+s9+$0x0], $0xffff;
	[tilespmem:s23+$0x8280] =	vst v8  }
0xdc: {  	[tilespmem:s23+$0x8290] =	vst v9  }
0xdd: {  	[tilespmem:s23+$0x82A0] =	vst v10  }
0xde: {  	v40 =	vadd.s32 $0x2710, v7;
	[tilespmem:s23+$0x82B0] =	vst v11  }
0xdf: {  	v41 =	vadd.s32 $0x2710, v6;
	[tilespmem:s23+$0x82C0] =	vst v12  }
0xe0: {  	v42 =	vadd.s32 $0x2710, v5;
	[tilespmem:s23+$0x82D0] =	vst v13  }
0xe1: {  	v43 =	vadd.s32 $0x2710, v4;
	[tilespmem:s23+$0x82E0] =	vst v14  }
0xe2: {  	v44 =	vadd.s32 $0x2710, v3;
	[tilespmem:s23+$0x82F0] =	vst v15  }
0xe3: {  	v45 =	vadd.s32 $0x2710, v2;
	v8 =	vld.idx.msk [tilespmem:v40+s9+$0x0], $0xffff  }
0xe4: {  	v46 =	vadd.s32 $0x2710, v1;
	v9 =	vld.idx.msk [tilespmem:v41+s9+$0x0], $0xffff  }
0xe5: {  	v47 =	vadd.s32 $0x2710, v0;
	v10 =	vld.idx.msk [tilespmem:v42+s9+$0x0], $0xffff  }
0xe6: {  	v11 =	vld.idx.msk [tilespmem:v43+s9+$0x0], $0xffff  }
0xe7: {  	v12 =	vld.idx.msk [tilespmem:v44+s9+$0x0], $0xffff  }
0xe8: {  	v13 =	vld.idx.msk [tilespmem:v45+s9+$0x0], $0xffff  }
0xe9: {  	v14 =	vld.idx.msk [tilespmem:v46+s9+$0x0], $0xffff  }
0xea: {  	v15 =	vld.idx.msk [tilespmem:v47+s9+$0x0], $0xffff;
	[tilespmem:s23+$0x8300] =	vst v8  }
0xeb: {  	[tilespmem:s23+$0x8310] =	vst v9  }
0xec: {  	[tilespmem:s23+$0x8320] =	vst v10  }
0xed: {  	v48 =	vadd.s32 $0x2AF8, v7;
	[tilespmem:s23+$0x8330] =	vst v11  }
0xee: {  	v49 =	vadd.s32 $0x2AF8, v6;
	[tilespmem:s23+$0x8340] =	vst v12  }
0xef: {  	v50 =	vadd.s32 $0x2AF8, v5;
	[tilespmem:s23+$0x8350] =	vst v13  }
0xf0: {  	v51 =	vadd.s32 $0x2AF8, v4;
	[tilespmem:s23+$0x8360] =	vst v14  }
0xf1: {  	v52 =	vadd.s32 $0x2AF8, v3;
	[tilespmem:s23+$0x8370] =	vst v15  }
0xf2: {  	v53 =	vadd.s32 $0x2AF8, v2;
	v8 =	vld.idx.msk [tilespmem:v48+s9+$0x0], $0xffff  }
0xf3: {  	v54 =	vadd.s32 $0x2AF8, v1;
	v9 =	vld.idx.msk [tilespmem:v49+s9+$0x0], $0xffff  }
0xf4: {  	v55 =	vadd.s32 $0x2AF8, v0;
	v10 =	vld.idx.msk [tilespmem:v50+s9+$0x0], $0xffff  }
0xf5: {  	v11 =	vld.idx.msk [tilespmem:v51+s9+$0x0], $0xffff  }
0xf6: {  	v12 =	vld.idx.msk [tilespmem:v52+s9+$0x0], $0xffff  }
0xf7: {  	v13 =	vld.idx.msk [tilespmem:v53+s9+$0x0], $0xffff  }
0xf8: {  	v14 =	vld.idx.msk [tilespmem:v54+s9+$0x0], $0xffff  }
0xf9: {  	v15 =	vld.idx.msk [tilespmem:v55+s9+$0x0], $0xffff;
	[tilespmem:s23+$0x8380] =	vst v8  }
0xfa: {  	[tilespmem:s23+$0x8390] =	vst v9  }
0xfb: {  	[tilespmem:s23+$0x83A0] =	vst v10  }
0xfc: {  	v56 =	vadd.s32 $0x2EE0, v7;
	[tilespmem:s23+$0x83B0] =	vst v11  }
0xfd: {  	v57 =	vadd.s32 $0x2EE0, v6;
	[tilespmem:s23+$0x83C0] =	vst v12  }
0xfe: {  	v58 =	vadd.s32 $0x2EE0, v5;
	[tilespmem:s23+$0x83D0] =	vst v13  }
0xff: {  	v59 =	vadd.s32 $0x2EE0, v4;
	[tilespmem:s23+$0x83E0] =	vst v14  }
0x100: {  	v60 =	vadd.s32 $0x2EE0, v3;
	[tilespmem:s23+$0x83F0] =	vst v15  }
0x101: {  	v61 =	vadd.s32 $0x2EE0, v2;
	v8 =	vld.idx.msk [tilespmem:v56+s9+$0x0], $0xffff  }
0x102: {  	v62 =	vadd.s32 $0x2EE0, v1;
	v9 =	vld.idx.msk [tilespmem:v57+s9+$0x0], $0xffff  }
0x103: {  	v63 =	vadd.s32 $0x2EE0, v0;
	v10 =	vld.idx.msk [tilespmem:v58+s9+$0x0], $0xffff  }
0x104: {  	v11 =	vld.idx.msk [tilespmem:v59+s9+$0x0], $0xffff  }
0x105: {  	v12 =	vld.idx.msk [tilespmem:v60+s9+$0x0], $0xffff  }
0x106: {  	v13 =	vld.idx.msk [tilespmem:v61+s9+$0x0], $0xffff  }
0x107: {  	v14 =	vld.idx.msk [tilespmem:v62+s9+$0x0], $0xffff  }
0x108: {  	v15 =	vld.idx.msk [tilespmem:v63+s9+$0x0], $0xffff;
	[tilespmem:s23+$0x8400] =	vst v8  }
0x109: {  	[tilespmem:s23+$0x8410] =	vst v9  }
0x10a: {  	[tilespmem:s23+$0x8420] =	vst v10  }
0x10b: {  	v16 =	vadd.s32 $0x32C8, v7;
	[tilespmem:s23+$0x8430] =	vst v11  }
0x10c: {  	v17 =	vadd.s32 $0x32C8, v6;
	[tilespmem:s23+$0x8440] =	vst v12  }
0x10d: {  	v18 =	vadd.s32 $0x32C8, v5;
	[tilespmem:s23+$0x8450] =	vst v13  }
0x10e: {  	v19 =	vadd.s32 $0x32C8, v4;
	[tilespmem:s23+$0x8460] =	vst v14  }
0x10f: {  	v20 =	vadd.s32 $0x32C8, v3;
	[tilespmem:s23+$0x8470] =	vst v15  }
0x110: {  	v21 =	vadd.s32 $0x32C8, v2;
	v8 =	vld.idx.msk [tilespmem:v16+s9+$0x0], $0xffff  }
0x111: {  	v22 =	vadd.s32 $0x32C8, v1;
	v9 =	vld.idx.msk [tilespmem:v17+s9+$0x0], $0xffff  }
0x112: {  	v23 =	vadd.s32 $0x32C8, v0;
	v10 =	vld.idx.msk [tilespmem:v18+s9+$0x0], $0xffff  }
0x113: {  	v11 =	vld.idx.msk [tilespmem:v19+s9+$0x0], $0xffff  }
0x114: {  	v12 =	vld.idx.msk [tilespmem:v20+s9+$0x0], $0xffff  }
0x115: {  	v13 =	vld.idx.msk [tilespmem:v21+s9+$0x0], $0xffff  }
0x116: {  	v14 =	vld.idx.msk [tilespmem:v22+s9+$0x0], $0xffff  }
0x117: {  	v15 =	vld.idx.msk [tilespmem:v23+s9+$0x0], $0xffff;
	[tilespmem:s23+$0x8480] =	vst v8  }
0x118: {  	[tilespmem:s23+$0x8490] =	vst v9  }
0x119: {  	[tilespmem:s23+$0x84A0] =	vst v10  }
0x11a: {  	v24 =	vadd.s32 $0x36B0, v7;
	[tilespmem:s23+$0x84B0] =	vst v11  }
0x11b: {  	v25 =	vadd.s32 $0x36B0, v6;
	[tilespmem:s23+$0x84C0] =	vst v12  }
0x11c: {  	v26 =	vadd.s32 $0x36B0, v5;
	[tilespmem:s23+$0x84D0] =	vst v13  }
0x11d: {  	v27 =	vadd.s32 $0x36B0, v4;
	[tilespmem:s23+$0x84E0] =	vst v14  }
0x11e: {  	v28 =	vadd.s32 $0x36B0, v3;
	[tilespmem:s23+$0x84F0] =	vst v15  }
0x11f: {  	v29 =	vadd.s32 $0x36B0, v2;
	v8 =	vld.idx.msk [tilespmem:v24+s9+$0x0], $0xffff  }
0x120: {  	v30 =	vadd.s32 $0x36B0, v1;
	v9 =	vld.idx.msk [tilespmem:v25+s9+$0x0], $0xffff  }
0x121: {  	v31 =	vadd.s32 $0x36B0, v0;
	v10 =	vld.idx.msk [tilespmem:v26+s9+$0x0], $0xffff  }
0x122: {  	v11 =	vld.idx.msk [tilespmem:v27+s9+$0x0], $0xffff  }
0x123: {  	v12 =	vld.idx.msk [tilespmem:v28+s9+$0x0], $0xffff  }
0x124: {  	v13 =	vld.idx.msk [tilespmem:v29+s9+$0x0], $0xffff  }
0x125: {  	v14 =	vld.idx.msk [tilespmem:v30+s9+$0x0], $0xffff  }
0x126: {  	v15 =	vld.idx.msk [tilespmem:v31+s9+$0x0], $0xffff;
	[tilespmem:s23+$0x8500] =	vst v8  }
0x127: {  	[tilespmem:s23+$0x8510] =	vst v9  }
0x128: {  	[tilespmem:s23+$0x8520] =	vst v10  }
0x129: {  	v32 =	vadd.s32 $0x3A98, v7;
	[tilespmem:s23+$0x8530] =	vst v11  }
0x12a: {  	v33 =	vadd.s32 $0x3A98, v6;
	[tilespmem:s23+$0x8540] =	vst v12  }
0x12b: {  	v34 =	vadd.s32 $0x3A98, v5;
	[tilespmem:s23+$0x8550] =	vst v13  }
0x12c: {  	v35 =	vadd.s32 $0x3A98, v4;
	[tilespmem:s23+$0x8560] =	vst v14  }
0x12d: {  	v36 =	vadd.s32 $0x3A98, v3;
	[tilespmem:s23+$0x8570] =	vst v15  }
0x12e: {  	v37 =	vadd.s32 $0x3A98, v2;
	v8 =	vld.idx.msk [tilespmem:v32+s9+$0x0], $0xffff  }
0x12f: {  	v38 =	vadd.s32 $0x3A98, v1;
	v9 =	vld.idx.msk [tilespmem:v33+s9+$0x0], $0xffff  }
0x130: {  	v39 =	vadd.s32 $0x3A98, v0;
	v10 =	vld.idx.msk [tilespmem:v34+s9+$0x0], $0xffff  }
0x131: {  	v11 =	vld.idx.msk [tilespmem:v35+s9+$0x0], $0xffff  }
0x132: {  	v12 =	vld.idx.msk [tilespmem:v36+s9+$0x0], $0xffff  }
0x133: {  	v13 =	vld.idx.msk [tilespmem:v37+s9+$0x0], $0xffff  }
0x134: {  	v14 =	vld.idx.msk [tilespmem:v38+s9+$0x0], $0xffff  }
0x135: {  	v15 =	vld.idx.msk [tilespmem:v39+s9+$0x0], $0xffff;
	[tilespmem:s23+$0x8580] =	vst v8  }
0x136: {  	[tilespmem:s23+$0x8590] =	vst v9  }
0x137: {  	[tilespmem:s23+$0x85A0] =	vst v10  }
0x138: {  	v40 =	vadd.s32 $0x3E80, v7;
	[tilespmem:s23+$0x85B0] =	vst v11  }
0x139: {  	v41 =	vadd.s32 $0x3E80, v6;
	[tilespmem:s23+$0x85C0] =	vst v12  }
0x13a: {  	v42 =	vadd.s32 $0x3E80, v5;
	[tilespmem:s23+$0x85D0] =	vst v13  }
0x13b: {  	v43 =	vadd.s32 $0x3E80, v4;
	[tilespmem:s23+$0x85E0] =	vst v14  }
0x13c: {  	v44 =	vadd.s32 $0x3E80, v3;
	[tilespmem:s23+$0x85F0] =	vst v15  }
0x13d: {  	v45 =	vadd.s32 $0x3E80, v2;
	v8 =	vld.idx.msk [tilespmem:v40+s9+$0x0], $0xffff  }
0x13e: {  	v46 =	vadd.s32 $0x3E80, v1;
	v9 =	vld.idx.msk [tilespmem:v41+s9+$0x0], $0xffff  }
0x13f: {  	v47 =	vadd.s32 $0x3E80, v0;
	v10 =	vld.idx.msk [tilespmem:v42+s9+$0x0], $0xffff  }
0x140: {  	v11 =	vld.idx.msk [tilespmem:v43+s9+$0x0], $0xffff  }
0x141: {  	v12 =	vld.idx.msk [tilespmem:v44+s9+$0x0], $0xffff  }
0x142: {  	v13 =	vld.idx.msk [tilespmem:v45+s9+$0x0], $0xffff  }
0x143: {  	v14 =	vld.idx.msk [tilespmem:v46+s9+$0x0], $0xffff  }
0x144: {  	v15 =	vld.idx.msk [tilespmem:v47+s9+$0x0], $0xffff;
	[tilespmem:s23+$0x8600] =	vst v8  }
0x145: {  	[tilespmem:s23+$0x8610] =	vst v9  }
0x146: {  	[tilespmem:s23+$0x8620] =	vst v10  }
0x147: {  	v48 =	vadd.s32 $0x4268, v7;
	[tilespmem:s23+$0x8630] =	vst v11  }
0x148: {  	v49 =	vadd.s32 $0x4268, v6;
	[tilespmem:s23+$0x8640] =	vst v12  }
0x149: {  	v50 =	vadd.s32 $0x4268, v5;
	[tilespmem:s23+$0x8650] =	vst v13  }
0x14a: {  	v51 =	vadd.s32 $0x4268, v4;
	[tilespmem:s23+$0x8660] =	vst v14  }
0x14b: {  	v52 =	vadd.s32 $0x4268, v3;
	[tilespmem:s23+$0x8670] =	vst v15  }
0x14c: {  	v53 =	vadd.s32 $0x4268, v2;
	v8 =	vld.idx.msk [tilespmem:v48+s9+$0x0], $0xffff  }
0x14d: {  	v54 =	vadd.s32 $0x4268, v1;
	v9 =	vld.idx.msk [tilespmem:v49+s9+$0x0], $0xffff  }
0x14e: {  	v55 =	vadd.s32 $0x4268, v0;
	v10 =	vld.idx.msk [tilespmem:v50+s9+$0x0], $0xffff  }
0x14f: {  	v11 =	vld.idx.msk [tilespmem:v51+s9+$0x0], $0xffff  }
0x150: {  	v12 =	vld.idx.msk [tilespmem:v52+s9+$0x0], $0xffff  }
0x151: {  	v13 =	vld.idx.msk [tilespmem:v53+s9+$0x0], $0xffff  }
0x152: {  	v14 =	vld.idx.msk [tilespmem:v54+s9+$0x0], $0xffff  }
0x153: {  	v15 =	vld.idx.msk [tilespmem:v55+s9+$0x0], $0xffff;
	[tilespmem:s23+$0x8680] =	vst v8  }
0x154: {  	[tilespmem:s23+$0x8690] =	vst v9  }
0x155: {  	[tilespmem:s23+$0x86A0] =	vst v10  }
0x156: {  	v56 =	vadd.s32 $0x4650, v7;
	[tilespmem:s23+$0x86B0] =	vst v11  }
0x157: {  	v57 =	vadd.s32 $0x4650, v6;
	[tilespmem:s23+$0x86C0] =	vst v12  }
0x158: {  	v58 =	vadd.s32 $0x4650, v5;
	[tilespmem:s23+$0x86D0] =	vst v13  }
0x159: {  	v59 =	vadd.s32 $0x4650, v4;
	[tilespmem:s23+$0x86E0] =	vst v14  }
0x15a: {  	v60 =	vadd.s32 $0x4650, v3;
	[tilespmem:s23+$0x86F0] =	vst v15  }
0x15b: {  	v61 =	vadd.s32 $0x4650, v2;
	v8 =	vld.idx.msk [tilespmem:v56+s9+$0x0], $0xffff  }
0x15c: {  	v62 =	vadd.s32 $0x4650, v1;
	v9 =	vld.idx.msk [tilespmem:v57+s9+$0x0], $0xffff  }
0x15d: {  	v63 =	vadd.s32 $0x4650, v0;
	v10 =	vld.idx.msk [tilespmem:v58+s9+$0x0], $0xffff  }
0x15e: {  	v11 =	vld.idx.msk [tilespmem:v59+s9+$0x0], $0xffff  }
0x15f: {  	v12 =	vld.idx.msk [tilespmem:v60+s9+$0x0], $0xffff  }
0x160: {  	v13 =	vld.idx.msk [tilespmem:v61+s9+$0x0], $0xffff  }
0x161: {  	v14 =	vld.idx.msk [tilespmem:v62+s9+$0x0], $0xffff  }
0x162: {  	v15 =	vld.idx.msk [tilespmem:v63+s9+$0x0], $0xffff;
	[tilespmem:s23+$0x8700] =	vst v8  }
0x163: {  	[tilespmem:s23+$0x8710] =	vst v9  }
0x164: {  	[tilespmem:s23+$0x8720] =	vst v10  }
0x165: {  	v16 =	vadd.s32 $0x4A38, v7;
	[tilespmem:s23+$0x8730] =	vst v11  }
0x166: {  	v17 =	vadd.s32 $0x4A38, v6;
	[tilespmem:s23+$0x8740] =	vst v12  }
0x167: {  	v18 =	vadd.s32 $0x4A38, v5;
	[tilespmem:s23+$0x8750] =	vst v13  }
0x168: {  	v19 =	vadd.s32 $0x4A38, v4;
	[tilespmem:s23+$0x8760] =	vst v14  }
0x169: {  	v20 =	vadd.s32 $0x4A38, v3;
	[tilespmem:s23+$0x8770] =	vst v15  }
0x16a: {  	v21 =	vadd.s32 $0x4A38, v2;
	v8 =	vld.idx.msk [tilespmem:v16+s9+$0x0], $0xffff  }
0x16b: {  	v22 =	vadd.s32 $0x4A38, v1;
	v9 =	vld.idx.msk [tilespmem:v17+s9+$0x0], $0xffff  }
0x16c: {  	v23 =	vadd.s32 $0x4A38, v0;
	v10 =	vld.idx.msk [tilespmem:v18+s9+$0x0], $0xffff  }
0x16d: {  	v11 =	vld.idx.msk [tilespmem:v19+s9+$0x0], $0xffff  }
0x16e: {  	v12 =	vld.idx.msk [tilespmem:v20+s9+$0x0], $0xffff  }
0x16f: {  	v13 =	vld.idx.msk [tilespmem:v21+s9+$0x0], $0xffff  }
0x170: {  	v14 =	vld.idx.msk [tilespmem:v22+s9+$0x0], $0xffff  }
0x171: {  	v15 =	vld.idx.msk [tilespmem:v23+s9+$0x0], $0xffff;
	[tilespmem:s23+$0x8780] =	vst v8  }
0x172: {  	[tilespmem:s23+$0x8790] =	vst v9  }
0x173: {  	[tilespmem:s23+$0x87A0] =	vst v10  }
0x174: {  	v24 =	vadd.s32 $0x4E20, v7;
	[tilespmem:s23+$0x87B0] =	vst v11  }
0x175: {  	v25 =	vadd.s32 $0x4E20, v6;
	[tilespmem:s23+$0x87C0] =	vst v12  }
0x176: {  	v26 =	vadd.s32 $0x4E20, v5;
	[tilespmem:s23+$0x87D0] =	vst v13  }
0x177: {  	v27 =	vadd.s32 $0x4E20, v4;
	[tilespmem:s23+$0x87E0] =	vst v14  }
0x178: {  	v28 =	vadd.s32 $0x4E20, v3;
	[tilespmem:s23+$0x87F0] =	vst v15  }
0x179: {  	v29 =	vadd.s32 $0x4E20, v2;
	v8 =	vld.idx.msk [tilespmem:v24+s9+$0x0], $0xffff  }
0x17a: {  	v30 =	vadd.s32 $0x4E20, v1;
	v9 =	vld.idx.msk [tilespmem:v25+s9+$0x0], $0xffff  }
0x17b: {  	v31 =	vadd.s32 $0x4E20, v0;
	v10 =	vld.idx.msk [tilespmem:v26+s9+$0x0], $0xffff  }
0x17c: {  	v11 =	vld.idx.msk [tilespmem:v27+s9+$0x0], $0xffff  }
0x17d: {  	v12 =	vld.idx.msk [tilespmem:v28+s9+$0x0], $0xffff  }
0x17e: {  	v13 =	vld.idx.msk [tilespmem:v29+s9+$0x0], $0xffff  }
0x17f: {  	v14 =	vld.idx.msk [tilespmem:v30+s9+$0x0], $0xffff  }
0x180: {  	v15 =	vld.idx.msk [tilespmem:v31+s9+$0x0], $0xffff;
	[tilespmem:s23+$0x8800] =	vst v8  }
0x181: {  	[tilespmem:s23+$0x8810] =	vst v9  }
0x182: {  	[tilespmem:s23+$0x8820] =	vst v10  }
0x183: {  	v32 =	vadd.s32 $0x5208, v7;
	[tilespmem:s23+$0x8830] =	vst v11  }
0x184: {  	v33 =	vadd.s32 $0x5208, v6;
	[tilespmem:s23+$0x8840] =	vst v12  }
0x185: {  	v34 =	vadd.s32 $0x5208, v5;
	[tilespmem:s23+$0x8850] =	vst v13  }
0x186: {  	v35 =	vadd.s32 $0x5208, v4;
	[tilespmem:s23+$0x8860] =	vst v14  }
0x187: {  	v36 =	vadd.s32 $0x5208, v3;
	[tilespmem:s23+$0x8870] =	vst v15  }
0x188: {  	v37 =	vadd.s32 $0x5208, v2;
	v8 =	vld.idx.msk [tilespmem:v32+s9+$0x0], $0xffff  }
0x189: {  	v38 =	vadd.s32 $0x5208, v1;
	v9 =	vld.idx.msk [tilespmem:v33+s9+$0x0], $0xffff  }
0x18a: {  	v39 =	vadd.s32 $0x5208, v0;
	v10 =	vld.idx.msk [tilespmem:v34+s9+$0x0], $0xffff  }
0x18b: {  	v11 =	vld.idx.msk [tilespmem:v35+s9+$0x0], $0xffff  }
0x18c: {  	v12 =	vld.idx.msk [tilespmem:v36+s9+$0x0], $0xffff  }
0x18d: {  	v13 =	vld.idx.msk [tilespmem:v37+s9+$0x0], $0xffff  }
0x18e: {  	v14 =	vld.idx.msk [tilespmem:v38+s9+$0x0], $0xffff  }
0x18f: {  	v15 =	vld.idx.msk [tilespmem:v39+s9+$0x0], $0xffff;
	[tilespmem:s23+$0x8880] =	vst v8  }
0x190: {  	[tilespmem:s23+$0x8890] =	vst v9  }
0x191: {  	[tilespmem:s23+$0x88A0] =	vst v10  }
0x192: {  	v40 =	vadd.s32 $0x55F0, v7;
	[tilespmem:s23+$0x88B0] =	vst v11  }
0x193: {  	v41 =	vadd.s32 $0x55F0, v6;
	[tilespmem:s23+$0x88C0] =	vst v12  }
0x194: {  	v42 =	vadd.s32 $0x55F0, v5;
	[tilespmem:s23+$0x88D0] =	vst v13  }
0x195: {  	v43 =	vadd.s32 $0x55F0, v4;
	[tilespmem:s23+$0x88E0] =	vst v14  }
0x196: {  	v44 =	vadd.s32 $0x55F0, v3;
	[tilespmem:s23+$0x88F0] =	vst v15  }
0x197: {  	v45 =	vadd.s32 $0x55F0, v2;
	v8 =	vld.idx.msk [tilespmem:v40+s9+$0x0], $0xffff  }
0x198: {  	v46 =	vadd.s32 $0x55F0, v1;
	v9 =	vld.idx.msk [tilespmem:v41+s9+$0x0], $0xffff  }
0x199: {  	v47 =	vadd.s32 $0x55F0, v0;
	v10 =	vld.idx.msk [tilespmem:v42+s9+$0x0], $0xffff  }
0x19a: {  	v11 =	vld.idx.msk [tilespmem:v43+s9+$0x0], $0xffff  }
0x19b: {  	v12 =	vld.idx.msk [tilespmem:v44+s9+$0x0], $0xffff  }
0x19c: {  	v13 =	vld.idx.msk [tilespmem:v45+s9+$0x0], $0xffff  }
0x19d: {  	v14 =	vld.idx.msk [tilespmem:v46+s9+$0x0], $0xffff  }
0x19e: {  	v15 =	vld.idx.msk [tilespmem:v47+s9+$0x0], $0xffff;
	[tilespmem:s23+$0x8900] =	vst v8  }
0x19f: {  	[tilespmem:s23+$0x8910] =	vst v9  }
0x1a0: {  	[tilespmem:s23+$0x8920] =	vst v10  }
0x1a1: {  	v48 =	vadd.s32 $0x59D8, v7;
	[tilespmem:s23+$0x8930] =	vst v11  }
0x1a2: {  	v49 =	vadd.s32 $0x59D8, v6;
	[tilespmem:s23+$0x8940] =	vst v12  }
0x1a3: {  	v50 =	vadd.s32 $0x59D8, v5;
	[tilespmem:s23+$0x8950] =	vst v13  }
0x1a4: {  	v51 =	vadd.s32 $0x59D8, v4;
	[tilespmem:s23+$0x8960] =	vst v14  }
0x1a5: {  	v52 =	vadd.s32 $0x59D8, v3;
	[tilespmem:s23+$0x8970] =	vst v15  }
0x1a6: {  	v53 =	vadd.s32 $0x59D8, v2;
	v8 =	vld.idx.msk [tilespmem:v48+s9+$0x0], $0xffff  }
0x1a7: {  	v54 =	vadd.s32 $0x59D8, v1;
	v9 =	vld.idx.msk [tilespmem:v49+s9+$0x0], $0xffff  }
0x1a8: {  	v55 =	vadd.s32 $0x59D8, v0;
	v10 =	vld.idx.msk [tilespmem:v50+s9+$0x0], $0xffff  }
0x1a9: {  	v11 =	vld.idx.msk [tilespmem:v51+s9+$0x0], $0xffff  }
0x1aa: {  	v12 =	vld.idx.msk [tilespmem:v52+s9+$0x0], $0xffff  }
0x1ab: {  	v13 =	vld.idx.msk [tilespmem:v53+s9+$0x0], $0xffff  }
0x1ac: {  	v14 =	vld.idx.msk [tilespmem:v54+s9+$0x0], $0xffff  }
0x1ad: {  	v15 =	vld.idx.msk [tilespmem:v55+s9+$0x0], $0xffff;
	[tilespmem:s23+$0x8980] =	vst v8  }
0x1ae: {  	[tilespmem:s23+$0x8990] =	vst v9  }
0x1af: {  	[tilespmem:s23+$0x89A0] =	vst v10  }
0x1b0: {  	v56 =	vadd.s32 $0x5DC0, v7;
	[tilespmem:s23+$0x89B0] =	vst v11  }
0x1b1: {  	v57 =	vadd.s32 $0x5DC0, v6;
	[tilespmem:s23+$0x89C0] =	vst v12  }
0x1b2: {  	v58 =	vadd.s32 $0x5DC0, v5;
	[tilespmem:s23+$0x89D0] =	vst v13  }
0x1b3: {  	v59 =	vadd.s32 $0x5DC0, v4;
	[tilespmem:s23+$0x89E0] =	vst v14  }
0x1b4: {  	v60 =	vadd.s32 $0x5DC0, v3;
	[tilespmem:s23+$0x89F0] =	vst v15  }
0x1b5: {  	v61 =	vadd.s32 $0x5DC0, v2;
	v8 =	vld.idx.msk [tilespmem:v56+s9+$0x0], $0xffff  }
0x1b6: {  	v62 =	vadd.s32 $0x5DC0, v1;
	v9 =	vld.idx.msk [tilespmem:v57+s9+$0x0], $0xffff  }
0x1b7: {  	v63 =	vadd.s32 $0x5DC0, v0;
	v10 =	vld.idx.msk [tilespmem:v58+s9+$0x0], $0xffff  }
0x1b8: {  	v11 =	vld.idx.msk [tilespmem:v59+s9+$0x0], $0xffff  }
0x1b9: {  	v12 =	vld.idx.msk [tilespmem:v60+s9+$0x0], $0xffff  }
0x1ba: {  	v13 =	vld.idx.msk [tilespmem:v61+s9+$0x0], $0xffff  }
0x1bb: {  	v14 =	vld.idx.msk [tilespmem:v62+s9+$0x0], $0xffff  }
0x1bc: {  	v15 =	vld.idx.msk [tilespmem:v63+s9+$0x0], $0xffff;
	[tilespmem:s23+$0x8A00] =	vst v8  }
0x1bd: {  	[tilespmem:s23+$0x8A10] =	vst v9  }
0x1be: {  	[tilespmem:s23+$0x8A20] =	vst v10  }
0x1bf: {  	v16 =	vadd.s32 $0x61A8, v7;
	[tilespmem:s23+$0x8A30] =	vst v11  }
0x1c0: {  	v17 =	vadd.s32 $0x61A8, v6;
	[tilespmem:s23+$0x8A40] =	vst v12  }
0x1c1: {  	v18 =	vadd.s32 $0x61A8, v5;
	[tilespmem:s23+$0x8A50] =	vst v13  }
0x1c2: {  	v19 =	vadd.s32 $0x61A8, v4;
	[tilespmem:s23+$0x8A60] =	vst v14  }
0x1c3: {  	v20 =	vadd.s32 $0x61A8, v3;
	[tilespmem:s23+$0x8A70] =	vst v15  }
0x1c4: {  	v21 =	vadd.s32 $0x61A8, v2;
	v8 =	vld.idx.msk [tilespmem:v16+s9+$0x0], $0xffff  }
0x1c5: {  	v22 =	vadd.s32 $0x61A8, v1;
	v9 =	vld.idx.msk [tilespmem:v17+s9+$0x0], $0xffff  }
0x1c6: {  	v23 =	vadd.s32 $0x61A8, v0;
	v10 =	vld.idx.msk [tilespmem:v18+s9+$0x0], $0xffff  }
0x1c7: {  	v11 =	vld.idx.msk [tilespmem:v19+s9+$0x0], $0xffff  }
0x1c8: {  	v12 =	vld.idx.msk [tilespmem:v20+s9+$0x0], $0xffff  }
0x1c9: {  	v13 =	vld.idx.msk [tilespmem:v21+s9+$0x0], $0xffff  }
0x1ca: {  	v14 =	vld.idx.msk [tilespmem:v22+s9+$0x0], $0xffff  }
0x1cb: {  	v15 =	vld.idx.msk [tilespmem:v23+s9+$0x0], $0xffff;
	[tilespmem:s23+$0x8A80] =	vst v8  }
0x1cc: {  	[tilespmem:s23+$0x8A90] =	vst v9  }
0x1cd: {  	[tilespmem:s23+$0x8AA0] =	vst v10  }
0x1ce: {  	v24 =	vadd.s32 $0x6590, v7;
	[tilespmem:s23+$0x8AB0] =	vst v11  }
0x1cf: {  	v25 =	vadd.s32 $0x6590, v6;
	[tilespmem:s23+$0x8AC0] =	vst v12  }
0x1d0: {  	v26 =	vadd.s32 $0x6590, v5;
	[tilespmem:s23+$0x8AD0] =	vst v13  }
0x1d1: {  	v27 =	vadd.s32 $0x6590, v4;
	[tilespmem:s23+$0x8AE0] =	vst v14  }
0x1d2: {  	v28 =	vadd.s32 $0x6590, v3;
	[tilespmem:s23+$0x8AF0] =	vst v15  }
0x1d3: {  	v29 =	vadd.s32 $0x6590, v2;
	v8 =	vld.idx.msk [tilespmem:v24+s9+$0x0], $0xffff  }
0x1d4: {  	v30 =	vadd.s32 $0x6590, v1;
	v9 =	vld.idx.msk [tilespmem:v25+s9+$0x0], $0xffff  }
0x1d5: {  	v31 =	vadd.s32 $0x6590, v0;
	v10 =	vld.idx.msk [tilespmem:v26+s9+$0x0], $0xffff  }
0x1d6: {  	v11 =	vld.idx.msk [tilespmem:v27+s9+$0x0], $0xffff  }
0x1d7: {  	v12 =	vld.idx.msk [tilespmem:v28+s9+$0x0], $0xffff  }
0x1d8: {  	v13 =	vld.idx.msk [tilespmem:v29+s9+$0x0], $0xffff  }
0x1d9: {  	v14 =	vld.idx.msk [tilespmem:v30+s9+$0x0], $0xffff  }
0x1da: {  	v15 =	vld.idx.msk [tilespmem:v31+s9+$0x0], $0xffff;
	[tilespmem:s23+$0x8B00] =	vst v8  }
0x1db: {  	[tilespmem:s23+$0x8B10] =	vst v9  }
0x1dc: {  	[tilespmem:s23+$0x8B20] =	vst v10  }
0x1dd: {  	v32 =	vadd.s32 $0x6978, v7;
	[tilespmem:s23+$0x8B30] =	vst v11  }
0x1de: {  	v33 =	vadd.s32 $0x6978, v6;
	[tilespmem:s23+$0x8B40] =	vst v12  }
0x1df: {  	v34 =	vadd.s32 $0x6978, v5;
	[tilespmem:s23+$0x8B50] =	vst v13  }
0x1e0: {  	v35 =	vadd.s32 $0x6978, v4;
	[tilespmem:s23+$0x8B60] =	vst v14  }
0x1e1: {  	v36 =	vadd.s32 $0x6978, v3;
	[tilespmem:s23+$0x8B70] =	vst v15  }
0x1e2: {  	v37 =	vadd.s32 $0x6978, v2;
	v8 =	vld.idx.msk [tilespmem:v32+s9+$0x0], $0xffff  }
0x1e3: {  	v38 =	vadd.s32 $0x6978, v1;
	v9 =	vld.idx.msk [tilespmem:v33+s9+$0x0], $0xffff  }
0x1e4: {  	v39 =	vadd.s32 $0x6978, v0;
	v10 =	vld.idx.msk [tilespmem:v34+s9+$0x0], $0xffff  }
0x1e5: {  	v11 =	vld.idx.msk [tilespmem:v35+s9+$0x0], $0xffff  }
0x1e6: {  	v12 =	vld.idx.msk [tilespmem:v36+s9+$0x0], $0xffff  }
0x1e7: {  	v13 =	vld.idx.msk [tilespmem:v37+s9+$0x0], $0xffff  }
0x1e8: {  	v14 =	vld.idx.msk [tilespmem:v38+s9+$0x0], $0xffff  }
0x1e9: {  	v15 =	vld.idx.msk [tilespmem:v39+s9+$0x0], $0xffff;
	[tilespmem:s23+$0x8B80] =	vst v8  }
0x1ea: {  	[tilespmem:s23+$0x8B90] =	vst v9  }
0x1eb: {  	[tilespmem:s23+$0x8BA0] =	vst v10  }
0x1ec: {  	v40 =	vadd.s32 $0x6D60, v7;
	[tilespmem:s23+$0x8BB0] =	vst v11  }
0x1ed: {  	v41 =	vadd.s32 $0x6D60, v6;
	[tilespmem:s23+$0x8BC0] =	vst v12  }
0x1ee: {  	v42 =	vadd.s32 $0x6D60, v5;
	[tilespmem:s23+$0x8BD0] =	vst v13  }
0x1ef: {  	v43 =	vadd.s32 $0x6D60, v4;
	[tilespmem:s23+$0x8BE0] =	vst v14  }
0x1f0: {  	v44 =	vadd.s32 $0x6D60, v3;
	[tilespmem:s23+$0x8BF0] =	vst v15  }
0x1f1: {  	v45 =	vadd.s32 $0x6D60, v2;
	v8 =	vld.idx.msk [tilespmem:v40+s9+$0x0], $0xffff  }
0x1f2: {  	v46 =	vadd.s32 $0x6D60, v1;
	v9 =	vld.idx.msk [tilespmem:v41+s9+$0x0], $0xffff  }
0x1f3: {  	v47 =	vadd.s32 $0x6D60, v0;
	v10 =	vld.idx.msk [tilespmem:v42+s9+$0x0], $0xffff  }
0x1f4: {  	v11 =	vld.idx.msk [tilespmem:v43+s9+$0x0], $0xffff  }
0x1f5: {  	v12 =	vld.idx.msk [tilespmem:v44+s9+$0x0], $0xffff  }
0x1f6: {  	v13 =	vld.idx.msk [tilespmem:v45+s9+$0x0], $0xffff  }
0x1f7: {  	v14 =	vld.idx.msk [tilespmem:v46+s9+$0x0], $0xffff  }
0x1f8: {  	v15 =	vld.idx.msk [tilespmem:v47+s9+$0x0], $0xffff;
	[tilespmem:s23+$0x8C00] =	vst v8  }
0x1f9: {  	[tilespmem:s23+$0x8C10] =	vst v9  }
0x1fa: {  	[tilespmem:s23+$0x8C20] =	vst v10  }
0x1fb: {  	v48 =	vadd.s32 $0x7148, v7;
	[tilespmem:s23+$0x8C30] =	vst v11  }
0x1fc: {  	v49 =	vadd.s32 $0x7148, v6;
	[tilespmem:s23+$0x8C40] =	vst v12  }
0x1fd: {  	v50 =	vadd.s32 $0x7148, v5;
	[tilespmem:s23+$0x8C50] =	vst v13  }
0x1fe: {  	v51 =	vadd.s32 $0x7148, v4;
	[tilespmem:s23+$0x8C60] =	vst v14  }
0x1ff: {  	v52 =	vadd.s32 $0x7148, v3;
	[tilespmem:s23+$0x8C70] =	vst v15  }
0x200: {  	v53 =	vadd.s32 $0x7148, v2;
	v8 =	vld.idx.msk [tilespmem:v48+s9+$0x0], $0xffff  }
0x201: {  	v54 =	vadd.s32 $0x7148, v1;
	v9 =	vld.idx.msk [tilespmem:v49+s9+$0x0], $0xffff  }
0x202: {  	v55 =	vadd.s32 $0x7148, v0;
	v10 =	vld.idx.msk [tilespmem:v50+s9+$0x0], $0xffff  }
0x203: {  	v11 =	vld.idx.msk [tilespmem:v51+s9+$0x0], $0xffff  }
0x204: {  	v12 =	vld.idx.msk [tilespmem:v52+s9+$0x0], $0xffff  }
0x205: {  	v13 =	vld.idx.msk [tilespmem:v53+s9+$0x0], $0xffff  }
0x206: {  	v14 =	vld.idx.msk [tilespmem:v54+s9+$0x0], $0xffff  }
0x207: {  	v15 =	vld.idx.msk [tilespmem:v55+s9+$0x0], $0xffff;
	[tilespmem:s23+$0x8C80] =	vst v8  }
0x208: {  	[tilespmem:s23+$0x8C90] =	vst v9  }
0x209: {  	[tilespmem:s23+$0x8CA0] =	vst v10  }
0x20a: {  	v56 =	vadd.s32 $0x7530, v7;
	[tilespmem:s23+$0x8CB0] =	vst v11  }
0x20b: {  	v57 =	vadd.s32 $0x7530, v6;
	[tilespmem:s23+$0x8CC0] =	vst v12  }
0x20c: {  	v58 =	vadd.s32 $0x7530, v5;
	[tilespmem:s23+$0x8CD0] =	vst v13  }
0x20d: {  	v59 =	vadd.s32 $0x7530, v4;
	[tilespmem:s23+$0x8CE0] =	vst v14  }
0x20e: {  	v60 =	vadd.s32 $0x7530, v3;
	[tilespmem:s23+$0x8CF0] =	vst v15  }
0x20f: {  	v61 =	vadd.s32 $0x7530, v2;
	v8 =	vld.idx.msk [tilespmem:v56+s9+$0x0], $0xffff  }
0x210: {  	v62 =	vadd.s32 $0x7530, v1;
	v9 =	vld.idx.msk [tilespmem:v57+s9+$0x0], $0xffff  }
0x211: {  	v63 =	vadd.s32 $0x7530, v0;
	v10 =	vld.idx.msk [tilespmem:v58+s9+$0x0], $0xffff  }
0x212: {  	v11 =	vld.idx.msk [tilespmem:v59+s9+$0x0], $0xffff  }
0x213: {  	v12 =	vld.idx.msk [tilespmem:v60+s9+$0x0], $0xffff  }
0x214: {  	v13 =	vld.idx.msk [tilespmem:v61+s9+$0x0], $0xffff  }
0x215: {  	v14 =	vld.idx.msk [tilespmem:v62+s9+$0x0], $0xffff  }
0x216: {  	v15 =	vld.idx.msk [tilespmem:v63+s9+$0x0], $0xffff;
	[tilespmem:s23+$0x8D00] =	vst v8  }
0x217: {  	[tilespmem:s23+$0x8D10] =	vst v9  }
0x218: {  	[tilespmem:s23+$0x8D20] =	vst v10  }
0x219: {  	v7 =	vadd.s32 $0x7918, v7;
	[tilespmem:s23+$0x8D30] =	vst v11  }
0x21a: {  	v6 =	vadd.s32 $0x7918, v6;
	[tilespmem:s23+$0x8D40] =	vst v12  }
0x21b: {  	v5 =	vadd.s32 $0x7918, v5;
	[tilespmem:s23+$0x8D50] =	vst v13  }
0x21c: {  	v4 =	vadd.s32 $0x7918, v4;
	[tilespmem:s23+$0x8D60] =	vst v14  }
0x21d: {  	v3 =	vadd.s32 $0x7918, v3;
	[tilespmem:s23+$0x8D70] =	vst v15  }
0x21e: {  	v2 =	vadd.s32 $0x7918, v2;
	v7 =	vld.idx.msk [tilespmem:v7+s9+$0x0], $0xffff  }
0x21f: {  	v1 =	vadd.s32 $0x7918, v1;
	v6 =	vld.idx.msk [tilespmem:v6+s9+$0x0], $0xffff  }
0x220: {  	v0 =	vadd.s32 $0x7918, v0;
	v5 =	vld.idx.msk [tilespmem:v5+s9+$0x0], $0xffff  }
0x221: {  	v4 =	vld.idx.msk [tilespmem:v4+s9+$0x0], $0xffff  }
0x222: {  	v3 =	vld.idx.msk [tilespmem:v3+s9+$0x0], $0xffff  }
0x223: {  	v2 =	vld.idx.msk [tilespmem:v2+s9+$0x0], $0xffff  }
0x224: {  	v1 =	vld.idx.msk [tilespmem:v1+s9+$0x0], $0xffff  }
0x225: {  	v0 =	vld.idx.msk [tilespmem:v0+s9+$0x0], $0xffff;
	[tilespmem:s23+$0x8D80] =	vst v7  }
0x226: {  	[tilespmem:s23+$0x8D90] =	vst v6  }
0x227: {  	[tilespmem:s23+$0x8DA0] =	vst v5  }
0x228: {  	[tilespmem:s23+$0x8DB0] =	vst v4  }
0x229: {  	[tilespmem:s23+$0x8DC0] =	vst v3  }
0x22a: {  	[tilespmem:s23+$0x8DD0] =	vst v2  }
0x22b: {  	[tilespmem:s23+$0x8DE0] =	vst v1  }
0x22c: {  	s25 =	sadd.s32 s15, s7;
	s24 =	sadd.s32 $0x7E00, s23;
	s17 =	sor.u32 $0x4, s17;
	[tilespmem:s23+$0x8DF0] =	vst v0  }
0x22d: {  	[hbm4b:s25+s2] =	stream.linear.scatter [tilespmem:s24], [sflag:s17], $0x400, $0x38;
	[tilespmem:$0x9E00] =	vst v63  }
0x22e: {  	s28 =	sadd.s32 $0x186A00, s25;
	s26 =	sor.u32 $0x8200, s23  }
0x22f: {  	[hbm4b:s28+s2] =	stream.linear.scatter [tilespmem:s26], [sflag:s17], $0x400, $0x38;
	[tilespmem:$0x9E00] =	vst v63  }
0x230: {  	s30 =	sadd.s32 $0x30D400, s25;
	s29 =	sor.u32 $0x8600, s23  }
0x231: {  	[hbm4b:s30+s2] =	stream.linear.scatter [tilespmem:s29], [sflag:s17], $0x400, $0x38;
	[tilespmem:$0x9E00] =	vst v63  }
0x232: {  	s16 =	sadd.s32 $0x1, s16;
	s31 =	sadd.s32 $0x493E00, s25;
	s18 =	sor.u32 $0x8A00, s23  }
0x233: {  	[hbm4b:s31+s2] =	stream.linear.scatter [tilespmem:s18], [sflag:s17], $0x400, $0x38;
	[tilespmem:$0x9E00] =	vst v63  }
.LBB2_5:
0x234: {  	s15 =	sadd.s32 $0x80, s15  }
0x235: {  	p0 =	sne.s32 s15, $0xC380  }
.Ltmp3:
0x236: {  	_ = 	snop;
	(pc) =	sbr.rel @!p0 .LBB2_6-.Ltmp3, $2  }
0x237: {  	_ =	sdelay $0x2  }
0x238: {  	s14 =	sadd.s32 $0x10, s14;
	s13 =	sadd.s32 $0x1, s13  }
.LBB2_2:
0x239: {  	s18 =	sadd.s32 $0xFFFFFFFF, s13  }
0x23a: {  	p0 =	slt.u32 s18, s3  }
.Ltmp4:
0x23b: {  	_ = 	snop;
	(pc) =	sbr.rel @p0 .LBB2_4-.Ltmp4, $1  }
0x23c: {  	_ =	sdelay $0x3  }
.Ltmp5:
0x23d: {  	(pc) =	sbr.rel .LBB2_5-.Ltmp5, $2  }
0x23e: {  	_ =	sdelay $0x2  }
0x23f: {  	s16 =	sadd.s32 $0x1, s16  }
.LBB2_7:
0x240: {  	_ =	sfence.sel $0x180000  }
0x241: {  	[bflag:$0x0] =	sbarrier.arrive $0xFFFF  }
0x242: {  	p0 =	sne.s32 s1, $0x0;
	_ =	strace $0x90000047  }
0x243: {  	s0 =	sadd.s32 @!p0 $0x100000, s0;
	[bflag:$0x2] =	sbarrier.arrive $0xFFFF  }
0x244: {  	[sflag:s0] =	ssyncadd.tile.s32 @!p0 $0x1;
	_ =	shalt  }
.Lfunc_end2:
_tile_overlayer_lowered:
.L_overlay_start_2:
0x245: {  	(tag) =	ssettag $0x2  }
0x246: {  	s0 =	rddreg [dreg:$0x0];
	s2 =	stileid.u32  }
0x247: {  	s1 =	rddreg [dreg:$0x1];
	p0 =	sne.s32 s2, $0x0  }
0x248: {  	s3 =	rddreg [dreg:$0x2];
	[bflag:$0x3] =	sbarrier.arrive $0xFFFF;
	s2 =	simm.s32 @!p0 $0x1C06  }
0x249: {  	[timem:s3], [sflag:s2] =	dma.local @!p0 [hbm:s0], s1  }
0x24a: {  	s0 =	simm.s32 @!p0 $0x6  }
0x24b: {  	_ =	swait.ge @!p0 [sflag:s0], s1  }
0x24c: {  	s1 =	ssub.s32 @!p0 $0x0, s1;
	[sflag:s0] =	ssyncset.done @!p0 $0x0  }
0x24d: {  	[sflag:s0] =	ssyncadd.s32 @!p0 s1  }
0x24e: {  	[bflag:$0x3] =	sbarrier.arrive $0xFFFF  }
0x24f: {  	_ =	shalt  }

</sc_bundles>
